<compile_context>
chip_gen: v7x
topology: tpu7x:2x2x1
jax: 0.10.2.dev20260603
libtpu: 0.0.44.dev20260713+nightly
codegen_flags: <defaults>
</compile_context>

<pallas_src>
import functools

import jax
import jax.numpy as jnp
from jax import lax
from jax.experimental import pallas as pl
from jax.experimental.pallas import tpu as pltpu
from jax.experimental.pallas import tpu_sc as plsc

_EPS = 1e-5
_LANES = 16
_NBUF = 3


def _rsqrt(x):
    bits = lax.bitcast_convert_type(x, jnp.int32)
    y = lax.bitcast_convert_type(jnp.int32(0x5F3759DF) - (bits >> 1), jnp.float32)
    for _ in range(3):
        y = y * (1.5 - 0.5 * x * y * y)
    return y


def _tree_sum(vs):
    vs = list(vs)
    while len(vs) > 1:
        nxt = [a + b for a, b in zip(vs[0::2], vs[1::2])]
        if len(vs) % 2:
            nxt.append(vs[-1])
        vs = nxt
    return vs[0]


@functools.lru_cache(maxsize=None)
def _build(b_len, h_len, vocab, d):
    info = plsc.get_sparse_core_info()
    nc, ns = info.num_cores, info.num_subcores
    nw = nc * ns
    b_blk = b_len // nw
    n_chunks = h_len
    kb = b_blk // 128
    groups = b_blk // _LANES
    n_iters = (n_chunks + _NBUF - 1) // _NBUF

    mesh = plsc.VectorSubcoreMesh(core_axis_name="c", subcore_axis_name="s")

    @functools.partial(
        pl.kernel,
        out_type=jax.ShapeDtypeStruct((h_len, d, b_len), jnp.float32),
        mesh=mesh,
        scratch_types=(
            [pltpu.VMEM((b_blk,), jnp.int32)] * _NBUF
            + [pltpu.VMEM((b_blk, d), jnp.float32)] * _NBUF
            + [pltpu.VMEM((d, b_blk), jnp.float32)] * _NBUF
            + [pltpu.VMEM((d, _LANES), jnp.float32)] * 2
            + [pltpu.SemaphoreType.DMA] * (2 * _NBUF)
        ),
        compiler_params=pltpu.CompilerParams(
            needs_layout_passes=False, use_tc_tiling_on_sc=False),
    )
    def sc_kernel(ids_hbm, table_hbm, gs_hbm, gb_hbm, out_hbm, *refs):
        idxs = refs[0:_NBUF]
        rows = refs[_NBUF:2 * _NBUF]
        obs = refs[2 * _NBUF:3 * _NBUF]
        gs_v, gb_v = refs[3 * _NBUF:3 * _NBUF + 2]
        gsems = refs[3 * _NBUF + 2:4 * _NBUF + 2]
        osems = refs[4 * _NBUF + 2:5 * _NBUF + 2]
        wid = lax.axis_index("s") * nc + lax.axis_index("c")
        b0 = pl.multiple_of(wid * b_blk, b_blk)
        pltpu.sync_copy(gs_hbm, gs_v)
        pltpu.sync_copy(gb_hbm, gb_v)
        lane = jnp.arange(_LANES, dtype=jnp.int32)

        def fire(c, q):
            pltpu.sync_copy(ids_hbm.at[c, pl.ds(b0, b_blk)], idxs[q])
            for k in range(kb):
                pltpu.async_copy(
                    table_hbm.at[idxs[q].at[pl.ds(k * 128, 128)]],
                    rows[q].at[pl.ds(k * 128, 128)], gsems[q])

        def drain_gather(p):
            pltpu.make_async_copy(
                table_hbm.at[pl.ds(0, b_blk)], rows[p], gsems[p]).wait()

        def drain_out(p):
            pltpu.make_async_copy(
                obs[p], out_hbm.at[0, :, pl.ds(0, b_blk)], osems[p]).wait()

        def compute(p):
            def group(g, cy):
                rid = g * _LANES + lane
                cols = [
                    plsc.load_gather(
                        rows[p], [rid, jnp.full((_LANES,), j, jnp.int32)])
                    for j in range(d)
                ]
                mean = _tree_sum(cols) * (1.0 / d)
                xms = [x - mean for x in cols]
                var = _tree_sum([x * x for x in xms]) * (1.0 / d)
                inv = _rsqrt(var + _EPS)
                for j in range(d):
                    obs[p][j, pl.ds(g * _LANES, _LANES)] = (
                        xms[j] * (inv * gs_v[j]) + gb_v[j])
                return cy

            lax.fori_loop(0, groups, group, 0)

        def step(c, p):
            @pl.when(c < n_chunks)
            def _():
                @pl.when(c + 2 < n_chunks)
                def _():
                    fire(c + 2, (p + 2) % _NBUF)

                drain_gather(p)

                @pl.when(c >= _NBUF)
                def _():
                    drain_out(p)

                compute(p)
                pltpu.async_copy(
                    obs[p], out_hbm.at[c, :, pl.ds(b0, b_blk)], osems[p])

        fire(0, 0)
        fire(1, 1)

        def body(i, carry):
            for j in range(_NBUF):
                step(i * _NBUF + j, j)
            return carry

        lax.fori_loop(0, n_iters, body, 0)
        for p in range(_NBUF):
            drain_out(p)

    return sc_kernel


def kernel(action_ids, table, gamma, beta):
    b, h = action_ids.shape
    vocab, d = table.shape
    ids_t = jnp.asarray(action_ids, jnp.int32).T
    gs = jnp.broadcast_to(gamma.astype(jnp.float32)[:, None], (d, _LANES))
    gb = jnp.broadcast_to(beta.astype(jnp.float32)[:, None], (d, _LANES))
    out_t = _build(b, h, vocab, d)(ids_t, table, gs, gb)
    return out_t.transpose(2, 0, 1)

# --- scband reference (transcript-rebuilt; emitter-appended) ---
"""Pipeline reference for scband-action-embedding-35081292873952 (READ-ONLY COPY).

The authoritative reference and input builder live on the scoring server;
editing this copy changes nothing except your own understanding.
"""

import jax, jax.numpy as jnp
import numpy as np

NUM_ACTIONS = 1000000
ACTION_DIM = 32
BATCH = 16384
HIST = 50
EPS = 1e-5


def setup_inputs(seed: int = 0) -> dict:
    key = jax.random.key(seed)
    k1, k2 = jax.random.split(key)
    action_ids = jax.random.randint(k1, (BATCH, HIST), 0, NUM_ACTIONS, dtype=jnp.int64) if jax.config.jax_enable_x64 else jax.random.randint(k1, (BATCH, HIST), 0, NUM_ACTIONS, dtype=jnp.int32)
    table = jax.random.normal(k2, (NUM_ACTIONS, ACTION_DIM), dtype=jnp.float32)
    gamma = jnp.ones((ACTION_DIM,), dtype=jnp.float32)
    beta = jnp.zeros((ACTION_DIM,), dtype=jnp.float32)
    return {"action_ids": action_ids, "table": table, "gamma": gamma, "beta": beta}


def reference(action_ids, table, gamma, beta):
    # Embedding lookup (gather)
    embedded = jnp.take(table, action_ids, axis=0)  # [B, L, D]
    # LayerNorm over last dim
    mean = jnp.mean(embedded, axis=-1, keepdims=True)
    var = jnp.mean(jnp.square(embedded - mean), axis=-1, keepdims=True)
    normed = (embedded - mean) / jnp.sqrt(var + EPS)
    out = normed * gamma + beta
    # Dropout is identity in eval mode
    return out

if __name__ == "__main__":
    import jax
    _d = setup_inputs()
    print(jax.jit(kernel)(*tuple(_d.values())))

</pallas_src>

<mosaic_0001>
#map = affine_map<(d0, d1) -> (0, 0)>
#map1 = affine_map<(d0, d1) -> (0, 0, 0)>
module attributes {stable_mosaic.version = 14 : i64} {
  func.func @sc_kernel(%arg0: i32, %arg1: i32, %arg2: memref<50x16384xi32, #tpu.memory_space<hbm>>, %arg3: memref<1000000x32xf32, #tpu.memory_space<hbm>>, %arg4: memref<32x16xf32, #tpu.memory_space<hbm>>, %arg5: memref<32x16xf32, #tpu.memory_space<hbm>>, %arg6: memref<50x32x16384xf32, #tpu.memory_space<hbm>>, %arg7: memref<512xi32, #tpu.memory_space<vmem>>, %arg8: memref<512xi32, #tpu.memory_space<vmem>>, %arg9: memref<512xi32, #tpu.memory_space<vmem>>, %arg10: memref<512x32xf32, #tpu.memory_space<vmem>>, %arg11: memref<512x32xf32, #tpu.memory_space<vmem>>, %arg12: memref<512x32xf32, #tpu.memory_space<vmem>>, %arg13: memref<32x512xf32, #tpu.memory_space<vmem>>, %arg14: memref<32x512xf32, #tpu.memory_space<vmem>>, %arg15: memref<32x512xf32, #tpu.memory_space<vmem>>, %arg16: memref<32x16xf32, #tpu.memory_space<vmem>>, %arg17: memref<32x16xf32, #tpu.memory_space<vmem>>, %arg18: memref<!tpu.dma_semaphore, #tpu.memory_space<semaphore_mem>>, %arg19: memref<!tpu.dma_semaphore, #tpu.memory_space<semaphore_mem>>, %arg20: memref<!tpu.dma_semaphore, #tpu.memory_space<semaphore_mem>>, %arg21: memref<!tpu.dma_semaphore, #tpu.memory_space<semaphore_mem>>, %arg22: memref<!tpu.dma_semaphore, #tpu.memory_space<semaphore_mem>>, %arg23: memref<!tpu.dma_semaphore, #tpu.memory_space<semaphore_mem>>) attributes {dimension_semantics = [#tpu.dimension_semantics<core_parallel>, #tpu.dimension_semantics<subcore_parallel>], iteration_bounds = array<i64: 2, 16>, scalar_prefetch = 0 : i64, scratch_operands = 17 : i64, tpu.core_type = #tpu.core_type<sc_vector_subcore>, window_params = [{transform_indices = #map}, {transform_indices = #map}, {transform_indices = #map}, {transform_indices = #map}, {transform_indices = #map1}]} {
    %mul3A = arith.constant 2 : i32
    %mul3A_0 = arith.muli %arg1, %mul3A : i32
    %add3A = arith.addi %mul3A_0, %arg0 : i32
    %mul3A_1 = arith.constant 512 : i32
    %mul3A_2 = arith.muli %add3A, %mul3A_1 : i32
    %multiple_of3A = tpu.assume_multiple %mul3A_2, 512 : i32
    "tpu.region"() ({
      %run_scoped3A_98 = tpu.sem_alloc : memref<!tpu.dma_semaphore, #tpu.memory_space<semaphore_mem>>
      tpu.enqueue_dma source(%arg4 : memref<32x16xf32, #tpu.memory_space<hbm>>) target(%arg16 : memref<32x16xf32, #tpu.memory_space<vmem>>) target_semaphore(%run_scoped3A_98 : memref<!tpu.dma_semaphore, #tpu.memory_space<semaphore_mem>>)
      tpu.wait_dma2 semaphore(%run_scoped3A_98 : memref<!tpu.dma_semaphore, #tpu.memory_space<semaphore_mem>>) src(%arg4 : memref<32x16xf32, #tpu.memory_space<hbm>>) dst(%arg16 : memref<32x16xf32, #tpu.memory_space<vmem>>)
      tpu.yield
    }) : () -> ()
    "tpu.region"() ({
      %run_scoped3A_98 = tpu.sem_alloc : memref<!tpu.dma_semaphore, #tpu.memory_space<semaphore_mem>>
      tpu.enqueue_dma source(%arg5 : memref<32x16xf32, #tpu.memory_space<hbm>>) target(%arg17 : memref<32x16xf32, #tpu.memory_space<vmem>>) target_semaphore(%run_scoped3A_98 : memref<!tpu.dma_semaphore, #tpu.memory_space<semaphore_mem>>)
      tpu.wait_dma2 semaphore(%run_scoped3A_98 : memref<!tpu.dma_semaphore, #tpu.memory_space<semaphore_mem>>) src(%arg5 : memref<32x16xf32, #tpu.memory_space<hbm>>) dst(%arg17 : memref<32x16xf32, #tpu.memory_space<vmem>>)
      tpu.yield
    }) : () -> ()
    %iota3A = tpu.iota {dimensions = array<i32: 0>} : vector<16xi32>
    %run_scoped3A = arith.constant 0 : i32
    "tpu.region"() ({
      %run_scoped3A_98 = tpu.sem_alloc : memref<!tpu.dma_semaphore, #tpu.memory_space<semaphore_mem>>
      %dma_start3A_99 = tpu.memref_slice %arg2[%run_scoped3A, %multiple_of3A] : memref<50x16384xi32, #tpu.memory_space<hbm>> -> memref<1x512xi32, #tpu.memory_space<hbm>>
      %dma_start3A_100 = tpu.memref_squeeze %dma_start3A_99 : memref<1x512xi32, #tpu.memory_space<hbm>> -> memref<512xi32, #tpu.memory_space<hbm>>
      %dma_start3A_101 = tpu.memref_slice %arg2[%run_scoped3A, %multiple_of3A] : memref<50x16384xi32, #tpu.memory_space<hbm>> -> memref<1x512xi32, #tpu.memory_space<hbm>>
      %dma_start3A_102 = tpu.memref_squeeze %dma_start3A_101 : memref<1x512xi32, #tpu.memory_space<hbm>> -> memref<512xi32, #tpu.memory_space<hbm>>
      tpu.enqueue_dma source(%dma_start3A_102 : memref<512xi32, #tpu.memory_space<hbm>>) target(%arg7 : memref<512xi32, #tpu.memory_space<vmem>>) target_semaphore(%run_scoped3A_98 : memref<!tpu.dma_semaphore, #tpu.memory_space<semaphore_mem>>)
      %dma_wait3A_103 = tpu.memref_slice %arg2[%run_scoped3A, %multiple_of3A] : memref<50x16384xi32, #tpu.memory_space<hbm>> -> memref<1x512xi32, #tpu.memory_space<hbm>>
      %dma_wait3A_104 = tpu.memref_squeeze %dma_wait3A_103 : memref<1x512xi32, #tpu.memory_space<hbm>> -> memref<512xi32, #tpu.memory_space<hbm>>
      %dma_wait3A_105 = tpu.memref_slice %arg2[%run_scoped3A, %multiple_of3A] : memref<50x16384xi32, #tpu.memory_space<hbm>> -> memref<1x512xi32, #tpu.memory_space<hbm>>
      %dma_wait3A_106 = tpu.memref_squeeze %dma_wait3A_105 : memref<1x512xi32, #tpu.memory_space<hbm>> -> memref<512xi32, #tpu.memory_space<hbm>>
      tpu.wait_dma2 semaphore(%run_scoped3A_98 : memref<!tpu.dma_semaphore, #tpu.memory_space<semaphore_mem>>) src(%dma_wait3A_106 : memref<512xi32, #tpu.memory_space<hbm>>) dst(%arg7 : memref<512xi32, #tpu.memory_space<vmem>>)
      tpu.yield
    }) : () -> ()
    %dma_start3A = arith.constant 0 : i32
    %dma_start3A_3 = arith.constant 0 : i32
    %dma_start3A_4 = tpu.memref_slice %arg10[%dma_start3A, %dma_start3A_3] : memref<512x32xf32, #tpu.memory_space<vmem>> -> memref<128x32xf32, #tpu.memory_space<vmem>>
    %dma_start3A_5 = arith.constant 0 : i32
    %dma_start3A_6 = tpu.memref_slice %arg7[%dma_start3A_5] : memref<512xi32, #tpu.memory_space<vmem>> -> memref<128xi32, #tpu.memory_space<vmem>>
    %dma_start3A_7 = arith.constant 0 : i32
    %dma_start3A_8 = arith.constant 0 : i32
    %dma_start3A_9 = tpu.memref_slice %arg3[%dma_start3A_7, %dma_start3A_8] : memref<1000000x32xf32, #tpu.memory_space<hbm>> -> memref<1000000x32xf32, #tpu.memory_space<hbm>>
    tpu.enqueue_indirect_dma source(%dma_start3A_9 : memref<1000000x32xf32, #tpu.memory_space<hbm>>) target(%dma_start3A_4 : memref<128x32xf32, #tpu.memory_space<vmem>>) offsets(%dma_start3A_6 : memref<128xi32, #tpu.memory_space<vmem>>) semaphore(%arg18 : memref<!tpu.dma_semaphore, #tpu.memory_space<semaphore_mem>>)
    %dma_start3A_10 = arith.constant 128 : i32
    %dma_start3A_11 = arith.constant 0 : i32
    %dma_start3A_12 = tpu.memref_slice %arg10[%dma_start3A_10, %dma_start3A_11] : memref<512x32xf32, #tpu.memory_space<vmem>> -> memref<128x32xf32, #tpu.memory_space<vmem>>
    %dma_start3A_13 = arith.constant 128 : i32
    %dma_start3A_14 = tpu.memref_slice %arg7[%dma_start3A_13] : memref<512xi32, #tpu.memory_space<vmem>> -> memref<128xi32, #tpu.memory_space<vmem>>
    %dma_start3A_15 = arith.constant 0 : i32
    %dma_start3A_16 = arith.constant 0 : i32
    %dma_start3A_17 = tpu.memref_slice %arg3[%dma_start3A_15, %dma_start3A_16] : memref<1000000x32xf32, #tpu.memory_space<hbm>> -> memref<1000000x32xf32, #tpu.memory_space<hbm>>
    tpu.enqueue_indirect_dma source(%dma_start3A_17 : memref<1000000x32xf32, #tpu.memory_space<hbm>>) target(%dma_start3A_12 : memref<128x32xf32, #tpu.memory_space<vmem>>) offsets(%dma_start3A_14 : memref<128xi32, #tpu.memory_space<vmem>>) semaphore(%arg18 : memref<!tpu.dma_semaphore, #tpu.memory_space<semaphore_mem>>)
    %dma_start3A_18 = arith.constant 256 : i32
    %dma_start3A_19 = arith.constant 0 : i32
    %dma_start3A_20 = tpu.memref_slice %arg10[%dma_start3A_18, %dma_start3A_19] : memref<512x32xf32, #tpu.memory_space<vmem>> -> memref<128x32xf32, #tpu.memory_space<vmem>>
    %dma_start3A_21 = arith.constant 256 : i32
    %dma_start3A_22 = tpu.memref_slice %arg7[%dma_start3A_21] : memref<512xi32, #tpu.memory_space<vmem>> -> memref<128xi32, #tpu.memory_space<vmem>>
    %dma_start3A_23 = arith.constant 0 : i32
    %dma_start3A_24 = arith.constant 0 : i32
    %dma_start3A_25 = tpu.memref_slice %arg3[%dma_start3A_23, %dma_start3A_24] : memref<1000000x32xf32, #tpu.memory_space<hbm>> -> memref<1000000x32xf32, #tpu.memory_space<hbm>>
    tpu.enqueue_indirect_dma source(%dma_start3A_25 : memref<1000000x32xf32, #tpu.memory_space<hbm>>) target(%dma_start3A_20 : memref<128x32xf32, #tpu.memory_space<vmem>>) offsets(%dma_start3A_22 : memref<128xi32, #tpu.memory_space<vmem>>) semaphore(%arg18 : memref<!tpu.dma_semaphore, #tpu.memory_space<semaphore_mem>>)
    %dma_start3A_26 = arith.constant 384 : i32
    %dma_start3A_27 = arith.constant 0 : i32
    %dma_start3A_28 = tpu.memref_slice %arg10[%dma_start3A_26, %dma_start3A_27] : memref<512x32xf32, #tpu.memory_space<vmem>> -> memref<128x32xf32, #tpu.memory_space<vmem>>
    %dma_start3A_29 = arith.constant 384 : i32
    %dma_start3A_30 = tpu.memref_slice %arg7[%dma_start3A_29] : memref<512xi32, #tpu.memory_space<vmem>> -> memref<128xi32, #tpu.memory_space<vmem>>
    %dma_start3A_31 = arith.constant 0 : i32
    %dma_start3A_32 = arith.constant 0 : i32
    %dma_start3A_33 = tpu.memref_slice %arg3[%dma_start3A_31, %dma_start3A_32] : memref<1000000x32xf32, #tpu.memory_space<hbm>> -> memref<1000000x32xf32, #tpu.memory_space<hbm>>
    tpu.enqueue_indirect_dma source(%dma_start3A_33 : memref<1000000x32xf32, #tpu.memory_space<hbm>>) target(%dma_start3A_28 : memref<128x32xf32, #tpu.memory_space<vmem>>) offsets(%dma_start3A_30 : memref<128xi32, #tpu.memory_space<vmem>>) semaphore(%arg18 : memref<!tpu.dma_semaphore, #tpu.memory_space<semaphore_mem>>)
    %run_scoped3A_34 = arith.constant 1 : i32
    "tpu.region"() ({
      %run_scoped3A_98 = tpu.sem_alloc : memref<!tpu.dma_semaphore, #tpu.memory_space<semaphore_mem>>
      %dma_start3A_99 = tpu.memref_slice %arg2[%run_scoped3A_34, %multiple_of3A] : memref<50x16384xi32, #tpu.memory_space<hbm>> -> memref<1x512xi32, #tpu.memory_space<hbm>>
      %dma_start3A_100 = tpu.memref_squeeze %dma_start3A_99 : memref<1x512xi32, #tpu.memory_space<hbm>> -> memref<512xi32, #tpu.memory_space<hbm>>
      %dma_start3A_101 = tpu.memref_slice %arg2[%run_scoped3A_34, %multiple_of3A] : memref<50x16384xi32, #tpu.memory_space<hbm>> -> memref<1x512xi32, #tpu.memory_space<hbm>>
      %dma_start3A_102 = tpu.memref_squeeze %dma_start3A_101 : memref<1x512xi32, #tpu.memory_space<hbm>> -> memref<512xi32, #tpu.memory_space<hbm>>
      tpu.enqueue_dma source(%dma_start3A_102 : memref<512xi32, #tpu.memory_space<hbm>>) target(%arg8 : memref<512xi32, #tpu.memory_space<vmem>>) target_semaphore(%run_scoped3A_98 : memref<!tpu.dma_semaphore, #tpu.memory_space<semaphore_mem>>)
      %dma_wait3A_103 = tpu.memref_slice %arg2[%run_scoped3A_34, %multiple_of3A] : memref<50x16384xi32, #tpu.memory_space<hbm>> -> memref<1x512xi32, #tpu.memory_space<hbm>>
      %dma_wait3A_104 = tpu.memref_squeeze %dma_wait3A_103 : memref<1x512xi32, #tpu.memory_space<hbm>> -> memref<512xi32, #tpu.memory_space<hbm>>
      %dma_wait3A_105 = tpu.memref_slice %arg2[%run_scoped3A_34, %multiple_of3A] : memref<50x16384xi32, #tpu.memory_space<hbm>> -> memref<1x512xi32, #tpu.memory_space<hbm>>
      %dma_wait3A_106 = tpu.memref_squeeze %dma_wait3A_105 : memref<1x512xi32, #tpu.memory_space<hbm>> -> memref<512xi32, #tpu.memory_space<hbm>>
      tpu.wait_dma2 semaphore(%run_scoped3A_98 : memref<!tpu.dma_semaphore, #tpu.memory_space<semaphore_mem>>) src(%dma_wait3A_106 : memref<512xi32, #tpu.memory_space<hbm>>) dst(%arg8 : memref<512xi32, #tpu.memory_space<vmem>>)
      tpu.yield
    }) : () -> ()
    %dma_start3A_35 = arith.constant 0 : i32
    %dma_start3A_36 = arith.constant 0 : i32
    %dma_start3A_37 = tpu.memref_slice %arg11[%dma_start3A_35, %dma_start3A_36] : memref<512x32xf32, #tpu.memory_space<vmem>> -> memref<128x32xf32, #tpu.memory_space<vmem>>
    %dma_start3A_38 = arith.constant 0 : i32
    %dma_start3A_39 = tpu.memref_slice %arg8[%dma_start3A_38] : memref<512xi32, #tpu.memory_space<vmem>> -> memref<128xi32, #tpu.memory_space<vmem>>
    %dma_start3A_40 = arith.constant 0 : i32
    %dma_start3A_41 = arith.constant 0 : i32
    %dma_start3A_42 = tpu.memref_slice %arg3[%dma_start3A_40, %dma_start3A_41] : memref<1000000x32xf32, #tpu.memory_space<hbm>> -> memref<1000000x32xf32, #tpu.memory_space<hbm>>
    tpu.enqueue_indirect_dma source(%dma_start3A_42 : memref<1000000x32xf32, #tpu.memory_space<hbm>>) target(%dma_start3A_37 : memref<128x32xf32, #tpu.memory_space<vmem>>) offsets(%dma_start3A_39 : memref<128xi32, #tpu.memory_space<vmem>>) semaphore(%arg19 : memref<!tpu.dma_semaphore, #tpu.memory_space<semaphore_mem>>)
    %dma_start3A_43 = arith.constant 128 : i32
    %dma_start3A_44 = arith.constant 0 : i32
    %dma_start3A_45 = tpu.memref_slice %arg11[%dma_start3A_43, %dma_start3A_44] : memref<512x32xf32, #tpu.memory_space<vmem>> -> memref<128x32xf32, #tpu.memory_space<vmem>>
    %dma_start3A_46 = arith.constant 128 : i32
    %dma_start3A_47 = tpu.memref_slice %arg8[%dma_start3A_46] : memref<512xi32, #tpu.memory_space<vmem>> -> memref<128xi32, #tpu.memory_space<vmem>>
    %dma_start3A_48 = arith.constant 0 : i32
    %dma_start3A_49 = arith.constant 0 : i32
    %dma_start3A_50 = tpu.memref_slice %arg3[%dma_start3A_48, %dma_start3A_49] : memref<1000000x32xf32, #tpu.memory_space<hbm>> -> memref<1000000x32xf32, #tpu.memory_space<hbm>>
    tpu.enqueue_indirect_dma source(%dma_start3A_50 : memref<1000000x32xf32, #tpu.memory_space<hbm>>) target(%dma_start3A_45 : memref<128x32xf32, #tpu.memory_space<vmem>>) offsets(%dma_start3A_47 : memref<128xi32, #tpu.memory_space<vmem>>) semaphore(%arg19 : memref<!tpu.dma_semaphore, #tpu.memory_space<semaphore_mem>>)
    %dma_start3A_51 = arith.constant 256 : i32
    %dma_start3A_52 = arith.constant 0 : i32
    %dma_start3A_53 = tpu.memref_slice %arg11[%dma_start3A_51, %dma_start3A_52] : memref<512x32xf32, #tpu.memory_space<vmem>> -> memref<128x32xf32, #tpu.memory_space<vmem>>
    %dma_start3A_54 = arith.constant 256 : i32
    %dma_start3A_55 = tpu.memref_slice %arg8[%dma_start3A_54] : memref<512xi32, #tpu.memory_space<vmem>> -> memref<128xi32, #tpu.memory_space<vmem>>
    %dma_start3A_56 = arith.constant 0 : i32
    %dma_start3A_57 = arith.constant 0 : i32
    %dma_start3A_58 = tpu.memref_slice %arg3[%dma_start3A_56, %dma_start3A_57] : memref<1000000x32xf32, #tpu.memory_space<hbm>> -> memref<1000000x32xf32, #tpu.memory_space<hbm>>
    tpu.enqueue_indirect_dma source(%dma_start3A_58 : memref<1000000x32xf32, #tpu.memory_space<hbm>>) target(%dma_start3A_53 : memref<128x32xf32, #tpu.memory_space<vmem>>) offsets(%dma_start3A_55 : memref<128xi32, #tpu.memory_space<vmem>>) semaphore(%arg19 : memref<!tpu.dma_semaphore, #tpu.memory_space<semaphore_mem>>)
    %dma_start3A_59 = arith.constant 384 : i32
    %dma_start3A_60 = arith.constant 0 : i32
    %dma_start3A_61 = tpu.memref_slice %arg11[%dma_start3A_59, %dma_start3A_60] : memref<512x32xf32, #tpu.memory_space<vmem>> -> memref<128x32xf32, #tpu.memory_space<vmem>>
    %dma_start3A_62 = arith.constant 384 : i32
    %dma_start3A_63 = tpu.memref_slice %arg8[%dma_start3A_62] : memref<512xi32, #tpu.memory_space<vmem>> -> memref<128xi32, #tpu.memory_space<vmem>>
    %dma_start3A_64 = arith.constant 0 : i32
    %dma_start3A_65 = arith.constant 0 : i32
    %dma_start3A_66 = tpu.memref_slice %arg3[%dma_start3A_64, %dma_start3A_65] : memref<1000000x32xf32, #tpu.memory_space<hbm>> -> memref<1000000x32xf32, #tpu.memory_space<hbm>>
    tpu.enqueue_indirect_dma source(%dma_start3A_66 : memref<1000000x32xf32, #tpu.memory_space<hbm>>) target(%dma_start3A_61 : memref<128x32xf32, #tpu.memory_space<vmem>>) offsets(%dma_start3A_63 : memref<128xi32, #tpu.memory_space<vmem>>) semaphore(%arg19 : memref<!tpu.dma_semaphore, #tpu.memory_space<semaphore_mem>>)
    %scan3A = arith.constant 0 : i32
    %scan3A_67 = arith.constant 0 : i32
    %scan3A_68 = arith.constant 17 : i32
    %scan3A_69 = arith.addi %scan3A_67, %scan3A_68 : i32
    %scan3A_70 = arith.constant 1 : i32
    scf.for %scan3A_98 = %scan3A_67 to %scan3A_69 step %scan3A_70  : i32 {
      %mul3A_99 = arith.constant 3 : i32
      %mul3A_100 = arith.muli %scan3A_98, %mul3A_99 : i32
      %add3A_101 = arith.constant 0 : i32
      %add3A_102 = arith.addi %mul3A_100, %add3A_101 : i32
      %lt3A = arith.constant 50 : i32
      %lt3A_103 = arith.cmpi slt, %add3A_102, %lt3A : i32
      %convert_element_type3A = arith.extui %lt3A_103 : i1 to i32
      %cond3A = arith.constant 0 : i32
      %cond3A_104 = arith.cmpi ne, %convert_element_type3A, %cond3A : i32
      scf.if %cond3A_104 {
        %add3A_123 = arith.constant 2 : i32
        %add3A_124 = arith.addi %add3A_102, %add3A_123 : i32
        %lt3A_125 = arith.constant 50 : i32
        %lt3A_126 = arith.cmpi slt, %add3A_124, %lt3A_125 : i32
        %convert_element_type3A_127 = arith.extui %lt3A_126 : i1 to i32
        %cond3A_128 = arith.constant 0 : i32
        %cond3A_129 = arith.cmpi ne, %convert_element_type3A_127, %cond3A_128 : i32
        scf.if %cond3A_129 {
          %add3A_152 = arith.constant 2 : i32
          %add3A_153 = arith.addi %add3A_102, %add3A_152 : i32
          "tpu.region"() ({
            %run_scoped3A_186 = tpu.sem_alloc : memref<!tpu.dma_semaphore, #tpu.memory_space<semaphore_mem>>
            %dma_start3A_187 = tpu.memref_slice %arg2[%add3A_153, %multiple_of3A] : memref<50x16384xi32, #tpu.memory_space<hbm>> -> memref<1x512xi32, #tpu.memory_space<hbm>>
            %dma_start3A_188 = tpu.memref_squeeze %dma_start3A_187 : memref<1x512xi32, #tpu.memory_space<hbm>> -> memref<512xi32, #tpu.memory_space<hbm>>
            %dma_start3A_189 = tpu.memref_slice %arg2[%add3A_153, %multiple_of3A] : memref<50x16384xi32, #tpu.memory_space<hbm>> -> memref<1x512xi32, #tpu.memory_space<hbm>>
            %dma_start3A_190 = tpu.memref_squeeze %dma_start3A_189 : memref<1x512xi32, #tpu.memory_space<hbm>> -> memref<512xi32, #tpu.memory_space<hbm>>
            tpu.enqueue_dma source(%dma_start3A_190 : memref<512xi32, #tpu.memory_space<hbm>>) target(%arg9 : memref<512xi32, #tpu.memory_space<vmem>>) target_semaphore(%run_scoped3A_186 : memref<!tpu.dma_semaphore, #tpu.memory_space<semaphore_mem>>)
            %dma_wait3A_191 = tpu.memref_slice %arg2[%add3A_153, %multiple_of3A] : memref<50x16384xi32, #tpu.memory_space<hbm>> -> memref<1x512xi32, #tpu.memory_space<hbm>>
            %dma_wait3A_192 = tpu.memref_squeeze %dma_wait3A_191 : memref<1x512xi32, #tpu.memory_space<hbm>> -> memref<512xi32, #tpu.memory_space<hbm>>
            %dma_wait3A_193 = tpu.memref_slice %arg2[%add3A_153, %multiple_of3A] : memref<50x16384xi32, #tpu.memory_space<hbm>> -> memref<1x512xi32, #tpu.memory_space<hbm>>
            %dma_wait3A_194 = tpu.memref_squeeze %dma_wait3A_193 : memref<1x512xi32, #tpu.memory_space<hbm>> -> memref<512xi32, #tpu.memory_space<hbm>>
            tpu.wait_dma2 semaphore(%run_scoped3A_186 : memref<!tpu.dma_semaphore, #tpu.memory_space<semaphore_mem>>) src(%dma_wait3A_194 : memref<512xi32, #tpu.memory_space<hbm>>) dst(%arg9 : memref<512xi32, #tpu.memory_space<vmem>>)
            tpu.yield
          }) : () -> ()
          %dma_start3A_154 = arith.constant 0 : i32
          %dma_start3A_155 = arith.constant 0 : i32
          %dma_start3A_156 = tpu.memref_slice %arg12[%dma_start3A_154, %dma_start3A_155] : memref<512x32xf32, #tpu.memory_space<vmem>> -> memref<128x32xf32, #tpu.memory_space<vmem>>
          %dma_start3A_157 = arith.constant 0 : i32
          %dma_start3A_158 = tpu.memref_slice %arg9[%dma_start3A_157] : memref<512xi32, #tpu.memory_space<vmem>> -> memref<128xi32, #tpu.memory_space<vmem>>
          %dma_start3A_159 = arith.constant 0 : i32
          %dma_start3A_160 = arith.constant 0 : i32
          %dma_start3A_161 = tpu.memref_slice %arg3[%dma_start3A_159, %dma_start3A_160] : memref<1000000x32xf32, #tpu.memory_space<hbm>> -> memref<1000000x32xf32, #tpu.memory_space<hbm>>
          tpu.enqueue_indirect_dma source(%dma_start3A_161 : memref<1000000x32xf32, #tpu.memory_space<hbm>>) target(%dma_start3A_156 : memref<128x32xf32, #tpu.memory_space<vmem>>) offsets(%dma_start3A_158 : memref<128xi32, #tpu.memory_space<vmem>>) semaphore(%arg20 : memref<!tpu.dma_semaphore, #tpu.memory_space<semaphore_mem>>)
          %dma_start3A_162 = arith.constant 128 : i32
          %dma_start3A_163 = arith.constant 0 : i32
          %dma_start3A_164 = tpu.memref_slice %arg12[%dma_start3A_162, %dma_start3A_163] : memref<512x32xf32, #tpu.memory_space<vmem>> -> memref<128x32xf32, #tpu.memory_space<vmem>>
          %dma_start3A_165 = arith.constant 128 : i32
          %dma_start3A_166 = tpu.memref_slice %arg9[%dma_start3A_165] : memref<512xi32, #tpu.memory_space<vmem>> -> memref<128xi32, #tpu.memory_space<vmem>>
          %dma_start3A_167 = arith.constant 0 : i32
          %dma_start3A_168 = arith.constant 0 : i32
          %dma_start3A_169 = tpu.memref_slice %arg3[%dma_start3A_167, %dma_start3A_168] : memref<1000000x32xf32, #tpu.memory_space<hbm>> -> memref<1000000x32xf32, #tpu.memory_space<hbm>>
          tpu.enqueue_indirect_dma source(%dma_start3A_169 : memref<1000000x32xf32, #tpu.memory_space<hbm>>) target(%dma_start3A_164 : memref<128x32xf32, #tpu.memory_space<vmem>>) offsets(%dma_start3A_166 : memref<128xi32, #tpu.memory_space<vmem>>) semaphore(%arg20 : memref<!tpu.dma_semaphore, #tpu.memory_space<semaphore_mem>>)
          %dma_start3A_170 = arith.constant 256 : i32
          %dma_start3A_171 = arith.constant 0 : i32
          %dma_start3A_172 = tpu.memref_slice %arg12[%dma_start3A_170, %dma_start3A_171] : memref<512x32xf32, #tpu.memory_space<vmem>> -> memref<128x32xf32, #tpu.memory_space<vmem>>
          %dma_start3A_173 = arith.constant 256 : i32
          %dma_start3A_174 = tpu.memref_slice %arg9[%dma_start3A_173] : memref<512xi32, #tpu.memory_space<vmem>> -> memref<128xi32, #tpu.memory_space<vmem>>
          %dma_start3A_175 = arith.constant 0 : i32
          %dma_start3A_176 = arith.constant 0 : i32
          %dma_start3A_177 = tpu.memref_slice %arg3[%dma_start3A_175, %dma_start3A_176] : memref<1000000x32xf32, #tpu.memory_space<hbm>> -> memref<1000000x32xf32, #tpu.memory_space<hbm>>
          tpu.enqueue_indirect_dma source(%dma_start3A_177 : memref<1000000x32xf32, #tpu.memory_space<hbm>>) target(%dma_start3A_172 : memref<128x32xf32, #tpu.memory_space<vmem>>) offsets(%dma_start3A_174 : memref<128xi32, #tpu.memory_space<vmem>>) semaphore(%arg20 : memref<!tpu.dma_semaphore, #tpu.memory_space<semaphore_mem>>)
          %dma_start3A_178 = arith.constant 384 : i32
          %dma_start3A_179 = arith.constant 0 : i32
          %dma_start3A_180 = tpu.memref_slice %arg12[%dma_start3A_178, %dma_start3A_179] : memref<512x32xf32, #tpu.memory_space<vmem>> -> memref<128x32xf32, #tpu.memory_space<vmem>>
          %dma_start3A_181 = arith.constant 384 : i32
          %dma_start3A_182 = tpu.memref_slice %arg9[%dma_start3A_181] : memref<512xi32, #tpu.memory_space<vmem>> -> memref<128xi32, #tpu.memory_space<vmem>>
          %dma_start3A_183 = arith.constant 0 : i32
          %dma_start3A_184 = arith.constant 0 : i32
          %dma_start3A_185 = tpu.memref_slice %arg3[%dma_start3A_183, %dma_start3A_184] : memref<1000000x32xf32, #tpu.memory_space<hbm>> -> memref<1000000x32xf32, #tpu.memory_space<hbm>>
          tpu.enqueue_indirect_dma source(%dma_start3A_185 : memref<1000000x32xf32, #tpu.memory_space<hbm>>) target(%dma_start3A_180 : memref<128x32xf32, #tpu.memory_space<vmem>>) offsets(%dma_start3A_182 : memref<128xi32, #tpu.memory_space<vmem>>) semaphore(%arg20 : memref<!tpu.dma_semaphore, #tpu.memory_space<semaphore_mem>>)
        } else {
        }
        %dma_wait3A_130 = arith.constant 0 : i32
        %dma_wait3A_131 = arith.constant 0 : i32
        %dma_wait3A_132 = tpu.memref_slice %arg3[%dma_wait3A_130, %dma_wait3A_131] : memref<1000000x32xf32, #tpu.memory_space<hbm>> -> memref<512x32xf32, #tpu.memory_space<hbm>>
        %dma_wait3A_133 = arith.constant 0 : i32
        %dma_wait3A_134 = arith.constant 0 : i32
        %dma_wait3A_135 = tpu.memref_slice %arg3[%dma_wait3A_133, %dma_wait3A_134] : memref<1000000x32xf32, #tpu.memory_space<hbm>> -> memref<512x32xf32, #tpu.memory_space<hbm>>
        tpu.wait_dma2 semaphore(%arg18 : memref<!tpu.dma_semaphore, #tpu.memory_space<semaphore_mem>>) src(%dma_wait3A_135 : memref<512x32xf32, #tpu.memory_space<hbm>>) dst(%arg10 : memref<512x32xf32, #tpu.memory_space<vmem>>)
        %ge3A = arith.constant 3 : i32
        %ge3A_136 = arith.cmpi sge, %add3A_102, %ge3A : i32
        %convert_element_type3A_137 = arith.extui %ge3A_136 : i1 to i32
        %cond3A_138 = arith.constant 0 : i32
        %cond3A_139 = arith.cmpi ne, %convert_element_type3A_137, %cond3A_138 : i32
        scf.if %cond3A_139 {
          %dma_wait3A_152 = arith.constant 0 : i32
          %dma_wait3A_153 = arith.constant 0 : i32
          %dma_wait3A_154 = arith.constant 0 : i32
          %dma_wait3A_155 = tpu.memref_slice %arg6[%dma_wait3A_152, %dma_wait3A_153, %dma_wait3A_154] : memref<50x32x16384xf32, #tpu.memory_space<hbm>> -> memref<1x32x512xf32, #tpu.memory_space<hbm>>
          %dma_wait3A_156 = tpu.memref_squeeze %dma_wait3A_155 : memref<1x32x512xf32, #tpu.memory_space<hbm>> -> memref<32x512xf32, #tpu.memory_space<hbm>>
          %dma_wait3A_157 = arith.constant 0 : i32
          %dma_wait3A_158 = arith.constant 0 : i32
          %dma_wait3A_159 = tpu.memref_slice %arg6[%dma_wait3A_152, %dma_wait3A_157, %dma_wait3A_158] : memref<50x32x16384xf32, #tpu.memory_space<hbm>> -> memref<1x32x512xf32, #tpu.memory_space<hbm>>
          %dma_wait3A_160 = tpu.memref_squeeze %dma_wait3A_159 : memref<1x32x512xf32, #tpu.memory_space<hbm>> -> memref<32x512xf32, #tpu.memory_space<hbm>>
          tpu.wait_dma2 semaphore(%arg21 : memref<!tpu.dma_semaphore, #tpu.memory_space<semaphore_mem>>) src(%arg13 : memref<32x512xf32, #tpu.memory_space<vmem>>) dst(%dma_wait3A_160 : memref<32x512xf32, #tpu.memory_space<hbm>>)
        } else {
        }
        %scan3A_140 = arith.constant 0 : i32
        %scan3A_141 = arith.constant 0 : i32
        %scan3A_142 = arith.constant 32 : i32
        %scan3A_143 = arith.addi %scan3A_141, %scan3A_142 : i32
        %scan3A_144 = arith.constant 1 : i32
        scf.for %scan3A_152 = %scan3A_141 to %scan3A_143 step %scan3A_144  : i32 {
          %mul3A_153 = arith.constant 16 : i32
          %mul3A_154 = arith.muli %scan3A_152, %mul3A_153 : i32
          %add3A_155 = vector.broadcast %mul3A_154 : i32 to vector<16xi32>
          %add3A_156 = arith.addi %add3A_155, %iota3A : vector<16xi32>
          %broadcast_in_dim3A = arith.constant 0 : i32
          %broadcast_in_dim3A_157 = vector.broadcast %broadcast_in_dim3A : i32 to vector<16xi32>
          %gather3A = tpu.vector_load_idx %arg10[%add3A_156, %broadcast_in_dim3A_157] : memref<512x32xf32, #tpu.memory_space<vmem>>[vector<16xi32>, vector<16xi32>], vector<16xf32>,
          %broadcast_in_dim3A_158 = arith.constant 1 : i32
          %broadcast_in_dim3A_159 = vector.broadcast %broadcast_in_dim3A_158 : i32 to vector<16xi32>
          %gather3A_160 = tpu.vector_load_idx %arg10[%add3A_156, %broadcast_in_dim3A_159] : memref<512x32xf32, #tpu.memory_space<vmem>>[vector<16xi32>, vector<16xi32>], vector<16xf32>,
          %broadcast_in_dim3A_161 = arith.constant 2 : i32
          %broadcast_in_dim3A_162 = vector.broadcast %broadcast_in_dim3A_161 : i32 to vector<16xi32>
          %gather3A_163 = tpu.vector_load_idx %arg10[%add3A_156, %broadcast_in_dim3A_162] : memref<512x32xf32, #tpu.memory_space<vmem>>[vector<16xi32>, vector<16xi32>], vector<16xf32>,
          %broadcast_in_dim3A_164 = arith.constant 3 : i32
          %broadcast_in_dim3A_165 = vector.broadcast %broadcast_in_dim3A_164 : i32 to vector<16xi32>
          %gather3A_166 = tpu.vector_load_idx %arg10[%add3A_156, %broadcast_in_dim3A_165] : memref<512x32xf32, #tpu.memory_space<vmem>>[vector<16xi32>, vector<16xi32>], vector<16xf32>,
          %broadcast_in_dim3A_167 = arith.constant 4 : i32
          %broadcast_in_dim3A_168 = vector.broadcast %broadcast_in_dim3A_167 : i32 to vector<16xi32>
          %gather3A_169 = tpu.vector_load_idx %arg10[%add3A_156, %broadcast_in_dim3A_168] : memref<512x32xf32, #tpu.memory_space<vmem>>[vector<16xi32>, vector<16xi32>], vector<16xf32>,
          %broadcast_in_dim3A_170 = arith.constant 5 : i32
          %broadcast_in_dim3A_171 = vector.broadcast %broadcast_in_dim3A_170 : i32 to vector<16xi32>
          %gather3A_172 = tpu.vector_load_idx %arg10[%add3A_156, %broadcast_in_dim3A_171] : memref<512x32xf32, #tpu.memory_space<vmem>>[vector<16xi32>, vector<16xi32>], vector<16xf32>,
          %broadcast_in_dim3A_173 = arith.constant 6 : i32
          %broadcast_in_dim3A_174 = vector.broadcast %broadcast_in_dim3A_173 : i32 to vector<16xi32>
          %gather3A_175 = tpu.vector_load_idx %arg10[%add3A_156, %broadcast_in_dim3A_174] : memref<512x32xf32, #tpu.memory_space<vmem>>[vector<16xi32>, vector<16xi32>], vector<16xf32>,
          %broadcast_in_dim3A_176 = arith.constant 7 : i32
          %broadcast_in_dim3A_177 = vector.broadcast %broadcast_in_dim3A_176 : i32 to vector<16xi32>
          %gather3A_178 = tpu.vector_load_idx %arg10[%add3A_156, %broadcast_in_dim3A_177] : memref<512x32xf32, #tpu.memory_space<vmem>>[vector<16xi32>, vector<16xi32>], vector<16xf32>,
          %broadcast_in_dim3A_179 = arith.constant 8 : i32
          %broadcast_in_dim3A_180 = vector.broadcast %broadcast_in_dim3A_179 : i32 to vector<16xi32>
          %gather3A_181 = tpu.vector_load_idx %arg10[%add3A_156, %broadcast_in_dim3A_180] : memref<512x32xf32, #tpu.memory_space<vmem>>[vector<16xi32>, vector<16xi32>], vector<16xf32>,
          %broadcast_in_dim3A_182 = arith.constant 9 : i32
          %broadcast_in_dim3A_183 = vector.broadcast %broadcast_in_dim3A_182 : i32 to vector<16xi32>
          %gather3A_184 = tpu.vector_load_idx %arg10[%add3A_156, %broadcast_in_dim3A_183] : memref<512x32xf32, #tpu.memory_space<vmem>>[vector<16xi32>, vector<16xi32>], vector<16xf32>,
          %broadcast_in_dim3A_185 = arith.constant 10 : i32
          %broadcast_in_dim3A_186 = vector.broadcast %broadcast_in_dim3A_185 : i32 to vector<16xi32>
          %gather3A_187 = tpu.vector_load_idx %arg10[%add3A_156, %broadcast_in_dim3A_186] : memref<512x32xf32, #tpu.memory_space<vmem>>[vector<16xi32>, vector<16xi32>], vector<16xf32>,
          %broadcast_in_dim3A_188 = arith.constant 11 : i32
          %broadcast_in_dim3A_189 = vector.broadcast %broadcast_in_dim3A_188 : i32 to vector<16xi32>
          %gather3A_190 = tpu.vector_load_idx %arg10[%add3A_156, %broadcast_in_dim3A_189] : memref<512x32xf32, #tpu.memory_space<vmem>>[vector<16xi32>, vector<16xi32>], vector<16xf32>,
          %broadcast_in_dim3A_191 = arith.constant 12 : i32
          %broadcast_in_dim3A_192 = vector.broadcast %broadcast_in_dim3A_191 : i32 to vector<16xi32>
          %gather3A_193 = tpu.vector_load_idx %arg10[%add3A_156, %broadcast_in_dim3A_192] : memref<512x32xf32, #tpu.memory_space<vmem>>[vector<16xi32>, vector<16xi32>], vector<16xf32>,
          %broadcast_in_dim3A_194 = arith.constant 13 : i32
          %broadcast_in_dim3A_195 = vector.broadcast %broadcast_in_dim3A_194 : i32 to vector<16xi32>
          %gather3A_196 = tpu.vector_load_idx %arg10[%add3A_156, %broadcast_in_dim3A_195] : memref<512x32xf32, #tpu.memory_space<vmem>>[vector<16xi32>, vector<16xi32>], vector<16xf32>,
          %broadcast_in_dim3A_197 = arith.constant 14 : i32
          %broadcast_in_dim3A_198 = vector.broadcast %broadcast_in_dim3A_197 : i32 to vector<16xi32>
          %gather3A_199 = tpu.vector_load_idx %arg10[%add3A_156, %broadcast_in_dim3A_198] : memref<512x32xf32, #tpu.memory_space<vmem>>[vector<16xi32>, vector<16xi32>], vector<16xf32>,
          %broadcast_in_dim3A_200 = arith.constant 15 : i32
          %broadcast_in_dim3A_201 = vector.broadcast %broadcast_in_dim3A_200 : i32 to vector<16xi32>
          %gather3A_202 = tpu.vector_load_idx %arg10[%add3A_156, %broadcast_in_dim3A_201] : memref<512x32xf32, #tpu.memory_space<vmem>>[vector<16xi32>, vector<16xi32>], vector<16xf32>,
          %broadcast_in_dim3A_203 = arith.constant 16 : i32
          %broadcast_in_dim3A_204 = vector.broadcast %broadcast_in_dim3A_203 : i32 to vector<16xi32>
          %gather3A_205 = tpu.vector_load_idx %arg10[%add3A_156, %broadcast_in_dim3A_204] : memref<512x32xf32, #tpu.memory_space<vmem>>[vector<16xi32>, vector<16xi32>], vector<16xf32>,
          %broadcast_in_dim3A_206 = arith.constant 17 : i32
          %broadcast_in_dim3A_207 = vector.broadcast %broadcast_in_dim3A_206 : i32 to vector<16xi32>
          %gather3A_208 = tpu.vector_load_idx %arg10[%add3A_156, %broadcast_in_dim3A_207] : memref<512x32xf32, #tpu.memory_space<vmem>>[vector<16xi32>, vector<16xi32>], vector<16xf32>,
          %broadcast_in_dim3A_209 = arith.constant 18 : i32
          %broadcast_in_dim3A_210 = vector.broadcast %broadcast_in_dim3A_209 : i32 to vector<16xi32>
          %gather3A_211 = tpu.vector_load_idx %arg10[%add3A_156, %broadcast_in_dim3A_210] : memref<512x32xf32, #tpu.memory_space<vmem>>[vector<16xi32>, vector<16xi32>], vector<16xf32>,
          %broadcast_in_dim3A_212 = arith.constant 19 : i32
          %broadcast_in_dim3A_213 = vector.broadcast %broadcast_in_dim3A_212 : i32 to vector<16xi32>
          %gather3A_214 = tpu.vector_load_idx %arg10[%add3A_156, %broadcast_in_dim3A_213] : memref<512x32xf32, #tpu.memory_space<vmem>>[vector<16xi32>, vector<16xi32>], vector<16xf32>,
          %broadcast_in_dim3A_215 = arith.constant 20 : i32
          %broadcast_in_dim3A_216 = vector.broadcast %broadcast_in_dim3A_215 : i32 to vector<16xi32>
          %gather3A_217 = tpu.vector_load_idx %arg10[%add3A_156, %broadcast_in_dim3A_216] : memref<512x32xf32, #tpu.memory_space<vmem>>[vector<16xi32>, vector<16xi32>], vector<16xf32>,
          %broadcast_in_dim3A_218 = arith.constant 21 : i32
          %broadcast_in_dim3A_219 = vector.broadcast %broadcast_in_dim3A_218 : i32 to vector<16xi32>
          %gather3A_220 = tpu.vector_load_idx %arg10[%add3A_156, %broadcast_in_dim3A_219] : memref<512x32xf32, #tpu.memory_space<vmem>>[vector<16xi32>, vector<16xi32>], vector<16xf32>,
          %broadcast_in_dim3A_221 = arith.constant 22 : i32
          %broadcast_in_dim3A_222 = vector.broadcast %broadcast_in_dim3A_221 : i32 to vector<16xi32>
          %gather3A_223 = tpu.vector_load_idx %arg10[%add3A_156, %broadcast_in_dim3A_222] : memref<512x32xf32, #tpu.memory_space<vmem>>[vector<16xi32>, vector<16xi32>], vector<16xf32>,
          %broadcast_in_dim3A_224 = arith.constant 23 : i32
          %broadcast_in_dim3A_225 = vector.broadcast %broadcast_in_dim3A_224 : i32 to vector<16xi32>
          %gather3A_226 = tpu.vector_load_idx %arg10[%add3A_156, %broadcast_in_dim3A_225] : memref<512x32xf32, #tpu.memory_space<vmem>>[vector<16xi32>, vector<16xi32>], vector<16xf32>,
          %broadcast_in_dim3A_227 = arith.constant 24 : i32
          %broadcast_in_dim3A_228 = vector.broadcast %broadcast_in_dim3A_227 : i32 to vector<16xi32>
          %gather3A_229 = tpu.vector_load_idx %arg10[%add3A_156, %broadcast_in_dim3A_228] : memref<512x32xf32, #tpu.memory_space<vmem>>[vector<16xi32>, vector<16xi32>], vector<16xf32>,
          %broadcast_in_dim3A_230 = arith.constant 25 : i32
          %broadcast_in_dim3A_231 = vector.broadcast %broadcast_in_dim3A_230 : i32 to vector<16xi32>
          %gather3A_232 = tpu.vector_load_idx %arg10[%add3A_156, %broadcast_in_dim3A_231] : memref<512x32xf32, #tpu.memory_space<vmem>>[vector<16xi32>, vector<16xi32>], vector<16xf32>,
          %broadcast_in_dim3A_233 = arith.constant 26 : i32
          %broadcast_in_dim3A_234 = vector.broadcast %broadcast_in_dim3A_233 : i32 to vector<16xi32>
          %gather3A_235 = tpu.vector_load_idx %arg10[%add3A_156, %broadcast_in_dim3A_234] : memref<512x32xf32, #tpu.memory_space<vmem>>[vector<16xi32>, vector<16xi32>], vector<16xf32>,
          %broadcast_in_dim3A_236 = arith.constant 27 : i32
          %broadcast_in_dim3A_237 = vector.broadcast %broadcast_in_dim3A_236 : i32 to vector<16xi32>
          %gather3A_238 = tpu.vector_load_idx %arg10[%add3A_156, %broadcast_in_dim3A_237] : memref<512x32xf32, #tpu.memory_space<vmem>>[vector<16xi32>, vector<16xi32>], vector<16xf32>,
          %broadcast_in_dim3A_239 = arith.constant 28 : i32
          %broadcast_in_dim3A_240 = vector.broadcast %broadcast_in_dim3A_239 : i32 to vector<16xi32>
          %gather3A_241 = tpu.vector_load_idx %arg10[%add3A_156, %broadcast_in_dim3A_240] : memref<512x32xf32, #tpu.memory_space<vmem>>[vector<16xi32>, vector<16xi32>], vector<16xf32>,
          %broadcast_in_dim3A_242 = arith.constant 29 : i32
          %broadcast_in_dim3A_243 = vector.broadcast %broadcast_in_dim3A_242 : i32 to vector<16xi32>
          %gather3A_244 = tpu.vector_load_idx %arg10[%add3A_156, %broadcast_in_dim3A_243] : memref<512x32xf32, #tpu.memory_space<vmem>>[vector<16xi32>, vector<16xi32>], vector<16xf32>,
          %broadcast_in_dim3A_245 = arith.constant 30 : i32
          %broadcast_in_dim3A_246 = vector.broadcast %broadcast_in_dim3A_245 : i32 to vector<16xi32>
          %gather3A_247 = tpu.vector_load_idx %arg10[%add3A_156, %broadcast_in_dim3A_246] : memref<512x32xf32, #tpu.memory_space<vmem>>[vector<16xi32>, vector<16xi32>], vector<16xf32>,
          %broadcast_in_dim3A_248 = arith.constant 31 : i32
          %broadcast_in_dim3A_249 = vector.broadcast %broadcast_in_dim3A_248 : i32 to vector<16xi32>
          %gather3A_250 = tpu.vector_load_idx %arg10[%add3A_156, %broadcast_in_dim3A_249] : memref<512x32xf32, #tpu.memory_space<vmem>>[vector<16xi32>, vector<16xi32>], vector<16xf32>,
          %add3A_251 = arith.addf %gather3A, %gather3A_160 : vector<16xf32>
          %add3A_252 = arith.addf %gather3A_163, %gather3A_166 : vector<16xf32>
          %add3A_253 = arith.addf %gather3A_169, %gather3A_172 : vector<16xf32>
          %add3A_254 = arith.addf %gather3A_175, %gather3A_178 : vector<16xf32>
          %add3A_255 = arith.addf %gather3A_181, %gather3A_184 : vector<16xf32>
          %add3A_256 = arith.addf %gather3A_187, %gather3A_190 : vector<16xf32>
          %add3A_257 = arith.addf %gather3A_193, %gather3A_196 : vector<16xf32>
          %add3A_258 = arith.addf %gather3A_199, %gather3A_202 : vector<16xf32>
          %add3A_259 = arith.addf %gather3A_205, %gather3A_208 : vector<16xf32>
          %add3A_260 = arith.addf %gather3A_211, %gather3A_214 : vector<16xf32>
          %add3A_261 = arith.addf %gather3A_217, %gather3A_220 : vector<16xf32>
          %add3A_262 = arith.addf %gather3A_223, %gather3A_226 : vector<16xf32>
          %add3A_263 = arith.addf %gather3A_229, %gather3A_232 : vector<16xf32>
          %add3A_264 = arith.addf %gather3A_235, %gather3A_238 : vector<16xf32>
          %add3A_265 = arith.addf %gather3A_241, %gather3A_244 : vector<16xf32>
          %add3A_266 = arith.addf %gather3A_247, %gather3A_250 : vector<16xf32>
          %add3A_267 = arith.addf %add3A_251, %add3A_252 : vector<16xf32>
          %add3A_268 = arith.addf %add3A_253, %add3A_254 : vector<16xf32>
          %add3A_269 = arith.addf %add3A_255, %add3A_256 : vector<16xf32>
          %add3A_270 = arith.addf %add3A_257, %add3A_258 : vector<16xf32>
          %add3A_271 = arith.addf %add3A_259, %add3A_260 : vector<16xf32>
          %add3A_272 = arith.addf %add3A_261, %add3A_262 : vector<16xf32>
          %add3A_273 = arith.addf %add3A_263, %add3A_264 : vector<16xf32>
          %add3A_274 = arith.addf %add3A_265, %add3A_266 : vector<16xf32>
          %add3A_275 = arith.addf %add3A_267, %add3A_268 : vector<16xf32>
          %add3A_276 = arith.addf %add3A_269, %add3A_270 : vector<16xf32>
          %add3A_277 = arith.addf %add3A_271, %add3A_272 : vector<16xf32>
          %add3A_278 = arith.addf %add3A_273, %add3A_274 : vector<16xf32>
          %add3A_279 = arith.addf %add3A_275, %add3A_276 : vector<16xf32>
          %add3A_280 = arith.addf %add3A_277, %add3A_278 : vector<16xf32>
          %add3A_281 = arith.addf %add3A_279, %add3A_280 : vector<16xf32>
          %mul3A_282 = arith.constant 3.125000e-02 : f32
          %mul3A_283 = vector.broadcast %mul3A_282 : f32 to vector<16xf32>
          %mul3A_284 = arith.mulf %add3A_281, %mul3A_283 : vector<16xf32>
          %sub3A = arith.subf %gather3A, %mul3A_284 : vector<16xf32>
          %sub3A_285 = arith.subf %gather3A_160, %mul3A_284 : vector<16xf32>
          %sub3A_286 = arith.subf %gather3A_163, %mul3A_284 : vector<16xf32>
          %sub3A_287 = arith.subf %gather3A_166, %mul3A_284 : vector<16xf32>
          %sub3A_288 = arith.subf %gather3A_169, %mul3A_284 : vector<16xf32>
          %sub3A_289 = arith.subf %gather3A_172, %mul3A_284 : vector<16xf32>
          %sub3A_290 = arith.subf %gather3A_175, %mul3A_284 : vector<16xf32>
          %sub3A_291 = arith.subf %gather3A_178, %mul3A_284 : vector<16xf32>
          %sub3A_292 = arith.subf %gather3A_181, %mul3A_284 : vector<16xf32>
          %sub3A_293 = arith.subf %gather3A_184, %mul3A_284 : vector<16xf32>
          %sub3A_294 = arith.subf %gather3A_187, %mul3A_284 : vector<16xf32>
          %sub3A_295 = arith.subf %gather3A_190, %mul3A_284 : vector<16xf32>
          %sub3A_296 = arith.subf %gather3A_193, %mul3A_284 : vector<16xf32>
          %sub3A_297 = arith.subf %gather3A_196, %mul3A_284 : vector<16xf32>
          %sub3A_298 = arith.subf %gather3A_199, %mul3A_284 : vector<16xf32>
          %sub3A_299 = arith.subf %gather3A_202, %mul3A_284 : vector<16xf32>
          %sub3A_300 = arith.subf %gather3A_205, %mul3A_284 : vector<16xf32>
          %sub3A_301 = arith.subf %gather3A_208, %mul3A_284 : vector<16xf32>
          %sub3A_302 = arith.subf %gather3A_211, %mul3A_284 : vector<16xf32>
          %sub3A_303 = arith.subf %gather3A_214, %mul3A_284 : vector<16xf32>
          %sub3A_304 = arith.subf %gather3A_217, %mul3A_284 : vector<16xf32>
          %sub3A_305 = arith.subf %gather3A_220, %mul3A_284 : vector<16xf32>
          %sub3A_306 = arith.subf %gather3A_223, %mul3A_284 : vector<16xf32>
          %sub3A_307 = arith.subf %gather3A_226, %mul3A_284 : vector<16xf32>
          %sub3A_308 = arith.subf %gather3A_229, %mul3A_284 : vector<16xf32>
          %sub3A_309 = arith.subf %gather3A_232, %mul3A_284 : vector<16xf32>
          %sub3A_310 = arith.subf %gather3A_235, %mul3A_284 : vector<16xf32>
          %sub3A_311 = arith.subf %gather3A_238, %mul3A_284 : vector<16xf32>
          %sub3A_312 = arith.subf %gather3A_241, %mul3A_284 : vector<16xf32>
          %sub3A_313 = arith.subf %gather3A_244, %mul3A_284 : vector<16xf32>
          %sub3A_314 = arith.subf %gather3A_247, %mul3A_284 : vector<16xf32>
          %sub3A_315 = arith.subf %gather3A_250, %mul3A_284 : vector<16xf32>
          %mul3A_316 = arith.mulf %sub3A, %sub3A : vector<16xf32>
          %mul3A_317 = arith.mulf %sub3A_285, %sub3A_285 : vector<16xf32>
          %mul3A_318 = arith.mulf %sub3A_286, %sub3A_286 : vector<16xf32>
          %mul3A_319 = arith.mulf %sub3A_287, %sub3A_287 : vector<16xf32>
          %mul3A_320 = arith.mulf %sub3A_288, %sub3A_288 : vector<16xf32>
          %mul3A_321 = arith.mulf %sub3A_289, %sub3A_289 : vector<16xf32>
          %mul3A_322 = arith.mulf %sub3A_290, %sub3A_290 : vector<16xf32>
          %mul3A_323 = arith.mulf %sub3A_291, %sub3A_291 : vector<16xf32>
          %mul3A_324 = arith.mulf %sub3A_292, %sub3A_292 : vector<16xf32>
          %mul3A_325 = arith.mulf %sub3A_293, %sub3A_293 : vector<16xf32>
          %mul3A_326 = arith.mulf %sub3A_294, %sub3A_294 : vector<16xf32>
          %mul3A_327 = arith.mulf %sub3A_295, %sub3A_295 : vector<16xf32>
          %mul3A_328 = arith.mulf %sub3A_296, %sub3A_296 : vector<16xf32>
          %mul3A_329 = arith.mulf %sub3A_297, %sub3A_297 : vector<16xf32>
          %mul3A_330 = arith.mulf %sub3A_298, %sub3A_298 : vector<16xf32>
          %mul3A_331 = arith.mulf %sub3A_299, %sub3A_299 : vector<16xf32>
          %mul3A_332 = arith.mulf %sub3A_300, %sub3A_300 : vector<16xf32>
          %mul3A_333 = arith.mulf %sub3A_301, %sub3A_301 : vector<16xf32>
          %mul3A_334 = arith.mulf %sub3A_302, %sub3A_302 : vector<16xf32>
          %mul3A_335 = arith.mulf %sub3A_303, %sub3A_303 : vector<16xf32>
          %mul3A_336 = arith.mulf %sub3A_304, %sub3A_304 : vector<16xf32>
          %mul3A_337 = arith.mulf %sub3A_305, %sub3A_305 : vector<16xf32>
          %mul3A_338 = arith.mulf %sub3A_306, %sub3A_306 : vector<16xf32>
          %mul3A_339 = arith.mulf %sub3A_307, %sub3A_307 : vector<16xf32>
          %mul3A_340 = arith.mulf %sub3A_308, %sub3A_308 : vector<16xf32>
          %mul3A_341 = arith.mulf %sub3A_309, %sub3A_309 : vector<16xf32>
          %mul3A_342 = arith.mulf %sub3A_310, %sub3A_310 : vector<16xf32>
          %mul3A_343 = arith.mulf %sub3A_311, %sub3A_311 : vector<16xf32>
          %mul3A_344 = arith.mulf %sub3A_312, %sub3A_312 : vector<16xf32>
          %mul3A_345 = arith.mulf %sub3A_313, %sub3A_313 : vector<16xf32>
          %mul3A_346 = arith.mulf %sub3A_314, %sub3A_314 : vector<16xf32>
          %mul3A_347 = arith.mulf %sub3A_315, %sub3A_315 : vector<16xf32>
          %add3A_348 = arith.addf %mul3A_316, %mul3A_317 : vector<16xf32>
          %add3A_349 = arith.addf %mul3A_318, %mul3A_319 : vector<16xf32>
          %add3A_350 = arith.addf %mul3A_320, %mul3A_321 : vector<16xf32>
          %add3A_351 = arith.addf %mul3A_322, %mul3A_323 : vector<16xf32>
          %add3A_352 = arith.addf %mul3A_324, %mul3A_325 : vector<16xf32>
          %add3A_353 = arith.addf %mul3A_326, %mul3A_327 : vector<16xf32>
          %add3A_354 = arith.addf %mul3A_328, %mul3A_329 : vector<16xf32>
          %add3A_355 = arith.addf %mul3A_330, %mul3A_331 : vector<16xf32>
          %add3A_356 = arith.addf %mul3A_332, %mul3A_333 : vector<16xf32>
          %add3A_357 = arith.addf %mul3A_334, %mul3A_335 : vector<16xf32>
          %add3A_358 = arith.addf %mul3A_336, %mul3A_337 : vector<16xf32>
          %add3A_359 = arith.addf %mul3A_338, %mul3A_339 : vector<16xf32>
          %add3A_360 = arith.addf %mul3A_340, %mul3A_341 : vector<16xf32>
          %add3A_361 = arith.addf %mul3A_342, %mul3A_343 : vector<16xf32>
          %add3A_362 = arith.addf %mul3A_344, %mul3A_345 : vector<16xf32>
          %add3A_363 = arith.addf %mul3A_346, %mul3A_347 : vector<16xf32>
          %add3A_364 = arith.addf %add3A_348, %add3A_349 : vector<16xf32>
          %add3A_365 = arith.addf %add3A_350, %add3A_351 : vector<16xf32>
          %add3A_366 = arith.addf %add3A_352, %add3A_353 : vector<16xf32>
          %add3A_367 = arith.addf %add3A_354, %add3A_355 : vector<16xf32>
          %add3A_368 = arith.addf %add3A_356, %add3A_357 : vector<16xf32>
          %add3A_369 = arith.addf %add3A_358, %add3A_359 : vector<16xf32>
          %add3A_370 = arith.addf %add3A_360, %add3A_361 : vector<16xf32>
          %add3A_371 = arith.addf %add3A_362, %add3A_363 : vector<16xf32>
          %add3A_372 = arith.addf %add3A_364, %add3A_365 : vector<16xf32>
          %add3A_373 = arith.addf %add3A_366, %add3A_367 : vector<16xf32>
          %add3A_374 = arith.addf %add3A_368, %add3A_369 : vector<16xf32>
          %add3A_375 = arith.addf %add3A_370, %add3A_371 : vector<16xf32>
          %add3A_376 = arith.addf %add3A_372, %add3A_373 : vector<16xf32>
          %add3A_377 = arith.addf %add3A_374, %add3A_375 : vector<16xf32>
          %add3A_378 = arith.addf %add3A_376, %add3A_377 : vector<16xf32>
          %mul3A_379 = arith.constant 3.125000e-02 : f32
          %mul3A_380 = vector.broadcast %mul3A_379 : f32 to vector<16xf32>
          %mul3A_381 = arith.mulf %add3A_378, %mul3A_380 : vector<16xf32>
          %add3A_382 = arith.constant 9.99999974E-6 : f32
          %add3A_383 = vector.broadcast %add3A_382 : f32 to vector<16xf32>
          %add3A_384 = arith.addf %mul3A_381, %add3A_383 : vector<16xf32>
          %bitcast_convert_type3A = tpu.bitcast %add3A_384 : vector<16xf32> -> vector<16xi32>
          %shift_right_arithmetic3A = arith.constant 1 : i32
          %shift_right_arithmetic3A_385 = vector.broadcast %shift_right_arithmetic3A : i32 to vector<16xi32>
          %shift_right_arithmetic3A_386 = arith.shrsi %bitcast_convert_type3A, %shift_right_arithmetic3A_385 : vector<16xi32>
          %sub3A_387 = arith.constant 1597463007 : i32
          %sub3A_388 = vector.broadcast %sub3A_387 : i32 to vector<16xi32>
          %sub3A_389 = arith.subi %sub3A_388, %shift_right_arithmetic3A_386 : vector<16xi32>
          %bitcast_convert_type3A_390 = tpu.bitcast %sub3A_389 : vector<16xi32> -> vector<16xf32>
          %mul3A_391 = arith.constant 5.000000e-01 : f32
          %mul3A_392 = vector.broadcast %mul3A_391 : f32 to vector<16xf32>
          %mul3A_393 = arith.mulf %mul3A_392, %add3A_384 : vector<16xf32>
          %mul3A_394 = arith.mulf %mul3A_393, %bitcast_convert_type3A_390 : vector<16xf32>
          %mul3A_395 = arith.mulf %mul3A_394, %bitcast_convert_type3A_390 : vector<16xf32>
          %sub3A_396 = arith.constant 1.500000e+00 : f32
          %sub3A_397 = vector.broadcast %sub3A_396 : f32 to vector<16xf32>
          %sub3A_398 = arith.subf %sub3A_397, %mul3A_395 : vector<16xf32>
          %mul3A_399 = arith.mulf %bitcast_convert_type3A_390, %sub3A_398 : vector<16xf32>
          %mul3A_400 = arith.constant 5.000000e-01 : f32
          %mul3A_401 = vector.broadcast %mul3A_400 : f32 to vector<16xf32>
          %mul3A_402 = arith.mulf %mul3A_401, %add3A_384 : vector<16xf32>
          %mul3A_403 = arith.mulf %mul3A_402, %mul3A_399 : vector<16xf32>
          %mul3A_404 = arith.mulf %mul3A_403, %mul3A_399 : vector<16xf32>
          %sub3A_405 = arith.constant 1.500000e+00 : f32
          %sub3A_406 = vector.broadcast %sub3A_405 : f32 to vector<16xf32>
          %sub3A_407 = arith.subf %sub3A_406, %mul3A_404 : vector<16xf32>
          %mul3A_408 = arith.mulf %mul3A_399, %sub3A_407 : vector<16xf32>
          %mul3A_409 = arith.constant 5.000000e-01 : f32
          %mul3A_410 = vector.broadcast %mul3A_409 : f32 to vector<16xf32>
          %mul3A_411 = arith.mulf %mul3A_410, %add3A_384 : vector<16xf32>
          %mul3A_412 = arith.mulf %mul3A_411, %mul3A_408 : vector<16xf32>
          %mul3A_413 = arith.mulf %mul3A_412, %mul3A_408 : vector<16xf32>
          %sub3A_414 = arith.constant 1.500000e+00 : f32
          %sub3A_415 = vector.broadcast %sub3A_414 : f32 to vector<16xf32>
          %sub3A_416 = arith.subf %sub3A_415, %mul3A_413 : vector<16xf32>
          %mul3A_417 = arith.mulf %mul3A_408, %sub3A_416 : vector<16xf32>
          %get3A = arith.constant 0 : i32
          %get3A_418 = arith.index_cast %get3A : i32 to index
          %get3A_419 = arith.constant 0 : index
          %get3A_420 = tpu.vector_load %arg16[%get3A_418, %get3A_419] {strides = array<i32>} : memref<32x16xf32, #tpu.memory_space<vmem>>, vector<16xf32>,
          %mul3A_421 = arith.mulf %mul3A_417, %get3A_420 : vector<16xf32>
          %mul3A_422 = arith.mulf %sub3A, %mul3A_421 : vector<16xf32>
          %get3A_423 = arith.constant 0 : i32
          %get3A_424 = arith.index_cast %get3A_423 : i32 to index
          %get3A_425 = arith.constant 0 : index
          %get3A_426 = tpu.vector_load %arg17[%get3A_424, %get3A_425] {strides = array<i32>} : memref<32x16xf32, #tpu.memory_space<vmem>>, vector<16xf32>,
          %add3A_427 = arith.addf %mul3A_422, %get3A_426 : vector<16xf32>
          %mul3A_428 = arith.constant 16 : i32
          %mul3A_429 = arith.muli %scan3A_152, %mul3A_428 : i32
          %swap3A = arith.constant 0 : i32
          %swap3A_430 = arith.index_cast %swap3A : i32 to index
          %swap3A_431 = arith.index_cast %mul3A_429 : i32 to index
          %swap3A_432 = tpu.vector_load %arg13[%swap3A_430, %swap3A_431] {strides = array<i32>} : memref<32x512xf32, #tpu.memory_space<vmem>>, vector<16xf32>,
          tpu.vector_store %arg13[%swap3A_430, %swap3A_431], %add3A_427 {strides = array<i32>} : memref<32x512xf32, #tpu.memory_space<vmem>>, vector<16xf32>,
          %get3A_433 = arith.constant 1 : i32
          %get3A_434 = arith.index_cast %get3A_433 : i32 to index
          %get3A_435 = arith.constant 0 : index
          %get3A_436 = tpu.vector_load %arg16[%get3A_434, %get3A_435] {strides = array<i32>} : memref<32x16xf32, #tpu.memory_space<vmem>>, vector<16xf32>,
          %mul3A_437 = arith.mulf %mul3A_417, %get3A_436 : vector<16xf32>
          %mul3A_438 = arith.mulf %sub3A_285, %mul3A_437 : vector<16xf32>
          %get3A_439 = arith.constant 1 : i32
          %get3A_440 = arith.index_cast %get3A_439 : i32 to index
          %get3A_441 = arith.constant 0 : index
          %get3A_442 = tpu.vector_load %arg17[%get3A_440, %get3A_441] {strides = array<i32>} : memref<32x16xf32, #tpu.memory_space<vmem>>, vector<16xf32>,
          %add3A_443 = arith.addf %mul3A_438, %get3A_442 : vector<16xf32>
          %mul3A_444 = arith.constant 16 : i32
          %mul3A_445 = arith.muli %scan3A_152, %mul3A_444 : i32
          %swap3A_446 = arith.constant 1 : i32
          %swap3A_447 = arith.index_cast %swap3A_446 : i32 to index
          %swap3A_448 = arith.index_cast %mul3A_445 : i32 to index
          %swap3A_449 = tpu.vector_load %arg13[%swap3A_447, %swap3A_448] {strides = array<i32>} : memref<32x512xf32, #tpu.memory_space<vmem>>, vector<16xf32>,
          tpu.vector_store %arg13[%swap3A_447, %swap3A_448], %add3A_443 {strides = array<i32>} : memref<32x512xf32, #tpu.memory_space<vmem>>, vector<16xf32>,
          %get3A_450 = arith.constant 2 : i32
          %get3A_451 = arith.index_cast %get3A_450 : i32 to index
          %get3A_452 = arith.constant 0 : index
          %get3A_453 = tpu.vector_load %arg16[%get3A_451, %get3A_452] {strides = array<i32>} : memref<32x16xf32, #tpu.memory_space<vmem>>, vector<16xf32>,
          %mul3A_454 = arith.mulf %mul3A_417, %get3A_453 : vector<16xf32>
          %mul3A_455 = arith.mulf %sub3A_286, %mul3A_454 : vector<16xf32>
          %get3A_456 = arith.constant 2 : i32
          %get3A_457 = arith.index_cast %get3A_456 : i32 to index
          %get3A_458 = arith.constant 0 : index
          %get3A_459 = tpu.vector_load %arg17[%get3A_457, %get3A_458] {strides = array<i32>} : memref<32x16xf32, #tpu.memory_space<vmem>>, vector<16xf32>,
          %add3A_460 = arith.addf %mul3A_455, %get3A_459 : vector<16xf32>
          %mul3A_461 = arith.constant 16 : i32
          %mul3A_462 = arith.muli %scan3A_152, %mul3A_461 : i32
          %swap3A_463 = arith.constant 2 : i32
          %swap3A_464 = arith.index_cast %swap3A_463 : i32 to index
          %swap3A_465 = arith.index_cast %mul3A_462 : i32 to index
          %swap3A_466 = tpu.vector_load %arg13[%swap3A_464, %swap3A_465] {strides = array<i32>} : memref<32x512xf32, #tpu.memory_space<vmem>>, vector<16xf32>,
          tpu.vector_store %arg13[%swap3A_464, %swap3A_465], %add3A_460 {strides = array<i32>} : memref<32x512xf32, #tpu.memory_space<vmem>>, vector<16xf32>,
          %get3A_467 = arith.constant 3 : i32
          %get3A_468 = arith.index_cast %get3A_467 : i32 to index
          %get3A_469 = arith.constant 0 : index
          %get3A_470 = tpu.vector_load %arg16[%get3A_468, %get3A_469] {strides = array<i32>} : memref<32x16xf32, #tpu.memory_space<vmem>>, vector<16xf32>,
          %mul3A_471 = arith.mulf %mul3A_417, %get3A_470 : vector<16xf32>
          %mul3A_472 = arith.mulf %sub3A_287, %mul3A_471 : vector<16xf32>
          %get3A_473 = arith.constant 3 : i32
          %get3A_474 = arith.index_cast %get3A_473 : i32 to index
          %get3A_475 = arith.constant 0 : index
          %get3A_476 = tpu.vector_load %arg17[%get3A_474, %get3A_475] {strides = array<i32>} : memref<32x16xf32, #tpu.memory_space<vmem>>, vector<16xf32>,
          %add3A_477 = arith.addf %mul3A_472, %get3A_476 : vector<16xf32>
          %mul3A_478 = arith.constant 16 : i32
          %mul3A_479 = arith.muli %scan3A_152, %mul3A_478 : i32
          %swap3A_480 = arith.constant 3 : i32
          %swap3A_481 = arith.index_cast %swap3A_480 : i32 to index
          %swap3A_482 = arith.index_cast %mul3A_479 : i32 to index
          %swap3A_483 = tpu.vector_load %arg13[%swap3A_481, %swap3A_482] {strides = array<i32>} : memref<32x512xf32, #tpu.memory_space<vmem>>, vector<16xf32>,
          tpu.vector_store %arg13[%swap3A_481, %swap3A_482], %add3A_477 {strides = array<i32>} : memref<32x512xf32, #tpu.memory_space<vmem>>, vector<16xf32>,
          %get3A_484 = arith.constant 4 : i32
          %get3A_485 = arith.index_cast %get3A_484 : i32 to index
          %get3A_486 = arith.constant 0 : index
          %get3A_487 = tpu.vector_load %arg16[%get3A_485, %get3A_486] {strides = array<i32>} : memref<32x16xf32, #tpu.memory_space<vmem>>, vector<16xf32>,
          %mul3A_488 = arith.mulf %mul3A_417, %get3A_487 : vector<16xf32>
          %mul3A_489 = arith.mulf %sub3A_288, %mul3A_488 : vector<16xf32>
          %get3A_490 = arith.constant 4 : i32
          %get3A_491 = arith.index_cast %get3A_490 : i32 to index
          %get3A_492 = arith.constant 0 : index
          %get3A_493 = tpu.vector_load %arg17[%get3A_491, %get3A_492] {strides = array<i32>} : memref<32x16xf32, #tpu.memory_space<vmem>>, vector<16xf32>,
          %add3A_494 = arith.addf %mul3A_489, %get3A_493 : vector<16xf32>
          %mul3A_495 = arith.constant 16 : i32
          %mul3A_496 = arith.muli %scan3A_152, %mul3A_495 : i32
          %swap3A_497 = arith.constant 4 : i32
          %swap3A_498 = arith.index_cast %swap3A_497 : i32 to index
          %swap3A_499 = arith.index_cast %mul3A_496 : i32 to index
          %swap3A_500 = tpu.vector_load %arg13[%swap3A_498, %swap3A_499] {strides = array<i32>} : memref<32x512xf32, #tpu.memory_space<vmem>>, vector<16xf32>,
          tpu.vector_store %arg13[%swap3A_498, %swap3A_499], %add3A_494 {strides = array<i32>} : memref<32x512xf32, #tpu.memory_space<vmem>>, vector<16xf32>,
          %get3A_501 = arith.constant 5 : i32
          %get3A_502 = arith.index_cast %get3A_501 : i32 to index
          %get3A_503 = arith.constant 0 : index
          %get3A_504 = tpu.vector_load %arg16[%get3A_502, %get3A_503] {strides = array<i32>} : memref<32x16xf32, #tpu.memory_space<vmem>>, vector<16xf32>,
          %mul3A_505 = arith.mulf %mul3A_417, %get3A_504 : vector<16xf32>
          %mul3A_506 = arith.mulf %sub3A_289, %mul3A_505 : vector<16xf32>
          %get3A_507 = arith.constant 5 : i32
          %get3A_508 = arith.index_cast %get3A_507 : i32 to index
          %get3A_509 = arith.constant 0 : index
          %get3A_510 = tpu.vector_load %arg17[%get3A_508, %get3A_509] {strides = array<i32>} : memref<32x16xf32, #tpu.memory_space<vmem>>, vector<16xf32>,
          %add3A_511 = arith.addf %mul3A_506, %get3A_510 : vector<16xf32>
          %mul3A_512 = arith.constant 16 : i32
          %mul3A_513 = arith.muli %scan3A_152, %mul3A_512 : i32
          %swap3A_514 = arith.constant 5 : i32
          %swap3A_515 = arith.index_cast %swap3A_514 : i32 to index
          %swap3A_516 = arith.index_cast %mul3A_513 : i32 to index
          %swap3A_517 = tpu.vector_load %arg13[%swap3A_515, %swap3A_516] {strides = array<i32>} : memref<32x512xf32, #tpu.memory_space<vmem>>, vector<16xf32>,
          tpu.vector_store %arg13[%swap3A_515, %swap3A_516], %add3A_511 {strides = array<i32>} : memref<32x512xf32, #tpu.memory_space<vmem>>, vector<16xf32>,
          %get3A_518 = arith.constant 6 : i32
          %get3A_519 = arith.index_cast %get3A_518 : i32 to index
          %get3A_520 = arith.constant 0 : index
          %get3A_521 = tpu.vector_load %arg16[%get3A_519, %get3A_520] {strides = array<i32>} : memref<32x16xf32, #tpu.memory_space<vmem>>, vector<16xf32>,
          %mul3A_522 = arith.mulf %mul3A_417, %get3A_521 : vector<16xf32>
          %mul3A_523 = arith.mulf %sub3A_290, %mul3A_522 : vector<16xf32>
          %get3A_524 = arith.constant 6 : i32
          %get3A_525 = arith.index_cast %get3A_524 : i32 to index
          %get3A_526 = arith.constant 0 : index
          %get3A_527 = tpu.vector_load %arg17[%get3A_525, %get3A_526] {strides = array<i32>} : memref<32x16xf32, #tpu.memory_space<vmem>>, vector<16xf32>,
          %add3A_528 = arith.addf %mul3A_523, %get3A_527 : vector<16xf32>
          %mul3A_529 = arith.constant 16 : i32
          %mul3A_530 = arith.muli %scan3A_152, %mul3A_529 : i32
          %swap3A_531 = arith.constant 6 : i32
          %swap3A_532 = arith.index_cast %swap3A_531 : i32 to index
          %swap3A_533 = arith.index_cast %mul3A_530 : i32 to index
          %swap3A_534 = tpu.vector_load %arg13[%swap3A_532, %swap3A_533] {strides = array<i32>} : memref<32x512xf32, #tpu.memory_space<vmem>>, vector<16xf32>,
          tpu.vector_store %arg13[%swap3A_532, %swap3A_533], %add3A_528 {strides = array<i32>} : memref<32x512xf32, #tpu.memory_space<vmem>>, vector<16xf32>,
          %get3A_535 = arith.constant 7 : i32
          %get3A_536 = arith.index_cast %get3A_535 : i32 to index
          %get3A_537 = arith.constant 0 : index
          %get3A_538 = tpu.vector_load %arg16[%get3A_536, %get3A_537] {strides = array<i32>} : memref<32x16xf32, #tpu.memory_space<vmem>>, vector<16xf32>,
          %mul3A_539 = arith.mulf %mul3A_417, %get3A_538 : vector<16xf32>
          %mul3A_540 = arith.mulf %sub3A_291, %mul3A_539 : vector<16xf32>
          %get3A_541 = arith.constant 7 : i32
          %get3A_542 = arith.index_cast %get3A_541 : i32 to index
          %get3A_543 = arith.constant 0 : index
          %get3A_544 = tpu.vector_load %arg17[%get3A_542, %get3A_543] {strides = array<i32>} : memref<32x16xf32, #tpu.memory_space<vmem>>, vector<16xf32>,
          %add3A_545 = arith.addf %mul3A_540, %get3A_544 : vector<16xf32>
          %mul3A_546 = arith.constant 16 : i32
          %mul3A_547 = arith.muli %scan3A_152, %mul3A_546 : i32
          %swap3A_548 = arith.constant 7 : i32
          %swap3A_549 = arith.index_cast %swap3A_548 : i32 to index
          %swap3A_550 = arith.index_cast %mul3A_547 : i32 to index
          %swap3A_551 = tpu.vector_load %arg13[%swap3A_549, %swap3A_550] {strides = array<i32>} : memref<32x512xf32, #tpu.memory_space<vmem>>, vector<16xf32>,
          tpu.vector_store %arg13[%swap3A_549, %swap3A_550], %add3A_545 {strides = array<i32>} : memref<32x512xf32, #tpu.memory_space<vmem>>, vector<16xf32>,
          %get3A_552 = arith.constant 8 : i32
          %get3A_553 = arith.index_cast %get3A_552 : i32 to index
          %get3A_554 = arith.constant 0 : index
          %get3A_555 = tpu.vector_load %arg16[%get3A_553, %get3A_554] {strides = array<i32>} : memref<32x16xf32, #tpu.memory_space<vmem>>, vector<16xf32>,
          %mul3A_556 = arith.mulf %mul3A_417, %get3A_555 : vector<16xf32>
          %mul3A_557 = arith.mulf %sub3A_292, %mul3A_556 : vector<16xf32>
          %get3A_558 = arith.constant 8 : i32
          %get3A_559 = arith.index_cast %get3A_558 : i32 to index
          %get3A_560 = arith.constant 0 : index
          %get3A_561 = tpu.vector_load %arg17[%get3A_559, %get3A_560] {strides = array<i32>} : memref<32x16xf32, #tpu.memory_space<vmem>>, vector<16xf32>,
          %add3A_562 = arith.addf %mul3A_557, %get3A_561 : vector<16xf32>
          %mul3A_563 = arith.constant 16 : i32
          %mul3A_564 = arith.muli %scan3A_152, %mul3A_563 : i32
          %swap3A_565 = arith.constant 8 : i32
          %swap3A_566 = arith.index_cast %swap3A_565 : i32 to index
          %swap3A_567 = arith.index_cast %mul3A_564 : i32 to index
          %swap3A_568 = tpu.vector_load %arg13[%swap3A_566, %swap3A_567] {strides = array<i32>} : memref<32x512xf32, #tpu.memory_space<vmem>>, vector<16xf32>,
          tpu.vector_store %arg13[%swap3A_566, %swap3A_567], %add3A_562 {strides = array<i32>} : memref<32x512xf32, #tpu.memory_space<vmem>>, vector<16xf32>,
          %get3A_569 = arith.constant 9 : i32
          %get3A_570 = arith.index_cast %get3A_569 : i32 to index
          %get3A_571 = arith.constant 0 : index
          %get3A_572 = tpu.vector_load %arg16[%get3A_570, %get3A_571] {strides = array<i32>} : memref<32x16xf32, #tpu.memory_space<vmem>>, vector<16xf32>,
          %mul3A_573 = arith.mulf %mul3A_417, %get3A_572 : vector<16xf32>
          %mul3A_574 = arith.mulf %sub3A_293, %mul3A_573 : vector<16xf32>
          %get3A_575 = arith.constant 9 : i32
          %get3A_576 = arith.index_cast %get3A_575 : i32 to index
          %get3A_577 = arith.constant 0 : index
          %get3A_578 = tpu.vector_load %arg17[%get3A_576, %get3A_577] {strides = array<i32>} : memref<32x16xf32, #tpu.memory_space<vmem>>, vector<16xf32>,
          %add3A_579 = arith.addf %mul3A_574, %get3A_578 : vector<16xf32>
          %mul3A_580 = arith.constant 16 : i32
          %mul3A_581 = arith.muli %scan3A_152, %mul3A_580 : i32
          %swap3A_582 = arith.constant 9 : i32
          %swap3A_583 = arith.index_cast %swap3A_582 : i32 to index
          %swap3A_584 = arith.index_cast %mul3A_581 : i32 to index
          %swap3A_585 = tpu.vector_load %arg13[%swap3A_583, %swap3A_584] {strides = array<i32>} : memref<32x512xf32, #tpu.memory_space<vmem>>, vector<16xf32>,
          tpu.vector_store %arg13[%swap3A_583, %swap3A_584], %add3A_579 {strides = array<i32>} : memref<32x512xf32, #tpu.memory_space<vmem>>, vector<16xf32>,
          %get3A_586 = arith.constant 10 : i32
          %get3A_587 = arith.index_cast %get3A_586 : i32 to index
          %get3A_588 = arith.constant 0 : index
          %get3A_589 = tpu.vector_load %arg16[%get3A_587, %get3A_588] {strides = array<i32>} : memref<32x16xf32, #tpu.memory_space<vmem>>, vector<16xf32>,
          %mul3A_590 = arith.mulf %mul3A_417, %get3A_589 : vector<16xf32>
          %mul3A_591 = arith.mulf %sub3A_294, %mul3A_590 : vector<16xf32>
          %get3A_592 = arith.constant 10 : i32
          %get3A_593 = arith.index_cast %get3A_592 : i32 to index
          %get3A_594 = arith.constant 0 : index
          %get3A_595 = tpu.vector_load %arg17[%get3A_593, %get3A_594] {strides = array<i32>} : memref<32x16xf32, #tpu.memory_space<vmem>>, vector<16xf32>,
          %add3A_596 = arith.addf %mul3A_591, %get3A_595 : vector<16xf32>
          %mul3A_597 = arith.constant 16 : i32
          %mul3A_598 = arith.muli %scan3A_152, %mul3A_597 : i32
          %swap3A_599 = arith.constant 10 : i32
          %swap3A_600 = arith.index_cast %swap3A_599 : i32 to index
          %swap3A_601 = arith.index_cast %mul3A_598 : i32 to index
          %swap3A_602 = tpu.vector_load %arg13[%swap3A_600, %swap3A_601] {strides = array<i32>} : memref<32x512xf32, #tpu.memory_space<vmem>>, vector<16xf32>,
          tpu.vector_store %arg13[%swap3A_600, %swap3A_601], %add3A_596 {strides = array<i32>} : memref<32x512xf32, #tpu.memory_space<vmem>>, vector<16xf32>,
          %get3A_603 = arith.constant 11 : i32
          %get3A_604 = arith.index_cast %get3A_603 : i32 to index
          %get3A_605 = arith.constant 0 : index
          %get3A_606 = tpu.vector_load %arg16[%get3A_604, %get3A_605] {strides = array<i32>} : memref<32x16xf32, #tpu.memory_space<vmem>>, vector<16xf32>,
          %mul3A_607 = arith.mulf %mul3A_417, %get3A_606 : vector<16xf32>
          %mul3A_608 = arith.mulf %sub3A_295, %mul3A_607 : vector<16xf32>
          %get3A_609 = arith.constant 11 : i32
          %get3A_610 = arith.index_cast %get3A_609 : i32 to index
          %get3A_611 = arith.constant 0 : index
          %get3A_612 = tpu.vector_load %arg17[%get3A_610, %get3A_611] {strides = array<i32>} : memref<32x16xf32, #tpu.memory_space<vmem>>, vector<16xf32>,
          %add3A_613 = arith.addf %mul3A_608, %get3A_612 : vector<16xf32>
          %mul3A_614 = arith.constant 16 : i32
          %mul3A_615 = arith.muli %scan3A_152, %mul3A_614 : i32
          %swap3A_616 = arith.constant 11 : i32
          %swap3A_617 = arith.index_cast %swap3A_616 : i32 to index
          %swap3A_618 = arith.index_cast %mul3A_615 : i32 to index
          %swap3A_619 = tpu.vector_load %arg13[%swap3A_617, %swap3A_618] {strides = array<i32>} : memref<32x512xf32, #tpu.memory_space<vmem>>, vector<16xf32>,
          tpu.vector_store %arg13[%swap3A_617, %swap3A_618], %add3A_613 {strides = array<i32>} : memref<32x512xf32, #tpu.memory_space<vmem>>, vector<16xf32>,
          %get3A_620 = arith.constant 12 : i32
          %get3A_621 = arith.index_cast %get3A_620 : i32 to index
          %get3A_622 = arith.constant 0 : index
          %get3A_623 = tpu.vector_load %arg16[%get3A_621, %get3A_622] {strides = array<i32>} : memref<32x16xf32, #tpu.memory_space<vmem>>, vector<16xf32>,
          %mul3A_624 = arith.mulf %mul3A_417, %get3A_623 : vector<16xf32>
          %mul3A_625 = arith.mulf %sub3A_296, %mul3A_624 : vector<16xf32>
          %get3A_626 = arith.constant 12 : i32
          %get3A_627 = arith.index_cast %get3A_626 : i32 to index
          %get3A_628 = arith.constant 0 : index
          %get3A_629 = tpu.vector_load %arg17[%get3A_627, %get3A_628] {strides = array<i32>} : memref<32x16xf32, #tpu.memory_space<vmem>>, vector<16xf32>,
          %add3A_630 = arith.addf %mul3A_625, %get3A_629 : vector<16xf32>
          %mul3A_631 = arith.constant 16 : i32
          %mul3A_632 = arith.muli %scan3A_152, %mul3A_631 : i32
          %swap3A_633 = arith.constant 12 : i32
          %swap3A_634 = arith.index_cast %swap3A_633 : i32 to index
          %swap3A_635 = arith.index_cast %mul3A_632 : i32 to index
          %swap3A_636 = tpu.vector_load %arg13[%swap3A_634, %swap3A_635] {strides = array<i32>} : memref<32x512xf32, #tpu.memory_space<vmem>>, vector<16xf32>,
          tpu.vector_store %arg13[%swap3A_634, %swap3A_635], %add3A_630 {strides = array<i32>} : memref<32x512xf32, #tpu.memory_space<vmem>>, vector<16xf32>,
          %get3A_637 = arith.constant 13 : i32
          %get3A_638 = arith.index_cast %get3A_637 : i32 to index
          %get3A_639 = arith.constant 0 : index
          %get3A_640 = tpu.vector_load %arg16[%get3A_638, %get3A_639] {strides = array<i32>} : memref<32x16xf32, #tpu.memory_space<vmem>>, vector<16xf32>,
          %mul3A_641 = arith.mulf %mul3A_417, %get3A_640 : vector<16xf32>
          %mul3A_642 = arith.mulf %sub3A_297, %mul3A_641 : vector<16xf32>
          %get3A_643 = arith.constant 13 : i32
          %get3A_644 = arith.index_cast %get3A_643 : i32 to index
          %get3A_645 = arith.constant 0 : index
          %get3A_646 = tpu.vector_load %arg17[%get3A_644, %get3A_645] {strides = array<i32>} : memref<32x16xf32, #tpu.memory_space<vmem>>, vector<16xf32>,
          %add3A_647 = arith.addf %mul3A_642, %get3A_646 : vector<16xf32>
          %mul3A_648 = arith.constant 16 : i32
          %mul3A_649 = arith.muli %scan3A_152, %mul3A_648 : i32
          %swap3A_650 = arith.constant 13 : i32
          %swap3A_651 = arith.index_cast %swap3A_650 : i32 to index
          %swap3A_652 = arith.index_cast %mul3A_649 : i32 to index
          %swap3A_653 = tpu.vector_load %arg13[%swap3A_651, %swap3A_652] {strides = array<i32>} : memref<32x512xf32, #tpu.memory_space<vmem>>, vector<16xf32>,
          tpu.vector_store %arg13[%swap3A_651, %swap3A_652], %add3A_647 {strides = array<i32>} : memref<32x512xf32, #tpu.memory_space<vmem>>, vector<16xf32>,
          %get3A_654 = arith.constant 14 : i32
          %get3A_655 = arith.index_cast %get3A_654 : i32 to index
          %get3A_656 = arith.constant 0 : index
          %get3A_657 = tpu.vector_load %arg16[%get3A_655, %get3A_656] {strides = array<i32>} : memref<32x16xf32, #tpu.memory_space<vmem>>, vector<16xf32>,
          %mul3A_658 = arith.mulf %mul3A_417, %get3A_657 : vector<16xf32>
          %mul3A_659 = arith.mulf %sub3A_298, %mul3A_658 : vector<16xf32>
          %get3A_660 = arith.constant 14 : i32
          %get3A_661 = arith.index_cast %get3A_660 : i32 to index
          %get3A_662 = arith.constant 0 : index
          %get3A_663 = tpu.vector_load %arg17[%get3A_661, %get3A_662] {strides = array<i32>} : memref<32x16xf32, #tpu.memory_space<vmem>>, vector<16xf32>,
          %add3A_664 = arith.addf %mul3A_659, %get3A_663 : vector<16xf32>
          %mul3A_665 = arith.constant 16 : i32
          %mul3A_666 = arith.muli %scan3A_152, %mul3A_665 : i32
          %swap3A_667 = arith.constant 14 : i32
          %swap3A_668 = arith.index_cast %swap3A_667 : i32 to index
          %swap3A_669 = arith.index_cast %mul3A_666 : i32 to index
          %swap3A_670 = tpu.vector_load %arg13[%swap3A_668, %swap3A_669] {strides = array<i32>} : memref<32x512xf32, #tpu.memory_space<vmem>>, vector<16xf32>,
          tpu.vector_store %arg13[%swap3A_668, %swap3A_669], %add3A_664 {strides = array<i32>} : memref<32x512xf32, #tpu.memory_space<vmem>>, vector<16xf32>,
          %get3A_671 = arith.constant 15 : i32
          %get3A_672 = arith.index_cast %get3A_671 : i32 to index
          %get3A_673 = arith.constant 0 : index
          %get3A_674 = tpu.vector_load %arg16[%get3A_672, %get3A_673] {strides = array<i32>} : memref<32x16xf32, #tpu.memory_space<vmem>>, vector<16xf32>,
          %mul3A_675 = arith.mulf %mul3A_417, %get3A_674 : vector<16xf32>
          %mul3A_676 = arith.mulf %sub3A_299, %mul3A_675 : vector<16xf32>
          %get3A_677 = arith.constant 15 : i32
          %get3A_678 = arith.index_cast %get3A_677 : i32 to index
          %get3A_679 = arith.constant 0 : index
          %get3A_680 = tpu.vector_load %arg17[%get3A_678, %get3A_679] {strides = array<i32>} : memref<32x16xf32, #tpu.memory_space<vmem>>, vector<16xf32>,
          %add3A_681 = arith.addf %mul3A_676, %get3A_680 : vector<16xf32>
          %mul3A_682 = arith.constant 16 : i32
          %mul3A_683 = arith.muli %scan3A_152, %mul3A_682 : i32
          %swap3A_684 = arith.constant 15 : i32
          %swap3A_685 = arith.index_cast %swap3A_684 : i32 to index
          %swap3A_686 = arith.index_cast %mul3A_683 : i32 to index
          %swap3A_687 = tpu.vector_load %arg13[%swap3A_685, %swap3A_686] {strides = array<i32>} : memref<32x512xf32, #tpu.memory_space<vmem>>, vector<16xf32>,
          tpu.vector_store %arg13[%swap3A_685, %swap3A_686], %add3A_681 {strides = array<i32>} : memref<32x512xf32, #tpu.memory_space<vmem>>, vector<16xf32>,
          %get3A_688 = arith.constant 16 : i32
          %get3A_689 = arith.index_cast %get3A_688 : i32 to index
          %get3A_690 = arith.constant 0 : index
          %get3A_691 = tpu.vector_load %arg16[%get3A_689, %get3A_690] {strides = array<i32>} : memref<32x16xf32, #tpu.memory_space<vmem>>, vector<16xf32>,
          %mul3A_692 = arith.mulf %mul3A_417, %get3A_691 : vector<16xf32>
          %mul3A_693 = arith.mulf %sub3A_300, %mul3A_692 : vector<16xf32>
          %get3A_694 = arith.constant 16 : i32
          %get3A_695 = arith.index_cast %get3A_694 : i32 to index
          %get3A_696 = arith.constant 0 : index
          %get3A_697 = tpu.vector_load %arg17[%get3A_695, %get3A_696] {strides = array<i32>} : memref<32x16xf32, #tpu.memory_space<vmem>>, vector<16xf32>,
          %add3A_698 = arith.addf %mul3A_693, %get3A_697 : vector<16xf32>
          %mul3A_699 = arith.constant 16 : i32
          %mul3A_700 = arith.muli %scan3A_152, %mul3A_699 : i32
          %swap3A_701 = arith.constant 16 : i32
          %swap3A_702 = arith.index_cast %swap3A_701 : i32 to index
          %swap3A_703 = arith.index_cast %mul3A_700 : i32 to index
          %swap3A_704 = tpu.vector_load %arg13[%swap3A_702, %swap3A_703] {strides = array<i32>} : memref<32x512xf32, #tpu.memory_space<vmem>>, vector<16xf32>,
          tpu.vector_store %arg13[%swap3A_702, %swap3A_703], %add3A_698 {strides = array<i32>} : memref<32x512xf32, #tpu.memory_space<vmem>>, vector<16xf32>,
          %get3A_705 = arith.constant 17 : i32
          %get3A_706 = arith.index_cast %get3A_705 : i32 to index
          %get3A_707 = arith.constant 0 : index
          %get3A_708 = tpu.vector_load %arg16[%get3A_706, %get3A_707] {strides = array<i32>} : memref<32x16xf32, #tpu.memory_space<vmem>>, vector<16xf32>,
          %mul3A_709 = arith.mulf %mul3A_417, %get3A_708 : vector<16xf32>
          %mul3A_710 = arith.mulf %sub3A_301, %mul3A_709 : vector<16xf32>
          %get3A_711 = arith.constant 17 : i32
          %get3A_712 = arith.index_cast %get3A_711 : i32 to index
          %get3A_713 = arith.constant 0 : index
          %get3A_714 = tpu.vector_load %arg17[%get3A_712, %get3A_713] {strides = array<i32>} : memref<32x16xf32, #tpu.memory_space<vmem>>, vector<16xf32>,
          %add3A_715 = arith.addf %mul3A_710, %get3A_714 : vector<16xf32>
          %mul3A_716 = arith.constant 16 : i32
          %mul3A_717 = arith.muli %scan3A_152, %mul3A_716 : i32
          %swap3A_718 = arith.constant 17 : i32
          %swap3A_719 = arith.index_cast %swap3A_718 : i32 to index
          %swap3A_720 = arith.index_cast %mul3A_717 : i32 to index
          %swap3A_721 = tpu.vector_load %arg13[%swap3A_719, %swap3A_720] {strides = array<i32>} : memref<32x512xf32, #tpu.memory_space<vmem>>, vector<16xf32>,
          tpu.vector_store %arg13[%swap3A_719, %swap3A_720], %add3A_715 {strides = array<i32>} : memref<32x512xf32, #tpu.memory_space<vmem>>, vector<16xf32>,
          %get3A_722 = arith.constant 18 : i32
          %get3A_723 = arith.index_cast %get3A_722 : i32 to index
          %get3A_724 = arith.constant 0 : index
          %get3A_725 = tpu.vector_load %arg16[%get3A_723, %get3A_724] {strides = array<i32>} : memref<32x16xf32, #tpu.memory_space<vmem>>, vector<16xf32>,
          %mul3A_726 = arith.mulf %mul3A_417, %get3A_725 : vector<16xf32>
          %mul3A_727 = arith.mulf %sub3A_302, %mul3A_726 : vector<16xf32>
          %get3A_728 = arith.constant 18 : i32
          %get3A_729 = arith.index_cast %get3A_728 : i32 to index
          %get3A_730 = arith.constant 0 : index
          %get3A_731 = tpu.vector_load %arg17[%get3A_729, %get3A_730] {strides = array<i32>} : memref<32x16xf32, #tpu.memory_space<vmem>>, vector<16xf32>,
          %add3A_732 = arith.addf %mul3A_727, %get3A_731 : vector<16xf32>
          %mul3A_733 = arith.constant 16 : i32
          %mul3A_734 = arith.muli %scan3A_152, %mul3A_733 : i32
          %swap3A_735 = arith.constant 18 : i32
          %swap3A_736 = arith.index_cast %swap3A_735 : i32 to index
          %swap3A_737 = arith.index_cast %mul3A_734 : i32 to index
          %swap3A_738 = tpu.vector_load %arg13[%swap3A_736, %swap3A_737] {strides = array<i32>} : memref<32x512xf32, #tpu.memory_space<vmem>>, vector<16xf32>,
          tpu.vector_store %arg13[%swap3A_736, %swap3A_737], %add3A_732 {strides = array<i32>} : memref<32x512xf32, #tpu.memory_space<vmem>>, vector<16xf32>,
          %get3A_739 = arith.constant 19 : i32
          %get3A_740 = arith.index_cast %get3A_739 : i32 to index
          %get3A_741 = arith.constant 0 : index
          %get3A_742 = tpu.vector_load %arg16[%get3A_740, %get3A_741] {strides = array<i32>} : memref<32x16xf32, #tpu.memory_space<vmem>>, vector<16xf32>,
          %mul3A_743 = arith.mulf %mul3A_417, %get3A_742 : vector<16xf32>
          %mul3A_744 = arith.mulf %sub3A_303, %mul3A_743 : vector<16xf32>
          %get3A_745 = arith.constant 19 : i32
          %get3A_746 = arith.index_cast %get3A_745 : i32 to index
          %get3A_747 = arith.constant 0 : index
          %get3A_748 = tpu.vector_load %arg17[%get3A_746, %get3A_747] {strides = array<i32>} : memref<32x16xf32, #tpu.memory_space<vmem>>, vector<16xf32>,
          %add3A_749 = arith.addf %mul3A_744, %get3A_748 : vector<16xf32>
          %mul3A_750 = arith.constant 16 : i32
          %mul3A_751 = arith.muli %scan3A_152, %mul3A_750 : i32
          %swap3A_752 = arith.constant 19 : i32
          %swap3A_753 = arith.index_cast %swap3A_752 : i32 to index
          %swap3A_754 = arith.index_cast %mul3A_751 : i32 to index
          %swap3A_755 = tpu.vector_load %arg13[%swap3A_753, %swap3A_754] {strides = array<i32>} : memref<32x512xf32, #tpu.memory_space<vmem>>, vector<16xf32>,
          tpu.vector_store %arg13[%swap3A_753, %swap3A_754], %add3A_749 {strides = array<i32>} : memref<32x512xf32, #tpu.memory_space<vmem>>, vector<16xf32>,
          %get3A_756 = arith.constant 20 : i32
          %get3A_757 = arith.index_cast %get3A_756 : i32 to index
          %get3A_758 = arith.constant 0 : index
          %get3A_759 = tpu.vector_load %arg16[%get3A_757, %get3A_758] {strides = array<i32>} : memref<32x16xf32, #tpu.memory_space<vmem>>, vector<16xf32>,
          %mul3A_760 = arith.mulf %mul3A_417, %get3A_759 : vector<16xf32>
          %mul3A_761 = arith.mulf %sub3A_304, %mul3A_760 : vector<16xf32>
          %get3A_762 = arith.constant 20 : i32
          %get3A_763 = arith.index_cast %get3A_762 : i32 to index
          %get3A_764 = arith.constant 0 : index
          %get3A_765 = tpu.vector_load %arg17[%get3A_763, %get3A_764] {strides = array<i32>} : memref<32x16xf32, #tpu.memory_space<vmem>>, vector<16xf32>,
          %add3A_766 = arith.addf %mul3A_761, %get3A_765 : vector<16xf32>
          %mul3A_767 = arith.constant 16 : i32
          %mul3A_768 = arith.muli %scan3A_152, %mul3A_767 : i32
          %swap3A_769 = arith.constant 20 : i32
          %swap3A_770 = arith.index_cast %swap3A_769 : i32 to index
          %swap3A_771 = arith.index_cast %mul3A_768 : i32 to index
          %swap3A_772 = tpu.vector_load %arg13[%swap3A_770, %swap3A_771] {strides = array<i32>} : memref<32x512xf32, #tpu.memory_space<vmem>>, vector<16xf32>,
          tpu.vector_store %arg13[%swap3A_770, %swap3A_771], %add3A_766 {strides = array<i32>} : memref<32x512xf32, #tpu.memory_space<vmem>>, vector<16xf32>,
          %get3A_773 = arith.constant 21 : i32
          %get3A_774 = arith.index_cast %get3A_773 : i32 to index
          %get3A_775 = arith.constant 0 : index
          %get3A_776 = tpu.vector_load %arg16[%get3A_774, %get3A_775] {strides = array<i32>} : memref<32x16xf32, #tpu.memory_space<vmem>>, vector<16xf32>,
          %mul3A_777 = arith.mulf %mul3A_417, %get3A_776 : vector<16xf32>
          %mul3A_778 = arith.mulf %sub3A_305, %mul3A_777 : vector<16xf32>
          %get3A_779 = arith.constant 21 : i32
          %get3A_780 = arith.index_cast %get3A_779 : i32 to index
          %get3A_781 = arith.constant 0 : index
          %get3A_782 = tpu.vector_load %arg17[%get3A_780, %get3A_781] {strides = array<i32>} : memref<32x16xf32, #tpu.memory_space<vmem>>, vector<16xf32>,
          %add3A_783 = arith.addf %mul3A_778, %get3A_782 : vector<16xf32>
          %mul3A_784 = arith.constant 16 : i32
          %mul3A_785 = arith.muli %scan3A_152, %mul3A_784 : i32
          %swap3A_786 = arith.constant 21 : i32
          %swap3A_787 = arith.index_cast %swap3A_786 : i32 to index
          %swap3A_788 = arith.index_cast %mul3A_785 : i32 to index
          %swap3A_789 = tpu.vector_load %arg13[%swap3A_787, %swap3A_788] {strides = array<i32>} : memref<32x512xf32, #tpu.memory_space<vmem>>, vector<16xf32>,
          tpu.vector_store %arg13[%swap3A_787, %swap3A_788], %add3A_783 {strides = array<i32>} : memref<32x512xf32, #tpu.memory_space<vmem>>, vector<16xf32>,
          %get3A_790 = arith.constant 22 : i32
          %get3A_791 = arith.index_cast %get3A_790 : i32 to index
          %get3A_792 = arith.constant 0 : index
          %get3A_793 = tpu.vector_load %arg16[%get3A_791, %get3A_792] {strides = array<i32>} : memref<32x16xf32, #tpu.memory_space<vmem>>, vector<16xf32>,
          %mul3A_794 = arith.mulf %mul3A_417, %get3A_793 : vector<16xf32>
          %mul3A_795 = arith.mulf %sub3A_306, %mul3A_794 : vector<16xf32>
          %get3A_796 = arith.constant 22 : i32
          %get3A_797 = arith.index_cast %get3A_796 : i32 to index
          %get3A_798 = arith.constant 0 : index
          %get3A_799 = tpu.vector_load %arg17[%get3A_797, %get3A_798] {strides = array<i32>} : memref<32x16xf32, #tpu.memory_space<vmem>>, vector<16xf32>,
          %add3A_800 = arith.addf %mul3A_795, %get3A_799 : vector<16xf32>
          %mul3A_801 = arith.constant 16 : i32
          %mul3A_802 = arith.muli %scan3A_152, %mul3A_801 : i32
          %swap3A_803 = arith.constant 22 : i32
          %swap3A_804 = arith.index_cast %swap3A_803 : i32 to index
          %swap3A_805 = arith.index_cast %mul3A_802 : i32 to index
          %swap3A_806 = tpu.vector_load %arg13[%swap3A_804, %swap3A_805] {strides = array<i32>} : memref<32x512xf32, #tpu.memory_space<vmem>>, vector<16xf32>,
          tpu.vector_store %arg13[%swap3A_804, %swap3A_805], %add3A_800 {strides = array<i32>} : memref<32x512xf32, #tpu.memory_space<vmem>>, vector<16xf32>,
          %get3A_807 = arith.constant 23 : i32
          %get3A_808 = arith.index_cast %get3A_807 : i32 to index
          %get3A_809 = arith.constant 0 : index
          %get3A_810 = tpu.vector_load %arg16[%get3A_808, %get3A_809] {strides = array<i32>} : memref<32x16xf32, #tpu.memory_space<vmem>>, vector<16xf32>,
          %mul3A_811 = arith.mulf %mul3A_417, %get3A_810 : vector<16xf32>
          %mul3A_812 = arith.mulf %sub3A_307, %mul3A_811 : vector<16xf32>
          %get3A_813 = arith.constant 23 : i32
          %get3A_814 = arith.index_cast %get3A_813 : i32 to index
          %get3A_815 = arith.constant 0 : index
          %get3A_816 = tpu.vector_load %arg17[%get3A_814, %get3A_815] {strides = array<i32>} : memref<32x16xf32, #tpu.memory_space<vmem>>, vector<16xf32>,
          %add3A_817 = arith.addf %mul3A_812, %get3A_816 : vector<16xf32>
          %mul3A_818 = arith.constant 16 : i32
          %mul3A_819 = arith.muli %scan3A_152, %mul3A_818 : i32
          %swap3A_820 = arith.constant 23 : i32
          %swap3A_821 = arith.index_cast %swap3A_820 : i32 to index
          %swap3A_822 = arith.index_cast %mul3A_819 : i32 to index
          %swap3A_823 = tpu.vector_load %arg13[%swap3A_821, %swap3A_822] {strides = array<i32>} : memref<32x512xf32, #tpu.memory_space<vmem>>, vector<16xf32>,
          tpu.vector_store %arg13[%swap3A_821, %swap3A_822], %add3A_817 {strides = array<i32>} : memref<32x512xf32, #tpu.memory_space<vmem>>, vector<16xf32>,
          %get3A_824 = arith.constant 24 : i32
          %get3A_825 = arith.index_cast %get3A_824 : i32 to index
          %get3A_826 = arith.constant 0 : index
          %get3A_827 = tpu.vector_load %arg16[%get3A_825, %get3A_826] {strides = array<i32>} : memref<32x16xf32, #tpu.memory_space<vmem>>, vector<16xf32>,
          %mul3A_828 = arith.mulf %mul3A_417, %get3A_827 : vector<16xf32>
          %mul3A_829 = arith.mulf %sub3A_308, %mul3A_828 : vector<16xf32>
          %get3A_830 = arith.constant 24 : i32
          %get3A_831 = arith.index_cast %get3A_830 : i32 to index
          %get3A_832 = arith.constant 0 : index
          %get3A_833 = tpu.vector_load %arg17[%get3A_831, %get3A_832] {strides = array<i32>} : memref<32x16xf32, #tpu.memory_space<vmem>>, vector<16xf32>,
          %add3A_834 = arith.addf %mul3A_829, %get3A_833 : vector<16xf32>
          %mul3A_835 = arith.constant 16 : i32
          %mul3A_836 = arith.muli %scan3A_152, %mul3A_835 : i32
          %swap3A_837 = arith.constant 24 : i32
          %swap3A_838 = arith.index_cast %swap3A_837 : i32 to index
          %swap3A_839 = arith.index_cast %mul3A_836 : i32 to index
          %swap3A_840 = tpu.vector_load %arg13[%swap3A_838, %swap3A_839] {strides = array<i32>} : memref<32x512xf32, #tpu.memory_space<vmem>>, vector<16xf32>,
          tpu.vector_store %arg13[%swap3A_838, %swap3A_839], %add3A_834 {strides = array<i32>} : memref<32x512xf32, #tpu.memory_space<vmem>>, vector<16xf32>,
          %get3A_841 = arith.constant 25 : i32
          %get3A_842 = arith.index_cast %get3A_841 : i32 to index
          %get3A_843 = arith.constant 0 : index
          %get3A_844 = tpu.vector_load %arg16[%get3A_842, %get3A_843] {strides = array<i32>} : memref<32x16xf32, #tpu.memory_space<vmem>>, vector<16xf32>,
          %mul3A_845 = arith.mulf %mul3A_417, %get3A_844 : vector<16xf32>
          %mul3A_846 = arith.mulf %sub3A_309, %mul3A_845 : vector<16xf32>
          %get3A_847 = arith.constant 25 : i32
          %get3A_848 = arith.index_cast %get3A_847 : i32 to index
          %get3A_849 = arith.constant 0 : index
          %get3A_850 = tpu.vector_load %arg17[%get3A_848, %get3A_849] {strides = array<i32>} : memref<32x16xf32, #tpu.memory_space<vmem>>, vector<16xf32>,
          %add3A_851 = arith.addf %mul3A_846, %get3A_850 : vector<16xf32>
          %mul3A_852 = arith.constant 16 : i32
          %mul3A_853 = arith.muli %scan3A_152, %mul3A_852 : i32
          %swap3A_854 = arith.constant 25 : i32
          %swap3A_855 = arith.index_cast %swap3A_854 : i32 to index
          %swap3A_856 = arith.index_cast %mul3A_853 : i32 to index
          %swap3A_857 = tpu.vector_load %arg13[%swap3A_855, %swap3A_856] {strides = array<i32>} : memref<32x512xf32, #tpu.memory_space<vmem>>, vector<16xf32>,
          tpu.vector_store %arg13[%swap3A_855, %swap3A_856], %add3A_851 {strides = array<i32>} : memref<32x512xf32, #tpu.memory_space<vmem>>, vector<16xf32>,
          %get3A_858 = arith.constant 26 : i32
          %get3A_859 = arith.index_cast %get3A_858 : i32 to index
          %get3A_860 = arith.constant 0 : index
          %get3A_861 = tpu.vector_load %arg16[%get3A_859, %get3A_860] {strides = array<i32>} : memref<32x16xf32, #tpu.memory_space<vmem>>, vector<16xf32>,
          %mul3A_862 = arith.mulf %mul3A_417, %get3A_861 : vector<16xf32>
          %mul3A_863 = arith.mulf %sub3A_310, %mul3A_862 : vector<16xf32>
          %get3A_864 = arith.constant 26 : i32
          %get3A_865 = arith.index_cast %get3A_864 : i32 to index
          %get3A_866 = arith.constant 0 : index
          %get3A_867 = tpu.vector_load %arg17[%get3A_865, %get3A_866] {strides = array<i32>} : memref<32x16xf32, #tpu.memory_space<vmem>>, vector<16xf32>,
          %add3A_868 = arith.addf %mul3A_863, %get3A_867 : vector<16xf32>
          %mul3A_869 = arith.constant 16 : i32
          %mul3A_870 = arith.muli %scan3A_152, %mul3A_869 : i32
          %swap3A_871 = arith.constant 26 : i32
          %swap3A_872 = arith.index_cast %swap3A_871 : i32 to index
          %swap3A_873 = arith.index_cast %mul3A_870 : i32 to index
          %swap3A_874 = tpu.vector_load %arg13[%swap3A_872, %swap3A_873] {strides = array<i32>} : memref<32x512xf32, #tpu.memory_space<vmem>>, vector<16xf32>,
          tpu.vector_store %arg13[%swap3A_872, %swap3A_873], %add3A_868 {strides = array<i32>} : memref<32x512xf32, #tpu.memory_space<vmem>>, vector<16xf32>,
          %get3A_875 = arith.constant 27 : i32
          %get3A_876 = arith.index_cast %get3A_875 : i32 to index
          %get3A_877 = arith.constant 0 : index
          %get3A_878 = tpu.vector_load %arg16[%get3A_876, %get3A_877] {strides = array<i32>} : memref<32x16xf32, #tpu.memory_space<vmem>>, vector<16xf32>,
          %mul3A_879 = arith.mulf %mul3A_417, %get3A_878 : vector<16xf32>
          %mul3A_880 = arith.mulf %sub3A_311, %mul3A_879 : vector<16xf32>
          %get3A_881 = arith.constant 27 : i32
          %get3A_882 = arith.index_cast %get3A_881 : i32 to index
          %get3A_883 = arith.constant 0 : index
          %get3A_884 = tpu.vector_load %arg17[%get3A_882, %get3A_883] {strides = array<i32>} : memref<32x16xf32, #tpu.memory_space<vmem>>, vector<16xf32>,
          %add3A_885 = arith.addf %mul3A_880, %get3A_884 : vector<16xf32>
          %mul3A_886 = arith.constant 16 : i32
          %mul3A_887 = arith.muli %scan3A_152, %mul3A_886 : i32
          %swap3A_888 = arith.constant 27 : i32
          %swap3A_889 = arith.index_cast %swap3A_888 : i32 to index
          %swap3A_890 = arith.index_cast %mul3A_887 : i32 to index
          %swap3A_891 = tpu.vector_load %arg13[%swap3A_889, %swap3A_890] {strides = array<i32>} : memref<32x512xf32, #tpu.memory_space<vmem>>, vector<16xf32>,
          tpu.vector_store %arg13[%swap3A_889, %swap3A_890], %add3A_885 {strides = array<i32>} : memref<32x512xf32, #tpu.memory_space<vmem>>, vector<16xf32>,
          %get3A_892 = arith.constant 28 : i32
          %get3A_893 = arith.index_cast %get3A_892 : i32 to index
          %get3A_894 = arith.constant 0 : index
          %get3A_895 = tpu.vector_load %arg16[%get3A_893, %get3A_894] {strides = array<i32>} : memref<32x16xf32, #tpu.memory_space<vmem>>, vector<16xf32>,
          %mul3A_896 = arith.mulf %mul3A_417, %get3A_895 : vector<16xf32>
          %mul3A_897 = arith.mulf %sub3A_312, %mul3A_896 : vector<16xf32>
          %get3A_898 = arith.constant 28 : i32
          %get3A_899 = arith.index_cast %get3A_898 : i32 to index
          %get3A_900 = arith.constant 0 : index
          %get3A_901 = tpu.vector_load %arg17[%get3A_899, %get3A_900] {strides = array<i32>} : memref<32x16xf32, #tpu.memory_space<vmem>>, vector<16xf32>,
          %add3A_902 = arith.addf %mul3A_897, %get3A_901 : vector<16xf32>
          %mul3A_903 = arith.constant 16 : i32
          %mul3A_904 = arith.muli %scan3A_152, %mul3A_903 : i32
          %swap3A_905 = arith.constant 28 : i32
          %swap3A_906 = arith.index_cast %swap3A_905 : i32 to index
          %swap3A_907 = arith.index_cast %mul3A_904 : i32 to index
          %swap3A_908 = tpu.vector_load %arg13[%swap3A_906, %swap3A_907] {strides = array<i32>} : memref<32x512xf32, #tpu.memory_space<vmem>>, vector<16xf32>,
          tpu.vector_store %arg13[%swap3A_906, %swap3A_907], %add3A_902 {strides = array<i32>} : memref<32x512xf32, #tpu.memory_space<vmem>>, vector<16xf32>,
          %get3A_909 = arith.constant 29 : i32
          %get3A_910 = arith.index_cast %get3A_909 : i32 to index
          %get3A_911 = arith.constant 0 : index
          %get3A_912 = tpu.vector_load %arg16[%get3A_910, %get3A_911] {strides = array<i32>} : memref<32x16xf32, #tpu.memory_space<vmem>>, vector<16xf32>,
          %mul3A_913 = arith.mulf %mul3A_417, %get3A_912 : vector<16xf32>
          %mul3A_914 = arith.mulf %sub3A_313, %mul3A_913 : vector<16xf32>
          %get3A_915 = arith.constant 29 : i32
          %get3A_916 = arith.index_cast %get3A_915 : i32 to index
          %get3A_917 = arith.constant 0 : index
          %get3A_918 = tpu.vector_load %arg17[%get3A_916, %get3A_917] {strides = array<i32>} : memref<32x16xf32, #tpu.memory_space<vmem>>, vector<16xf32>,
          %add3A_919 = arith.addf %mul3A_914, %get3A_918 : vector<16xf32>
          %mul3A_920 = arith.constant 16 : i32
          %mul3A_921 = arith.muli %scan3A_152, %mul3A_920 : i32
          %swap3A_922 = arith.constant 29 : i32
          %swap3A_923 = arith.index_cast %swap3A_922 : i32 to index
          %swap3A_924 = arith.index_cast %mul3A_921 : i32 to index
          %swap3A_925 = tpu.vector_load %arg13[%swap3A_923, %swap3A_924] {strides = array<i32>} : memref<32x512xf32, #tpu.memory_space<vmem>>, vector<16xf32>,
          tpu.vector_store %arg13[%swap3A_923, %swap3A_924], %add3A_919 {strides = array<i32>} : memref<32x512xf32, #tpu.memory_space<vmem>>, vector<16xf32>,
          %get3A_926 = arith.constant 30 : i32
          %get3A_927 = arith.index_cast %get3A_926 : i32 to index
          %get3A_928 = arith.constant 0 : index
          %get3A_929 = tpu.vector_load %arg16[%get3A_927, %get3A_928] {strides = array<i32>} : memref<32x16xf32, #tpu.memory_space<vmem>>, vector<16xf32>,
          %mul3A_930 = arith.mulf %mul3A_417, %get3A_929 : vector<16xf32>
          %mul3A_931 = arith.mulf %sub3A_314, %mul3A_930 : vector<16xf32>
          %get3A_932 = arith.constant 30 : i32
          %get3A_933 = arith.index_cast %get3A_932 : i32 to index
          %get3A_934 = arith.constant 0 : index
          %get3A_935 = tpu.vector_load %arg17[%get3A_933, %get3A_934] {strides = array<i32>} : memref<32x16xf32, #tpu.memory_space<vmem>>, vector<16xf32>,
          %add3A_936 = arith.addf %mul3A_931, %get3A_935 : vector<16xf32>
          %mul3A_937 = arith.constant 16 : i32
          %mul3A_938 = arith.muli %scan3A_152, %mul3A_937 : i32
          %swap3A_939 = arith.constant 30 : i32
          %swap3A_940 = arith.index_cast %swap3A_939 : i32 to index
          %swap3A_941 = arith.index_cast %mul3A_938 : i32 to index
          %swap3A_942 = tpu.vector_load %arg13[%swap3A_940, %swap3A_941] {strides = array<i32>} : memref<32x512xf32, #tpu.memory_space<vmem>>, vector<16xf32>,
          tpu.vector_store %arg13[%swap3A_940, %swap3A_941], %add3A_936 {strides = array<i32>} : memref<32x512xf32, #tpu.memory_space<vmem>>, vector<16xf32>,
          %get3A_943 = arith.constant 31 : i32
          %get3A_944 = arith.index_cast %get3A_943 : i32 to index
          %get3A_945 = arith.constant 0 : index
          %get3A_946 = tpu.vector_load %arg16[%get3A_944, %get3A_945] {strides = array<i32>} : memref<32x16xf32, #tpu.memory_space<vmem>>, vector<16xf32>,
          %mul3A_947 = arith.mulf %mul3A_417, %get3A_946 : vector<16xf32>
          %mul3A_948 = arith.mulf %sub3A_315, %mul3A_947 : vector<16xf32>
          %get3A_949 = arith.constant 31 : i32
          %get3A_950 = arith.index_cast %get3A_949 : i32 to index
          %get3A_951 = arith.constant 0 : index
          %get3A_952 = tpu.vector_load %arg17[%get3A_950, %get3A_951] {strides = array<i32>} : memref<32x16xf32, #tpu.memory_space<vmem>>, vector<16xf32>,
          %add3A_953 = arith.addf %mul3A_948, %get3A_952 : vector<16xf32>
          %mul3A_954 = arith.constant 16 : i32
          %mul3A_955 = arith.muli %scan3A_152, %mul3A_954 : i32
          %swap3A_956 = arith.constant 31 : i32
          %swap3A_957 = arith.index_cast %swap3A_956 : i32 to index
          %swap3A_958 = arith.index_cast %mul3A_955 : i32 to index
          %swap3A_959 = tpu.vector_load %arg13[%swap3A_957, %swap3A_958] {strides = array<i32>} : memref<32x512xf32, #tpu.memory_space<vmem>>, vector<16xf32>,
          tpu.vector_store %arg13[%swap3A_957, %swap3A_958], %add3A_953 {strides = array<i32>} : memref<32x512xf32, #tpu.memory_space<vmem>>, vector<16xf32>,
        }
        %scan3A_145 = arith.constant 32 : i32
        %dma_start3A_146 = arith.constant 0 : i32
        %dma_start3A_147 = tpu.memref_slice %arg6[%add3A_102, %dma_start3A_146, %multiple_of3A] : memref<50x32x16384xf32, #tpu.memory_space<hbm>> -> memref<1x32x512xf32, #tpu.memory_space<hbm>>
        %dma_start3A_148 = tpu.memref_squeeze %dma_start3A_147 : memref<1x32x512xf32, #tpu.memory_space<hbm>> -> memref<32x512xf32, #tpu.memory_space<hbm>>
        %dma_start3A_149 = arith.constant 0 : i32
        %dma_start3A_150 = tpu.memref_slice %arg6[%add3A_102, %dma_start3A_149, %multiple_of3A] : memref<50x32x16384xf32, #tpu.memory_space<hbm>> -> memref<1x32x512xf32, #tpu.memory_space<hbm>>
        %dma_start3A_151 = tpu.memref_squeeze %dma_start3A_150 : memref<1x32x512xf32, #tpu.memory_space<hbm>> -> memref<32x512xf32, #tpu.memory_space<hbm>>
        tpu.enqueue_dma source(%arg13 : memref<32x512xf32, #tpu.memory_space<vmem>>) target(%dma_start3A_151 : memref<32x512xf32, #tpu.memory_space<hbm>>) target_semaphore(%arg21 : memref<!tpu.dma_semaphore, #tpu.memory_space<semaphore_mem>>)
      } else {
      }
      %mul3A_105 = arith.constant 3 : i32
      %mul3A_106 = arith.muli %scan3A_98, %mul3A_105 : i32
      %add3A_107 = arith.constant 1 : i32
      %add3A_108 = arith.addi %mul3A_106, %add3A_107 : i32
      %lt3A_109 = arith.constant 50 : i32
      %lt3A_110 = arith.cmpi slt, %add3A_108, %lt3A_109 : i32
      %convert_element_type3A_111 = arith.extui %lt3A_110 : i1 to i32
      %cond3A_112 = arith.constant 0 : i32
      %cond3A_113 = arith.cmpi ne, %convert_element_type3A_111, %cond3A_112 : i32
      scf.if %cond3A_113 {
        %add3A_123 = arith.constant 2 : i32
        %add3A_124 = arith.addi %add3A_108, %add3A_123 : i32
        %lt3A_125 = arith.constant 50 : i32
        %lt3A_126 = arith.cmpi slt, %add3A_124, %lt3A_125 : i32
        %convert_element_type3A_127 = arith.extui %lt3A_126 : i1 to i32
        %cond3A_128 = arith.constant 0 : i32
        %cond3A_129 = arith.cmpi ne, %convert_element_type3A_127, %cond3A_128 : i32
        scf.if %cond3A_129 {
          %add3A_152 = arith.constant 2 : i32
          %add3A_153 = arith.addi %add3A_108, %add3A_152 : i32
          "tpu.region"() ({
            %run_scoped3A_186 = tpu.sem_alloc : memref<!tpu.dma_semaphore, #tpu.memory_space<semaphore_mem>>
            %dma_start3A_187 = tpu.memref_slice %arg2[%add3A_153, %multiple_of3A] : memref<50x16384xi32, #tpu.memory_space<hbm>> -> memref<1x512xi32, #tpu.memory_space<hbm>>
            %dma_start3A_188 = tpu.memref_squeeze %dma_start3A_187 : memref<1x512xi32, #tpu.memory_space<hbm>> -> memref<512xi32, #tpu.memory_space<hbm>>
            %dma_start3A_189 = tpu.memref_slice %arg2[%add3A_153, %multiple_of3A] : memref<50x16384xi32, #tpu.memory_space<hbm>> -> memref<1x512xi32, #tpu.memory_space<hbm>>
            %dma_start3A_190 = tpu.memref_squeeze %dma_start3A_189 : memref<1x512xi32, #tpu.memory_space<hbm>> -> memref<512xi32, #tpu.memory_space<hbm>>
            tpu.enqueue_dma source(%dma_start3A_190 : memref<512xi32, #tpu.memory_space<hbm>>) target(%arg7 : memref<512xi32, #tpu.memory_space<vmem>>) target_semaphore(%run_scoped3A_186 : memref<!tpu.dma_semaphore, #tpu.memory_space<semaphore_mem>>)
            %dma_wait3A_191 = tpu.memref_slice %arg2[%add3A_153, %multiple_of3A] : memref<50x16384xi32, #tpu.memory_space<hbm>> -> memref<1x512xi32, #tpu.memory_space<hbm>>
            %dma_wait3A_192 = tpu.memref_squeeze %dma_wait3A_191 : memref<1x512xi32, #tpu.memory_space<hbm>> -> memref<512xi32, #tpu.memory_space<hbm>>
            %dma_wait3A_193 = tpu.memref_slice %arg2[%add3A_153, %multiple_of3A] : memref<50x16384xi32, #tpu.memory_space<hbm>> -> memref<1x512xi32, #tpu.memory_space<hbm>>
            %dma_wait3A_194 = tpu.memref_squeeze %dma_wait3A_193 : memref<1x512xi32, #tpu.memory_space<hbm>> -> memref<512xi32, #tpu.memory_space<hbm>>
            tpu.wait_dma2 semaphore(%run_scoped3A_186 : memref<!tpu.dma_semaphore, #tpu.memory_space<semaphore_mem>>) src(%dma_wait3A_194 : memref<512xi32, #tpu.memory_space<hbm>>) dst(%arg7 : memref<512xi32, #tpu.memory_space<vmem>>)
            tpu.yield
          }) : () -> ()
          %dma_start3A_154 = arith.constant 0 : i32
          %dma_start3A_155 = arith.constant 0 : i32
          %dma_start3A_156 = tpu.memref_slice %arg10[%dma_start3A_154, %dma_start3A_155] : memref<512x32xf32, #tpu.memory_space<vmem>> -> memref<128x32xf32, #tpu.memory_space<vmem>>
          %dma_start3A_157 = arith.constant 0 : i32
          %dma_start3A_158 = tpu.memref_slice %arg7[%dma_start3A_157] : memref<512xi32, #tpu.memory_space<vmem>> -> memref<128xi32, #tpu.memory_space<vmem>>
          %dma_start3A_159 = arith.constant 0 : i32
          %dma_start3A_160 = arith.constant 0 : i32
          %dma_start3A_161 = tpu.memref_slice %arg3[%dma_start3A_159, %dma_start3A_160] : memref<1000000x32xf32, #tpu.memory_space<hbm>> -> memref<1000000x32xf32, #tpu.memory_space<hbm>>
          tpu.enqueue_indirect_dma source(%dma_start3A_161 : memref<1000000x32xf32, #tpu.memory_space<hbm>>) target(%dma_start3A_156 : memref<128x32xf32, #tpu.memory_space<vmem>>) offsets(%dma_start3A_158 : memref<128xi32, #tpu.memory_space<vmem>>) semaphore(%arg18 : memref<!tpu.dma_semaphore, #tpu.memory_space<semaphore_mem>>)
          %dma_start3A_162 = arith.constant 128 : i32
          %dma_start3A_163 = arith.constant 0 : i32
          %dma_start3A_164 = tpu.memref_slice %arg10[%dma_start3A_162, %dma_start3A_163] : memref<512x32xf32, #tpu.memory_space<vmem>> -> memref<128x32xf32, #tpu.memory_space<vmem>>
          %dma_start3A_165 = arith.constant 128 : i32
          %dma_start3A_166 = tpu.memref_slice %arg7[%dma_start3A_165] : memref<512xi32, #tpu.memory_space<vmem>> -> memref<128xi32, #tpu.memory_space<vmem>>
          %dma_start3A_167 = arith.constant 0 : i32
          %dma_start3A_168 = arith.constant 0 : i32
          %dma_start3A_169 = tpu.memref_slice %arg3[%dma_start3A_167, %dma_start3A_168] : memref<1000000x32xf32, #tpu.memory_space<hbm>> -> memref<1000000x32xf32, #tpu.memory_space<hbm>>
          tpu.enqueue_indirect_dma source(%dma_start3A_169 : memref<1000000x32xf32, #tpu.memory_space<hbm>>) target(%dma_start3A_164 : memref<128x32xf32, #tpu.memory_space<vmem>>) offsets(%dma_start3A_166 : memref<128xi32, #tpu.memory_space<vmem>>) semaphore(%arg18 : memref<!tpu.dma_semaphore, #tpu.memory_space<semaphore_mem>>)
          %dma_start3A_170 = arith.constant 256 : i32
          %dma_start3A_171 = arith.constant 0 : i32
          %dma_start3A_172 = tpu.memref_slice %arg10[%dma_start3A_170, %dma_start3A_171] : memref<512x32xf32, #tpu.memory_space<vmem>> -> memref<128x32xf32, #tpu.memory_space<vmem>>
          %dma_start3A_173 = arith.constant 256 : i32
          %dma_start3A_174 = tpu.memref_slice %arg7[%dma_start3A_173] : memref<512xi32, #tpu.memory_space<vmem>> -> memref<128xi32, #tpu.memory_space<vmem>>
          %dma_start3A_175 = arith.constant 0 : i32
          %dma_start3A_176 = arith.constant 0 : i32
          %dma_start3A_177 = tpu.memref_slice %arg3[%dma_start3A_175, %dma_start3A_176] : memref<1000000x32xf32, #tpu.memory_space<hbm>> -> memref<1000000x32xf32, #tpu.memory_space<hbm>>
          tpu.enqueue_indirect_dma source(%dma_start3A_177 : memref<1000000x32xf32, #tpu.memory_space<hbm>>) target(%dma_start3A_172 : memref<128x32xf32, #tpu.memory_space<vmem>>) offsets(%dma_start3A_174 : memref<128xi32, #tpu.memory_space<vmem>>) semaphore(%arg18 : memref<!tpu.dma_semaphore, #tpu.memory_space<semaphore_mem>>)
          %dma_start3A_178 = arith.constant 384 : i32
          %dma_start3A_179 = arith.constant 0 : i32
          %dma_start3A_180 = tpu.memref_slice %arg10[%dma_start3A_178, %dma_start3A_179] : memref<512x32xf32, #tpu.memory_space<vmem>> -> memref<128x32xf32, #tpu.memory_space<vmem>>
          %dma_start3A_181 = arith.constant 384 : i32
          %dma_start3A_182 = tpu.memref_slice %arg7[%dma_start3A_181] : memref<512xi32, #tpu.memory_space<vmem>> -> memref<128xi32, #tpu.memory_space<vmem>>
          %dma_start3A_183 = arith.constant 0 : i32
          %dma_start3A_184 = arith.constant 0 : i32
          %dma_start3A_185 = tpu.memref_slice %arg3[%dma_start3A_183, %dma_start3A_184] : memref<1000000x32xf32, #tpu.memory_space<hbm>> -> memref<1000000x32xf32, #tpu.memory_space<hbm>>
          tpu.enqueue_indirect_dma source(%dma_start3A_185 : memref<1000000x32xf32, #tpu.memory_space<hbm>>) target(%dma_start3A_180 : memref<128x32xf32, #tpu.memory_space<vmem>>) offsets(%dma_start3A_182 : memref<128xi32, #tpu.memory_space<vmem>>) semaphore(%arg18 : memref<!tpu.dma_semaphore, #tpu.memory_space<semaphore_mem>>)
        } else {
        }
        %dma_wait3A_130 = arith.constant 0 : i32
        %dma_wait3A_131 = arith.constant 0 : i32
        %dma_wait3A_132 = tpu.memref_slice %arg3[%dma_wait3A_130, %dma_wait3A_131] : memref<1000000x32xf32, #tpu.memory_space<hbm>> -> memref<512x32xf32, #tpu.memory_space<hbm>>
        %dma_wait3A_133 = arith.constant 0 : i32
        %dma_wait3A_134 = arith.constant 0 : i32
        %dma_wait3A_135 = tpu.memref_slice %arg3[%dma_wait3A_133, %dma_wait3A_134] : memref<1000000x32xf32, #tpu.memory_space<hbm>> -> memref<512x32xf32, #tpu.memory_space<hbm>>
        tpu.wait_dma2 semaphore(%arg19 : memref<!tpu.dma_semaphore, #tpu.memory_space<semaphore_mem>>) src(%dma_wait3A_135 : memref<512x32xf32, #tpu.memory_space<hbm>>) dst(%arg11 : memref<512x32xf32, #tpu.memory_space<vmem>>)
        %ge3A = arith.constant 3 : i32
        %ge3A_136 = arith.cmpi sge, %add3A_108, %ge3A : i32
        %convert_element_type3A_137 = arith.extui %ge3A_136 : i1 to i32
        %cond3A_138 = arith.constant 0 : i32
        %cond3A_139 = arith.cmpi ne, %convert_element_type3A_137, %cond3A_138 : i32
        scf.if %cond3A_139 {
          %dma_wait3A_152 = arith.constant 0 : i32
          %dma_wait3A_153 = arith.constant 0 : i32
          %dma_wait3A_154 = arith.constant 0 : i32
          %dma_wait3A_155 = tpu.memref_slice %arg6[%dma_wait3A_152, %dma_wait3A_153, %dma_wait3A_154] : memref<50x32x16384xf32, #tpu.memory_space<hbm>> -> memref<1x32x512xf32, #tpu.memory_space<hbm>>
          %dma_wait3A_156 = tpu.memref_squeeze %dma_wait3A_155 : memref<1x32x512xf32, #tpu.memory_space<hbm>> -> memref<32x512xf32, #tpu.memory_space<hbm>>
          %dma_wait3A_157 = arith.constant 0 : i32
          %dma_wait3A_158 = arith.constant 0 : i32
          %dma_wait3A_159 = tpu.memref_slice %arg6[%dma_wait3A_152, %dma_wait3A_157, %dma_wait3A_158] : memref<50x32x16384xf32, #tpu.memory_space<hbm>> -> memref<1x32x512xf32, #tpu.memory_space<hbm>>
          %dma_wait3A_160 = tpu.memref_squeeze %dma_wait3A_159 : memref<1x32x512xf32, #tpu.memory_space<hbm>> -> memref<32x512xf32, #tpu.memory_space<hbm>>
          tpu.wait_dma2 semaphore(%arg22 : memref<!tpu.dma_semaphore, #tpu.memory_space<semaphore_mem>>) src(%arg14 : memref<32x512xf32, #tpu.memory_space<vmem>>) dst(%dma_wait3A_160 : memref<32x512xf32, #tpu.memory_space<hbm>>)
        } else {
        }
        %scan3A_140 = arith.constant 0 : i32
        %scan3A_141 = arith.constant 0 : i32
        %scan3A_142 = arith.constant 32 : i32
        %scan3A_143 = arith.addi %scan3A_141, %scan3A_142 : i32
        %scan3A_144 = arith.constant 1 : i32
        scf.for %scan3A_152 = %scan3A_141 to %scan3A_143 step %scan3A_144  : i32 {
          %mul3A_153 = arith.constant 16 : i32
          %mul3A_154 = arith.muli %scan3A_152, %mul3A_153 : i32
          %add3A_155 = vector.broadcast %mul3A_154 : i32 to vector<16xi32>
          %add3A_156 = arith.addi %add3A_155, %iota3A : vector<16xi32>
          %broadcast_in_dim3A = arith.constant 0 : i32
          %broadcast_in_dim3A_157 = vector.broadcast %broadcast_in_dim3A : i32 to vector<16xi32>
          %gather3A = tpu.vector_load_idx %arg11[%add3A_156, %broadcast_in_dim3A_157] : memref<512x32xf32, #tpu.memory_space<vmem>>[vector<16xi32>, vector<16xi32>], vector<16xf32>,
          %broadcast_in_dim3A_158 = arith.constant 1 : i32
          %broadcast_in_dim3A_159 = vector.broadcast %broadcast_in_dim3A_158 : i32 to vector<16xi32>
          %gather3A_160 = tpu.vector_load_idx %arg11[%add3A_156, %broadcast_in_dim3A_159] : memref<512x32xf32, #tpu.memory_space<vmem>>[vector<16xi32>, vector<16xi32>], vector<16xf32>,
          %broadcast_in_dim3A_161 = arith.constant 2 : i32
          %broadcast_in_dim3A_162 = vector.broadcast %broadcast_in_dim3A_161 : i32 to vector<16xi32>
          %gather3A_163 = tpu.vector_load_idx %arg11[%add3A_156, %broadcast_in_dim3A_162] : memref<512x32xf32, #tpu.memory_space<vmem>>[vector<16xi32>, vector<16xi32>], vector<16xf32>,
          %broadcast_in_dim3A_164 = arith.constant 3 : i32
          %broadcast_in_dim3A_165 = vector.broadcast %broadcast_in_dim3A_164 : i32 to vector<16xi32>
          %gather3A_166 = tpu.vector_load_idx %arg11[%add3A_156, %broadcast_in_dim3A_165] : memref<512x32xf32, #tpu.memory_space<vmem>>[vector<16xi32>, vector<16xi32>], vector<16xf32>,
          %broadcast_in_dim3A_167 = arith.constant 4 : i32
          %broadcast_in_dim3A_168 = vector.broadcast %broadcast_in_dim3A_167 : i32 to vector<16xi32>
          %gather3A_169 = tpu.vector_load_idx %arg11[%add3A_156, %broadcast_in_dim3A_168] : memref<512x32xf32, #tpu.memory_space<vmem>>[vector<16xi32>, vector<16xi32>], vector<16xf32>,
          %broadcast_in_dim3A_170 = arith.constant 5 : i32
          %broadcast_in_dim3A_171 = vector.broadcast %broadcast_in_dim3A_170 : i32 to vector<16xi32>
          %gather3A_172 = tpu.vector_load_idx %arg11[%add3A_156, %broadcast_in_dim3A_171] : memref<512x32xf32, #tpu.memory_space<vmem>>[vector<16xi32>, vector<16xi32>], vector<16xf32>,
          %broadcast_in_dim3A_173 = arith.constant 6 : i32
          %broadcast_in_dim3A_174 = vector.broadcast %broadcast_in_dim3A_173 : i32 to vector<16xi32>
          %gather3A_175 = tpu.vector_load_idx %arg11[%add3A_156, %broadcast_in_dim3A_174] : memref<512x32xf32, #tpu.memory_space<vmem>>[vector<16xi32>, vector<16xi32>], vector<16xf32>,
          %broadcast_in_dim3A_176 = arith.constant 7 : i32
          %broadcast_in_dim3A_177 = vector.broadcast %broadcast_in_dim3A_176 : i32 to vector<16xi32>
          %gather3A_178 = tpu.vector_load_idx %arg11[%add3A_156, %broadcast_in_dim3A_177] : memref<512x32xf32, #tpu.memory_space<vmem>>[vector<16xi32>, vector<16xi32>], vector<16xf32>,
          %broadcast_in_dim3A_179 = arith.constant 8 : i32
          %broadcast_in_dim3A_180 = vector.broadcast %broadcast_in_dim3A_179 : i32 to vector<16xi32>
          %gather3A_181 = tpu.vector_load_idx %arg11[%add3A_156, %broadcast_in_dim3A_180] : memref<512x32xf32, #tpu.memory_space<vmem>>[vector<16xi32>, vector<16xi32>], vector<16xf32>,
          %broadcast_in_dim3A_182 = arith.constant 9 : i32
          %broadcast_in_dim3A_183 = vector.broadcast %broadcast_in_dim3A_182 : i32 to vector<16xi32>
          %gather3A_184 = tpu.vector_load_idx %arg11[%add3A_156, %broadcast_in_dim3A_183] : memref<512x32xf32, #tpu.memory_space<vmem>>[vector<16xi32>, vector<16xi32>], vector<16xf32>,
          %broadcast_in_dim3A_185 = arith.constant 10 : i32
          %broadcast_in_dim3A_186 = vector.broadcast %broadcast_in_dim3A_185 : i32 to vector<16xi32>
          %gather3A_187 = tpu.vector_load_idx %arg11[%add3A_156, %broadcast_in_dim3A_186] : memref<512x32xf32, #tpu.memory_space<vmem>>[vector<16xi32>, vector<16xi32>], vector<16xf32>,
          %broadcast_in_dim3A_188 = arith.constant 11 : i32
          %broadcast_in_dim3A_189 = vector.broadcast %broadcast_in_dim3A_188 : i32 to vector<16xi32>
          %gather3A_190 = tpu.vector_load_idx %arg11[%add3A_156, %broadcast_in_dim3A_189] : memref<512x32xf32, #tpu.memory_space<vmem>>[vector<16xi32>, vector<16xi32>], vector<16xf32>,
          %broadcast_in_dim3A_191 = arith.constant 12 : i32
          %broadcast_in_dim3A_192 = vector.broadcast %broadcast_in_dim3A_191 : i32 to vector<16xi32>
          %gather3A_193 = tpu.vector_load_idx %arg11[%add3A_156, %broadcast_in_dim3A_192] : memref<512x32xf32, #tpu.memory_space<vmem>>[vector<16xi32>, vector<16xi32>], vector<16xf32>,
          %broadcast_in_dim3A_194 = arith.constant 13 : i32
          %broadcast_in_dim3A_195 = vector.broadcast %broadcast_in_dim3A_194 : i32 to vector<16xi32>
          %gather3A_196 = tpu.vector_load_idx %arg11[%add3A_156, %broadcast_in_dim3A_195] : memref<512x32xf32, #tpu.memory_space<vmem>>[vector<16xi32>, vector<16xi32>], vector<16xf32>,
          %broadcast_in_dim3A_197 = arith.constant 14 : i32
          %broadcast_in_dim3A_198 = vector.broadcast %broadcast_in_dim3A_197 : i32 to vector<16xi32>
          %gather3A_199 = tpu.vector_load_idx %arg11[%add3A_156, %broadcast_in_dim3A_198] : memref<512x32xf32, #tpu.memory_space<vmem>>[vector<16xi32>, vector<16xi32>], vector<16xf32>,
          %broadcast_in_dim3A_200 = arith.constant 15 : i32
          %broadcast_in_dim3A_201 = vector.broadcast %broadcast_in_dim3A_200 : i32 to vector<16xi32>
          %gather3A_202 = tpu.vector_load_idx %arg11[%add3A_156, %broadcast_in_dim3A_201] : memref<512x32xf32, #tpu.memory_space<vmem>>[vector<16xi32>, vector<16xi32>], vector<16xf32>,
          %broadcast_in_dim3A_203 = arith.constant 16 : i32
          %broadcast_in_dim3A_204 = vector.broadcast %broadcast_in_dim3A_203 : i32 to vector<16xi32>
          %gather3A_205 = tpu.vector_load_idx %arg11[%add3A_156, %broadcast_in_dim3A_204] : memref<512x32xf32, #tpu.memory_space<vmem>>[vector<16xi32>, vector<16xi32>], vector<16xf32>,
          %broadcast_in_dim3A_206 = arith.constant 17 : i32
          %broadcast_in_dim3A_207 = vector.broadcast %broadcast_in_dim3A_206 : i32 to vector<16xi32>
          %gather3A_208 = tpu.vector_load_idx %arg11[%add3A_156, %broadcast_in_dim3A_207] : memref<512x32xf32, #tpu.memory_space<vmem>>[vector<16xi32>, vector<16xi32>], vector<16xf32>,
          %broadcast_in_dim3A_209 = arith.constant 18 : i32
          %broadcast_in_dim3A_210 = vector.broadcast %broadcast_in_dim3A_209 : i32 to vector<16xi32>
          %gather3A_211 = tpu.vector_load_idx %arg11[%add3A_156, %broadcast_in_dim3A_210] : memref<512x32xf32, #tpu.memory_space<vmem>>[vector<16xi32>, vector<16xi32>], vector<16xf32>,
          %broadcast_in_dim3A_212 = arith.constant 19 : i32
          %broadcast_in_dim3A_213 = vector.broadcast %broadcast_in_dim3A_212 : i32 to vector<16xi32>
          %gather3A_214 = tpu.vector_load_idx %arg11[%add3A_156, %broadcast_in_dim3A_213] : memref<512x32xf32, #tpu.memory_space<vmem>>[vector<16xi32>, vector<16xi32>], vector<16xf32>,
          %broadcast_in_dim3A_215 = arith.constant 20 : i32
          %broadcast_in_dim3A_216 = vector.broadcast %broadcast_in_dim3A_215 : i32 to vector<16xi32>
          %gather3A_217 = tpu.vector_load_idx %arg11[%add3A_156, %broadcast_in_dim3A_216] : memref<512x32xf32, #tpu.memory_space<vmem>>[vector<16xi32>, vector<16xi32>], vector<16xf32>,
          %broadcast_in_dim3A_218 = arith.constant 21 : i32
          %broadcast_in_dim3A_219 = vector.broadcast %broadcast_in_dim3A_218 : i32 to vector<16xi32>
          %gather3A_220 = tpu.vector_load_idx %arg11[%add3A_156, %broadcast_in_dim3A_219] : memref<512x32xf32, #tpu.memory_space<vmem>>[vector<16xi32>, vector<16xi32>], vector<16xf32>,
          %broadcast_in_dim3A_221 = arith.constant 22 : i32
          %broadcast_in_dim3A_222 = vector.broadcast %broadcast_in_dim3A_221 : i32 to vector<16xi32>
          %gather3A_223 = tpu.vector_load_idx %arg11[%add3A_156, %broadcast_in_dim3A_222] : memref<512x32xf32, #tpu.memory_space<vmem>>[vector<16xi32>, vector<16xi32>], vector<16xf32>,
          %broadcast_in_dim3A_224 = arith.constant 23 : i32
          %broadcast_in_dim3A_225 = vector.broadcast %broadcast_in_dim3A_224 : i32 to vector<16xi32>
          %gather3A_226 = tpu.vector_load_idx %arg11[%add3A_156, %broadcast_in_dim3A_225] : memref<512x32xf32, #tpu.memory_space<vmem>>[vector<16xi32>, vector<16xi32>], vector<16xf32>,
          %broadcast_in_dim3A_227 = arith.constant 24 : i32
          %broadcast_in_dim3A_228 = vector.broadcast %broadcast_in_dim3A_227 : i32 to vector<16xi32>
          %gather3A_229 = tpu.vector_load_idx %arg11[%add3A_156, %broadcast_in_dim3A_228] : memref<512x32xf32, #tpu.memory_space<vmem>>[vector<16xi32>, vector<16xi32>], vector<16xf32>,
          %broadcast_in_dim3A_230 = arith.constant 25 : i32
          %broadcast_in_dim3A_231 = vector.broadcast %broadcast_in_dim3A_230 : i32 to vector<16xi32>
          %gather3A_232 = tpu.vector_load_idx %arg11[%add3A_156, %broadcast_in_dim3A_231] : memref<512x32xf32, #tpu.memory_space<vmem>>[vector<16xi32>, vector<16xi32>], vector<16xf32>,
          %broadcast_in_dim3A_233 = arith.constant 26 : i32
          %broadcast_in_dim3A_234 = vector.broadcast %broadcast_in_dim3A_233 : i32 to vector<16xi32>
          %gather3A_235 = tpu.vector_load_idx %arg11[%add3A_156, %broadcast_in_dim3A_234] : memref<512x32xf32, #tpu.memory_space<vmem>>[vector<16xi32>, vector<16xi32>], vector<16xf32>,
          %broadcast_in_dim3A_236 = arith.constant 27 : i32
          %broadcast_in_dim3A_237 = vector.broadcast %broadcast_in_dim3A_236 : i32 to vector<16xi32>
          %gather3A_238 = tpu.vector_load_idx %arg11[%add3A_156, %broadcast_in_dim3A_237] : memref<512x32xf32, #tpu.memory_space<vmem>>[vector<16xi32>, vector<16xi32>], vector<16xf32>,
          %broadcast_in_dim3A_239 = arith.constant 28 : i32
          %broadcast_in_dim3A_240 = vector.broadcast %broadcast_in_dim3A_239 : i32 to vector<16xi32>
          %gather3A_241 = tpu.vector_load_idx %arg11[%add3A_156, %broadcast_in_dim3A_240] : memref<512x32xf32, #tpu.memory_space<vmem>>[vector<16xi32>, vector<16xi32>], vector<16xf32>,
          %broadcast_in_dim3A_242 = arith.constant 29 : i32
          %broadcast_in_dim3A_243 = vector.broadcast %broadcast_in_dim3A_242 : i32 to vector<16xi32>
          %gather3A_244 = tpu.vector_load_idx %arg11[%add3A_156, %broadcast_in_dim3A_243] : memref<512x32xf32, #tpu.memory_space<vmem>>[vector<16xi32>, vector<16xi32>], vector<16xf32>,
          %broadcast_in_dim3A_245 = arith.constant 30 : i32
          %broadcast_in_dim3A_246 = vector.broadcast %broadcast_in_dim3A_245 : i32 to vector<16xi32>
          %gather3A_247 = tpu.vector_load_idx %arg11[%add3A_156, %broadcast_in_dim3A_246] : memref<512x32xf32, #tpu.memory_space<vmem>>[vector<16xi32>, vector<16xi32>], vector<16xf32>,
          %broadcast_in_dim3A_248 = arith.constant 31 : i32
          %broadcast_in_dim3A_249 = vector.broadcast %broadcast_in_dim3A_248 : i32 to vector<16xi32>
          %gather3A_250 = tpu.vector_load_idx %arg11[%add3A_156, %broadcast_in_dim3A_249] : memref<512x32xf32, #tpu.memory_space<vmem>>[vector<16xi32>, vector<16xi32>], vector<16xf32>,
          %add3A_251 = arith.addf %gather3A, %gather3A_160 : vector<16xf32>
          %add3A_252 = arith.addf %gather3A_163, %gather3A_166 : vector<16xf32>
          %add3A_253 = arith.addf %gather3A_169, %gather3A_172 : vector<16xf32>
          %add3A_254 = arith.addf %gather3A_175, %gather3A_178 : vector<16xf32>
          %add3A_255 = arith.addf %gather3A_181, %gather3A_184 : vector<16xf32>
          %add3A_256 = arith.addf %gather3A_187, %gather3A_190 : vector<16xf32>
          %add3A_257 = arith.addf %gather3A_193, %gather3A_196 : vector<16xf32>
          %add3A_258 = arith.addf %gather3A_199, %gather3A_202 : vector<16xf32>
          %add3A_259 = arith.addf %gather3A_205, %gather3A_208 : vector<16xf32>
          %add3A_260 = arith.addf %gather3A_211, %gather3A_214 : vector<16xf32>
          %add3A_261 = arith.addf %gather3A_217, %gather3A_220 : vector<16xf32>
          %add3A_262 = arith.addf %gather3A_223, %gather3A_226 : vector<16xf32>
          %add3A_263 = arith.addf %gather3A_229, %gather3A_232 : vector<16xf32>
          %add3A_264 = arith.addf %gather3A_235, %gather3A_238 : vector<16xf32>
          %add3A_265 = arith.addf %gather3A_241, %gather3A_244 : vector<16xf32>
          %add3A_266 = arith.addf %gather3A_247, %gather3A_250 : vector<16xf32>
          %add3A_267 = arith.addf %add3A_251, %add3A_252 : vector<16xf32>
          %add3A_268 = arith.addf %add3A_253, %add3A_254 : vector<16xf32>
          %add3A_269 = arith.addf %add3A_255, %add3A_256 : vector<16xf32>
          %add3A_270 = arith.addf %add3A_257, %add3A_258 : vector<16xf32>
          %add3A_271 = arith.addf %add3A_259, %add3A_260 : vector<16xf32>
          %add3A_272 = arith.addf %add3A_261, %add3A_262 : vector<16xf32>
          %add3A_273 = arith.addf %add3A_263, %add3A_264 : vector<16xf32>
          %add3A_274 = arith.addf %add3A_265, %add3A_266 : vector<16xf32>
          %add3A_275 = arith.addf %add3A_267, %add3A_268 : vector<16xf32>
          %add3A_276 = arith.addf %add3A_269, %add3A_270 : vector<16xf32>
          %add3A_277 = arith.addf %add3A_271, %add3A_272 : vector<16xf32>
          %add3A_278 = arith.addf %add3A_273, %add3A_274 : vector<16xf32>
          %add3A_279 = arith.addf %add3A_275, %add3A_276 : vector<16xf32>
          %add3A_280 = arith.addf %add3A_277, %add3A_278 : vector<16xf32>
          %add3A_281 = arith.addf %add3A_279, %add3A_280 : vector<16xf32>
          %mul3A_282 = arith.constant 3.125000e-02 : f32
          %mul3A_283 = vector.broadcast %mul3A_282 : f32 to vector<16xf32>
          %mul3A_284 = arith.mulf %add3A_281, %mul3A_283 : vector<16xf32>
          %sub3A = arith.subf %gather3A, %mul3A_284 : vector<16xf32>
          %sub3A_285 = arith.subf %gather3A_160, %mul3A_284 : vector<16xf32>
          %sub3A_286 = arith.subf %gather3A_163, %mul3A_284 : vector<16xf32>
          %sub3A_287 = arith.subf %gather3A_166, %mul3A_284 : vector<16xf32>
          %sub3A_288 = arith.subf %gather3A_169, %mul3A_284 : vector<16xf32>
          %sub3A_289 = arith.subf %gather3A_172, %mul3A_284 : vector<16xf32>
          %sub3A_290 = arith.subf %gather3A_175, %mul3A_284 : vector<16xf32>
          %sub3A_291 = arith.subf %gather3A_178, %mul3A_284 : vector<16xf32>
          %sub3A_292 = arith.subf %gather3A_181, %mul3A_284 : vector<16xf32>
          %sub3A_293 = arith.subf %gather3A_184, %mul3A_284 : vector<16xf32>
          %sub3A_294 = arith.subf %gather3A_187, %mul3A_284 : vector<16xf32>
          %sub3A_295 = arith.subf %gather3A_190, %mul3A_284 : vector<16xf32>
          %sub3A_296 = arith.subf %gather3A_193, %mul3A_284 : vector<16xf32>
          %sub3A_297 = arith.subf %gather3A_196, %mul3A_284 : vector<16xf32>
          %sub3A_298 = arith.subf %gather3A_199, %mul3A_284 : vector<16xf32>
          %sub3A_299 = arith.subf %gather3A_202, %mul3A_284 : vector<16xf32>
          %sub3A_300 = arith.subf %gather3A_205, %mul3A_284 : vector<16xf32>
          %sub3A_301 = arith.subf %gather3A_208, %mul3A_284 : vector<16xf32>
          %sub3A_302 = arith.subf %gather3A_211, %mul3A_284 : vector<16xf32>
          %sub3A_303 = arith.subf %gather3A_214, %mul3A_284 : vector<16xf32>
          %sub3A_304 = arith.subf %gather3A_217, %mul3A_284 : vector<16xf32>
          %sub3A_305 = arith.subf %gather3A_220, %mul3A_284 : vector<16xf32>
          %sub3A_306 = arith.subf %gather3A_223, %mul3A_284 : vector<16xf32>
          %sub3A_307 = arith.subf %gather3A_226, %mul3A_284 : vector<16xf32>
          %sub3A_308 = arith.subf %gather3A_229, %mul3A_284 : vector<16xf32>
          %sub3A_309 = arith.subf %gather3A_232, %mul3A_284 : vector<16xf32>
          %sub3A_310 = arith.subf %gather3A_235, %mul3A_284 : vector<16xf32>
          %sub3A_311 = arith.subf %gather3A_238, %mul3A_284 : vector<16xf32>
          %sub3A_312 = arith.subf %gather3A_241, %mul3A_284 : vector<16xf32>
          %sub3A_313 = arith.subf %gather3A_244, %mul3A_284 : vector<16xf32>
          %sub3A_314 = arith.subf %gather3A_247, %mul3A_284 : vector<16xf32>
          %sub3A_315 = arith.subf %gather3A_250, %mul3A_284 : vector<16xf32>
          %mul3A_316 = arith.mulf %sub3A, %sub3A : vector<16xf32>
          %mul3A_317 = arith.mulf %sub3A_285, %sub3A_285 : vector<16xf32>
          %mul3A_318 = arith.mulf %sub3A_286, %sub3A_286 : vector<16xf32>
          %mul3A_319 = arith.mulf %sub3A_287, %sub3A_287 : vector<16xf32>
          %mul3A_320 = arith.mulf %sub3A_288, %sub3A_288 : vector<16xf32>
          %mul3A_321 = arith.mulf %sub3A_289, %sub3A_289 : vector<16xf32>
          %mul3A_322 = arith.mulf %sub3A_290, %sub3A_290 : vector<16xf32>
          %mul3A_323 = arith.mulf %sub3A_291, %sub3A_291 : vector<16xf32>
          %mul3A_324 = arith.mulf %sub3A_292, %sub3A_292 : vector<16xf32>
          %mul3A_325 = arith.mulf %sub3A_293, %sub3A_293 : vector<16xf32>
          %mul3A_326 = arith.mulf %sub3A_294, %sub3A_294 : vector<16xf32>
          %mul3A_327 = arith.mulf %sub3A_295, %sub3A_295 : vector<16xf32>
          %mul3A_328 = arith.mulf %sub3A_296, %sub3A_296 : vector<16xf32>
          %mul3A_329 = arith.mulf %sub3A_297, %sub3A_297 : vector<16xf32>
          %mul3A_330 = arith.mulf %sub3A_298, %sub3A_298 : vector<16xf32>
          %mul3A_331 = arith.mulf %sub3A_299, %sub3A_299 : vector<16xf32>
          %mul3A_332 = arith.mulf %sub3A_300, %sub3A_300 : vector<16xf32>
          %mul3A_333 = arith.mulf %sub3A_301, %sub3A_301 : vector<16xf32>
          %mul3A_334 = arith.mulf %sub3A_302, %sub3A_302 : vector<16xf32>
          %mul3A_335 = arith.mulf %sub3A_303, %sub3A_303 : vector<16xf32>
          %mul3A_336 = arith.mulf %sub3A_304, %sub3A_304 : vector<16xf32>
          %mul3A_337 = arith.mulf %sub3A_305, %sub3A_305 : vector<16xf32>
          %mul3A_338 = arith.mulf %sub3A_306, %sub3A_306 : vector<16xf32>
          %mul3A_339 = arith.mulf %sub3A_307, %sub3A_307 : vector<16xf32>
          %mul3A_340 = arith.mulf %sub3A_308, %sub3A_308 : vector<16xf32>
          %mul3A_341 = arith.mulf %sub3A_309, %sub3A_309 : vector<16xf32>
          %mul3A_342 = arith.mulf %sub3A_310, %sub3A_310 : vector<16xf32>
          %mul3A_343 = arith.mulf %sub3A_311, %sub3A_311 : vector<16xf32>
          %mul3A_344 = arith.mulf %sub3A_312, %sub3A_312 : vector<16xf32>
          %mul3A_345 = arith.mulf %sub3A_313, %sub3A_313 : vector<16xf32>
          %mul3A_346 = arith.mulf %sub3A_314, %sub3A_314 : vector<16xf32>
          %mul3A_347 = arith.mulf %sub3A_315, %sub3A_315 : vector<16xf32>
          %add3A_348 = arith.addf %mul3A_316, %mul3A_317 : vector<16xf32>
          %add3A_349 = arith.addf %mul3A_318, %mul3A_319 : vector<16xf32>
          %add3A_350 = arith.addf %mul3A_320, %mul3A_321 : vector<16xf32>
          %add3A_351 = arith.addf %mul3A_322, %mul3A_323 : vector<16xf32>
          %add3A_352 = arith.addf %mul3A_324, %mul3A_325 : vector<16xf32>
          %add3A_353 = arith.addf %mul3A_326, %mul3A_327 : vector<16xf32>
          %add3A_354 = arith.addf %mul3A_328, %mul3A_329 : vector<16xf32>
          %add3A_355 = arith.addf %mul3A_330, %mul3A_331 : vector<16xf32>
          %add3A_356 = arith.addf %mul3A_332, %mul3A_333 : vector<16xf32>
          %add3A_357 = arith.addf %mul3A_334, %mul3A_335 : vector<16xf32>
          %add3A_358 = arith.addf %mul3A_336, %mul3A_337 : vector<16xf32>
          %add3A_359 = arith.addf %mul3A_338, %mul3A_339 : vector<16xf32>
          %add3A_360 = arith.addf %mul3A_340, %mul3A_341 : vector<16xf32>
          %add3A_361 = arith.addf %mul3A_342, %mul3A_343 : vector<16xf32>
          %add3A_362 = arith.addf %mul3A_344, %mul3A_345 : vector<16xf32>
          %add3A_363 = arith.addf %mul3A_346, %mul3A_347 : vector<16xf32>
          %add3A_364 = arith.addf %add3A_348, %add3A_349 : vector<16xf32>
          %add3A_365 = arith.addf %add3A_350, %add3A_351 : vector<16xf32>
          %add3A_366 = arith.addf %add3A_352, %add3A_353 : vector<16xf32>
          %add3A_367 = arith.addf %add3A_354, %add3A_355 : vector<16xf32>
          %add3A_368 = arith.addf %add3A_356, %add3A_357 : vector<16xf32>
          %add3A_369 = arith.addf %add3A_358, %add3A_359 : vector<16xf32>
          %add3A_370 = arith.addf %add3A_360, %add3A_361 : vector<16xf32>
          %add3A_371 = arith.addf %add3A_362, %add3A_363 : vector<16xf32>
          %add3A_372 = arith.addf %add3A_364, %add3A_365 : vector<16xf32>
          %add3A_373 = arith.addf %add3A_366, %add3A_367 : vector<16xf32>
          %add3A_374 = arith.addf %add3A_368, %add3A_369 : vector<16xf32>
          %add3A_375 = arith.addf %add3A_370, %add3A_371 : vector<16xf32>
          %add3A_376 = arith.addf %add3A_372, %add3A_373 : vector<16xf32>
          %add3A_377 = arith.addf %add3A_374, %add3A_375 : vector<16xf32>
          %add3A_378 = arith.addf %add3A_376, %add3A_377 : vector<16xf32>
          %mul3A_379 = arith.constant 3.125000e-02 : f32
          %mul3A_380 = vector.broadcast %mul3A_379 : f32 to vector<16xf32>
          %mul3A_381 = arith.mulf %add3A_378, %mul3A_380 : vector<16xf32>
          %add3A_382 = arith.constant 9.99999974E-6 : f32
          %add3A_383 = vector.broadcast %add3A_382 : f32 to vector<16xf32>
          %add3A_384 = arith.addf %mul3A_381, %add3A_383 : vector<16xf32>
          %bitcast_convert_type3A = tpu.bitcast %add3A_384 : vector<16xf32> -> vector<16xi32>
          %shift_right_arithmetic3A = arith.constant 1 : i32
          %shift_right_arithmetic3A_385 = vector.broadcast %shift_right_arithmetic3A : i32 to vector<16xi32>
          %shift_right_arithmetic3A_386 = arith.shrsi %bitcast_convert_type3A, %shift_right_arithmetic3A_385 : vector<16xi32>
          %sub3A_387 = arith.constant 1597463007 : i32
          %sub3A_388 = vector.broadcast %sub3A_387 : i32 to vector<16xi32>
          %sub3A_389 = arith.subi %sub3A_388, %shift_right_arithmetic3A_386 : vector<16xi32>
          %bitcast_convert_type3A_390 = tpu.bitcast %sub3A_389 : vector<16xi32> -> vector<16xf32>
          %mul3A_391 = arith.constant 5.000000e-01 : f32
          %mul3A_392 = vector.broadcast %mul3A_391 : f32 to vector<16xf32>
          %mul3A_393 = arith.mulf %mul3A_392, %add3A_384 : vector<16xf32>
          %mul3A_394 = arith.mulf %mul3A_393, %bitcast_convert_type3A_390 : vector<16xf32>
          %mul3A_395 = arith.mulf %mul3A_394, %bitcast_convert_type3A_390 : vector<16xf32>
          %sub3A_396 = arith.constant 1.500000e+00 : f32
          %sub3A_397 = vector.broadcast %sub3A_396 : f32 to vector<16xf32>
          %sub3A_398 = arith.subf %sub3A_397, %mul3A_395 : vector<16xf32>
          %mul3A_399 = arith.mulf %bitcast_convert_type3A_390, %sub3A_398 : vector<16xf32>
          %mul3A_400 = arith.constant 5.000000e-01 : f32
          %mul3A_401 = vector.broadcast %mul3A_400 : f32 to vector<16xf32>
          %mul3A_402 = arith.mulf %mul3A_401, %add3A_384 : vector<16xf32>
          %mul3A_403 = arith.mulf %mul3A_402, %mul3A_399 : vector<16xf32>
          %mul3A_404 = arith.mulf %mul3A_403, %mul3A_399 : vector<16xf32>
          %sub3A_405 = arith.constant 1.500000e+00 : f32
          %sub3A_406 = vector.broadcast %sub3A_405 : f32 to vector<16xf32>
          %sub3A_407 = arith.subf %sub3A_406, %mul3A_404 : vector<16xf32>
          %mul3A_408 = arith.mulf %mul3A_399, %sub3A_407 : vector<16xf32>
          %mul3A_409 = arith.constant 5.000000e-01 : f32
          %mul3A_410 = vector.broadcast %mul3A_409 : f32 to vector<16xf32>
          %mul3A_411 = arith.mulf %mul3A_410, %add3A_384 : vector<16xf32>
          %mul3A_412 = arith.mulf %mul3A_411, %mul3A_408 : vector<16xf32>
          %mul3A_413 = arith.mulf %mul3A_412, %mul3A_408 : vector<16xf32>
          %sub3A_414 = arith.constant 1.500000e+00 : f32
          %sub3A_415 = vector.broadcast %sub3A_414 : f32 to vector<16xf32>
          %sub3A_416 = arith.subf %sub3A_415, %mul3A_413 : vector<16xf32>
          %mul3A_417 = arith.mulf %mul3A_408, %sub3A_416 : vector<16xf32>
          %get3A = arith.constant 0 : i32
          %get3A_418 = arith.index_cast %get3A : i32 to index
          %get3A_419 = arith.constant 0 : index
          %get3A_420 = tpu.vector_load %arg16[%get3A_418, %get3A_419] {strides = array<i32>} : memref<32x16xf32, #tpu.memory_space<vmem>>, vector<16xf32>,
          %mul3A_421 = arith.mulf %mul3A_417, %get3A_420 : vector<16xf32>
          %mul3A_422 = arith.mulf %sub3A, %mul3A_421 : vector<16xf32>
          %get3A_423 = arith.constant 0 : i32
          %get3A_424 = arith.index_cast %get3A_423 : i32 to index
          %get3A_425 = arith.constant 0 : index
          %get3A_426 = tpu.vector_load %arg17[%get3A_424, %get3A_425] {strides = array<i32>} : memref<32x16xf32, #tpu.memory_space<vmem>>, vector<16xf32>,
          %add3A_427 = arith.addf %mul3A_422, %get3A_426 : vector<16xf32>
          %mul3A_428 = arith.constant 16 : i32
          %mul3A_429 = arith.muli %scan3A_152, %mul3A_428 : i32
          %swap3A = arith.constant 0 : i32
          %swap3A_430 = arith.index_cast %swap3A : i32 to index
          %swap3A_431 = arith.index_cast %mul3A_429 : i32 to index
          %swap3A_432 = tpu.vector_load %arg14[%swap3A_430, %swap3A_431] {strides = array<i32>} : memref<32x512xf32, #tpu.memory_space<vmem>>, vector<16xf32>,
          tpu.vector_store %arg14[%swap3A_430, %swap3A_431], %add3A_427 {strides = array<i32>} : memref<32x512xf32, #tpu.memory_space<vmem>>, vector<16xf32>,
          %get3A_433 = arith.constant 1 : i32
          %get3A_434 = arith.index_cast %get3A_433 : i32 to index
          %get3A_435 = arith.constant 0 : index
          %get3A_436 = tpu.vector_load %arg16[%get3A_434, %get3A_435] {strides = array<i32>} : memref<32x16xf32, #tpu.memory_space<vmem>>, vector<16xf32>,
          %mul3A_437 = arith.mulf %mul3A_417, %get3A_436 : vector<16xf32>
          %mul3A_438 = arith.mulf %sub3A_285, %mul3A_437 : vector<16xf32>
          %get3A_439 = arith.constant 1 : i32
          %get3A_440 = arith.index_cast %get3A_439 : i32 to index
          %get3A_441 = arith.constant 0 : index
          %get3A_442 = tpu.vector_load %arg17[%get3A_440, %get3A_441] {strides = array<i32>} : memref<32x16xf32, #tpu.memory_space<vmem>>, vector<16xf32>,
          %add3A_443 = arith.addf %mul3A_438, %get3A_442 : vector<16xf32>
          %mul3A_444 = arith.constant 16 : i32
          %mul3A_445 = arith.muli %scan3A_152, %mul3A_444 : i32
          %swap3A_446 = arith.constant 1 : i32
          %swap3A_447 = arith.index_cast %swap3A_446 : i32 to index
          %swap3A_448 = arith.index_cast %mul3A_445 : i32 to index
          %swap3A_449 = tpu.vector_load %arg14[%swap3A_447, %swap3A_448] {strides = array<i32>} : memref<32x512xf32, #tpu.memory_space<vmem>>, vector<16xf32>,
          tpu.vector_store %arg14[%swap3A_447, %swap3A_448], %add3A_443 {strides = array<i32>} : memref<32x512xf32, #tpu.memory_space<vmem>>, vector<16xf32>,
          %get3A_450 = arith.constant 2 : i32
          %get3A_451 = arith.index_cast %get3A_450 : i32 to index
          %get3A_452 = arith.constant 0 : index
          %get3A_453 = tpu.vector_load %arg16[%get3A_451, %get3A_452] {strides = array<i32>} : memref<32x16xf32, #tpu.memory_space<vmem>>, vector<16xf32>,
          %mul3A_454 = arith.mulf %mul3A_417, %get3A_453 : vector<16xf32>
          %mul3A_455 = arith.mulf %sub3A_286, %mul3A_454 : vector<16xf32>
          %get3A_456 = arith.constant 2 : i32
          %get3A_457 = arith.index_cast %get3A_456 : i32 to index
          %get3A_458 = arith.constant 0 : index
          %get3A_459 = tpu.vector_load %arg17[%get3A_457, %get3A_458] {strides = array<i32>} : memref<32x16xf32, #tpu.memory_space<vmem>>, vector<16xf32>,
          %add3A_460 = arith.addf %mul3A_455, %get3A_459 : vector<16xf32>
          %mul3A_461 = arith.constant 16 : i32
          %mul3A_462 = arith.muli %scan3A_152, %mul3A_461 : i32
          %swap3A_463 = arith.constant 2 : i32
          %swap3A_464 = arith.index_cast %swap3A_463 : i32 to index
          %swap3A_465 = arith.index_cast %mul3A_462 : i32 to index
          %swap3A_466 = tpu.vector_load %arg14[%swap3A_464, %swap3A_465] {strides = array<i32>} : memref<32x512xf32, #tpu.memory_space<vmem>>, vector<16xf32>,
          tpu.vector_store %arg14[%swap3A_464, %swap3A_465], %add3A_460 {strides = array<i32>} : memref<32x512xf32, #tpu.memory_space<vmem>>, vector<16xf32>,
          %get3A_467 = arith.constant 3 : i32
          %get3A_468 = arith.index_cast %get3A_467 : i32 to index
          %get3A_469 = arith.constant 0 : index
          %get3A_470 = tpu.vector_load %arg16[%get3A_468, %get3A_469] {strides = array<i32>} : memref<32x16xf32, #tpu.memory_space<vmem>>, vector<16xf32>,
          %mul3A_471 = arith.mulf %mul3A_417, %get3A_470 : vector<16xf32>
          %mul3A_472 = arith.mulf %sub3A_287, %mul3A_471 : vector<16xf32>
          %get3A_473 = arith.constant 3 : i32
          %get3A_474 = arith.index_cast %get3A_473 : i32 to index
          %get3A_475 = arith.constant 0 : index
          %get3A_476 = tpu.vector_load %arg17[%get3A_474, %get3A_475] {strides = array<i32>} : memref<32x16xf32, #tpu.memory_space<vmem>>, vector<16xf32>,
          %add3A_477 = arith.addf %mul3A_472, %get3A_476 : vector<16xf32>
          %mul3A_478 = arith.constant 16 : i32
          %mul3A_479 = arith.muli %scan3A_152, %mul3A_478 : i32
          %swap3A_480 = arith.constant 3 : i32
          %swap3A_481 = arith.index_cast %swap3A_480 : i32 to index
          %swap3A_482 = arith.index_cast %mul3A_479 : i32 to index
          %swap3A_483 = tpu.vector_load %arg14[%swap3A_481, %swap3A_482] {strides = array<i32>} : memref<32x512xf32, #tpu.memory_space<vmem>>, vector<16xf32>,
          tpu.vector_store %arg14[%swap3A_481, %swap3A_482], %add3A_477 {strides = array<i32>} : memref<32x512xf32, #tpu.memory_space<vmem>>, vector<16xf32>,
          %get3A_484 = arith.constant 4 : i32
          %get3A_485 = arith.index_cast %get3A_484 : i32 to index
          %get3A_486 = arith.constant 0 : index
          %get3A_487 = tpu.vector_load %arg16[%get3A_485, %get3A_486] {strides = array<i32>} : memref<32x16xf32, #tpu.memory_space<vmem>>, vector<16xf32>,
          %mul3A_488 = arith.mulf %mul3A_417, %get3A_487 : vector<16xf32>
          %mul3A_489 = arith.mulf %sub3A_288, %mul3A_488 : vector<16xf32>
          %get3A_490 = arith.constant 4 : i32
          %get3A_491 = arith.index_cast %get3A_490 : i32 to index
          %get3A_492 = arith.constant 0 : index
          %get3A_493 = tpu.vector_load %arg17[%get3A_491, %get3A_492] {strides = array<i32>} : memref<32x16xf32, #tpu.memory_space<vmem>>, vector<16xf32>,
          %add3A_494 = arith.addf %mul3A_489, %get3A_493 : vector<16xf32>
          %mul3A_495 = arith.constant 16 : i32
          %mul3A_496 = arith.muli %scan3A_152, %mul3A_495 : i32
          %swap3A_497 = arith.constant 4 : i32
          %swap3A_498 = arith.index_cast %swap3A_497 : i32 to index
          %swap3A_499 = arith.index_cast %mul3A_496 : i32 to index
          %swap3A_500 = tpu.vector_load %arg14[%swap3A_498, %swap3A_499] {strides = array<i32>} : memref<32x512xf32, #tpu.memory_space<vmem>>, vector<16xf32>,
          tpu.vector_store %arg14[%swap3A_498, %swap3A_499], %add3A_494 {strides = array<i32>} : memref<32x512xf32, #tpu.memory_space<vmem>>, vector<16xf32>,
          %get3A_501 = arith.constant 5 : i32
          %get3A_502 = arith.index_cast %get3A_501 : i32 to index
          %get3A_503 = arith.constant 0 : index
          %get3A_504 = tpu.vector_load %arg16[%get3A_502, %get3A_503] {strides = array<i32>} : memref<32x16xf32, #tpu.memory_space<vmem>>, vector<16xf32>,
          %mul3A_505 = arith.mulf %mul3A_417, %get3A_504 : vector<16xf32>
          %mul3A_506 = arith.mulf %sub3A_289, %mul3A_505 : vector<16xf32>
          %get3A_507 = arith.constant 5 : i32
          %get3A_508 = arith.index_cast %get3A_507 : i32 to index
          %get3A_509 = arith.constant 0 : index
          %get3A_510 = tpu.vector_load %arg17[%get3A_508, %get3A_509] {strides = array<i32>} : memref<32x16xf32, #tpu.memory_space<vmem>>, vector<16xf32>,
          %add3A_511 = arith.addf %mul3A_506, %get3A_510 : vector<16xf32>
          %mul3A_512 = arith.constant 16 : i32
          %mul3A_513 = arith.muli %scan3A_152, %mul3A_512 : i32
          %swap3A_514 = arith.constant 5 : i32
          %swap3A_515 = arith.index_cast %swap3A_514 : i32 to index
          %swap3A_516 = arith.index_cast %mul3A_513 : i32 to index
          %swap3A_517 = tpu.vector_load %arg14[%swap3A_515, %swap3A_516] {strides = array<i32>} : memref<32x512xf32, #tpu.memory_space<vmem>>, vector<16xf32>,
          tpu.vector_store %arg14[%swap3A_515, %swap3A_516], %add3A_511 {strides = array<i32>} : memref<32x512xf32, #tpu.memory_space<vmem>>, vector<16xf32>,
          %get3A_518 = arith.constant 6 : i32
          %get3A_519 = arith.index_cast %get3A_518 : i32 to index
          %get3A_520 = arith.constant 0 : index
          %get3A_521 = tpu.vector_load %arg16[%get3A_519, %get3A_520] {strides = array<i32>} : memref<32x16xf32, #tpu.memory_space<vmem>>, vector<16xf32>,
          %mul3A_522 = arith.mulf %mul3A_417, %get3A_521 : vector<16xf32>
          %mul3A_523 = arith.mulf %sub3A_290, %mul3A_522 : vector<16xf32>
          %get3A_524 = arith.constant 6 : i32
          %get3A_525 = arith.index_cast %get3A_524 : i32 to index
          %get3A_526 = arith.constant 0 : index
          %get3A_527 = tpu.vector_load %arg17[%get3A_525, %get3A_526] {strides = array<i32>} : memref<32x16xf32, #tpu.memory_space<vmem>>, vector<16xf32>,
          %add3A_528 = arith.addf %mul3A_523, %get3A_527 : vector<16xf32>
          %mul3A_529 = arith.constant 16 : i32
          %mul3A_530 = arith.muli %scan3A_152, %mul3A_529 : i32
          %swap3A_531 = arith.constant 6 : i32
          %swap3A_532 = arith.index_cast %swap3A_531 : i32 to index
          %swap3A_533 = arith.index_cast %mul3A_530 : i32 to index
          %swap3A_534 = tpu.vector_load %arg14[%swap3A_532, %swap3A_533] {strides = array<i32>} : memref<32x512xf32, #tpu.memory_space<vmem>>, vector<16xf32>,
          tpu.vector_store %arg14[%swap3A_532, %swap3A_533], %add3A_528 {strides = array<i32>} : memref<32x512xf32, #tpu.memory_space<vmem>>, vector<16xf32>,
          %get3A_535 = arith.constant 7 : i32
          %get3A_536 = arith.index_cast %get3A_535 : i32 to index
          %get3A_537 = arith.constant 0 : index
          %get3A_538 = tpu.vector_load %arg16[%get3A_536, %get3A_537] {strides = array<i32>} : memref<32x16xf32, #tpu.memory_space<vmem>>, vector<16xf32>,
          %mul3A_539 = arith.mulf %mul3A_417, %get3A_538 : vector<16xf32>
          %mul3A_540 = arith.mulf %sub3A_291, %mul3A_539 : vector<16xf32>
          %get3A_541 = arith.constant 7 : i32
          %get3A_542 = arith.index_cast %get3A_541 : i32 to index
          %get3A_543 = arith.constant 0 : index
          %get3A_544 = tpu.vector_load %arg17[%get3A_542, %get3A_543] {strides = array<i32>} : memref<32x16xf32, #tpu.memory_space<vmem>>, vector<16xf32>,
          %add3A_545 = arith.addf %mul3A_540, %get3A_544 : vector<16xf32>
          %mul3A_546 = arith.constant 16 : i32
          %mul3A_547 = arith.muli %scan3A_152, %mul3A_546 : i32
          %swap3A_548 = arith.constant 7 : i32
          %swap3A_549 = arith.index_cast %swap3A_548 : i32 to index
          %swap3A_550 = arith.index_cast %mul3A_547 : i32 to index
          %swap3A_551 = tpu.vector_load %arg14[%swap3A_549, %swap3A_550] {strides = array<i32>} : memref<32x512xf32, #tpu.memory_space<vmem>>, vector<16xf32>,
          tpu.vector_store %arg14[%swap3A_549, %swap3A_550], %add3A_545 {strides = array<i32>} : memref<32x512xf32, #tpu.memory_space<vmem>>, vector<16xf32>,
          %get3A_552 = arith.constant 8 : i32
          %get3A_553 = arith.index_cast %get3A_552 : i32 to index
          %get3A_554 = arith.constant 0 : index
          %get3A_555 = tpu.vector_load %arg16[%get3A_553, %get3A_554] {strides = array<i32>} : memref<32x16xf32, #tpu.memory_space<vmem>>, vector<16xf32>,
          %mul3A_556 = arith.mulf %mul3A_417, %get3A_555 : vector<16xf32>
          %mul3A_557 = arith.mulf %sub3A_292, %mul3A_556 : vector<16xf32>
          %get3A_558 = arith.constant 8 : i32
          %get3A_559 = arith.index_cast %get3A_558 : i32 to index
          %get3A_560 = arith.constant 0 : index
          %get3A_561 = tpu.vector_load %arg17[%get3A_559, %get3A_560] {strides = array<i32>} : memref<32x16xf32, #tpu.memory_space<vmem>>, vector<16xf32>,
          %add3A_562 = arith.addf %mul3A_557, %get3A_561 : vector<16xf32>
          %mul3A_563 = arith.constant 16 : i32
          %mul3A_564 = arith.muli %scan3A_152, %mul3A_563 : i32
          %swap3A_565 = arith.constant 8 : i32
          %swap3A_566 = arith.index_cast %swap3A_565 : i32 to index
          %swap3A_567 = arith.index_cast %mul3A_564 : i32 to index
          %swap3A_568 = tpu.vector_load %arg14[%swap3A_566, %swap3A_567] {strides = array<i32>} : memref<32x512xf32, #tpu.memory_space<vmem>>, vector<16xf32>,
          tpu.vector_store %arg14[%swap3A_566, %swap3A_567], %add3A_562 {strides = array<i32>} : memref<32x512xf32, #tpu.memory_space<vmem>>, vector<16xf32>,
          %get3A_569 = arith.constant 9 : i32
          %get3A_570 = arith.index_cast %get3A_569 : i32 to index
          %get3A_571 = arith.constant 0 : index
          %get3A_572 = tpu.vector_load %arg16[%get3A_570, %get3A_571] {strides = array<i32>} : memref<32x16xf32, #tpu.memory_space<vmem>>, vector<16xf32>,
          %mul3A_573 = arith.mulf %mul3A_417, %get3A_572 : vector<16xf32>
          %mul3A_574 = arith.mulf %sub3A_293, %mul3A_573 : vector<16xf32>
          %get3A_575 = arith.constant 9 : i32
          %get3A_576 = arith.index_cast %get3A_575 : i32 to index
          %get3A_577 = arith.constant 0 : index
          %get3A_578 = tpu.vector_load %arg17[%get3A_576, %get3A_577] {strides = array<i32>} : memref<32x16xf32, #tpu.memory_space<vmem>>, vector<16xf32>,
          %add3A_579 = arith.addf %mul3A_574, %get3A_578 : vector<16xf32>
          %mul3A_580 = arith.constant 16 : i32
          %mul3A_581 = arith.muli %scan3A_152, %mul3A_580 : i32
          %swap3A_582 = arith.constant 9 : i32
          %swap3A_583 = arith.index_cast %swap3A_582 : i32 to index
          %swap3A_584 = arith.index_cast %mul3A_581 : i32 to index
          %swap3A_585 = tpu.vector_load %arg14[%swap3A_583, %swap3A_584] {strides = array<i32>} : memref<32x512xf32, #tpu.memory_space<vmem>>, vector<16xf32>,
          tpu.vector_store %arg14[%swap3A_583, %swap3A_584], %add3A_579 {strides = array<i32>} : memref<32x512xf32, #tpu.memory_space<vmem>>, vector<16xf32>,
          %get3A_586 = arith.constant 10 : i32
          %get3A_587 = arith.index_cast %get3A_586 : i32 to index
          %get3A_588 = arith.constant 0 : index
          %get3A_589 = tpu.vector_load %arg16[%get3A_587, %get3A_588] {strides = array<i32>} : memref<32x16xf32, #tpu.memory_space<vmem>>, vector<16xf32>,
          %mul3A_590 = arith.mulf %mul3A_417, %get3A_589 : vector<16xf32>
          %mul3A_591 = arith.mulf %sub3A_294, %mul3A_590 : vector<16xf32>
          %get3A_592 = arith.constant 10 : i32
          %get3A_593 = arith.index_cast %get3A_592 : i32 to index
          %get3A_594 = arith.constant 0 : index
          %get3A_595 = tpu.vector_load %arg17[%get3A_593, %get3A_594] {strides = array<i32>} : memref<32x16xf32, #tpu.memory_space<vmem>>, vector<16xf32>,
          %add3A_596 = arith.addf %mul3A_591, %get3A_595 : vector<16xf32>
          %mul3A_597 = arith.constant 16 : i32
          %mul3A_598 = arith.muli %scan3A_152, %mul3A_597 : i32
          %swap3A_599 = arith.constant 10 : i32
          %swap3A_600 = arith.index_cast %swap3A_599 : i32 to index
          %swap3A_601 = arith.index_cast %mul3A_598 : i32 to index
          %swap3A_602 = tpu.vector_load %arg14[%swap3A_600, %swap3A_601] {strides = array<i32>} : memref<32x512xf32, #tpu.memory_space<vmem>>, vector<16xf32>,
          tpu.vector_store %arg14[%swap3A_600, %swap3A_601], %add3A_596 {strides = array<i32>} : memref<32x512xf32, #tpu.memory_space<vmem>>, vector<16xf32>,
          %get3A_603 = arith.constant 11 : i32
          %get3A_604 = arith.index_cast %get3A_603 : i32 to index
          %get3A_605 = arith.constant 0 : index
          %get3A_606 = tpu.vector_load %arg16[%get3A_604, %get3A_605] {strides = array<i32>} : memref<32x16xf32, #tpu.memory_space<vmem>>, vector<16xf32>,
          %mul3A_607 = arith.mulf %mul3A_417, %get3A_606 : vector<16xf32>
          %mul3A_608 = arith.mulf %sub3A_295, %mul3A_607 : vector<16xf32>
          %get3A_609 = arith.constant 11 : i32
          %get3A_610 = arith.index_cast %get3A_609 : i32 to index
          %get3A_611 = arith.constant 0 : index
          %get3A_612 = tpu.vector_load %arg17[%get3A_610, %get3A_611] {strides = array<i32>} : memref<32x16xf32, #tpu.memory_space<vmem>>, vector<16xf32>,
          %add3A_613 = arith.addf %mul3A_608, %get3A_612 : vector<16xf32>
          %mul3A_614 = arith.constant 16 : i32
          %mul3A_615 = arith.muli %scan3A_152, %mul3A_614 : i32
          %swap3A_616 = arith.constant 11 : i32
          %swap3A_617 = arith.index_cast %swap3A_616 : i32 to index
          %swap3A_618 = arith.index_cast %mul3A_615 : i32 to index
          %swap3A_619 = tpu.vector_load %arg14[%swap3A_617, %swap3A_618] {strides = array<i32>} : memref<32x512xf32, #tpu.memory_space<vmem>>, vector<16xf32>,
          tpu.vector_store %arg14[%swap3A_617, %swap3A_618], %add3A_613 {strides = array<i32>} : memref<32x512xf32, #tpu.memory_space<vmem>>, vector<16xf32>,
          %get3A_620 = arith.constant 12 : i32
          %get3A_621 = arith.index_cast %get3A_620 : i32 to index
          %get3A_622 = arith.constant 0 : index
          %get3A_623 = tpu.vector_load %arg16[%get3A_621, %get3A_622] {strides = array<i32>} : memref<32x16xf32, #tpu.memory_space<vmem>>, vector<16xf32>,
          %mul3A_624 = arith.mulf %mul3A_417, %get3A_623 : vector<16xf32>
          %mul3A_625 = arith.mulf %sub3A_296, %mul3A_624 : vector<16xf32>
          %get3A_626 = arith.constant 12 : i32
          %get3A_627 = arith.index_cast %get3A_626 : i32 to index
          %get3A_628 = arith.constant 0 : index
          %get3A_629 = tpu.vector_load %arg17[%get3A_627, %get3A_628] {strides = array<i32>} : memref<32x16xf32, #tpu.memory_space<vmem>>, vector<16xf32>,
          %add3A_630 = arith.addf %mul3A_625, %get3A_629 : vector<16xf32>
          %mul3A_631 = arith.constant 16 : i32
          %mul3A_632 = arith.muli %scan3A_152, %mul3A_631 : i32
          %swap3A_633 = arith.constant 12 : i32
          %swap3A_634 = arith.index_cast %swap3A_633 : i32 to index
          %swap3A_635 = arith.index_cast %mul3A_632 : i32 to index
          %swap3A_636 = tpu.vector_load %arg14[%swap3A_634, %swap3A_635] {strides = array<i32>} : memref<32x512xf32, #tpu.memory_space<vmem>>, vector<16xf32>,
          tpu.vector_store %arg14[%swap3A_634, %swap3A_635], %add3A_630 {strides = array<i32>} : memref<32x512xf32, #tpu.memory_space<vmem>>, vector<16xf32>,
          %get3A_637 = arith.constant 13 : i32
          %get3A_638 = arith.index_cast %get3A_637 : i32 to index
          %get3A_639 = arith.constant 0 : index
          %get3A_640 = tpu.vector_load %arg16[%get3A_638, %get3A_639] {strides = array<i32>} : memref<32x16xf32, #tpu.memory_space<vmem>>, vector<16xf32>,
          %mul3A_641 = arith.mulf %mul3A_417, %get3A_640 : vector<16xf32>
          %mul3A_642 = arith.mulf %sub3A_297, %mul3A_641 : vector<16xf32>
          %get3A_643 = arith.constant 13 : i32
          %get3A_644 = arith.index_cast %get3A_643 : i32 to index
          %get3A_645 = arith.constant 0 : index
          %get3A_646 = tpu.vector_load %arg17[%get3A_644, %get3A_645] {strides = array<i32>} : memref<32x16xf32, #tpu.memory_space<vmem>>, vector<16xf32>,
          %add3A_647 = arith.addf %mul3A_642, %get3A_646 : vector<16xf32>
          %mul3A_648 = arith.constant 16 : i32
          %mul3A_649 = arith.muli %scan3A_152, %mul3A_648 : i32
          %swap3A_650 = arith.constant 13 : i32
          %swap3A_651 = arith.index_cast %swap3A_650 : i32 to index
          %swap3A_652 = arith.index_cast %mul3A_649 : i32 to index
          %swap3A_653 = tpu.vector_load %arg14[%swap3A_651, %swap3A_652] {strides = array<i32>} : memref<32x512xf32, #tpu.memory_space<vmem>>, vector<16xf32>,
          tpu.vector_store %arg14[%swap3A_651, %swap3A_652], %add3A_647 {strides = array<i32>} : memref<32x512xf32, #tpu.memory_space<vmem>>, vector<16xf32>,
          %get3A_654 = arith.constant 14 : i32
          %get3A_655 = arith.index_cast %get3A_654 : i32 to index
          %get3A_656 = arith.constant 0 : index
          %get3A_657 = tpu.vector_load %arg16[%get3A_655, %get3A_656] {strides = array<i32>} : memref<32x16xf32, #tpu.memory_space<vmem>>, vector<16xf32>,
          %mul3A_658 = arith.mulf %mul3A_417, %get3A_657 : vector<16xf32>
          %mul3A_659 = arith.mulf %sub3A_298, %mul3A_658 : vector<16xf32>
          %get3A_660 = arith.constant 14 : i32
          %get3A_661 = arith.index_cast %get3A_660 : i32 to index
          %get3A_662 = arith.constant 0 : index
          %get3A_663 = tpu.vector_load %arg17[%get3A_661, %get3A_662] {strides = array<i32>} : memref<32x16xf32, #tpu.memory_space<vmem>>, vector<16xf32>,
          %add3A_664 = arith.addf %mul3A_659, %get3A_663 : vector<16xf32>
          %mul3A_665 = arith.constant 16 : i32
          %mul3A_666 = arith.muli %scan3A_152, %mul3A_665 : i32
          %swap3A_667 = arith.constant 14 : i32
          %swap3A_668 = arith.index_cast %swap3A_667 : i32 to index
          %swap3A_669 = arith.index_cast %mul3A_666 : i32 to index
          %swap3A_670 = tpu.vector_load %arg14[%swap3A_668, %swap3A_669] {strides = array<i32>} : memref<32x512xf32, #tpu.memory_space<vmem>>, vector<16xf32>,
          tpu.vector_store %arg14[%swap3A_668, %swap3A_669], %add3A_664 {strides = array<i32>} : memref<32x512xf32, #tpu.memory_space<vmem>>, vector<16xf32>,
          %get3A_671 = arith.constant 15 : i32
          %get3A_672 = arith.index_cast %get3A_671 : i32 to index
          %get3A_673 = arith.constant 0 : index
          %get3A_674 = tpu.vector_load %arg16[%get3A_672, %get3A_673] {strides = array<i32>} : memref<32x16xf32, #tpu.memory_space<vmem>>, vector<16xf32>,
          %mul3A_675 = arith.mulf %mul3A_417, %get3A_674 : vector<16xf32>
          %mul3A_676 = arith.mulf %sub3A_299, %mul3A_675 : vector<16xf32>
          %get3A_677 = arith.constant 15 : i32
          %get3A_678 = arith.index_cast %get3A_677 : i32 to index
          %get3A_679 = arith.constant 0 : index
          %get3A_680 = tpu.vector_load %arg17[%get3A_678, %get3A_679] {strides = array<i32>} : memref<32x16xf32, #tpu.memory_space<vmem>>, vector<16xf32>,
          %add3A_681 = arith.addf %mul3A_676, %get3A_680 : vector<16xf32>
          %mul3A_682 = arith.constant 16 : i32
          %mul3A_683 = arith.muli %scan3A_152, %mul3A_682 : i32
          %swap3A_684 = arith.constant 15 : i32
          %swap3A_685 = arith.index_cast %swap3A_684 : i32 to index
          %swap3A_686 = arith.index_cast %mul3A_683 : i32 to index
          %swap3A_687 = tpu.vector_load %arg14[%swap3A_685, %swap3A_686] {strides = array<i32>} : memref<32x512xf32, #tpu.memory_space<vmem>>, vector<16xf32>,
          tpu.vector_store %arg14[%swap3A_685, %swap3A_686], %add3A_681 {strides = array<i32>} : memref<32x512xf32, #tpu.memory_space<vmem>>, vector<16xf32>,
          %get3A_688 = arith.constant 16 : i32
          %get3A_689 = arith.index_cast %get3A_688 : i32 to index
          %get3A_690 = arith.constant 0 : index
          %get3A_691 = tpu.vector_load %arg16[%get3A_689, %get3A_690] {strides = array<i32>} : memref<32x16xf32, #tpu.memory_space<vmem>>, vector<16xf32>,
          %mul3A_692 = arith.mulf %mul3A_417, %get3A_691 : vector<16xf32>
          %mul3A_693 = arith.mulf %sub3A_300, %mul3A_692 : vector<16xf32>
          %get3A_694 = arith.constant 16 : i32
          %get3A_695 = arith.index_cast %get3A_694 : i32 to index
          %get3A_696 = arith.constant 0 : index
          %get3A_697 = tpu.vector_load %arg17[%get3A_695, %get3A_696] {strides = array<i32>} : memref<32x16xf32, #tpu.memory_space<vmem>>, vector<16xf32>,
          %add3A_698 = arith.addf %mul3A_693, %get3A_697 : vector<16xf32>
          %mul3A_699 = arith.constant 16 : i32
          %mul3A_700 = arith.muli %scan3A_152, %mul3A_699 : i32
          %swap3A_701 = arith.constant 16 : i32
          %swap3A_702 = arith.index_cast %swap3A_701 : i32 to index
          %swap3A_703 = arith.index_cast %mul3A_700 : i32 to index
          %swap3A_704 = tpu.vector_load %arg14[%swap3A_702, %swap3A_703] {strides = array<i32>} : memref<32x512xf32, #tpu.memory_space<vmem>>, vector<16xf32>,
          tpu.vector_store %arg14[%swap3A_702, %swap3A_703], %add3A_698 {strides = array<i32>} : memref<32x512xf32, #tpu.memory_space<vmem>>, vector<16xf32>,
          %get3A_705 = arith.constant 17 : i32
          %get3A_706 = arith.index_cast %get3A_705 : i32 to index
          %get3A_707 = arith.constant 0 : index
          %get3A_708 = tpu.vector_load %arg16[%get3A_706, %get3A_707] {strides = array<i32>} : memref<32x16xf32, #tpu.memory_space<vmem>>, vector<16xf32>,
          %mul3A_709 = arith.mulf %mul3A_417, %get3A_708 : vector<16xf32>
          %mul3A_710 = arith.mulf %sub3A_301, %mul3A_709 : vector<16xf32>
          %get3A_711 = arith.constant 17 : i32
          %get3A_712 = arith.index_cast %get3A_711 : i32 to index
          %get3A_713 = arith.constant 0 : index
          %get3A_714 = tpu.vector_load %arg17[%get3A_712, %get3A_713] {strides = array<i32>} : memref<32x16xf32, #tpu.memory_space<vmem>>, vector<16xf32>,
          %add3A_715 = arith.addf %mul3A_710, %get3A_714 : vector<16xf32>
          %mul3A_716 = arith.constant 16 : i32
          %mul3A_717 = arith.muli %scan3A_152, %mul3A_716 : i32
          %swap3A_718 = arith.constant 17 : i32
          %swap3A_719 = arith.index_cast %swap3A_718 : i32 to index
          %swap3A_720 = arith.index_cast %mul3A_717 : i32 to index
          %swap3A_721 = tpu.vector_load %arg14[%swap3A_719, %swap3A_720] {strides = array<i32>} : memref<32x512xf32, #tpu.memory_space<vmem>>, vector<16xf32>,
          tpu.vector_store %arg14[%swap3A_719, %swap3A_720], %add3A_715 {strides = array<i32>} : memref<32x512xf32, #tpu.memory_space<vmem>>, vector<16xf32>,
          %get3A_722 = arith.constant 18 : i32
          %get3A_723 = arith.index_cast %get3A_722 : i32 to index
          %get3A_724 = arith.constant 0 : index
          %get3A_725 = tpu.vector_load %arg16[%get3A_723, %get3A_724] {strides = array<i32>} : memref<32x16xf32, #tpu.memory_space<vmem>>, vector<16xf32>,
          %mul3A_726 = arith.mulf %mul3A_417, %get3A_725 : vector<16xf32>
          %mul3A_727 = arith.mulf %sub3A_302, %mul3A_726 : vector<16xf32>
          %get3A_728 = arith.constant 18 : i32
          %get3A_729 = arith.index_cast %get3A_728 : i32 to index
          %get3A_730 = arith.constant 0 : index
          %get3A_731 = tpu.vector_load %arg17[%get3A_729, %get3A_730] {strides = array<i32>} : memref<32x16xf32, #tpu.memory_space<vmem>>, vector<16xf32>,
          %add3A_732 = arith.addf %mul3A_727, %get3A_731 : vector<16xf32>
          %mul3A_733 = arith.constant 16 : i32
          %mul3A_734 = arith.muli %scan3A_152, %mul3A_733 : i32
          %swap3A_735 = arith.constant 18 : i32
          %swap3A_736 = arith.index_cast %swap3A_735 : i32 to index
          %swap3A_737 = arith.index_cast %mul3A_734 : i32 to index
          %swap3A_738 = tpu.vector_load %arg14[%swap3A_736, %swap3A_737] {strides = array<i32>} : memref<32x512xf32, #tpu.memory_space<vmem>>, vector<16xf32>,
          tpu.vector_store %arg14[%swap3A_736, %swap3A_737], %add3A_732 {strides = array<i32>} : memref<32x512xf32, #tpu.memory_space<vmem>>, vector<16xf32>,
          %get3A_739 = arith.constant 19 : i32
          %get3A_740 = arith.index_cast %get3A_739 : i32 to index
          %get3A_741 = arith.constant 0 : index
          %get3A_742 = tpu.vector_load %arg16[%get3A_740, %get3A_741] {strides = array<i32>} : memref<32x16xf32, #tpu.memory_space<vmem>>, vector<16xf32>,
          %mul3A_743 = arith.mulf %mul3A_417, %get3A_742 : vector<16xf32>
          %mul3A_744 = arith.mulf %sub3A_303, %mul3A_743 : vector<16xf32>
          %get3A_745 = arith.constant 19 : i32
          %get3A_746 = arith.index_cast %get3A_745 : i32 to index
          %get3A_747 = arith.constant 0 : index
          %get3A_748 = tpu.vector_load %arg17[%get3A_746, %get3A_747] {strides = array<i32>} : memref<32x16xf32, #tpu.memory_space<vmem>>, vector<16xf32>,
          %add3A_749 = arith.addf %mul3A_744, %get3A_748 : vector<16xf32>
          %mul3A_750 = arith.constant 16 : i32
          %mul3A_751 = arith.muli %scan3A_152, %mul3A_750 : i32
          %swap3A_752 = arith.constant 19 : i32
          %swap3A_753 = arith.index_cast %swap3A_752 : i32 to index
          %swap3A_754 = arith.index_cast %mul3A_751 : i32 to index
          %swap3A_755 = tpu.vector_load %arg14[%swap3A_753, %swap3A_754] {strides = array<i32>} : memref<32x512xf32, #tpu.memory_space<vmem>>, vector<16xf32>,
          tpu.vector_store %arg14[%swap3A_753, %swap3A_754], %add3A_749 {strides = array<i32>} : memref<32x512xf32, #tpu.memory_space<vmem>>, vector<16xf32>,
          %get3A_756 = arith.constant 20 : i32
          %get3A_757 = arith.index_cast %get3A_756 : i32 to index
          %get3A_758 = arith.constant 0 : index
          %get3A_759 = tpu.vector_load %arg16[%get3A_757, %get3A_758] {strides = array<i32>} : memref<32x16xf32, #tpu.memory_space<vmem>>, vector<16xf32>,
          %mul3A_760 = arith.mulf %mul3A_417, %get3A_759 : vector<16xf32>
          %mul3A_761 = arith.mulf %sub3A_304, %mul3A_760 : vector<16xf32>
          %get3A_762 = arith.constant 20 : i32
          %get3A_763 = arith.index_cast %get3A_762 : i32 to index
          %get3A_764 = arith.constant 0 : index
          %get3A_765 = tpu.vector_load %arg17[%get3A_763, %get3A_764] {strides = array<i32>} : memref<32x16xf32, #tpu.memory_space<vmem>>, vector<16xf32>,
          %add3A_766 = arith.addf %mul3A_761, %get3A_765 : vector<16xf32>
          %mul3A_767 = arith.constant 16 : i32
          %mul3A_768 = arith.muli %scan3A_152, %mul3A_767 : i32
          %swap3A_769 = arith.constant 20 : i32
          %swap3A_770 = arith.index_cast %swap3A_769 : i32 to index
          %swap3A_771 = arith.index_cast %mul3A_768 : i32 to index
          %swap3A_772 = tpu.vector_load %arg14[%swap3A_770, %swap3A_771] {strides = array<i32>} : memref<32x512xf32, #tpu.memory_space<vmem>>, vector<16xf32>,
          tpu.vector_store %arg14[%swap3A_770, %swap3A_771], %add3A_766 {strides = array<i32>} : memref<32x512xf32, #tpu.memory_space<vmem>>, vector<16xf32>,
          %get3A_773 = arith.constant 21 : i32
          %get3A_774 = arith.index_cast %get3A_773 : i32 to index
          %get3A_775 = arith.constant 0 : index
          %get3A_776 = tpu.vector_load %arg16[%get3A_774, %get3A_775] {strides = array<i32>} : memref<32x16xf32, #tpu.memory_space<vmem>>, vector<16xf32>,
          %mul3A_777 = arith.mulf %mul3A_417, %get3A_776 : vector<16xf32>
          %mul3A_778 = arith.mulf %sub3A_305, %mul3A_777 : vector<16xf32>
          %get3A_779 = arith.constant 21 : i32
          %get3A_780 = arith.index_cast %get3A_779 : i32 to index
          %get3A_781 = arith.constant 0 : index
          %get3A_782 = tpu.vector_load %arg17[%get3A_780, %get3A_781] {strides = array<i32>} : memref<32x16xf32, #tpu.memory_space<vmem>>, vector<16xf32>,
          %add3A_783 = arith.addf %mul3A_778, %get3A_782 : vector<16xf32>
          %mul3A_784 = arith.constant 16 : i32
          %mul3A_785 = arith.muli %scan3A_152, %mul3A_784 : i32
          %swap3A_786 = arith.constant 21 : i32
          %swap3A_787 = arith.index_cast %swap3A_786 : i32 to index
          %swap3A_788 = arith.index_cast %mul3A_785 : i32 to index
          %swap3A_789 = tpu.vector_load %arg14[%swap3A_787, %swap3A_788] {strides = array<i32>} : memref<32x512xf32, #tpu.memory_space<vmem>>, vector<16xf32>,
          tpu.vector_store %arg14[%swap3A_787, %swap3A_788], %add3A_783 {strides = array<i32>} : memref<32x512xf32, #tpu.memory_space<vmem>>, vector<16xf32>,
          %get3A_790 = arith.constant 22 : i32
          %get3A_791 = arith.index_cast %get3A_790 : i32 to index
          %get3A_792 = arith.constant 0 : index
          %get3A_793 = tpu.vector_load %arg16[%get3A_791, %get3A_792] {strides = array<i32>} : memref<32x16xf32, #tpu.memory_space<vmem>>, vector<16xf32>,
          %mul3A_794 = arith.mulf %mul3A_417, %get3A_793 : vector<16xf32>
          %mul3A_795 = arith.mulf %sub3A_306, %mul3A_794 : vector<16xf32>
          %get3A_796 = arith.constant 22 : i32
          %get3A_797 = arith.index_cast %get3A_796 : i32 to index
          %get3A_798 = arith.constant 0 : index
          %get3A_799 = tpu.vector_load %arg17[%get3A_797, %get3A_798] {strides = array<i32>} : memref<32x16xf32, #tpu.memory_space<vmem>>, vector<16xf32>,
          %add3A_800 = arith.addf %mul3A_795, %get3A_799 : vector<16xf32>
          %mul3A_801 = arith.constant 16 : i32
          %mul3A_802 = arith.muli %scan3A_152, %mul3A_801 : i32
          %swap3A_803 = arith.constant 22 : i32
          %swap3A_804 = arith.index_cast %swap3A_803 : i32 to index
          %swap3A_805 = arith.index_cast %mul3A_802 : i32 to index
          %swap3A_806 = tpu.vector_load %arg14[%swap3A_804, %swap3A_805] {strides = array<i32>} : memref<32x512xf32, #tpu.memory_space<vmem>>, vector<16xf32>,
          tpu.vector_store %arg14[%swap3A_804, %swap3A_805], %add3A_800 {strides = array<i32>} : memref<32x512xf32, #tpu.memory_space<vmem>>, vector<16xf32>,
          %get3A_807 = arith.constant 23 : i32
          %get3A_808 = arith.index_cast %get3A_807 : i32 to index
          %get3A_809 = arith.constant 0 : index
          %get3A_810 = tpu.vector_load %arg16[%get3A_808, %get3A_809] {strides = array<i32>} : memref<32x16xf32, #tpu.memory_space<vmem>>, vector<16xf32>,
          %mul3A_811 = arith.mulf %mul3A_417, %get3A_810 : vector<16xf32>
          %mul3A_812 = arith.mulf %sub3A_307, %mul3A_811 : vector<16xf32>
          %get3A_813 = arith.constant 23 : i32
          %get3A_814 = arith.index_cast %get3A_813 : i32 to index
          %get3A_815 = arith.constant 0 : index
          %get3A_816 = tpu.vector_load %arg17[%get3A_814, %get3A_815] {strides = array<i32>} : memref<32x16xf32, #tpu.memory_space<vmem>>, vector<16xf32>,
          %add3A_817 = arith.addf %mul3A_812, %get3A_816 : vector<16xf32>
          %mul3A_818 = arith.constant 16 : i32
          %mul3A_819 = arith.muli %scan3A_152, %mul3A_818 : i32
          %swap3A_820 = arith.constant 23 : i32
          %swap3A_821 = arith.index_cast %swap3A_820 : i32 to index
          %swap3A_822 = arith.index_cast %mul3A_819 : i32 to index
          %swap3A_823 = tpu.vector_load %arg14[%swap3A_821, %swap3A_822] {strides = array<i32>} : memref<32x512xf32, #tpu.memory_space<vmem>>, vector<16xf32>,
          tpu.vector_store %arg14[%swap3A_821, %swap3A_822], %add3A_817 {strides = array<i32>} : memref<32x512xf32, #tpu.memory_space<vmem>>, vector<16xf32>,
          %get3A_824 = arith.constant 24 : i32
          %get3A_825 = arith.index_cast %get3A_824 : i32 to index
          %get3A_826 = arith.constant 0 : index
          %get3A_827 = tpu.vector_load %arg16[%get3A_825, %get3A_826] {strides = array<i32>} : memref<32x16xf32, #tpu.memory_space<vmem>>, vector<16xf32>,
          %mul3A_828 = arith.mulf %mul3A_417, %get3A_827 : vector<16xf32>
          %mul3A_829 = arith.mulf %sub3A_308, %mul3A_828 : vector<16xf32>
          %get3A_830 = arith.constant 24 : i32
          %get3A_831 = arith.index_cast %get3A_830 : i32 to index
          %get3A_832 = arith.constant 0 : index
          %get3A_833 = tpu.vector_load %arg17[%get3A_831, %get3A_832] {strides = array<i32>} : memref<32x16xf32, #tpu.memory_space<vmem>>, vector<16xf32>,
          %add3A_834 = arith.addf %mul3A_829, %get3A_833 : vector<16xf32>
          %mul3A_835 = arith.constant 16 : i32
          %mul3A_836 = arith.muli %scan3A_152, %mul3A_835 : i32
          %swap3A_837 = arith.constant 24 : i32
          %swap3A_838 = arith.index_cast %swap3A_837 : i32 to index
          %swap3A_839 = arith.index_cast %mul3A_836 : i32 to index
          %swap3A_840 = tpu.vector_load %arg14[%swap3A_838, %swap3A_839] {strides = array<i32>} : memref<32x512xf32, #tpu.memory_space<vmem>>, vector<16xf32>,
          tpu.vector_store %arg14[%swap3A_838, %swap3A_839], %add3A_834 {strides = array<i32>} : memref<32x512xf32, #tpu.memory_space<vmem>>, vector<16xf32>,
          %get3A_841 = arith.constant 25 : i32
          %get3A_842 = arith.index_cast %get3A_841 : i32 to index
          %get3A_843 = arith.constant 0 : index
          %get3A_844 = tpu.vector_load %arg16[%get3A_842, %get3A_843] {strides = array<i32>} : memref<32x16xf32, #tpu.memory_space<vmem>>, vector<16xf32>,
          %mul3A_845 = arith.mulf %mul3A_417, %get3A_844 : vector<16xf32>
          %mul3A_846 = arith.mulf %sub3A_309, %mul3A_845 : vector<16xf32>
          %get3A_847 = arith.constant 25 : i32
          %get3A_848 = arith.index_cast %get3A_847 : i32 to index
          %get3A_849 = arith.constant 0 : index
          %get3A_850 = tpu.vector_load %arg17[%get3A_848, %get3A_849] {strides = array<i32>} : memref<32x16xf32, #tpu.memory_space<vmem>>, vector<16xf32>,
          %add3A_851 = arith.addf %mul3A_846, %get3A_850 : vector<16xf32>
          %mul3A_852 = arith.constant 16 : i32
          %mul3A_853 = arith.muli %scan3A_152, %mul3A_852 : i32
          %swap3A_854 = arith.constant 25 : i32
          %swap3A_855 = arith.index_cast %swap3A_854 : i32 to index
          %swap3A_856 = arith.index_cast %mul3A_853 : i32 to index
          %swap3A_857 = tpu.vector_load %arg14[%swap3A_855, %swap3A_856] {strides = array<i32>} : memref<32x512xf32, #tpu.memory_space<vmem>>, vector<16xf32>,
          tpu.vector_store %arg14[%swap3A_855, %swap3A_856], %add3A_851 {strides = array<i32>} : memref<32x512xf32, #tpu.memory_space<vmem>>, vector<16xf32>,
          %get3A_858 = arith.constant 26 : i32
          %get3A_859 = arith.index_cast %get3A_858 : i32 to index
          %get3A_860 = arith.constant 0 : index
          %get3A_861 = tpu.vector_load %arg16[%get3A_859, %get3A_860] {strides = array<i32>} : memref<32x16xf32, #tpu.memory_space<vmem>>, vector<16xf32>,
          %mul3A_862 = arith.mulf %mul3A_417, %get3A_861 : vector<16xf32>
          %mul3A_863 = arith.mulf %sub3A_310, %mul3A_862 : vector<16xf32>
          %get3A_864 = arith.constant 26 : i32
          %get3A_865 = arith.index_cast %get3A_864 : i32 to index
          %get3A_866 = arith.constant 0 : index
          %get3A_867 = tpu.vector_load %arg17[%get3A_865, %get3A_866] {strides = array<i32>} : memref<32x16xf32, #tpu.memory_space<vmem>>, vector<16xf32>,
          %add3A_868 = arith.addf %mul3A_863, %get3A_867 : vector<16xf32>
          %mul3A_869 = arith.constant 16 : i32
          %mul3A_870 = arith.muli %scan3A_152, %mul3A_869 : i32
          %swap3A_871 = arith.constant 26 : i32
          %swap3A_872 = arith.index_cast %swap3A_871 : i32 to index
          %swap3A_873 = arith.index_cast %mul3A_870 : i32 to index
          %swap3A_874 = tpu.vector_load %arg14[%swap3A_872, %swap3A_873] {strides = array<i32>} : memref<32x512xf32, #tpu.memory_space<vmem>>, vector<16xf32>,
          tpu.vector_store %arg14[%swap3A_872, %swap3A_873], %add3A_868 {strides = array<i32>} : memref<32x512xf32, #tpu.memory_space<vmem>>, vector<16xf32>,
          %get3A_875 = arith.constant 27 : i32
          %get3A_876 = arith.index_cast %get3A_875 : i32 to index
          %get3A_877 = arith.constant 0 : index
          %get3A_878 = tpu.vector_load %arg16[%get3A_876, %get3A_877] {strides = array<i32>} : memref<32x16xf32, #tpu.memory_space<vmem>>, vector<16xf32>,
          %mul3A_879 = arith.mulf %mul3A_417, %get3A_878 : vector<16xf32>
          %mul3A_880 = arith.mulf %sub3A_311, %mul3A_879 : vector<16xf32>
          %get3A_881 = arith.constant 27 : i32
          %get3A_882 = arith.index_cast %get3A_881 : i32 to index
          %get3A_883 = arith.constant 0 : index
          %get3A_884 = tpu.vector_load %arg17[%get3A_882, %get3A_883] {strides = array<i32>} : memref<32x16xf32, #tpu.memory_space<vmem>>, vector<16xf32>,
          %add3A_885 = arith.addf %mul3A_880, %get3A_884 : vector<16xf32>
          %mul3A_886 = arith.constant 16 : i32
          %mul3A_887 = arith.muli %scan3A_152, %mul3A_886 : i32
          %swap3A_888 = arith.constant 27 : i32
          %swap3A_889 = arith.index_cast %swap3A_888 : i32 to index
          %swap3A_890 = arith.index_cast %mul3A_887 : i32 to index
          %swap3A_891 = tpu.vector_load %arg14[%swap3A_889, %swap3A_890] {strides = array<i32>} : memref<32x512xf32, #tpu.memory_space<vmem>>, vector<16xf32>,
          tpu.vector_store %arg14[%swap3A_889, %swap3A_890], %add3A_885 {strides = array<i32>} : memref<32x512xf32, #tpu.memory_space<vmem>>, vector<16xf32>,
          %get3A_892 = arith.constant 28 : i32
          %get3A_893 = arith.index_cast %get3A_892 : i32 to index
          %get3A_894 = arith.constant 0 : index
          %get3A_895 = tpu.vector_load %arg16[%get3A_893, %get3A_894] {strides = array<i32>} : memref<32x16xf32, #tpu.memory_space<vmem>>, vector<16xf32>,
          %mul3A_896 = arith.mulf %mul3A_417, %get3A_895 : vector<16xf32>
          %mul3A_897 = arith.mulf %sub3A_312, %mul3A_896 : vector<16xf32>
          %get3A_898 = arith.constant 28 : i32
          %get3A_899 = arith.index_cast %get3A_898 : i32 to index
          %get3A_900 = arith.constant 0 : index
          %get3A_901 = tpu.vector_load %arg17[%get3A_899, %get3A_900] {strides = array<i32>} : memref<32x16xf32, #tpu.memory_space<vmem>>, vector<16xf32>,
          %add3A_902 = arith.addf %mul3A_897, %get3A_901 : vector<16xf32>
          %mul3A_903 = arith.constant 16 : i32
          %mul3A_904 = arith.muli %scan3A_152, %mul3A_903 : i32
          %swap3A_905 = arith.constant 28 : i32
          %swap3A_906 = arith.index_cast %swap3A_905 : i32 to index
          %swap3A_907 = arith.index_cast %mul3A_904 : i32 to index
          %swap3A_908 = tpu.vector_load %arg14[%swap3A_906, %swap3A_907] {strides = array<i32>} : memref<32x512xf32, #tpu.memory_space<vmem>>, vector<16xf32>,
          tpu.vector_store %arg14[%swap3A_906, %swap3A_907], %add3A_902 {strides = array<i32>} : memref<32x512xf32, #tpu.memory_space<vmem>>, vector<16xf32>,
          %get3A_909 = arith.constant 29 : i32
          %get3A_910 = arith.index_cast %get3A_909 : i32 to index
          %get3A_911 = arith.constant 0 : index
          %get3A_912 = tpu.vector_load %arg16[%get3A_910, %get3A_911] {strides = array<i32>} : memref<32x16xf32, #tpu.memory_space<vmem>>, vector<16xf32>,
          %mul3A_913 = arith.mulf %mul3A_417, %get3A_912 : vector<16xf32>
          %mul3A_914 = arith.mulf %sub3A_313, %mul3A_913 : vector<16xf32>
          %get3A_915 = arith.constant 29 : i32
          %get3A_916 = arith.index_cast %get3A_915 : i32 to index
          %get3A_917 = arith.constant 0 : index
          %get3A_918 = tpu.vector_load %arg17[%get3A_916, %get3A_917] {strides = array<i32>} : memref<32x16xf32, #tpu.memory_space<vmem>>, vector<16xf32>,
          %add3A_919 = arith.addf %mul3A_914, %get3A_918 : vector<16xf32>
          %mul3A_920 = arith.constant 16 : i32
          %mul3A_921 = arith.muli %scan3A_152, %mul3A_920 : i32
          %swap3A_922 = arith.constant 29 : i32
          %swap3A_923 = arith.index_cast %swap3A_922 : i32 to index
          %swap3A_924 = arith.index_cast %mul3A_921 : i32 to index
          %swap3A_925 = tpu.vector_load %arg14[%swap3A_923, %swap3A_924] {strides = array<i32>} : memref<32x512xf32, #tpu.memory_space<vmem>>, vector<16xf32>,
          tpu.vector_store %arg14[%swap3A_923, %swap3A_924], %add3A_919 {strides = array<i32>} : memref<32x512xf32, #tpu.memory_space<vmem>>, vector<16xf32>,
          %get3A_926 = arith.constant 30 : i32
          %get3A_927 = arith.index_cast %get3A_926 : i32 to index
          %get3A_928 = arith.constant 0 : index
          %get3A_929 = tpu.vector_load %arg16[%get3A_927, %get3A_928] {strides = array<i32>} : memref<32x16xf32, #tpu.memory_space<vmem>>, vector<16xf32>,
          %mul3A_930 = arith.mulf %mul3A_417, %get3A_929 : vector<16xf32>
          %mul3A_931 = arith.mulf %sub3A_314, %mul3A_930 : vector<16xf32>
          %get3A_932 = arith.constant 30 : i32
          %get3A_933 = arith.index_cast %get3A_932 : i32 to index
          %get3A_934 = arith.constant 0 : index
          %get3A_935 = tpu.vector_load %arg17[%get3A_933, %get3A_934] {strides = array<i32>} : memref<32x16xf32, #tpu.memory_space<vmem>>, vector<16xf32>,
          %add3A_936 = arith.addf %mul3A_931, %get3A_935 : vector<16xf32>
          %mul3A_937 = arith.constant 16 : i32
          %mul3A_938 = arith.muli %scan3A_152, %mul3A_937 : i32
          %swap3A_939 = arith.constant 30 : i32
          %swap3A_940 = arith.index_cast %swap3A_939 : i32 to index
          %swap3A_941 = arith.index_cast %mul3A_938 : i32 to index
          %swap3A_942 = tpu.vector_load %arg14[%swap3A_940, %swap3A_941] {strides = array<i32>} : memref<32x512xf32, #tpu.memory_space<vmem>>, vector<16xf32>,
          tpu.vector_store %arg14[%swap3A_940, %swap3A_941], %add3A_936 {strides = array<i32>} : memref<32x512xf32, #tpu.memory_space<vmem>>, vector<16xf32>,
          %get3A_943 = arith.constant 31 : i32
          %get3A_944 = arith.index_cast %get3A_943 : i32 to index
          %get3A_945 = arith.constant 0 : index
          %get3A_946 = tpu.vector_load %arg16[%get3A_944, %get3A_945] {strides = array<i32>} : memref<32x16xf32, #tpu.memory_space<vmem>>, vector<16xf32>,
          %mul3A_947 = arith.mulf %mul3A_417, %get3A_946 : vector<16xf32>
          %mul3A_948 = arith.mulf %sub3A_315, %mul3A_947 : vector<16xf32>
          %get3A_949 = arith.constant 31 : i32
          %get3A_950 = arith.index_cast %get3A_949 : i32 to index
          %get3A_951 = arith.constant 0 : index
          %get3A_952 = tpu.vector_load %arg17[%get3A_950, %get3A_951] {strides = array<i32>} : memref<32x16xf32, #tpu.memory_space<vmem>>, vector<16xf32>,
          %add3A_953 = arith.addf %mul3A_948, %get3A_952 : vector<16xf32>
          %mul3A_954 = arith.constant 16 : i32
          %mul3A_955 = arith.muli %scan3A_152, %mul3A_954 : i32
          %swap3A_956 = arith.constant 31 : i32
          %swap3A_957 = arith.index_cast %swap3A_956 : i32 to index
          %swap3A_958 = arith.index_cast %mul3A_955 : i32 to index
          %swap3A_959 = tpu.vector_load %arg14[%swap3A_957, %swap3A_958] {strides = array<i32>} : memref<32x512xf32, #tpu.memory_space<vmem>>, vector<16xf32>,
          tpu.vector_store %arg14[%swap3A_957, %swap3A_958], %add3A_953 {strides = array<i32>} : memref<32x512xf32, #tpu.memory_space<vmem>>, vector<16xf32>,
        }
        %scan3A_145 = arith.constant 32 : i32
        %dma_start3A_146 = arith.constant 0 : i32
        %dma_start3A_147 = tpu.memref_slice %arg6[%add3A_108, %dma_start3A_146, %multiple_of3A] : memref<50x32x16384xf32, #tpu.memory_space<hbm>> -> memref<1x32x512xf32, #tpu.memory_space<hbm>>
        %dma_start3A_148 = tpu.memref_squeeze %dma_start3A_147 : memref<1x32x512xf32, #tpu.memory_space<hbm>> -> memref<32x512xf32, #tpu.memory_space<hbm>>
        %dma_start3A_149 = arith.constant 0 : i32
        %dma_start3A_150 = tpu.memref_slice %arg6[%add3A_108, %dma_start3A_149, %multiple_of3A] : memref<50x32x16384xf32, #tpu.memory_space<hbm>> -> memref<1x32x512xf32, #tpu.memory_space<hbm>>
        %dma_start3A_151 = tpu.memref_squeeze %dma_start3A_150 : memref<1x32x512xf32, #tpu.memory_space<hbm>> -> memref<32x512xf32, #tpu.memory_space<hbm>>
        tpu.enqueue_dma source(%arg14 : memref<32x512xf32, #tpu.memory_space<vmem>>) target(%dma_start3A_151 : memref<32x512xf32, #tpu.memory_space<hbm>>) target_semaphore(%arg22 : memref<!tpu.dma_semaphore, #tpu.memory_space<semaphore_mem>>)
      } else {
      }
      %mul3A_114 = arith.constant 3 : i32
      %mul3A_115 = arith.muli %scan3A_98, %mul3A_114 : i32
      %add3A_116 = arith.constant 2 : i32
      %add3A_117 = arith.addi %mul3A_115, %add3A_116 : i32
      %lt3A_118 = arith.constant 50 : i32
      %lt3A_119 = arith.cmpi slt, %add3A_117, %lt3A_118 : i32
      %convert_element_type3A_120 = arith.extui %lt3A_119 : i1 to i32
      %cond3A_121 = arith.constant 0 : i32
      %cond3A_122 = arith.cmpi ne, %convert_element_type3A_120, %cond3A_121 : i32
      scf.if %cond3A_122 {
        %add3A_123 = arith.constant 2 : i32
        %add3A_124 = arith.addi %add3A_117, %add3A_123 : i32
        %lt3A_125 = arith.constant 50 : i32
        %lt3A_126 = arith.cmpi slt, %add3A_124, %lt3A_125 : i32
        %convert_element_type3A_127 = arith.extui %lt3A_126 : i1 to i32
        %cond3A_128 = arith.constant 0 : i32
        %cond3A_129 = arith.cmpi ne, %convert_element_type3A_127, %cond3A_128 : i32
        scf.if %cond3A_129 {
          %add3A_152 = arith.constant 2 : i32
          %add3A_153 = arith.addi %add3A_117, %add3A_152 : i32
          "tpu.region"() ({
            %run_scoped3A_186 = tpu.sem_alloc : memref<!tpu.dma_semaphore, #tpu.memory_space<semaphore_mem>>
            %dma_start3A_187 = tpu.memref_slice %arg2[%add3A_153, %multiple_of3A] : memref<50x16384xi32, #tpu.memory_space<hbm>> -> memref<1x512xi32, #tpu.memory_space<hbm>>
            %dma_start3A_188 = tpu.memref_squeeze %dma_start3A_187 : memref<1x512xi32, #tpu.memory_space<hbm>> -> memref<512xi32, #tpu.memory_space<hbm>>
            %dma_start3A_189 = tpu.memref_slice %arg2[%add3A_153, %multiple_of3A] : memref<50x16384xi32, #tpu.memory_space<hbm>> -> memref<1x512xi32, #tpu.memory_space<hbm>>
            %dma_start3A_190 = tpu.memref_squeeze %dma_start3A_189 : memref<1x512xi32, #tpu.memory_space<hbm>> -> memref<512xi32, #tpu.memory_space<hbm>>
            tpu.enqueue_dma source(%dma_start3A_190 : memref<512xi32, #tpu.memory_space<hbm>>) target(%arg8 : memref<512xi32, #tpu.memory_space<vmem>>) target_semaphore(%run_scoped3A_186 : memref<!tpu.dma_semaphore, #tpu.memory_space<semaphore_mem>>)
            %dma_wait3A_191 = tpu.memref_slice %arg2[%add3A_153, %multiple_of3A] : memref<50x16384xi32, #tpu.memory_space<hbm>> -> memref<1x512xi32, #tpu.memory_space<hbm>>
            %dma_wait3A_192 = tpu.memref_squeeze %dma_wait3A_191 : memref<1x512xi32, #tpu.memory_space<hbm>> -> memref<512xi32, #tpu.memory_space<hbm>>
            %dma_wait3A_193 = tpu.memref_slice %arg2[%add3A_153, %multiple_of3A] : memref<50x16384xi32, #tpu.memory_space<hbm>> -> memref<1x512xi32, #tpu.memory_space<hbm>>
            %dma_wait3A_194 = tpu.memref_squeeze %dma_wait3A_193 : memref<1x512xi32, #tpu.memory_space<hbm>> -> memref<512xi32, #tpu.memory_space<hbm>>
            tpu.wait_dma2 semaphore(%run_scoped3A_186 : memref<!tpu.dma_semaphore, #tpu.memory_space<semaphore_mem>>) src(%dma_wait3A_194 : memref<512xi32, #tpu.memory_space<hbm>>) dst(%arg8 : memref<512xi32, #tpu.memory_space<vmem>>)
            tpu.yield
          }) : () -> ()
          %dma_start3A_154 = arith.constant 0 : i32
          %dma_start3A_155 = arith.constant 0 : i32
          %dma_start3A_156 = tpu.memref_slice %arg11[%dma_start3A_154, %dma_start3A_155] : memref<512x32xf32, #tpu.memory_space<vmem>> -> memref<128x32xf32, #tpu.memory_space<vmem>>
          %dma_start3A_157 = arith.constant 0 : i32
          %dma_start3A_158 = tpu.memref_slice %arg8[%dma_start3A_157] : memref<512xi32, #tpu.memory_space<vmem>> -> memref<128xi32, #tpu.memory_space<vmem>>
          %dma_start3A_159 = arith.constant 0 : i32
          %dma_start3A_160 = arith.constant 0 : i32
          %dma_start3A_161 = tpu.memref_slice %arg3[%dma_start3A_159, %dma_start3A_160] : memref<1000000x32xf32, #tpu.memory_space<hbm>> -> memref<1000000x32xf32, #tpu.memory_space<hbm>>
          tpu.enqueue_indirect_dma source(%dma_start3A_161 : memref<1000000x32xf32, #tpu.memory_space<hbm>>) target(%dma_start3A_156 : memref<128x32xf32, #tpu.memory_space<vmem>>) offsets(%dma_start3A_158 : memref<128xi32, #tpu.memory_space<vmem>>) semaphore(%arg19 : memref<!tpu.dma_semaphore, #tpu.memory_space<semaphore_mem>>)
          %dma_start3A_162 = arith.constant 128 : i32
          %dma_start3A_163 = arith.constant 0 : i32
          %dma_start3A_164 = tpu.memref_slice %arg11[%dma_start3A_162, %dma_start3A_163] : memref<512x32xf32, #tpu.memory_space<vmem>> -> memref<128x32xf32, #tpu.memory_space<vmem>>
          %dma_start3A_165 = arith.constant 128 : i32
          %dma_start3A_166 = tpu.memref_slice %arg8[%dma_start3A_165] : memref<512xi32, #tpu.memory_space<vmem>> -> memref<128xi32, #tpu.memory_space<vmem>>
          %dma_start3A_167 = arith.constant 0 : i32
          %dma_start3A_168 = arith.constant 0 : i32
          %dma_start3A_169 = tpu.memref_slice %arg3[%dma_start3A_167, %dma_start3A_168] : memref<1000000x32xf32, #tpu.memory_space<hbm>> -> memref<1000000x32xf32, #tpu.memory_space<hbm>>
          tpu.enqueue_indirect_dma source(%dma_start3A_169 : memref<1000000x32xf32, #tpu.memory_space<hbm>>) target(%dma_start3A_164 : memref<128x32xf32, #tpu.memory_space<vmem>>) offsets(%dma_start3A_166 : memref<128xi32, #tpu.memory_space<vmem>>) semaphore(%arg19 : memref<!tpu.dma_semaphore, #tpu.memory_space<semaphore_mem>>)
          %dma_start3A_170 = arith.constant 256 : i32
          %dma_start3A_171 = arith.constant 0 : i32
          %dma_start3A_172 = tpu.memref_slice %arg11[%dma_start3A_170, %dma_start3A_171] : memref<512x32xf32, #tpu.memory_space<vmem>> -> memref<128x32xf32, #tpu.memory_space<vmem>>
          %dma_start3A_173 = arith.constant 256 : i32
          %dma_start3A_174 = tpu.memref_slice %arg8[%dma_start3A_173] : memref<512xi32, #tpu.memory_space<vmem>> -> memref<128xi32, #tpu.memory_space<vmem>>
          %dma_start3A_175 = arith.constant 0 : i32
          %dma_start3A_176 = arith.constant 0 : i32
          %dma_start3A_177 = tpu.memref_slice %arg3[%dma_start3A_175, %dma_start3A_176] : memref<1000000x32xf32, #tpu.memory_space<hbm>> -> memref<1000000x32xf32, #tpu.memory_space<hbm>>
          tpu.enqueue_indirect_dma source(%dma_start3A_177 : memref<1000000x32xf32, #tpu.memory_space<hbm>>) target(%dma_start3A_172 : memref<128x32xf32, #tpu.memory_space<vmem>>) offsets(%dma_start3A_174 : memref<128xi32, #tpu.memory_space<vmem>>) semaphore(%arg19 : memref<!tpu.dma_semaphore, #tpu.memory_space<semaphore_mem>>)
          %dma_start3A_178 = arith.constant 384 : i32
          %dma_start3A_179 = arith.constant 0 : i32
          %dma_start3A_180 = tpu.memref_slice %arg11[%dma_start3A_178, %dma_start3A_179] : memref<512x32xf32, #tpu.memory_space<vmem>> -> memref<128x32xf32, #tpu.memory_space<vmem>>
          %dma_start3A_181 = arith.constant 384 : i32
          %dma_start3A_182 = tpu.memref_slice %arg8[%dma_start3A_181] : memref<512xi32, #tpu.memory_space<vmem>> -> memref<128xi32, #tpu.memory_space<vmem>>
          %dma_start3A_183 = arith.constant 0 : i32
          %dma_start3A_184 = arith.constant 0 : i32
          %dma_start3A_185 = tpu.memref_slice %arg3[%dma_start3A_183, %dma_start3A_184] : memref<1000000x32xf32, #tpu.memory_space<hbm>> -> memref<1000000x32xf32, #tpu.memory_space<hbm>>
          tpu.enqueue_indirect_dma source(%dma_start3A_185 : memref<1000000x32xf32, #tpu.memory_space<hbm>>) target(%dma_start3A_180 : memref<128x32xf32, #tpu.memory_space<vmem>>) offsets(%dma_start3A_182 : memref<128xi32, #tpu.memory_space<vmem>>) semaphore(%arg19 : memref<!tpu.dma_semaphore, #tpu.memory_space<semaphore_mem>>)
        } else {
        }
        %dma_wait3A_130 = arith.constant 0 : i32
        %dma_wait3A_131 = arith.constant 0 : i32
        %dma_wait3A_132 = tpu.memref_slice %arg3[%dma_wait3A_130, %dma_wait3A_131] : memref<1000000x32xf32, #tpu.memory_space<hbm>> -> memref<512x32xf32, #tpu.memory_space<hbm>>
        %dma_wait3A_133 = arith.constant 0 : i32
        %dma_wait3A_134 = arith.constant 0 : i32
        %dma_wait3A_135 = tpu.memref_slice %arg3[%dma_wait3A_133, %dma_wait3A_134] : memref<1000000x32xf32, #tpu.memory_space<hbm>> -> memref<512x32xf32, #tpu.memory_space<hbm>>
        tpu.wait_dma2 semaphore(%arg20 : memref<!tpu.dma_semaphore, #tpu.memory_space<semaphore_mem>>) src(%dma_wait3A_135 : memref<512x32xf32, #tpu.memory_space<hbm>>) dst(%arg12 : memref<512x32xf32, #tpu.memory_space<vmem>>)
        %ge3A = arith.constant 3 : i32
        %ge3A_136 = arith.cmpi sge, %add3A_117, %ge3A : i32
        %convert_element_type3A_137 = arith.extui %ge3A_136 : i1 to i32
        %cond3A_138 = arith.constant 0 : i32
        %cond3A_139 = arith.cmpi ne, %convert_element_type3A_137, %cond3A_138 : i32
        scf.if %cond3A_139 {
          %dma_wait3A_152 = arith.constant 0 : i32
          %dma_wait3A_153 = arith.constant 0 : i32
          %dma_wait3A_154 = arith.constant 0 : i32
          %dma_wait3A_155 = tpu.memref_slice %arg6[%dma_wait3A_152, %dma_wait3A_153, %dma_wait3A_154] : memref<50x32x16384xf32, #tpu.memory_space<hbm>> -> memref<1x32x512xf32, #tpu.memory_space<hbm>>
          %dma_wait3A_156 = tpu.memref_squeeze %dma_wait3A_155 : memref<1x32x512xf32, #tpu.memory_space<hbm>> -> memref<32x512xf32, #tpu.memory_space<hbm>>
          %dma_wait3A_157 = arith.constant 0 : i32
          %dma_wait3A_158 = arith.constant 0 : i32
          %dma_wait3A_159 = tpu.memref_slice %arg6[%dma_wait3A_152, %dma_wait3A_157, %dma_wait3A_158] : memref<50x32x16384xf32, #tpu.memory_space<hbm>> -> memref<1x32x512xf32, #tpu.memory_space<hbm>>
          %dma_wait3A_160 = tpu.memref_squeeze %dma_wait3A_159 : memref<1x32x512xf32, #tpu.memory_space<hbm>> -> memref<32x512xf32, #tpu.memory_space<hbm>>
          tpu.wait_dma2 semaphore(%arg23 : memref<!tpu.dma_semaphore, #tpu.memory_space<semaphore_mem>>) src(%arg15 : memref<32x512xf32, #tpu.memory_space<vmem>>) dst(%dma_wait3A_160 : memref<32x512xf32, #tpu.memory_space<hbm>>)
        } else {
        }
        %scan3A_140 = arith.constant 0 : i32
        %scan3A_141 = arith.constant 0 : i32
        %scan3A_142 = arith.constant 32 : i32
        %scan3A_143 = arith.addi %scan3A_141, %scan3A_142 : i32
        %scan3A_144 = arith.constant 1 : i32
        scf.for %scan3A_152 = %scan3A_141 to %scan3A_143 step %scan3A_144  : i32 {
          %mul3A_153 = arith.constant 16 : i32
          %mul3A_154 = arith.muli %scan3A_152, %mul3A_153 : i32
          %add3A_155 = vector.broadcast %mul3A_154 : i32 to vector<16xi32>
          %add3A_156 = arith.addi %add3A_155, %iota3A : vector<16xi32>
          %broadcast_in_dim3A = arith.constant 0 : i32
          %broadcast_in_dim3A_157 = vector.broadcast %broadcast_in_dim3A : i32 to vector<16xi32>
          %gather3A = tpu.vector_load_idx %arg12[%add3A_156, %broadcast_in_dim3A_157] : memref<512x32xf32, #tpu.memory_space<vmem>>[vector<16xi32>, vector<16xi32>], vector<16xf32>,
          %broadcast_in_dim3A_158 = arith.constant 1 : i32
          %broadcast_in_dim3A_159 = vector.broadcast %broadcast_in_dim3A_158 : i32 to vector<16xi32>
          %gather3A_160 = tpu.vector_load_idx %arg12[%add3A_156, %broadcast_in_dim3A_159] : memref<512x32xf32, #tpu.memory_space<vmem>>[vector<16xi32>, vector<16xi32>], vector<16xf32>,
          %broadcast_in_dim3A_161 = arith.constant 2 : i32
          %broadcast_in_dim3A_162 = vector.broadcast %broadcast_in_dim3A_161 : i32 to vector<16xi32>
          %gather3A_163 = tpu.vector_load_idx %arg12[%add3A_156, %broadcast_in_dim3A_162] : memref<512x32xf32, #tpu.memory_space<vmem>>[vector<16xi32>, vector<16xi32>], vector<16xf32>,
          %broadcast_in_dim3A_164 = arith.constant 3 : i32
          %broadcast_in_dim3A_165 = vector.broadcast %broadcast_in_dim3A_164 : i32 to vector<16xi32>
          %gather3A_166 = tpu.vector_load_idx %arg12[%add3A_156, %broadcast_in_dim3A_165] : memref<512x32xf32, #tpu.memory_space<vmem>>[vector<16xi32>, vector<16xi32>], vector<16xf32>,
          %broadcast_in_dim3A_167 = arith.constant 4 : i32
          %broadcast_in_dim3A_168 = vector.broadcast %broadcast_in_dim3A_167 : i32 to vector<16xi32>
          %gather3A_169 = tpu.vector_load_idx %arg12[%add3A_156, %broadcast_in_dim3A_168] : memref<512x32xf32, #tpu.memory_space<vmem>>[vector<16xi32>, vector<16xi32>], vector<16xf32>,
          %broadcast_in_dim3A_170 = arith.constant 5 : i32
          %broadcast_in_dim3A_171 = vector.broadcast %broadcast_in_dim3A_170 : i32 to vector<16xi32>
          %gather3A_172 = tpu.vector_load_idx %arg12[%add3A_156, %broadcast_in_dim3A_171] : memref<512x32xf32, #tpu.memory_space<vmem>>[vector<16xi32>, vector<16xi32>], vector<16xf32>,
          %broadcast_in_dim3A_173 = arith.constant 6 : i32
          %broadcast_in_dim3A_174 = vector.broadcast %broadcast_in_dim3A_173 : i32 to vector<16xi32>
          %gather3A_175 = tpu.vector_load_idx %arg12[%add3A_156, %broadcast_in_dim3A_174] : memref<512x32xf32, #tpu.memory_space<vmem>>[vector<16xi32>, vector<16xi32>], vector<16xf32>,
          %broadcast_in_dim3A_176 = arith.constant 7 : i32
          %broadcast_in_dim3A_177 = vector.broadcast %broadcast_in_dim3A_176 : i32 to vector<16xi32>
          %gather3A_178 = tpu.vector_load_idx %arg12[%add3A_156, %broadcast_in_dim3A_177] : memref<512x32xf32, #tpu.memory_space<vmem>>[vector<16xi32>, vector<16xi32>], vector<16xf32>,
          %broadcast_in_dim3A_179 = arith.constant 8 : i32
          %broadcast_in_dim3A_180 = vector.broadcast %broadcast_in_dim3A_179 : i32 to vector<16xi32>
          %gather3A_181 = tpu.vector_load_idx %arg12[%add3A_156, %broadcast_in_dim3A_180] : memref<512x32xf32, #tpu.memory_space<vmem>>[vector<16xi32>, vector<16xi32>], vector<16xf32>,
          %broadcast_in_dim3A_182 = arith.constant 9 : i32
          %broadcast_in_dim3A_183 = vector.broadcast %broadcast_in_dim3A_182 : i32 to vector<16xi32>
          %gather3A_184 = tpu.vector_load_idx %arg12[%add3A_156, %broadcast_in_dim3A_183] : memref<512x32xf32, #tpu.memory_space<vmem>>[vector<16xi32>, vector<16xi32>], vector<16xf32>,
          %broadcast_in_dim3A_185 = arith.constant 10 : i32
          %broadcast_in_dim3A_186 = vector.broadcast %broadcast_in_dim3A_185 : i32 to vector<16xi32>
          %gather3A_187 = tpu.vector_load_idx %arg12[%add3A_156, %broadcast_in_dim3A_186] : memref<512x32xf32, #tpu.memory_space<vmem>>[vector<16xi32>, vector<16xi32>], vector<16xf32>,
          %broadcast_in_dim3A_188 = arith.constant 11 : i32
          %broadcast_in_dim3A_189 = vector.broadcast %broadcast_in_dim3A_188 : i32 to vector<16xi32>
          %gather3A_190 = tpu.vector_load_idx %arg12[%add3A_156, %broadcast_in_dim3A_189] : memref<512x32xf32, #tpu.memory_space<vmem>>[vector<16xi32>, vector<16xi32>], vector<16xf32>,
          %broadcast_in_dim3A_191 = arith.constant 12 : i32
          %broadcast_in_dim3A_192 = vector.broadcast %broadcast_in_dim3A_191 : i32 to vector<16xi32>
          %gather3A_193 = tpu.vector_load_idx %arg12[%add3A_156, %broadcast_in_dim3A_192] : memref<512x32xf32, #tpu.memory_space<vmem>>[vector<16xi32>, vector<16xi32>], vector<16xf32>,
          %broadcast_in_dim3A_194 = arith.constant 13 : i32
          %broadcast_in_dim3A_195 = vector.broadcast %broadcast_in_dim3A_194 : i32 to vector<16xi32>
          %gather3A_196 = tpu.vector_load_idx %arg12[%add3A_156, %broadcast_in_dim3A_195] : memref<512x32xf32, #tpu.memory_space<vmem>>[vector<16xi32>, vector<16xi32>], vector<16xf32>,
          %broadcast_in_dim3A_197 = arith.constant 14 : i32
          %broadcast_in_dim3A_198 = vector.broadcast %broadcast_in_dim3A_197 : i32 to vector<16xi32>
          %gather3A_199 = tpu.vector_load_idx %arg12[%add3A_156, %broadcast_in_dim3A_198] : memref<512x32xf32, #tpu.memory_space<vmem>>[vector<16xi32>, vector<16xi32>], vector<16xf32>,
          %broadcast_in_dim3A_200 = arith.constant 15 : i32
          %broadcast_in_dim3A_201 = vector.broadcast %broadcast_in_dim3A_200 : i32 to vector<16xi32>
          %gather3A_202 = tpu.vector_load_idx %arg12[%add3A_156, %broadcast_in_dim3A_201] : memref<512x32xf32, #tpu.memory_space<vmem>>[vector<16xi32>, vector<16xi32>], vector<16xf32>,
          %broadcast_in_dim3A_203 = arith.constant 16 : i32
          %broadcast_in_dim3A_204 = vector.broadcast %broadcast_in_dim3A_203 : i32 to vector<16xi32>
          %gather3A_205 = tpu.vector_load_idx %arg12[%add3A_156, %broadcast_in_dim3A_204] : memref<512x32xf32, #tpu.memory_space<vmem>>[vector<16xi32>, vector<16xi32>], vector<16xf32>,
          %broadcast_in_dim3A_206 = arith.constant 17 : i32
          %broadcast_in_dim3A_207 = vector.broadcast %broadcast_in_dim3A_206 : i32 to vector<16xi32>
          %gather3A_208 = tpu.vector_load_idx %arg12[%add3A_156, %broadcast_in_dim3A_207] : memref<512x32xf32, #tpu.memory_space<vmem>>[vector<16xi32>, vector<16xi32>], vector<16xf32>,
          %broadcast_in_dim3A_209 = arith.constant 18 : i32
          %broadcast_in_dim3A_210 = vector.broadcast %broadcast_in_dim3A_209 : i32 to vector<16xi32>
          %gather3A_211 = tpu.vector_load_idx %arg12[%add3A_156, %broadcast_in_dim3A_210] : memref<512x32xf32, #tpu.memory_space<vmem>>[vector<16xi32>, vector<16xi32>], vector<16xf32>,
          %broadcast_in_dim3A_212 = arith.constant 19 : i32
          %broadcast_in_dim3A_213 = vector.broadcast %broadcast_in_dim3A_212 : i32 to vector<16xi32>
          %gather3A_214 = tpu.vector_load_idx %arg12[%add3A_156, %broadcast_in_dim3A_213] : memref<512x32xf32, #tpu.memory_space<vmem>>[vector<16xi32>, vector<16xi32>], vector<16xf32>,
          %broadcast_in_dim3A_215 = arith.constant 20 : i32
          %broadcast_in_dim3A_216 = vector.broadcast %broadcast_in_dim3A_215 : i32 to vector<16xi32>
          %gather3A_217 = tpu.vector_load_idx %arg12[%add3A_156, %broadcast_in_dim3A_216] : memref<512x32xf32, #tpu.memory_space<vmem>>[vector<16xi32>, vector<16xi32>], vector<16xf32>,
          %broadcast_in_dim3A_218 = arith.constant 21 : i32
          %broadcast_in_dim3A_219 = vector.broadcast %broadcast_in_dim3A_218 : i32 to vector<16xi32>
          %gather3A_220 = tpu.vector_load_idx %arg12[%add3A_156, %broadcast_in_dim3A_219] : memref<512x32xf32, #tpu.memory_space<vmem>>[vector<16xi32>, vector<16xi32>], vector<16xf32>,
          %broadcast_in_dim3A_221 = arith.constant 22 : i32
          %broadcast_in_dim3A_222 = vector.broadcast %broadcast_in_dim3A_221 : i32 to vector<16xi32>
          %gather3A_223 = tpu.vector_load_idx %arg12[%add3A_156, %broadcast_in_dim3A_222] : memref<512x32xf32, #tpu.memory_space<vmem>>[vector<16xi32>, vector<16xi32>], vector<16xf32>,
          %broadcast_in_dim3A_224 = arith.constant 23 : i32
          %broadcast_in_dim3A_225 = vector.broadcast %broadcast_in_dim3A_224 : i32 to vector<16xi32>
          %gather3A_226 = tpu.vector_load_idx %arg12[%add3A_156, %broadcast_in_dim3A_225] : memref<512x32xf32, #tpu.memory_space<vmem>>[vector<16xi32>, vector<16xi32>], vector<16xf32>,
          %broadcast_in_dim3A_227 = arith.constant 24 : i32
          %broadcast_in_dim3A_228 = vector.broadcast %broadcast_in_dim3A_227 : i32 to vector<16xi32>
          %gather3A_229 = tpu.vector_load_idx %arg12[%add3A_156, %broadcast_in_dim3A_228] : memref<512x32xf32, #tpu.memory_space<vmem>>[vector<16xi32>, vector<16xi32>], vector<16xf32>,
          %broadcast_in_dim3A_230 = arith.constant 25 : i32
          %broadcast_in_dim3A_231 = vector.broadcast %broadcast_in_dim3A_230 : i32 to vector<16xi32>
          %gather3A_232 = tpu.vector_load_idx %arg12[%add3A_156, %broadcast_in_dim3A_231] : memref<512x32xf32, #tpu.memory_space<vmem>>[vector<16xi32>, vector<16xi32>], vector<16xf32>,
          %broadcast_in_dim3A_233 = arith.constant 26 : i32
          %broadcast_in_dim3A_234 = vector.broadcast %broadcast_in_dim3A_233 : i32 to vector<16xi32>
          %gather3A_235 = tpu.vector_load_idx %arg12[%add3A_156, %broadcast_in_dim3A_234] : memref<512x32xf32, #tpu.memory_space<vmem>>[vector<16xi32>, vector<16xi32>], vector<16xf32>,
          %broadcast_in_dim3A_236 = arith.constant 27 : i32
          %broadcast_in_dim3A_237 = vector.broadcast %broadcast_in_dim3A_236 : i32 to vector<16xi32>
          %gather3A_238 = tpu.vector_load_idx %arg12[%add3A_156, %broadcast_in_dim3A_237] : memref<512x32xf32, #tpu.memory_space<vmem>>[vector<16xi32>, vector<16xi32>], vector<16xf32>,
          %broadcast_in_dim3A_239 = arith.constant 28 : i32
          %broadcast_in_dim3A_240 = vector.broadcast %broadcast_in_dim3A_239 : i32 to vector<16xi32>
          %gather3A_241 = tpu.vector_load_idx %arg12[%add3A_156, %broadcast_in_dim3A_240] : memref<512x32xf32, #tpu.memory_space<vmem>>[vector<16xi32>, vector<16xi32>], vector<16xf32>,
          %broadcast_in_dim3A_242 = arith.constant 29 : i32
          %broadcast_in_dim3A_243 = vector.broadcast %broadcast_in_dim3A_242 : i32 to vector<16xi32>
          %gather3A_244 = tpu.vector_load_idx %arg12[%add3A_156, %broadcast_in_dim3A_243] : memref<512x32xf32, #tpu.memory_space<vmem>>[vector<16xi32>, vector<16xi32>], vector<16xf32>,
          %broadcast_in_dim3A_245 = arith.constant 30 : i32
          %broadcast_in_dim3A_246 = vector.broadcast %broadcast_in_dim3A_245 : i32 to vector<16xi32>
          %gather3A_247 = tpu.vector_load_idx %arg12[%add3A_156, %broadcast_in_dim3A_246] : memref<512x32xf32, #tpu.memory_space<vmem>>[vector<16xi32>, vector<16xi32>], vector<16xf32>,
          %broadcast_in_dim3A_248 = arith.constant 31 : i32
          %broadcast_in_dim3A_249 = vector.broadcast %broadcast_in_dim3A_248 : i32 to vector<16xi32>
          %gather3A_250 = tpu.vector_load_idx %arg12[%add3A_156, %broadcast_in_dim3A_249] : memref<512x32xf32, #tpu.memory_space<vmem>>[vector<16xi32>, vector<16xi32>], vector<16xf32>,
          %add3A_251 = arith.addf %gather3A, %gather3A_160 : vector<16xf32>
          %add3A_252 = arith.addf %gather3A_163, %gather3A_166 : vector<16xf32>
          %add3A_253 = arith.addf %gather3A_169, %gather3A_172 : vector<16xf32>
          %add3A_254 = arith.addf %gather3A_175, %gather3A_178 : vector<16xf32>
          %add3A_255 = arith.addf %gather3A_181, %gather3A_184 : vector<16xf32>
          %add3A_256 = arith.addf %gather3A_187, %gather3A_190 : vector<16xf32>
          %add3A_257 = arith.addf %gather3A_193, %gather3A_196 : vector<16xf32>
          %add3A_258 = arith.addf %gather3A_199, %gather3A_202 : vector<16xf32>
          %add3A_259 = arith.addf %gather3A_205, %gather3A_208 : vector<16xf32>
          %add3A_260 = arith.addf %gather3A_211, %gather3A_214 : vector<16xf32>
          %add3A_261 = arith.addf %gather3A_217, %gather3A_220 : vector<16xf32>
          %add3A_262 = arith.addf %gather3A_223, %gather3A_226 : vector<16xf32>
          %add3A_263 = arith.addf %gather3A_229, %gather3A_232 : vector<16xf32>
          %add3A_264 = arith.addf %gather3A_235, %gather3A_238 : vector<16xf32>
          %add3A_265 = arith.addf %gather3A_241, %gather3A_244 : vector<16xf32>
          %add3A_266 = arith.addf %gather3A_247, %gather3A_250 : vector<16xf32>
          %add3A_267 = arith.addf %add3A_251, %add3A_252 : vector<16xf32>
          %add3A_268 = arith.addf %add3A_253, %add3A_254 : vector<16xf32>
          %add3A_269 = arith.addf %add3A_255, %add3A_256 : vector<16xf32>
          %add3A_270 = arith.addf %add3A_257, %add3A_258 : vector<16xf32>
          %add3A_271 = arith.addf %add3A_259, %add3A_260 : vector<16xf32>
          %add3A_272 = arith.addf %add3A_261, %add3A_262 : vector<16xf32>
          %add3A_273 = arith.addf %add3A_263, %add3A_264 : vector<16xf32>
          %add3A_274 = arith.addf %add3A_265, %add3A_266 : vector<16xf32>
          %add3A_275 = arith.addf %add3A_267, %add3A_268 : vector<16xf32>
          %add3A_276 = arith.addf %add3A_269, %add3A_270 : vector<16xf32>
          %add3A_277 = arith.addf %add3A_271, %add3A_272 : vector<16xf32>
          %add3A_278 = arith.addf %add3A_273, %add3A_274 : vector<16xf32>
          %add3A_279 = arith.addf %add3A_275, %add3A_276 : vector<16xf32>
          %add3A_280 = arith.addf %add3A_277, %add3A_278 : vector<16xf32>
          %add3A_281 = arith.addf %add3A_279, %add3A_280 : vector<16xf32>
          %mul3A_282 = arith.constant 3.125000e-02 : f32
          %mul3A_283 = vector.broadcast %mul3A_282 : f32 to vector<16xf32>
          %mul3A_284 = arith.mulf %add3A_281, %mul3A_283 : vector<16xf32>
          %sub3A = arith.subf %gather3A, %mul3A_284 : vector<16xf32>
          %sub3A_285 = arith.subf %gather3A_160, %mul3A_284 : vector<16xf32>
          %sub3A_286 = arith.subf %gather3A_163, %mul3A_284 : vector<16xf32>
          %sub3A_287 = arith.subf %gather3A_166, %mul3A_284 : vector<16xf32>
          %sub3A_288 = arith.subf %gather3A_169, %mul3A_284 : vector<16xf32>
          %sub3A_289 = arith.subf %gather3A_172, %mul3A_284 : vector<16xf32>
          %sub3A_290 = arith.subf %gather3A_175, %mul3A_284 : vector<16xf32>
          %sub3A_291 = arith.subf %gather3A_178, %mul3A_284 : vector<16xf32>
          %sub3A_292 = arith.subf %gather3A_181, %mul3A_284 : vector<16xf32>
          %sub3A_293 = arith.subf %gather3A_184, %mul3A_284 : vector<16xf32>
          %sub3A_294 = arith.subf %gather3A_187, %mul3A_284 : vector<16xf32>
          %sub3A_295 = arith.subf %gather3A_190, %mul3A_284 : vector<16xf32>
          %sub3A_296 = arith.subf %gather3A_193, %mul3A_284 : vector<16xf32>
          %sub3A_297 = arith.subf %gather3A_196, %mul3A_284 : vector<16xf32>
          %sub3A_298 = arith.subf %gather3A_199, %mul3A_284 : vector<16xf32>
          %sub3A_299 = arith.subf %gather3A_202, %mul3A_284 : vector<16xf32>
          %sub3A_300 = arith.subf %gather3A_205, %mul3A_284 : vector<16xf32>
          %sub3A_301 = arith.subf %gather3A_208, %mul3A_284 : vector<16xf32>
          %sub3A_302 = arith.subf %gather3A_211, %mul3A_284 : vector<16xf32>
          %sub3A_303 = arith.subf %gather3A_214, %mul3A_284 : vector<16xf32>
          %sub3A_304 = arith.subf %gather3A_217, %mul3A_284 : vector<16xf32>
          %sub3A_305 = arith.subf %gather3A_220, %mul3A_284 : vector<16xf32>
          %sub3A_306 = arith.subf %gather3A_223, %mul3A_284 : vector<16xf32>
          %sub3A_307 = arith.subf %gather3A_226, %mul3A_284 : vector<16xf32>
          %sub3A_308 = arith.subf %gather3A_229, %mul3A_284 : vector<16xf32>
          %sub3A_309 = arith.subf %gather3A_232, %mul3A_284 : vector<16xf32>
          %sub3A_310 = arith.subf %gather3A_235, %mul3A_284 : vector<16xf32>
          %sub3A_311 = arith.subf %gather3A_238, %mul3A_284 : vector<16xf32>
          %sub3A_312 = arith.subf %gather3A_241, %mul3A_284 : vector<16xf32>
          %sub3A_313 = arith.subf %gather3A_244, %mul3A_284 : vector<16xf32>
          %sub3A_314 = arith.subf %gather3A_247, %mul3A_284 : vector<16xf32>
          %sub3A_315 = arith.subf %gather3A_250, %mul3A_284 : vector<16xf32>
          %mul3A_316 = arith.mulf %sub3A, %sub3A : vector<16xf32>
          %mul3A_317 = arith.mulf %sub3A_285, %sub3A_285 : vector<16xf32>
          %mul3A_318 = arith.mulf %sub3A_286, %sub3A_286 : vector<16xf32>
          %mul3A_319 = arith.mulf %sub3A_287, %sub3A_287 : vector<16xf32>
          %mul3A_320 = arith.mulf %sub3A_288, %sub3A_288 : vector<16xf32>
          %mul3A_321 = arith.mulf %sub3A_289, %sub3A_289 : vector<16xf32>
          %mul3A_322 = arith.mulf %sub3A_290, %sub3A_290 : vector<16xf32>
          %mul3A_323 = arith.mulf %sub3A_291, %sub3A_291 : vector<16xf32>
          %mul3A_324 = arith.mulf %sub3A_292, %sub3A_292 : vector<16xf32>
          %mul3A_325 = arith.mulf %sub3A_293, %sub3A_293 : vector<16xf32>
          %mul3A_326 = arith.mulf %sub3A_294, %sub3A_294 : vector<16xf32>
          %mul3A_327 = arith.mulf %sub3A_295, %sub3A_295 : vector<16xf32>
          %mul3A_328 = arith.mulf %sub3A_296, %sub3A_296 : vector<16xf32>
          %mul3A_329 = arith.mulf %sub3A_297, %sub3A_297 : vector<16xf32>
          %mul3A_330 = arith.mulf %sub3A_298, %sub3A_298 : vector<16xf32>
          %mul3A_331 = arith.mulf %sub3A_299, %sub3A_299 : vector<16xf32>
          %mul3A_332 = arith.mulf %sub3A_300, %sub3A_300 : vector<16xf32>
          %mul3A_333 = arith.mulf %sub3A_301, %sub3A_301 : vector<16xf32>
          %mul3A_334 = arith.mulf %sub3A_302, %sub3A_302 : vector<16xf32>
          %mul3A_335 = arith.mulf %sub3A_303, %sub3A_303 : vector<16xf32>
          %mul3A_336 = arith.mulf %sub3A_304, %sub3A_304 : vector<16xf32>
          %mul3A_337 = arith.mulf %sub3A_305, %sub3A_305 : vector<16xf32>
          %mul3A_338 = arith.mulf %sub3A_306, %sub3A_306 : vector<16xf32>
          %mul3A_339 = arith.mulf %sub3A_307, %sub3A_307 : vector<16xf32>
          %mul3A_340 = arith.mulf %sub3A_308, %sub3A_308 : vector<16xf32>
          %mul3A_341 = arith.mulf %sub3A_309, %sub3A_309 : vector<16xf32>
          %mul3A_342 = arith.mulf %sub3A_310, %sub3A_310 : vector<16xf32>
          %mul3A_343 = arith.mulf %sub3A_311, %sub3A_311 : vector<16xf32>
          %mul3A_344 = arith.mulf %sub3A_312, %sub3A_312 : vector<16xf32>
          %mul3A_345 = arith.mulf %sub3A_313, %sub3A_313 : vector<16xf32>
          %mul3A_346 = arith.mulf %sub3A_314, %sub3A_314 : vector<16xf32>
          %mul3A_347 = arith.mulf %sub3A_315, %sub3A_315 : vector<16xf32>
          %add3A_348 = arith.addf %mul3A_316, %mul3A_317 : vector<16xf32>
          %add3A_349 = arith.addf %mul3A_318, %mul3A_319 : vector<16xf32>
          %add3A_350 = arith.addf %mul3A_320, %mul3A_321 : vector<16xf32>
          %add3A_351 = arith.addf %mul3A_322, %mul3A_323 : vector<16xf32>
          %add3A_352 = arith.addf %mul3A_324, %mul3A_325 : vector<16xf32>
          %add3A_353 = arith.addf %mul3A_326, %mul3A_327 : vector<16xf32>
          %add3A_354 = arith.addf %mul3A_328, %mul3A_329 : vector<16xf32>
          %add3A_355 = arith.addf %mul3A_330, %mul3A_331 : vector<16xf32>
          %add3A_356 = arith.addf %mul3A_332, %mul3A_333 : vector<16xf32>
          %add3A_357 = arith.addf %mul3A_334, %mul3A_335 : vector<16xf32>
          %add3A_358 = arith.addf %mul3A_336, %mul3A_337 : vector<16xf32>
          %add3A_359 = arith.addf %mul3A_338, %mul3A_339 : vector<16xf32>
          %add3A_360 = arith.addf %mul3A_340, %mul3A_341 : vector<16xf32>
          %add3A_361 = arith.addf %mul3A_342, %mul3A_343 : vector<16xf32>
          %add3A_362 = arith.addf %mul3A_344, %mul3A_345 : vector<16xf32>
          %add3A_363 = arith.addf %mul3A_346, %mul3A_347 : vector<16xf32>
          %add3A_364 = arith.addf %add3A_348, %add3A_349 : vector<16xf32>
          %add3A_365 = arith.addf %add3A_350, %add3A_351 : vector<16xf32>
          %add3A_366 = arith.addf %add3A_352, %add3A_353 : vector<16xf32>
          %add3A_367 = arith.addf %add3A_354, %add3A_355 : vector<16xf32>
          %add3A_368 = arith.addf %add3A_356, %add3A_357 : vector<16xf32>
          %add3A_369 = arith.addf %add3A_358, %add3A_359 : vector<16xf32>
          %add3A_370 = arith.addf %add3A_360, %add3A_361 : vector<16xf32>
          %add3A_371 = arith.addf %add3A_362, %add3A_363 : vector<16xf32>
          %add3A_372 = arith.addf %add3A_364, %add3A_365 : vector<16xf32>
          %add3A_373 = arith.addf %add3A_366, %add3A_367 : vector<16xf32>
          %add3A_374 = arith.addf %add3A_368, %add3A_369 : vector<16xf32>
          %add3A_375 = arith.addf %add3A_370, %add3A_371 : vector<16xf32>
          %add3A_376 = arith.addf %add3A_372, %add3A_373 : vector<16xf32>
          %add3A_377 = arith.addf %add3A_374, %add3A_375 : vector<16xf32>
          %add3A_378 = arith.addf %add3A_376, %add3A_377 : vector<16xf32>
          %mul3A_379 = arith.constant 3.125000e-02 : f32
          %mul3A_380 = vector.broadcast %mul3A_379 : f32 to vector<16xf32>
          %mul3A_381 = arith.mulf %add3A_378, %mul3A_380 : vector<16xf32>
          %add3A_382 = arith.constant 9.99999974E-6 : f32
          %add3A_383 = vector.broadcast %add3A_382 : f32 to vector<16xf32>
          %add3A_384 = arith.addf %mul3A_381, %add3A_383 : vector<16xf32>
          %bitcast_convert_type3A = tpu.bitcast %add3A_384 : vector<16xf32> -> vector<16xi32>
          %shift_right_arithmetic3A = arith.constant 1 : i32
          %shift_right_arithmetic3A_385 = vector.broadcast %shift_right_arithmetic3A : i32 to vector<16xi32>
          %shift_right_arithmetic3A_386 = arith.shrsi %bitcast_convert_type3A, %shift_right_arithmetic3A_385 : vector<16xi32>
          %sub3A_387 = arith.constant 1597463007 : i32
          %sub3A_388 = vector.broadcast %sub3A_387 : i32 to vector<16xi32>
          %sub3A_389 = arith.subi %sub3A_388, %shift_right_arithmetic3A_386 : vector<16xi32>
          %bitcast_convert_type3A_390 = tpu.bitcast %sub3A_389 : vector<16xi32> -> vector<16xf32>
          %mul3A_391 = arith.constant 5.000000e-01 : f32
          %mul3A_392 = vector.broadcast %mul3A_391 : f32 to vector<16xf32>
          %mul3A_393 = arith.mulf %mul3A_392, %add3A_384 : vector<16xf32>
          %mul3A_394 = arith.mulf %mul3A_393, %bitcast_convert_type3A_390 : vector<16xf32>
          %mul3A_395 = arith.mulf %mul3A_394, %bitcast_convert_type3A_390 : vector<16xf32>
          %sub3A_396 = arith.constant 1.500000e+00 : f32
          %sub3A_397 = vector.broadcast %sub3A_396 : f32 to vector<16xf32>
          %sub3A_398 = arith.subf %sub3A_397, %mul3A_395 : vector<16xf32>
          %mul3A_399 = arith.mulf %bitcast_convert_type3A_390, %sub3A_398 : vector<16xf32>
          %mul3A_400 = arith.constant 5.000000e-01 : f32
          %mul3A_401 = vector.broadcast %mul3A_400 : f32 to vector<16xf32>
          %mul3A_402 = arith.mulf %mul3A_401, %add3A_384 : vector<16xf32>
          %mul3A_403 = arith.mulf %mul3A_402, %mul3A_399 : vector<16xf32>
          %mul3A_404 = arith.mulf %mul3A_403, %mul3A_399 : vector<16xf32>
          %sub3A_405 = arith.constant 1.500000e+00 : f32
          %sub3A_406 = vector.broadcast %sub3A_405 : f32 to vector<16xf32>
          %sub3A_407 = arith.subf %sub3A_406, %mul3A_404 : vector<16xf32>
          %mul3A_408 = arith.mulf %mul3A_399, %sub3A_407 : vector<16xf32>
          %mul3A_409 = arith.constant 5.000000e-01 : f32
          %mul3A_410 = vector.broadcast %mul3A_409 : f32 to vector<16xf32>
          %mul3A_411 = arith.mulf %mul3A_410, %add3A_384 : vector<16xf32>
          %mul3A_412 = arith.mulf %mul3A_411, %mul3A_408 : vector<16xf32>
          %mul3A_413 = arith.mulf %mul3A_412, %mul3A_408 : vector<16xf32>
          %sub3A_414 = arith.constant 1.500000e+00 : f32
          %sub3A_415 = vector.broadcast %sub3A_414 : f32 to vector<16xf32>
          %sub3A_416 = arith.subf %sub3A_415, %mul3A_413 : vector<16xf32>
          %mul3A_417 = arith.mulf %mul3A_408, %sub3A_416 : vector<16xf32>
          %get3A = arith.constant 0 : i32
          %get3A_418 = arith.index_cast %get3A : i32 to index
          %get3A_419 = arith.constant 0 : index
          %get3A_420 = tpu.vector_load %arg16[%get3A_418, %get3A_419] {strides = array<i32>} : memref<32x16xf32, #tpu.memory_space<vmem>>, vector<16xf32>,
          %mul3A_421 = arith.mulf %mul3A_417, %get3A_420 : vector<16xf32>
          %mul3A_422 = arith.mulf %sub3A, %mul3A_421 : vector<16xf32>
          %get3A_423 = arith.constant 0 : i32
          %get3A_424 = arith.index_cast %get3A_423 : i32 to index
          %get3A_425 = arith.constant 0 : index
          %get3A_426 = tpu.vector_load %arg17[%get3A_424, %get3A_425] {strides = array<i32>} : memref<32x16xf32, #tpu.memory_space<vmem>>, vector<16xf32>,
          %add3A_427 = arith.addf %mul3A_422, %get3A_426 : vector<16xf32>
          %mul3A_428 = arith.constant 16 : i32
          %mul3A_429 = arith.muli %scan3A_152, %mul3A_428 : i32
          %swap3A = arith.constant 0 : i32
          %swap3A_430 = arith.index_cast %swap3A : i32 to index
          %swap3A_431 = arith.index_cast %mul3A_429 : i32 to index
          %swap3A_432 = tpu.vector_load %arg15[%swap3A_430, %swap3A_431] {strides = array<i32>} : memref<32x512xf32, #tpu.memory_space<vmem>>, vector<16xf32>,
          tpu.vector_store %arg15[%swap3A_430, %swap3A_431], %add3A_427 {strides = array<i32>} : memref<32x512xf32, #tpu.memory_space<vmem>>, vector<16xf32>,
          %get3A_433 = arith.constant 1 : i32
          %get3A_434 = arith.index_cast %get3A_433 : i32 to index
          %get3A_435 = arith.constant 0 : index
          %get3A_436 = tpu.vector_load %arg16[%get3A_434, %get3A_435] {strides = array<i32>} : memref<32x16xf32, #tpu.memory_space<vmem>>, vector<16xf32>,
          %mul3A_437 = arith.mulf %mul3A_417, %get3A_436 : vector<16xf32>
          %mul3A_438 = arith.mulf %sub3A_285, %mul3A_437 : vector<16xf32>
          %get3A_439 = arith.constant 1 : i32
          %get3A_440 = arith.index_cast %get3A_439 : i32 to index
          %get3A_441 = arith.constant 0 : index
          %get3A_442 = tpu.vector_load %arg17[%get3A_440, %get3A_441] {strides = array<i32>} : memref<32x16xf32, #tpu.memory_space<vmem>>, vector<16xf32>,
          %add3A_443 = arith.addf %mul3A_438, %get3A_442 : vector<16xf32>
          %mul3A_444 = arith.constant 16 : i32
          %mul3A_445 = arith.muli %scan3A_152, %mul3A_444 : i32
          %swap3A_446 = arith.constant 1 : i32
          %swap3A_447 = arith.index_cast %swap3A_446 : i32 to index
          %swap3A_448 = arith.index_cast %mul3A_445 : i32 to index
          %swap3A_449 = tpu.vector_load %arg15[%swap3A_447, %swap3A_448] {strides = array<i32>} : memref<32x512xf32, #tpu.memory_space<vmem>>, vector<16xf32>,
          tpu.vector_store %arg15[%swap3A_447, %swap3A_448], %add3A_443 {strides = array<i32>} : memref<32x512xf32, #tpu.memory_space<vmem>>, vector<16xf32>,
          %get3A_450 = arith.constant 2 : i32
          %get3A_451 = arith.index_cast %get3A_450 : i32 to index
          %get3A_452 = arith.constant 0 : index
          %get3A_453 = tpu.vector_load %arg16[%get3A_451, %get3A_452] {strides = array<i32>} : memref<32x16xf32, #tpu.memory_space<vmem>>, vector<16xf32>,
          %mul3A_454 = arith.mulf %mul3A_417, %get3A_453 : vector<16xf32>
          %mul3A_455 = arith.mulf %sub3A_286, %mul3A_454 : vector<16xf32>
          %get3A_456 = arith.constant 2 : i32
          %get3A_457 = arith.index_cast %get3A_456 : i32 to index
          %get3A_458 = arith.constant 0 : index
          %get3A_459 = tpu.vector_load %arg17[%get3A_457, %get3A_458] {strides = array<i32>} : memref<32x16xf32, #tpu.memory_space<vmem>>, vector<16xf32>,
          %add3A_460 = arith.addf %mul3A_455, %get3A_459 : vector<16xf32>
          %mul3A_461 = arith.constant 16 : i32
          %mul3A_462 = arith.muli %scan3A_152, %mul3A_461 : i32
          %swap3A_463 = arith.constant 2 : i32
          %swap3A_464 = arith.index_cast %swap3A_463 : i32 to index
          %swap3A_465 = arith.index_cast %mul3A_462 : i32 to index
          %swap3A_466 = tpu.vector_load %arg15[%swap3A_464, %swap3A_465] {strides = array<i32>} : memref<32x512xf32, #tpu.memory_space<vmem>>, vector<16xf32>,
          tpu.vector_store %arg15[%swap3A_464, %swap3A_465], %add3A_460 {strides = array<i32>} : memref<32x512xf32, #tpu.memory_space<vmem>>, vector<16xf32>,
          %get3A_467 = arith.constant 3 : i32
          %get3A_468 = arith.index_cast %get3A_467 : i32 to index
          %get3A_469 = arith.constant 0 : index
          %get3A_470 = tpu.vector_load %arg16[%get3A_468, %get3A_469] {strides = array<i32>} : memref<32x16xf32, #tpu.memory_space<vmem>>, vector<16xf32>,
          %mul3A_471 = arith.mulf %mul3A_417, %get3A_470 : vector<16xf32>
          %mul3A_472 = arith.mulf %sub3A_287, %mul3A_471 : vector<16xf32>
          %get3A_473 = arith.constant 3 : i32
          %get3A_474 = arith.index_cast %get3A_473 : i32 to index
          %get3A_475 = arith.constant 0 : index
          %get3A_476 = tpu.vector_load %arg17[%get3A_474, %get3A_475] {strides = array<i32>} : memref<32x16xf32, #tpu.memory_space<vmem>>, vector<16xf32>,
          %add3A_477 = arith.addf %mul3A_472, %get3A_476 : vector<16xf32>
          %mul3A_478 = arith.constant 16 : i32
          %mul3A_479 = arith.muli %scan3A_152, %mul3A_478 : i32
          %swap3A_480 = arith.constant 3 : i32
          %swap3A_481 = arith.index_cast %swap3A_480 : i32 to index
          %swap3A_482 = arith.index_cast %mul3A_479 : i32 to index
          %swap3A_483 = tpu.vector_load %arg15[%swap3A_481, %swap3A_482] {strides = array<i32>} : memref<32x512xf32, #tpu.memory_space<vmem>>, vector<16xf32>,
          tpu.vector_store %arg15[%swap3A_481, %swap3A_482], %add3A_477 {strides = array<i32>} : memref<32x512xf32, #tpu.memory_space<vmem>>, vector<16xf32>,
          %get3A_484 = arith.constant 4 : i32
          %get3A_485 = arith.index_cast %get3A_484 : i32 to index
          %get3A_486 = arith.constant 0 : index
          %get3A_487 = tpu.vector_load %arg16[%get3A_485, %get3A_486] {strides = array<i32>} : memref<32x16xf32, #tpu.memory_space<vmem>>, vector<16xf32>,
          %mul3A_488 = arith.mulf %mul3A_417, %get3A_487 : vector<16xf32>
          %mul3A_489 = arith.mulf %sub3A_288, %mul3A_488 : vector<16xf32>
          %get3A_490 = arith.constant 4 : i32
          %get3A_491 = arith.index_cast %get3A_490 : i32 to index
          %get3A_492 = arith.constant 0 : index
          %get3A_493 = tpu.vector_load %arg17[%get3A_491, %get3A_492] {strides = array<i32>} : memref<32x16xf32, #tpu.memory_space<vmem>>, vector<16xf32>,
          %add3A_494 = arith.addf %mul3A_489, %get3A_493 : vector<16xf32>
          %mul3A_495 = arith.constant 16 : i32
          %mul3A_496 = arith.muli %scan3A_152, %mul3A_495 : i32
          %swap3A_497 = arith.constant 4 : i32
          %swap3A_498 = arith.index_cast %swap3A_497 : i32 to index
          %swap3A_499 = arith.index_cast %mul3A_496 : i32 to index
          %swap3A_500 = tpu.vector_load %arg15[%swap3A_498, %swap3A_499] {strides = array<i32>} : memref<32x512xf32, #tpu.memory_space<vmem>>, vector<16xf32>,
          tpu.vector_store %arg15[%swap3A_498, %swap3A_499], %add3A_494 {strides = array<i32>} : memref<32x512xf32, #tpu.memory_space<vmem>>, vector<16xf32>,
          %get3A_501 = arith.constant 5 : i32
          %get3A_502 = arith.index_cast %get3A_501 : i32 to index
          %get3A_503 = arith.constant 0 : index
          %get3A_504 = tpu.vector_load %arg16[%get3A_502, %get3A_503] {strides = array<i32>} : memref<32x16xf32, #tpu.memory_space<vmem>>, vector<16xf32>,
          %mul3A_505 = arith.mulf %mul3A_417, %get3A_504 : vector<16xf32>
          %mul3A_506 = arith.mulf %sub3A_289, %mul3A_505 : vector<16xf32>
          %get3A_507 = arith.constant 5 : i32
          %get3A_508 = arith.index_cast %get3A_507 : i32 to index
          %get3A_509 = arith.constant 0 : index
          %get3A_510 = tpu.vector_load %arg17[%get3A_508, %get3A_509] {strides = array<i32>} : memref<32x16xf32, #tpu.memory_space<vmem>>, vector<16xf32>,
          %add3A_511 = arith.addf %mul3A_506, %get3A_510 : vector<16xf32>
          %mul3A_512 = arith.constant 16 : i32
          %mul3A_513 = arith.muli %scan3A_152, %mul3A_512 : i32
          %swap3A_514 = arith.constant 5 : i32
          %swap3A_515 = arith.index_cast %swap3A_514 : i32 to index
          %swap3A_516 = arith.index_cast %mul3A_513 : i32 to index
          %swap3A_517 = tpu.vector_load %arg15[%swap3A_515, %swap3A_516] {strides = array<i32>} : memref<32x512xf32, #tpu.memory_space<vmem>>, vector<16xf32>,
          tpu.vector_store %arg15[%swap3A_515, %swap3A_516], %add3A_511 {strides = array<i32>} : memref<32x512xf32, #tpu.memory_space<vmem>>, vector<16xf32>,
          %get3A_518 = arith.constant 6 : i32
          %get3A_519 = arith.index_cast %get3A_518 : i32 to index
          %get3A_520 = arith.constant 0 : index
          %get3A_521 = tpu.vector_load %arg16[%get3A_519, %get3A_520] {strides = array<i32>} : memref<32x16xf32, #tpu.memory_space<vmem>>, vector<16xf32>,
          %mul3A_522 = arith.mulf %mul3A_417, %get3A_521 : vector<16xf32>
          %mul3A_523 = arith.mulf %sub3A_290, %mul3A_522 : vector<16xf32>
          %get3A_524 = arith.constant 6 : i32
          %get3A_525 = arith.index_cast %get3A_524 : i32 to index
          %get3A_526 = arith.constant 0 : index
          %get3A_527 = tpu.vector_load %arg17[%get3A_525, %get3A_526] {strides = array<i32>} : memref<32x16xf32, #tpu.memory_space<vmem>>, vector<16xf32>,
          %add3A_528 = arith.addf %mul3A_523, %get3A_527 : vector<16xf32>
          %mul3A_529 = arith.constant 16 : i32
          %mul3A_530 = arith.muli %scan3A_152, %mul3A_529 : i32
          %swap3A_531 = arith.constant 6 : i32
          %swap3A_532 = arith.index_cast %swap3A_531 : i32 to index
          %swap3A_533 = arith.index_cast %mul3A_530 : i32 to index
          %swap3A_534 = tpu.vector_load %arg15[%swap3A_532, %swap3A_533] {strides = array<i32>} : memref<32x512xf32, #tpu.memory_space<vmem>>, vector<16xf32>,
          tpu.vector_store %arg15[%swap3A_532, %swap3A_533], %add3A_528 {strides = array<i32>} : memref<32x512xf32, #tpu.memory_space<vmem>>, vector<16xf32>,
          %get3A_535 = arith.constant 7 : i32
          %get3A_536 = arith.index_cast %get3A_535 : i32 to index
          %get3A_537 = arith.constant 0 : index
          %get3A_538 = tpu.vector_load %arg16[%get3A_536, %get3A_537] {strides = array<i32>} : memref<32x16xf32, #tpu.memory_space<vmem>>, vector<16xf32>,
          %mul3A_539 = arith.mulf %mul3A_417, %get3A_538 : vector<16xf32>
          %mul3A_540 = arith.mulf %sub3A_291, %mul3A_539 : vector<16xf32>
          %get3A_541 = arith.constant 7 : i32
          %get3A_542 = arith.index_cast %get3A_541 : i32 to index
          %get3A_543 = arith.constant 0 : index
          %get3A_544 = tpu.vector_load %arg17[%get3A_542, %get3A_543] {strides = array<i32>} : memref<32x16xf32, #tpu.memory_space<vmem>>, vector<16xf32>,
          %add3A_545 = arith.addf %mul3A_540, %get3A_544 : vector<16xf32>
          %mul3A_546 = arith.constant 16 : i32
          %mul3A_547 = arith.muli %scan3A_152, %mul3A_546 : i32
          %swap3A_548 = arith.constant 7 : i32
          %swap3A_549 = arith.index_cast %swap3A_548 : i32 to index
          %swap3A_550 = arith.index_cast %mul3A_547 : i32 to index
          %swap3A_551 = tpu.vector_load %arg15[%swap3A_549, %swap3A_550] {strides = array<i32>} : memref<32x512xf32, #tpu.memory_space<vmem>>, vector<16xf32>,
          tpu.vector_store %arg15[%swap3A_549, %swap3A_550], %add3A_545 {strides = array<i32>} : memref<32x512xf32, #tpu.memory_space<vmem>>, vector<16xf32>,
          %get3A_552 = arith.constant 8 : i32
          %get3A_553 = arith.index_cast %get3A_552 : i32 to index
          %get3A_554 = arith.constant 0 : index
          %get3A_555 = tpu.vector_load %arg16[%get3A_553, %get3A_554] {strides = array<i32>} : memref<32x16xf32, #tpu.memory_space<vmem>>, vector<16xf32>,
          %mul3A_556 = arith.mulf %mul3A_417, %get3A_555 : vector<16xf32>
          %mul3A_557 = arith.mulf %sub3A_292, %mul3A_556 : vector<16xf32>
          %get3A_558 = arith.constant 8 : i32
          %get3A_559 = arith.index_cast %get3A_558 : i32 to index
          %get3A_560 = arith.constant 0 : index
          %get3A_561 = tpu.vector_load %arg17[%get3A_559, %get3A_560] {strides = array<i32>} : memref<32x16xf32, #tpu.memory_space<vmem>>, vector<16xf32>,
          %add3A_562 = arith.addf %mul3A_557, %get3A_561 : vector<16xf32>
          %mul3A_563 = arith.constant 16 : i32
          %mul3A_564 = arith.muli %scan3A_152, %mul3A_563 : i32
          %swap3A_565 = arith.constant 8 : i32
          %swap3A_566 = arith.index_cast %swap3A_565 : i32 to index
          %swap3A_567 = arith.index_cast %mul3A_564 : i32 to index
          %swap3A_568 = tpu.vector_load %arg15[%swap3A_566, %swap3A_567] {strides = array<i32>} : memref<32x512xf32, #tpu.memory_space<vmem>>, vector<16xf32>,
          tpu.vector_store %arg15[%swap3A_566, %swap3A_567], %add3A_562 {strides = array<i32>} : memref<32x512xf32, #tpu.memory_space<vmem>>, vector<16xf32>,
          %get3A_569 = arith.constant 9 : i32
          %get3A_570 = arith.index_cast %get3A_569 : i32 to index
          %get3A_571 = arith.constant 0 : index
          %get3A_572 = tpu.vector_load %arg16[%get3A_570, %get3A_571] {strides = array<i32>} : memref<32x16xf32, #tpu.memory_space<vmem>>, vector<16xf32>,
          %mul3A_573 = arith.mulf %mul3A_417, %get3A_572 : vector<16xf32>
          %mul3A_574 = arith.mulf %sub3A_293, %mul3A_573 : vector<16xf32>
          %get3A_575 = arith.constant 9 : i32
          %get3A_576 = arith.index_cast %get3A_575 : i32 to index
          %get3A_577 = arith.constant 0 : index
          %get3A_578 = tpu.vector_load %arg17[%get3A_576, %get3A_577] {strides = array<i32>} : memref<32x16xf32, #tpu.memory_space<vmem>>, vector<16xf32>,
          %add3A_579 = arith.addf %mul3A_574, %get3A_578 : vector<16xf32>
          %mul3A_580 = arith.constant 16 : i32
          %mul3A_581 = arith.muli %scan3A_152, %mul3A_580 : i32
          %swap3A_582 = arith.constant 9 : i32
          %swap3A_583 = arith.index_cast %swap3A_582 : i32 to index
          %swap3A_584 = arith.index_cast %mul3A_581 : i32 to index
          %swap3A_585 = tpu.vector_load %arg15[%swap3A_583, %swap3A_584] {strides = array<i32>} : memref<32x512xf32, #tpu.memory_space<vmem>>, vector<16xf32>,
          tpu.vector_store %arg15[%swap3A_583, %swap3A_584], %add3A_579 {strides = array<i32>} : memref<32x512xf32, #tpu.memory_space<vmem>>, vector<16xf32>,
          %get3A_586 = arith.constant 10 : i32
          %get3A_587 = arith.index_cast %get3A_586 : i32 to index
          %get3A_588 = arith.constant 0 : index
          %get3A_589 = tpu.vector_load %arg16[%get3A_587, %get3A_588] {strides = array<i32>} : memref<32x16xf32, #tpu.memory_space<vmem>>, vector<16xf32>,
          %mul3A_590 = arith.mulf %mul3A_417, %get3A_589 : vector<16xf32>
          %mul3A_591 = arith.mulf %sub3A_294, %mul3A_590 : vector<16xf32>
          %get3A_592 = arith.constant 10 : i32
          %get3A_593 = arith.index_cast %get3A_592 : i32 to index
          %get3A_594 = arith.constant 0 : index
          %get3A_595 = tpu.vector_load %arg17[%get3A_593, %get3A_594] {strides = array<i32>} : memref<32x16xf32, #tpu.memory_space<vmem>>, vector<16xf32>,
          %add3A_596 = arith.addf %mul3A_591, %get3A_595 : vector<16xf32>
          %mul3A_597 = arith.constant 16 : i32
          %mul3A_598 = arith.muli %scan3A_152, %mul3A_597 : i32
          %swap3A_599 = arith.constant 10 : i32
          %swap3A_600 = arith.index_cast %swap3A_599 : i32 to index
          %swap3A_601 = arith.index_cast %mul3A_598 : i32 to index
          %swap3A_602 = tpu.vector_load %arg15[%swap3A_600, %swap3A_601] {strides = array<i32>} : memref<32x512xf32, #tpu.memory_space<vmem>>, vector<16xf32>,
          tpu.vector_store %arg15[%swap3A_600, %swap3A_601], %add3A_596 {strides = array<i32>} : memref<32x512xf32, #tpu.memory_space<vmem>>, vector<16xf32>,
          %get3A_603 = arith.constant 11 : i32
          %get3A_604 = arith.index_cast %get3A_603 : i32 to index
          %get3A_605 = arith.constant 0 : index
          %get3A_606 = tpu.vector_load %arg16[%get3A_604, %get3A_605] {strides = array<i32>} : memref<32x16xf32, #tpu.memory_space<vmem>>, vector<16xf32>,
          %mul3A_607 = arith.mulf %mul3A_417, %get3A_606 : vector<16xf32>
          %mul3A_608 = arith.mulf %sub3A_295, %mul3A_607 : vector<16xf32>
          %get3A_609 = arith.constant 11 : i32
          %get3A_610 = arith.index_cast %get3A_609 : i32 to index
          %get3A_611 = arith.constant 0 : index
          %get3A_612 = tpu.vector_load %arg17[%get3A_610, %get3A_611] {strides = array<i32>} : memref<32x16xf32, #tpu.memory_space<vmem>>, vector<16xf32>,
          %add3A_613 = arith.addf %mul3A_608, %get3A_612 : vector<16xf32>
          %mul3A_614 = arith.constant 16 : i32
          %mul3A_615 = arith.muli %scan3A_152, %mul3A_614 : i32
          %swap3A_616 = arith.constant 11 : i32
          %swap3A_617 = arith.index_cast %swap3A_616 : i32 to index
          %swap3A_618 = arith.index_cast %mul3A_615 : i32 to index
          %swap3A_619 = tpu.vector_load %arg15[%swap3A_617, %swap3A_618] {strides = array<i32>} : memref<32x512xf32, #tpu.memory_space<vmem>>, vector<16xf32>,
          tpu.vector_store %arg15[%swap3A_617, %swap3A_618], %add3A_613 {strides = array<i32>} : memref<32x512xf32, #tpu.memory_space<vmem>>, vector<16xf32>,
          %get3A_620 = arith.constant 12 : i32
          %get3A_621 = arith.index_cast %get3A_620 : i32 to index
          %get3A_622 = arith.constant 0 : index
          %get3A_623 = tpu.vector_load %arg16[%get3A_621, %get3A_622] {strides = array<i32>} : memref<32x16xf32, #tpu.memory_space<vmem>>, vector<16xf32>,
          %mul3A_624 = arith.mulf %mul3A_417, %get3A_623 : vector<16xf32>
          %mul3A_625 = arith.mulf %sub3A_296, %mul3A_624 : vector<16xf32>
          %get3A_626 = arith.constant 12 : i32
          %get3A_627 = arith.index_cast %get3A_626 : i32 to index
          %get3A_628 = arith.constant 0 : index
          %get3A_629 = tpu.vector_load %arg17[%get3A_627, %get3A_628] {strides = array<i32>} : memref<32x16xf32, #tpu.memory_space<vmem>>, vector<16xf32>,
          %add3A_630 = arith.addf %mul3A_625, %get3A_629 : vector<16xf32>
          %mul3A_631 = arith.constant 16 : i32
          %mul3A_632 = arith.muli %scan3A_152, %mul3A_631 : i32
          %swap3A_633 = arith.constant 12 : i32
          %swap3A_634 = arith.index_cast %swap3A_633 : i32 to index
          %swap3A_635 = arith.index_cast %mul3A_632 : i32 to index
          %swap3A_636 = tpu.vector_load %arg15[%swap3A_634, %swap3A_635] {strides = array<i32>} : memref<32x512xf32, #tpu.memory_space<vmem>>, vector<16xf32>,
          tpu.vector_store %arg15[%swap3A_634, %swap3A_635], %add3A_630 {strides = array<i32>} : memref<32x512xf32, #tpu.memory_space<vmem>>, vector<16xf32>,
          %get3A_637 = arith.constant 13 : i32
          %get3A_638 = arith.index_cast %get3A_637 : i32 to index
          %get3A_639 = arith.constant 0 : index
          %get3A_640 = tpu.vector_load %arg16[%get3A_638, %get3A_639] {strides = array<i32>} : memref<32x16xf32, #tpu.memory_space<vmem>>, vector<16xf32>,
          %mul3A_641 = arith.mulf %mul3A_417, %get3A_640 : vector<16xf32>
          %mul3A_642 = arith.mulf %sub3A_297, %mul3A_641 : vector<16xf32>
          %get3A_643 = arith.constant 13 : i32
          %get3A_644 = arith.index_cast %get3A_643 : i32 to index
          %get3A_645 = arith.constant 0 : index
          %get3A_646 = tpu.vector_load %arg17[%get3A_644, %get3A_645] {strides = array<i32>} : memref<32x16xf32, #tpu.memory_space<vmem>>, vector<16xf32>,
          %add3A_647 = arith.addf %mul3A_642, %get3A_646 : vector<16xf32>
          %mul3A_648 = arith.constant 16 : i32
          %mul3A_649 = arith.muli %scan3A_152, %mul3A_648 : i32
          %swap3A_650 = arith.constant 13 : i32
          %swap3A_651 = arith.index_cast %swap3A_650 : i32 to index
          %swap3A_652 = arith.index_cast %mul3A_649 : i32 to index
          %swap3A_653 = tpu.vector_load %arg15[%swap3A_651, %swap3A_652] {strides = array<i32>} : memref<32x512xf32, #tpu.memory_space<vmem>>, vector<16xf32>,
          tpu.vector_store %arg15[%swap3A_651, %swap3A_652], %add3A_647 {strides = array<i32>} : memref<32x512xf32, #tpu.memory_space<vmem>>, vector<16xf32>,
          %get3A_654 = arith.constant 14 : i32
          %get3A_655 = arith.index_cast %get3A_654 : i32 to index
          %get3A_656 = arith.constant 0 : index
          %get3A_657 = tpu.vector_load %arg16[%get3A_655, %get3A_656] {strides = array<i32>} : memref<32x16xf32, #tpu.memory_space<vmem>>, vector<16xf32>,
          %mul3A_658 = arith.mulf %mul3A_417, %get3A_657 : vector<16xf32>
          %mul3A_659 = arith.mulf %sub3A_298, %mul3A_658 : vector<16xf32>
          %get3A_660 = arith.constant 14 : i32
          %get3A_661 = arith.index_cast %get3A_660 : i32 to index
          %get3A_662 = arith.constant 0 : index
          %get3A_663 = tpu.vector_load %arg17[%get3A_661, %get3A_662] {strides = array<i32>} : memref<32x16xf32, #tpu.memory_space<vmem>>, vector<16xf32>,
          %add3A_664 = arith.addf %mul3A_659, %get3A_663 : vector<16xf32>
          %mul3A_665 = arith.constant 16 : i32
          %mul3A_666 = arith.muli %scan3A_152, %mul3A_665 : i32
          %swap3A_667 = arith.constant 14 : i32
          %swap3A_668 = arith.index_cast %swap3A_667 : i32 to index
          %swap3A_669 = arith.index_cast %mul3A_666 : i32 to index
          %swap3A_670 = tpu.vector_load %arg15[%swap3A_668, %swap3A_669] {strides = array<i32>} : memref<32x512xf32, #tpu.memory_space<vmem>>, vector<16xf32>,
          tpu.vector_store %arg15[%swap3A_668, %swap3A_669], %add3A_664 {strides = array<i32>} : memref<32x512xf32, #tpu.memory_space<vmem>>, vector<16xf32>,
          %get3A_671 = arith.constant 15 : i32
          %get3A_672 = arith.index_cast %get3A_671 : i32 to index
          %get3A_673 = arith.constant 0 : index
          %get3A_674 = tpu.vector_load %arg16[%get3A_672, %get3A_673] {strides = array<i32>} : memref<32x16xf32, #tpu.memory_space<vmem>>, vector<16xf32>,
          %mul3A_675 = arith.mulf %mul3A_417, %get3A_674 : vector<16xf32>
          %mul3A_676 = arith.mulf %sub3A_299, %mul3A_675 : vector<16xf32>
          %get3A_677 = arith.constant 15 : i32
          %get3A_678 = arith.index_cast %get3A_677 : i32 to index
          %get3A_679 = arith.constant 0 : index
          %get3A_680 = tpu.vector_load %arg17[%get3A_678, %get3A_679] {strides = array<i32>} : memref<32x16xf32, #tpu.memory_space<vmem>>, vector<16xf32>,
          %add3A_681 = arith.addf %mul3A_676, %get3A_680 : vector<16xf32>
          %mul3A_682 = arith.constant 16 : i32
          %mul3A_683 = arith.muli %scan3A_152, %mul3A_682 : i32
          %swap3A_684 = arith.constant 15 : i32
          %swap3A_685 = arith.index_cast %swap3A_684 : i32 to index
          %swap3A_686 = arith.index_cast %mul3A_683 : i32 to index
          %swap3A_687 = tpu.vector_load %arg15[%swap3A_685, %swap3A_686] {strides = array<i32>} : memref<32x512xf32, #tpu.memory_space<vmem>>, vector<16xf32>,
          tpu.vector_store %arg15[%swap3A_685, %swap3A_686], %add3A_681 {strides = array<i32>} : memref<32x512xf32, #tpu.memory_space<vmem>>, vector<16xf32>,
          %get3A_688 = arith.constant 16 : i32
          %get3A_689 = arith.index_cast %get3A_688 : i32 to index
          %get3A_690 = arith.constant 0 : index
          %get3A_691 = tpu.vector_load %arg16[%get3A_689, %get3A_690] {strides = array<i32>} : memref<32x16xf32, #tpu.memory_space<vmem>>, vector<16xf32>,
          %mul3A_692 = arith.mulf %mul3A_417, %get3A_691 : vector<16xf32>
          %mul3A_693 = arith.mulf %sub3A_300, %mul3A_692 : vector<16xf32>
          %get3A_694 = arith.constant 16 : i32
          %get3A_695 = arith.index_cast %get3A_694 : i32 to index
          %get3A_696 = arith.constant 0 : index
          %get3A_697 = tpu.vector_load %arg17[%get3A_695, %get3A_696] {strides = array<i32>} : memref<32x16xf32, #tpu.memory_space<vmem>>, vector<16xf32>,
          %add3A_698 = arith.addf %mul3A_693, %get3A_697 : vector<16xf32>
          %mul3A_699 = arith.constant 16 : i32
          %mul3A_700 = arith.muli %scan3A_152, %mul3A_699 : i32
          %swap3A_701 = arith.constant 16 : i32
          %swap3A_702 = arith.index_cast %swap3A_701 : i32 to index
          %swap3A_703 = arith.index_cast %mul3A_700 : i32 to index
          %swap3A_704 = tpu.vector_load %arg15[%swap3A_702, %swap3A_703] {strides = array<i32>} : memref<32x512xf32, #tpu.memory_space<vmem>>, vector<16xf32>,
          tpu.vector_store %arg15[%swap3A_702, %swap3A_703], %add3A_698 {strides = array<i32>} : memref<32x512xf32, #tpu.memory_space<vmem>>, vector<16xf32>,
          %get3A_705 = arith.constant 17 : i32
          %get3A_706 = arith.index_cast %get3A_705 : i32 to index
          %get3A_707 = arith.constant 0 : index
          %get3A_708 = tpu.vector_load %arg16[%get3A_706, %get3A_707] {strides = array<i32>} : memref<32x16xf32, #tpu.memory_space<vmem>>, vector<16xf32>,
          %mul3A_709 = arith.mulf %mul3A_417, %get3A_708 : vector<16xf32>
          %mul3A_710 = arith.mulf %sub3A_301, %mul3A_709 : vector<16xf32>
          %get3A_711 = arith.constant 17 : i32
          %get3A_712 = arith.index_cast %get3A_711 : i32 to index
          %get3A_713 = arith.constant 0 : index
          %get3A_714 = tpu.vector_load %arg17[%get3A_712, %get3A_713] {strides = array<i32>} : memref<32x16xf32, #tpu.memory_space<vmem>>, vector<16xf32>,
          %add3A_715 = arith.addf %mul3A_710, %get3A_714 : vector<16xf32>
          %mul3A_716 = arith.constant 16 : i32
          %mul3A_717 = arith.muli %scan3A_152, %mul3A_716 : i32
          %swap3A_718 = arith.constant 17 : i32
          %swap3A_719 = arith.index_cast %swap3A_718 : i32 to index
          %swap3A_720 = arith.index_cast %mul3A_717 : i32 to index
          %swap3A_721 = tpu.vector_load %arg15[%swap3A_719, %swap3A_720] {strides = array<i32>} : memref<32x512xf32, #tpu.memory_space<vmem>>, vector<16xf32>,
          tpu.vector_store %arg15[%swap3A_719, %swap3A_720], %add3A_715 {strides = array<i32>} : memref<32x512xf32, #tpu.memory_space<vmem>>, vector<16xf32>,
          %get3A_722 = arith.constant 18 : i32
          %get3A_723 = arith.index_cast %get3A_722 : i32 to index
          %get3A_724 = arith.constant 0 : index
          %get3A_725 = tpu.vector_load %arg16[%get3A_723, %get3A_724] {strides = array<i32>} : memref<32x16xf32, #tpu.memory_space<vmem>>, vector<16xf32>,
          %mul3A_726 = arith.mulf %mul3A_417, %get3A_725 : vector<16xf32>
          %mul3A_727 = arith.mulf %sub3A_302, %mul3A_726 : vector<16xf32>
          %get3A_728 = arith.constant 18 : i32
          %get3A_729 = arith.index_cast %get3A_728 : i32 to index
          %get3A_730 = arith.constant 0 : index
          %get3A_731 = tpu.vector_load %arg17[%get3A_729, %get3A_730] {strides = array<i32>} : memref<32x16xf32, #tpu.memory_space<vmem>>, vector<16xf32>,
          %add3A_732 = arith.addf %mul3A_727, %get3A_731 : vector<16xf32>
          %mul3A_733 = arith.constant 16 : i32
          %mul3A_734 = arith.muli %scan3A_152, %mul3A_733 : i32
          %swap3A_735 = arith.constant 18 : i32
          %swap3A_736 = arith.index_cast %swap3A_735 : i32 to index
          %swap3A_737 = arith.index_cast %mul3A_734 : i32 to index
          %swap3A_738 = tpu.vector_load %arg15[%swap3A_736, %swap3A_737] {strides = array<i32>} : memref<32x512xf32, #tpu.memory_space<vmem>>, vector<16xf32>,
          tpu.vector_store %arg15[%swap3A_736, %swap3A_737], %add3A_732 {strides = array<i32>} : memref<32x512xf32, #tpu.memory_space<vmem>>, vector<16xf32>,
          %get3A_739 = arith.constant 19 : i32
          %get3A_740 = arith.index_cast %get3A_739 : i32 to index
          %get3A_741 = arith.constant 0 : index
          %get3A_742 = tpu.vector_load %arg16[%get3A_740, %get3A_741] {strides = array<i32>} : memref<32x16xf32, #tpu.memory_space<vmem>>, vector<16xf32>,
          %mul3A_743 = arith.mulf %mul3A_417, %get3A_742 : vector<16xf32>
          %mul3A_744 = arith.mulf %sub3A_303, %mul3A_743 : vector<16xf32>
          %get3A_745 = arith.constant 19 : i32
          %get3A_746 = arith.index_cast %get3A_745 : i32 to index
          %get3A_747 = arith.constant 0 : index
          %get3A_748 = tpu.vector_load %arg17[%get3A_746, %get3A_747] {strides = array<i32>} : memref<32x16xf32, #tpu.memory_space<vmem>>, vector<16xf32>,
          %add3A_749 = arith.addf %mul3A_744, %get3A_748 : vector<16xf32>
          %mul3A_750 = arith.constant 16 : i32
          %mul3A_751 = arith.muli %scan3A_152, %mul3A_750 : i32
          %swap3A_752 = arith.constant 19 : i32
          %swap3A_753 = arith.index_cast %swap3A_752 : i32 to index
          %swap3A_754 = arith.index_cast %mul3A_751 : i32 to index
          %swap3A_755 = tpu.vector_load %arg15[%swap3A_753, %swap3A_754] {strides = array<i32>} : memref<32x512xf32, #tpu.memory_space<vmem>>, vector<16xf32>,
          tpu.vector_store %arg15[%swap3A_753, %swap3A_754], %add3A_749 {strides = array<i32>} : memref<32x512xf32, #tpu.memory_space<vmem>>, vector<16xf32>,
          %get3A_756 = arith.constant 20 : i32
          %get3A_757 = arith.index_cast %get3A_756 : i32 to index
          %get3A_758 = arith.constant 0 : index
          %get3A_759 = tpu.vector_load %arg16[%get3A_757, %get3A_758] {strides = array<i32>} : memref<32x16xf32, #tpu.memory_space<vmem>>, vector<16xf32>,
          %mul3A_760 = arith.mulf %mul3A_417, %get3A_759 : vector<16xf32>
          %mul3A_761 = arith.mulf %sub3A_304, %mul3A_760 : vector<16xf32>
          %get3A_762 = arith.constant 20 : i32
          %get3A_763 = arith.index_cast %get3A_762 : i32 to index
          %get3A_764 = arith.constant 0 : index
          %get3A_765 = tpu.vector_load %arg17[%get3A_763, %get3A_764] {strides = array<i32>} : memref<32x16xf32, #tpu.memory_space<vmem>>, vector<16xf32>,
          %add3A_766 = arith.addf %mul3A_761, %get3A_765 : vector<16xf32>
          %mul3A_767 = arith.constant 16 : i32
          %mul3A_768 = arith.muli %scan3A_152, %mul3A_767 : i32
          %swap3A_769 = arith.constant 20 : i32
          %swap3A_770 = arith.index_cast %swap3A_769 : i32 to index
          %swap3A_771 = arith.index_cast %mul3A_768 : i32 to index
          %swap3A_772 = tpu.vector_load %arg15[%swap3A_770, %swap3A_771] {strides = array<i32>} : memref<32x512xf32, #tpu.memory_space<vmem>>, vector<16xf32>,
          tpu.vector_store %arg15[%swap3A_770, %swap3A_771], %add3A_766 {strides = array<i32>} : memref<32x512xf32, #tpu.memory_space<vmem>>, vector<16xf32>,
          %get3A_773 = arith.constant 21 : i32
          %get3A_774 = arith.index_cast %get3A_773 : i32 to index
          %get3A_775 = arith.constant 0 : index
          %get3A_776 = tpu.vector_load %arg16[%get3A_774, %get3A_775] {strides = array<i32>} : memref<32x16xf32, #tpu.memory_space<vmem>>, vector<16xf32>,
          %mul3A_777 = arith.mulf %mul3A_417, %get3A_776 : vector<16xf32>
          %mul3A_778 = arith.mulf %sub3A_305, %mul3A_777 : vector<16xf32>
          %get3A_779 = arith.constant 21 : i32
          %get3A_780 = arith.index_cast %get3A_779 : i32 to index
          %get3A_781 = arith.constant 0 : index
          %get3A_782 = tpu.vector_load %arg17[%get3A_780, %get3A_781] {strides = array<i32>} : memref<32x16xf32, #tpu.memory_space<vmem>>, vector<16xf32>,
          %add3A_783 = arith.addf %mul3A_778, %get3A_782 : vector<16xf32>
          %mul3A_784 = arith.constant 16 : i32
          %mul3A_785 = arith.muli %scan3A_152, %mul3A_784 : i32
          %swap3A_786 = arith.constant 21 : i32
          %swap3A_787 = arith.index_cast %swap3A_786 : i32 to index
          %swap3A_788 = arith.index_cast %mul3A_785 : i32 to index
          %swap3A_789 = tpu.vector_load %arg15[%swap3A_787, %swap3A_788] {strides = array<i32>} : memref<32x512xf32, #tpu.memory_space<vmem>>, vector<16xf32>,
          tpu.vector_store %arg15[%swap3A_787, %swap3A_788], %add3A_783 {strides = array<i32>} : memref<32x512xf32, #tpu.memory_space<vmem>>, vector<16xf32>,
          %get3A_790 = arith.constant 22 : i32
          %get3A_791 = arith.index_cast %get3A_790 : i32 to index
          %get3A_792 = arith.constant 0 : index
          %get3A_793 = tpu.vector_load %arg16[%get3A_791, %get3A_792] {strides = array<i32>} : memref<32x16xf32, #tpu.memory_space<vmem>>, vector<16xf32>,
          %mul3A_794 = arith.mulf %mul3A_417, %get3A_793 : vector<16xf32>
          %mul3A_795 = arith.mulf %sub3A_306, %mul3A_794 : vector<16xf32>
          %get3A_796 = arith.constant 22 : i32
          %get3A_797 = arith.index_cast %get3A_796 : i32 to index
          %get3A_798 = arith.constant 0 : index
          %get3A_799 = tpu.vector_load %arg17[%get3A_797, %get3A_798] {strides = array<i32>} : memref<32x16xf32, #tpu.memory_space<vmem>>, vector<16xf32>,
          %add3A_800 = arith.addf %mul3A_795, %get3A_799 : vector<16xf32>
          %mul3A_801 = arith.constant 16 : i32
          %mul3A_802 = arith.muli %scan3A_152, %mul3A_801 : i32
          %swap3A_803 = arith.constant 22 : i32
          %swap3A_804 = arith.index_cast %swap3A_803 : i32 to index
          %swap3A_805 = arith.index_cast %mul3A_802 : i32 to index
          %swap3A_806 = tpu.vector_load %arg15[%swap3A_804, %swap3A_805] {strides = array<i32>} : memref<32x512xf32, #tpu.memory_space<vmem>>, vector<16xf32>,
          tpu.vector_store %arg15[%swap3A_804, %swap3A_805], %add3A_800 {strides = array<i32>} : memref<32x512xf32, #tpu.memory_space<vmem>>, vector<16xf32>,
          %get3A_807 = arith.constant 23 : i32
          %get3A_808 = arith.index_cast %get3A_807 : i32 to index
          %get3A_809 = arith.constant 0 : index
          %get3A_810 = tpu.vector_load %arg16[%get3A_808, %get3A_809] {strides = array<i32>} : memref<32x16xf32, #tpu.memory_space<vmem>>, vector<16xf32>,
          %mul3A_811 = arith.mulf %mul3A_417, %get3A_810 : vector<16xf32>
          %mul3A_812 = arith.mulf %sub3A_307, %mul3A_811 : vector<16xf32>
          %get3A_813 = arith.constant 23 : i32
          %get3A_814 = arith.index_cast %get3A_813 : i32 to index
          %get3A_815 = arith.constant 0 : index
          %get3A_816 = tpu.vector_load %arg17[%get3A_814, %get3A_815] {strides = array<i32>} : memref<32x16xf32, #tpu.memory_space<vmem>>, vector<16xf32>,
          %add3A_817 = arith.addf %mul3A_812, %get3A_816 : vector<16xf32>
          %mul3A_818 = arith.constant 16 : i32
          %mul3A_819 = arith.muli %scan3A_152, %mul3A_818 : i32
          %swap3A_820 = arith.constant 23 : i32
          %swap3A_821 = arith.index_cast %swap3A_820 : i32 to index
          %swap3A_822 = arith.index_cast %mul3A_819 : i32 to index
          %swap3A_823 = tpu.vector_load %arg15[%swap3A_821, %swap3A_822] {strides = array<i32>} : memref<32x512xf32, #tpu.memory_space<vmem>>, vector<16xf32>,
          tpu.vector_store %arg15[%swap3A_821, %swap3A_822], %add3A_817 {strides = array<i32>} : memref<32x512xf32, #tpu.memory_space<vmem>>, vector<16xf32>,
          %get3A_824 = arith.constant 24 : i32
          %get3A_825 = arith.index_cast %get3A_824 : i32 to index
          %get3A_826 = arith.constant 0 : index
          %get3A_827 = tpu.vector_load %arg16[%get3A_825, %get3A_826] {strides = array<i32>} : memref<32x16xf32, #tpu.memory_space<vmem>>, vector<16xf32>,
          %mul3A_828 = arith.mulf %mul3A_417, %get3A_827 : vector<16xf32>
          %mul3A_829 = arith.mulf %sub3A_308, %mul3A_828 : vector<16xf32>
          %get3A_830 = arith.constant 24 : i32
          %get3A_831 = arith.index_cast %get3A_830 : i32 to index
          %get3A_832 = arith.constant 0 : index
          %get3A_833 = tpu.vector_load %arg17[%get3A_831, %get3A_832] {strides = array<i32>} : memref<32x16xf32, #tpu.memory_space<vmem>>, vector<16xf32>,
          %add3A_834 = arith.addf %mul3A_829, %get3A_833 : vector<16xf32>
          %mul3A_835 = arith.constant 16 : i32
          %mul3A_836 = arith.muli %scan3A_152, %mul3A_835 : i32
          %swap3A_837 = arith.constant 24 : i32
          %swap3A_838 = arith.index_cast %swap3A_837 : i32 to index
          %swap3A_839 = arith.index_cast %mul3A_836 : i32 to index
          %swap3A_840 = tpu.vector_load %arg15[%swap3A_838, %swap3A_839] {strides = array<i32>} : memref<32x512xf32, #tpu.memory_space<vmem>>, vector<16xf32>,
          tpu.vector_store %arg15[%swap3A_838, %swap3A_839], %add3A_834 {strides = array<i32>} : memref<32x512xf32, #tpu.memory_space<vmem>>, vector<16xf32>,
          %get3A_841 = arith.constant 25 : i32
          %get3A_842 = arith.index_cast %get3A_841 : i32 to index
          %get3A_843 = arith.constant 0 : index
          %get3A_844 = tpu.vector_load %arg16[%get3A_842, %get3A_843] {strides = array<i32>} : memref<32x16xf32, #tpu.memory_space<vmem>>, vector<16xf32>,
          %mul3A_845 = arith.mulf %mul3A_417, %get3A_844 : vector<16xf32>
          %mul3A_846 = arith.mulf %sub3A_309, %mul3A_845 : vector<16xf32>
          %get3A_847 = arith.constant 25 : i32
          %get3A_848 = arith.index_cast %get3A_847 : i32 to index
          %get3A_849 = arith.constant 0 : index
          %get3A_850 = tpu.vector_load %arg17[%get3A_848, %get3A_849] {strides = array<i32>} : memref<32x16xf32, #tpu.memory_space<vmem>>, vector<16xf32>,
          %add3A_851 = arith.addf %mul3A_846, %get3A_850 : vector<16xf32>
          %mul3A_852 = arith.constant 16 : i32
          %mul3A_853 = arith.muli %scan3A_152, %mul3A_852 : i32
          %swap3A_854 = arith.constant 25 : i32
          %swap3A_855 = arith.index_cast %swap3A_854 : i32 to index
          %swap3A_856 = arith.index_cast %mul3A_853 : i32 to index
          %swap3A_857 = tpu.vector_load %arg15[%swap3A_855, %swap3A_856] {strides = array<i32>} : memref<32x512xf32, #tpu.memory_space<vmem>>, vector<16xf32>,
          tpu.vector_store %arg15[%swap3A_855, %swap3A_856], %add3A_851 {strides = array<i32>} : memref<32x512xf32, #tpu.memory_space<vmem>>, vector<16xf32>,
          %get3A_858 = arith.constant 26 : i32
          %get3A_859 = arith.index_cast %get3A_858 : i32 to index
          %get3A_860 = arith.constant 0 : index
          %get3A_861 = tpu.vector_load %arg16[%get3A_859, %get3A_860] {strides = array<i32>} : memref<32x16xf32, #tpu.memory_space<vmem>>, vector<16xf32>,
          %mul3A_862 = arith.mulf %mul3A_417, %get3A_861 : vector<16xf32>
          %mul3A_863 = arith.mulf %sub3A_310, %mul3A_862 : vector<16xf32>
          %get3A_864 = arith.constant 26 : i32
          %get3A_865 = arith.index_cast %get3A_864 : i32 to index
          %get3A_866 = arith.constant 0 : index
          %get3A_867 = tpu.vector_load %arg17[%get3A_865, %get3A_866] {strides = array<i32>} : memref<32x16xf32, #tpu.memory_space<vmem>>, vector<16xf32>,
          %add3A_868 = arith.addf %mul3A_863, %get3A_867 : vector<16xf32>
          %mul3A_869 = arith.constant 16 : i32
          %mul3A_870 = arith.muli %scan3A_152, %mul3A_869 : i32
          %swap3A_871 = arith.constant 26 : i32
          %swap3A_872 = arith.index_cast %swap3A_871 : i32 to index
          %swap3A_873 = arith.index_cast %mul3A_870 : i32 to index
          %swap3A_874 = tpu.vector_load %arg15[%swap3A_872, %swap3A_873] {strides = array<i32>} : memref<32x512xf32, #tpu.memory_space<vmem>>, vector<16xf32>,
          tpu.vector_store %arg15[%swap3A_872, %swap3A_873], %add3A_868 {strides = array<i32>} : memref<32x512xf32, #tpu.memory_space<vmem>>, vector<16xf32>,
          %get3A_875 = arith.constant 27 : i32
          %get3A_876 = arith.index_cast %get3A_875 : i32 to index
          %get3A_877 = arith.constant 0 : index
          %get3A_878 = tpu.vector_load %arg16[%get3A_876, %get3A_877] {strides = array<i32>} : memref<32x16xf32, #tpu.memory_space<vmem>>, vector<16xf32>,
          %mul3A_879 = arith.mulf %mul3A_417, %get3A_878 : vector<16xf32>
          %mul3A_880 = arith.mulf %sub3A_311, %mul3A_879 : vector<16xf32>
          %get3A_881 = arith.constant 27 : i32
          %get3A_882 = arith.index_cast %get3A_881 : i32 to index
          %get3A_883 = arith.constant 0 : index
          %get3A_884 = tpu.vector_load %arg17[%get3A_882, %get3A_883] {strides = array<i32>} : memref<32x16xf32, #tpu.memory_space<vmem>>, vector<16xf32>,
          %add3A_885 = arith.addf %mul3A_880, %get3A_884 : vector<16xf32>
          %mul3A_886 = arith.constant 16 : i32
          %mul3A_887 = arith.muli %scan3A_152, %mul3A_886 : i32
          %swap3A_888 = arith.constant 27 : i32
          %swap3A_889 = arith.index_cast %swap3A_888 : i32 to index
          %swap3A_890 = arith.index_cast %mul3A_887 : i32 to index
          %swap3A_891 = tpu.vector_load %arg15[%swap3A_889, %swap3A_890] {strides = array<i32>} : memref<32x512xf32, #tpu.memory_space<vmem>>, vector<16xf32>,
          tpu.vector_store %arg15[%swap3A_889, %swap3A_890], %add3A_885 {strides = array<i32>} : memref<32x512xf32, #tpu.memory_space<vmem>>, vector<16xf32>,
          %get3A_892 = arith.constant 28 : i32
          %get3A_893 = arith.index_cast %get3A_892 : i32 to index
          %get3A_894 = arith.constant 0 : index
          %get3A_895 = tpu.vector_load %arg16[%get3A_893, %get3A_894] {strides = array<i32>} : memref<32x16xf32, #tpu.memory_space<vmem>>, vector<16xf32>,
          %mul3A_896 = arith.mulf %mul3A_417, %get3A_895 : vector<16xf32>
          %mul3A_897 = arith.mulf %sub3A_312, %mul3A_896 : vector<16xf32>
          %get3A_898 = arith.constant 28 : i32
          %get3A_899 = arith.index_cast %get3A_898 : i32 to index
          %get3A_900 = arith.constant 0 : index
          %get3A_901 = tpu.vector_load %arg17[%get3A_899, %get3A_900] {strides = array<i32>} : memref<32x16xf32, #tpu.memory_space<vmem>>, vector<16xf32>,
          %add3A_902 = arith.addf %mul3A_897, %get3A_901 : vector<16xf32>
          %mul3A_903 = arith.constant 16 : i32
          %mul3A_904 = arith.muli %scan3A_152, %mul3A_903 : i32
          %swap3A_905 = arith.constant 28 : i32
          %swap3A_906 = arith.index_cast %swap3A_905 : i32 to index
          %swap3A_907 = arith.index_cast %mul3A_904 : i32 to index
          %swap3A_908 = tpu.vector_load %arg15[%swap3A_906, %swap3A_907] {strides = array<i32>} : memref<32x512xf32, #tpu.memory_space<vmem>>, vector<16xf32>,
          tpu.vector_store %arg15[%swap3A_906, %swap3A_907], %add3A_902 {strides = array<i32>} : memref<32x512xf32, #tpu.memory_space<vmem>>, vector<16xf32>,
          %get3A_909 = arith.constant 29 : i32
          %get3A_910 = arith.index_cast %get3A_909 : i32 to index
          %get3A_911 = arith.constant 0 : index
          %get3A_912 = tpu.vector_load %arg16[%get3A_910, %get3A_911] {strides = array<i32>} : memref<32x16xf32, #tpu.memory_space<vmem>>, vector<16xf32>,
          %mul3A_913 = arith.mulf %mul3A_417, %get3A_912 : vector<16xf32>
          %mul3A_914 = arith.mulf %sub3A_313, %mul3A_913 : vector<16xf32>
          %get3A_915 = arith.constant 29 : i32
          %get3A_916 = arith.index_cast %get3A_915 : i32 to index
          %get3A_917 = arith.constant 0 : index
          %get3A_918 = tpu.vector_load %arg17[%get3A_916, %get3A_917] {strides = array<i32>} : memref<32x16xf32, #tpu.memory_space<vmem>>, vector<16xf32>,
          %add3A_919 = arith.addf %mul3A_914, %get3A_918 : vector<16xf32>
          %mul3A_920 = arith.constant 16 : i32
          %mul3A_921 = arith.muli %scan3A_152, %mul3A_920 : i32
          %swap3A_922 = arith.constant 29 : i32
          %swap3A_923 = arith.index_cast %swap3A_922 : i32 to index
          %swap3A_924 = arith.index_cast %mul3A_921 : i32 to index
          %swap3A_925 = tpu.vector_load %arg15[%swap3A_923, %swap3A_924] {strides = array<i32>} : memref<32x512xf32, #tpu.memory_space<vmem>>, vector<16xf32>,
          tpu.vector_store %arg15[%swap3A_923, %swap3A_924], %add3A_919 {strides = array<i32>} : memref<32x512xf32, #tpu.memory_space<vmem>>, vector<16xf32>,
          %get3A_926 = arith.constant 30 : i32
          %get3A_927 = arith.index_cast %get3A_926 : i32 to index
          %get3A_928 = arith.constant 0 : index
          %get3A_929 = tpu.vector_load %arg16[%get3A_927, %get3A_928] {strides = array<i32>} : memref<32x16xf32, #tpu.memory_space<vmem>>, vector<16xf32>,
          %mul3A_930 = arith.mulf %mul3A_417, %get3A_929 : vector<16xf32>
          %mul3A_931 = arith.mulf %sub3A_314, %mul3A_930 : vector<16xf32>
          %get3A_932 = arith.constant 30 : i32
          %get3A_933 = arith.index_cast %get3A_932 : i32 to index
          %get3A_934 = arith.constant 0 : index
          %get3A_935 = tpu.vector_load %arg17[%get3A_933, %get3A_934] {strides = array<i32>} : memref<32x16xf32, #tpu.memory_space<vmem>>, vector<16xf32>,
          %add3A_936 = arith.addf %mul3A_931, %get3A_935 : vector<16xf32>
          %mul3A_937 = arith.constant 16 : i32
          %mul3A_938 = arith.muli %scan3A_152, %mul3A_937 : i32
          %swap3A_939 = arith.constant 30 : i32
          %swap3A_940 = arith.index_cast %swap3A_939 : i32 to index
          %swap3A_941 = arith.index_cast %mul3A_938 : i32 to index
          %swap3A_942 = tpu.vector_load %arg15[%swap3A_940, %swap3A_941] {strides = array<i32>} : memref<32x512xf32, #tpu.memory_space<vmem>>, vector<16xf32>,
          tpu.vector_store %arg15[%swap3A_940, %swap3A_941], %add3A_936 {strides = array<i32>} : memref<32x512xf32, #tpu.memory_space<vmem>>, vector<16xf32>,
          %get3A_943 = arith.constant 31 : i32
          %get3A_944 = arith.index_cast %get3A_943 : i32 to index
          %get3A_945 = arith.constant 0 : index
          %get3A_946 = tpu.vector_load %arg16[%get3A_944, %get3A_945] {strides = array<i32>} : memref<32x16xf32, #tpu.memory_space<vmem>>, vector<16xf32>,
          %mul3A_947 = arith.mulf %mul3A_417, %get3A_946 : vector<16xf32>
          %mul3A_948 = arith.mulf %sub3A_315, %mul3A_947 : vector<16xf32>
          %get3A_949 = arith.constant 31 : i32
          %get3A_950 = arith.index_cast %get3A_949 : i32 to index
          %get3A_951 = arith.constant 0 : index
          %get3A_952 = tpu.vector_load %arg17[%get3A_950, %get3A_951] {strides = array<i32>} : memref<32x16xf32, #tpu.memory_space<vmem>>, vector<16xf32>,
          %add3A_953 = arith.addf %mul3A_948, %get3A_952 : vector<16xf32>
          %mul3A_954 = arith.constant 16 : i32
          %mul3A_955 = arith.muli %scan3A_152, %mul3A_954 : i32
          %swap3A_956 = arith.constant 31 : i32
          %swap3A_957 = arith.index_cast %swap3A_956 : i32 to index
          %swap3A_958 = arith.index_cast %mul3A_955 : i32 to index
          %swap3A_959 = tpu.vector_load %arg15[%swap3A_957, %swap3A_958] {strides = array<i32>} : memref<32x512xf32, #tpu.memory_space<vmem>>, vector<16xf32>,
          tpu.vector_store %arg15[%swap3A_957, %swap3A_958], %add3A_953 {strides = array<i32>} : memref<32x512xf32, #tpu.memory_space<vmem>>, vector<16xf32>,
        }
        %scan3A_145 = arith.constant 32 : i32
        %dma_start3A_146 = arith.constant 0 : i32
        %dma_start3A_147 = tpu.memref_slice %arg6[%add3A_117, %dma_start3A_146, %multiple_of3A] : memref<50x32x16384xf32, #tpu.memory_space<hbm>> -> memref<1x32x512xf32, #tpu.memory_space<hbm>>
        %dma_start3A_148 = tpu.memref_squeeze %dma_start3A_147 : memref<1x32x512xf32, #tpu.memory_space<hbm>> -> memref<32x512xf32, #tpu.memory_space<hbm>>
        %dma_start3A_149 = arith.constant 0 : i32
        %dma_start3A_150 = tpu.memref_slice %arg6[%add3A_117, %dma_start3A_149, %multiple_of3A] : memref<50x32x16384xf32, #tpu.memory_space<hbm>> -> memref<1x32x512xf32, #tpu.memory_space<hbm>>
        %dma_start3A_151 = tpu.memref_squeeze %dma_start3A_150 : memref<1x32x512xf32, #tpu.memory_space<hbm>> -> memref<32x512xf32, #tpu.memory_space<hbm>>
        tpu.enqueue_dma source(%arg15 : memref<32x512xf32, #tpu.memory_space<vmem>>) target(%dma_start3A_151 : memref<32x512xf32, #tpu.memory_space<hbm>>) target_semaphore(%arg23 : memref<!tpu.dma_semaphore, #tpu.memory_space<semaphore_mem>>)
      } else {
      }
    }
    %scan3A_71 = arith.constant 17 : i32
    %dma_wait3A = arith.constant 0 : i32
    %dma_wait3A_72 = arith.constant 0 : i32
    %dma_wait3A_73 = arith.constant 0 : i32
    %dma_wait3A_74 = tpu.memref_slice %arg6[%dma_wait3A, %dma_wait3A_72, %dma_wait3A_73] : memref<50x32x16384xf32, #tpu.memory_space<hbm>> -> memref<1x32x512xf32, #tpu.memory_space<hbm>>
    %dma_wait3A_75 = tpu.memref_squeeze %dma_wait3A_74 : memref<1x32x512xf32, #tpu.memory_space<hbm>> -> memref<32x512xf32, #tpu.memory_space<hbm>>
    %dma_wait3A_76 = arith.constant 0 : i32
    %dma_wait3A_77 = arith.constant 0 : i32
    %dma_wait3A_78 = tpu.memref_slice %arg6[%dma_wait3A, %dma_wait3A_76, %dma_wait3A_77] : memref<50x32x16384xf32, #tpu.memory_space<hbm>> -> memref<1x32x512xf32, #tpu.memory_space<hbm>>
    %dma_wait3A_79 = tpu.memref_squeeze %dma_wait3A_78 : memref<1x32x512xf32, #tpu.memory_space<hbm>> -> memref<32x512xf32, #tpu.memory_space<hbm>>
    tpu.wait_dma2 semaphore(%arg21 : memref<!tpu.dma_semaphore, #tpu.memory_space<semaphore_mem>>) src(%arg13 : memref<32x512xf32, #tpu.memory_space<vmem>>) dst(%dma_wait3A_79 : memref<32x512xf32, #tpu.memory_space<hbm>>)
    %dma_wait3A_80 = arith.constant 0 : i32
    %dma_wait3A_81 = arith.constant 0 : i32
    %dma_wait3A_82 = arith.constant 0 : i32
    %dma_wait3A_83 = tpu.memref_slice %arg6[%dma_wait3A_80, %dma_wait3A_81, %dma_wait3A_82] : memref<50x32x16384xf32, #tpu.memory_space<hbm>> -> memref<1x32x512xf32, #tpu.memory_space<hbm>>
    %dma_wait3A_84 = tpu.memref_squeeze %dma_wait3A_83 : memref<1x32x512xf32, #tpu.memory_space<hbm>> -> memref<32x512xf32, #tpu.memory_space<hbm>>
    %dma_wait3A_85 = arith.constant 0 : i32
    %dma_wait3A_86 = arith.constant 0 : i32
    %dma_wait3A_87 = tpu.memref_slice %arg6[%dma_wait3A_80, %dma_wait3A_85, %dma_wait3A_86] : memref<50x32x16384xf32, #tpu.memory_space<hbm>> -> memref<1x32x512xf32, #tpu.memory_space<hbm>>
    %dma_wait3A_88 = tpu.memref_squeeze %dma_wait3A_87 : memref<1x32x512xf32, #tpu.memory_space<hbm>> -> memref<32x512xf32, #tpu.memory_space<hbm>>
    tpu.wait_dma2 semaphore(%arg22 : memref<!tpu.dma_semaphore, #tpu.memory_space<semaphore_mem>>) src(%arg14 : memref<32x512xf32, #tpu.memory_space<vmem>>) dst(%dma_wait3A_88 : memref<32x512xf32, #tpu.memory_space<hbm>>)
    %dma_wait3A_89 = arith.constant 0 : i32
    %dma_wait3A_90 = arith.constant 0 : i32
    %dma_wait3A_91 = arith.constant 0 : i32
    %dma_wait3A_92 = tpu.memref_slice %arg6[%dma_wait3A_89, %dma_wait3A_90, %dma_wait3A_91] : memref<50x32x16384xf32, #tpu.memory_space<hbm>> -> memref<1x32x512xf32, #tpu.memory_space<hbm>>
    %dma_wait3A_93 = tpu.memref_squeeze %dma_wait3A_92 : memref<1x32x512xf32, #tpu.memory_space<hbm>> -> memref<32x512xf32, #tpu.memory_space<hbm>>
    %dma_wait3A_94 = arith.constant 0 : i32
    %dma_wait3A_95 = arith.constant 0 : i32
    %dma_wait3A_96 = tpu.memref_slice %arg6[%dma_wait3A_89, %dma_wait3A_94, %dma_wait3A_95] : memref<50x32x16384xf32, #tpu.memory_space<hbm>> -> memref<1x32x512xf32, #tpu.memory_space<hbm>>
    %dma_wait3A_97 = tpu.memref_squeeze %dma_wait3A_96 : memref<1x32x512xf32, #tpu.memory_space<hbm>> -> memref<32x512xf32, #tpu.memory_space<hbm>>
    tpu.wait_dma2 semaphore(%arg23 : memref<!tpu.dma_semaphore, #tpu.memory_space<semaphore_mem>>) src(%arg15 : memref<32x512xf32, #tpu.memory_space<vmem>>) dst(%dma_wait3A_97 : memref<32x512xf32, #tpu.memory_space<hbm>>)
    return
  }
}

</mosaic_0001>

<sc_bundles>
// kernel: kernel.3.cloned.1.call-start
scs
__scs_entry_jumppad:
0x0: {  	(pc) =	sbr.rel $0x88, $3  }
0x1: {  	(tag) =	ssettag $0x0;
	lr =	simm.s32 $0x1  }
0x2: {  	[smem:$0x3F9D] =	sst lr;
	_ =	strace $0xD0000000  }
0x3: {  	_ = 	snop  }
0x4: {  	_ = 	snop  }
0x5: {  	_ = 	snop  }
0x6: {  	_ = 	snop  }
0x7: {  	_ = 	snop  }
__scs_overlays_trampoline_lowered:
0x8: {  	[smem:$0x3FAC] =	sst s0  }
0x9: {  	[smem:$0x3FAD] =	sst s1  }
0xa: {  	[smem:$0x3FAE] =	sst s2  }
0xb: {  	[smem:$0x3FAF] =	sst s3  }
0xc: {  	[smem:$0x3FB0] =	sst s4  }
0xd: {  	[smem:$0x3FB1] =	sst s5  }
0xe: {  	[smem:$0x3FB2] =	sst s6  }
0xf: {  	[smem:$0x3FB3] =	sst s7  }
0x10: {  	[smem:$0x3FB4] =	sst s8  }
0x11: {  	[smem:$0x3FB5] =	sst s9;
	s0 =	simm.s32 @!p0 $0x0  }
0x12: {  	s1 =	sld [smem:$0x3F9B];
	s0 =	simm.s32 @p0 $0x1  }
0x13: {  	[smem:$0x3FB6] =	sst s0;
	s0 =	simm.s32 @!p1 $0x0  }
0x14: {  	s2 =	sld [smem:$0x3F9A];
	s0 =	simm.s32 @p1 $0x1  }
0x15: {  	[smem:$0x3FB7] =	sst s0;
	s0 =	simm.s32 @!p2 $0x0  }
0x16: {  	s3 =	sld [smem:$0x3FDB];
	s0 =	simm.s32 @p2 $0x1  }
0x17: {  	s4 =	simm.s32 $0x1BF5;
	[smem:$0x3FB9] =	sst s0  }
0x18: {  	s0 =	sld [smem:$0x3F9C];
	_ =	swait.ge [sflag:s4], $0x0  }
0x19: {  	s7 =	sld [smem:$0x3F9D]  }
0x1a: {  	s8 =	sadd.s32 $0xFFFFE003, lr  }
0x1b: {  	s9 =	sadd.s32 $0xFFFFFEF7, lr;
	s5 =	simm.s32 $0xFFFFFFFF;
	p2 =	slt.u32 s8, $0xFFFFF086  }
0x1c: {  	p1 =	slt.u32 s9, $0xF7A;
	s5 =	simm.s32 @!p2 $0x0  }
0x1d: {  	s5 =	simm.s32 @p1 $0x1;
	p0 =	seq.s32 s7, s2  }
0x1e: {  	s7 =	smul.u32 @!p0 $0xF7A, s2;
	p2 =	seq.s32 @!p0 s5, $0x0  }
0x1f: {  	s9 =	smul.u32 $0xF7A, s1;
	s8 =	simm.s32 @!p0 $0x1BF5;
	p2 =	por !p2, p0  }
0x20: {  	[sflag:s8] =	ssyncset.s32 @!p0 $0xFFFFF086;
	s6 =	sadd.s32 @!p0 s3, s7;
	s7 =	simm.s32 @!p0 $0x108  }
0x21: {  	s3 =	sadd.s32 s3, s9;
	s6 =	sadd.s32 @!p0 $0x88, s6;
	s7 =	simm.s32 @p2 $0x1082  }
0x22: {  	[simem:s7], [sflag:s8] =	dma.local @!p0 [hbm:s6], $0xF7A  }
0x23: {  	s9 =	sor.u32 $0xD0000000, s2;
	s6 =	simm.s32 $0x108;
	_ =	swait.ge @!p0 [sflag:s8], $0x0  }
0x24: {  	s3 =	sadd.s32 $0x88, s3;
	s6 =	simm.s32 @!p1 $0x1082;
	[sflag:s4] =	ssyncset.s32 $0xFFFFF086  }
0x25: {  	[simem:s6], [sflag:s4] =	dma.local [hbm:s3], $0xF7A  }
0x26: {  	[smem:$0x3F9D] =	sst s1;
	(tag) =	ssettag s2;
	_ =	strace s9  }
0x27: {  	s1 =	sld [smem:$0x3FAD]  }
0x28: {  	s2 =	sld [smem:$0x3FAE]  }
0x29: {  	s4 =	sld [smem:$0x3FB0]  }
0x2a: {  	p0 =	seq.s32 s5, $0x0;
	s5 =	sld [smem:$0x3FB1]  }
0x2b: {  	s6 =	sld [smem:$0x3FB2]  }
0x2c: {  	s7 =	sld [smem:$0x3FB3]  }
0x2d: {  	s3 =	simm.s32 $0x108;
	s8 =	sld [smem:$0x3FB4]  }
0x2e: {  	s3 =	simm.s32 @!p0 $0x1082;
	s9 =	sld [smem:$0x3FB5]  }
0x2f: {  	lr =	sadd.s32 s0, s3;
	s0 =	sld [smem:$0x3FAC]  }
0x30: {  	s3 =	sld [smem:$0x3FAF]  }
0x31: {  	[smem:$0x3FB8] =	sst s10  }
0x32: {  	s10 =	sld [smem:$0x3FB6];
	_ =	sdelay $0x3  }
0x33: {  	p0 =	seq.s32 s10, $0x1;
	s10 =	sld [smem:$0x3FB8];
	_ =	sdelay $0x3  }
0x34: {  	[smem:$0x3FB8] =	sst s10  }
0x35: {  	s10 =	sld [smem:$0x3FB7];
	_ =	sdelay $0x3  }
0x36: {  	p1 =	seq.s32 s10, $0x1;
	s10 =	sld [smem:$0x3FB8];
	_ =	sdelay $0x3  }
0x37: {  	[smem:$0x3FB8] =	sst s10  }
0x38: {  	s10 =	sld [smem:$0x3FB9]  }
0x39: {  	_ = 	snop;
	(pc) =	sbr.ind lr, $3  }
0x3a: {  	_ = 	snop  }
0x3b: {  	_ = 	snop  }
0x3c: {  	p2 =	seq.s32 s10, $0x1;
	s10 =	sld [smem:$0x3FB8]  }
0x3d: {  	_ =	shalt  }
0x3e: {  	_ =	shalt  }
0x3f: {  	_ =	shalt  }
0x40: {  	_ =	shalt  }
0x41: {  	_ =	shalt  }
0x42: {  	_ =	shalt  }
0x43: {  	_ =	shalt  }
0x44: {  	_ =	shalt  }
0x45: {  	_ =	shalt  }
0x46: {  	_ =	shalt  }
0x47: {  	_ =	shalt  }
0x48: {  	_ =	shalt  }
0x49: {  	_ =	shalt  }
0x4a: {  	_ =	shalt  }
0x4b: {  	_ =	shalt  }
0x4c: {  	_ =	shalt  }
0x4d: {  	_ =	shalt  }
0x4e: {  	_ =	shalt  }
0x4f: {  	_ =	shalt  }
0x50: {  	_ =	shalt  }
0x51: {  	_ =	shalt  }
0x52: {  	_ =	shalt  }
0x53: {  	_ =	shalt  }
0x54: {  	_ =	shalt  }
0x55: {  	_ =	shalt  }
0x56: {  	_ =	shalt  }
0x57: {  	_ =	shalt  }
0x58: {  	_ =	shalt  }
0x59: {  	_ =	shalt  }
0x5a: {  	_ =	shalt  }
0x5b: {  	_ =	shalt  }
0x5c: {  	_ =	shalt  }
0x5d: {  	_ =	shalt  }
0x5e: {  	_ =	shalt  }
0x5f: {  	_ =	shalt  }
0x60: {  	_ =	shalt  }
0x61: {  	_ =	shalt  }
0x62: {  	_ =	shalt  }
0x63: {  	_ =	shalt  }
0x64: {  	_ =	shalt  }
0x65: {  	_ =	shalt  }
0x66: {  	_ =	shalt  }
0x67: {  	_ =	shalt  }
0x68: {  	_ =	shalt  }
0x69: {  	_ =	shalt  }
0x6a: {  	_ =	shalt  }
0x6b: {  	_ =	shalt  }
0x6c: {  	_ =	shalt  }
0x6d: {  	_ =	shalt  }
0x6e: {  	_ =	shalt  }
0x6f: {  	_ =	shalt  }
0x70: {  	_ =	shalt  }
0x71: {  	_ =	shalt  }
0x72: {  	_ =	shalt  }
0x73: {  	_ =	shalt  }
0x74: {  	_ =	shalt  }
0x75: {  	_ =	shalt  }
0x76: {  	_ =	shalt  }
0x77: {  	_ =	shalt  }
0x78: {  	_ =	shalt  }
0x79: {  	_ =	shalt  }
0x7a: {  	_ =	shalt  }
0x7b: {  	_ =	shalt  }
0x7c: {  	_ =	shalt  }
0x7d: {  	_ =	shalt  }
0x7e: {  	_ =	shalt  }
0x7f: {  	_ =	shalt  }
0x80: {  	_ =	shalt  }
0x81: {  	_ =	shalt  }
0x82: {  	_ =	shalt  }
0x83: {  	_ =	shalt  }
0x84: {  	_ =	shalt  }
0x85: {  	_ =	shalt  }
0x86: {  	_ =	shalt  }
0x87: {  	_ =	shalt  }
.Lfunc_end0:
.L_simem_size_0:
called_computation_lowered:
.L_overlay_start_0:
0x88: {  	s2 =	sld [smem:$0x3FD9]  }
0x89: {  	s3 =	sld [smem:$0x3FFE];
	_ =	sdelay $0x1  }
0x8a: {  	s1 =	srdreg.scid  }
0x8b: {  	s0 =	sand.u32 $0x1, s1  }
0x8c: {  	s17 =	sshll.u32 s0, $0xA;
	s2 =	sadd.s32 s3, s2  }
0x8d: {  	s2 =	sadd.s32 s2, s17  }
0x8e: {  	[smem:$0x3FC4] =	sst s2  }
0x8f: {  	_ = 	snop  }
0x90: {  	s2 =	sld [smem:$0x3FD0];
	(tm) =	ssettm $0x1  }
0x91: {  	s18 =	sld [smem:$0x3FFB];
	_ =	sdelay $0x3  }
0x92: {  	_ =	strace s18  }
0x93: {  	s3 =	sld [smem:$0x3FFC];
	_ =	sdelay $0x3  }
0x94: {  	_ =	strace s3  }
0x95: {  	s3 =	sld [smem:$0x3FFD];
	_ =	sdelay $0x3  }
0x96: {  	_ =	strace s3  }
0x97: {  	_ =	strace $0x8FFFFFFF  }
0x98: {  	s19 =	sld [smem:$0x3FDB];
	_ =	sdelay $0x1  }
0x99: {  	s4 =	simm.s32 $_scs_section_size  }
0x9a: {  	s5 =	simm.s32 $_size__tile_overlayer_lowered;
	s6 =	simm.s32 $_tile_overlayer_lowered  }
0x9b: {  	s22 =	simm.s32 $0x1BFF;
	s21 =	sshll.u32 s6, $0x1;
	s3 =	sadd.s32 s4, s19  }
0x9c: {  	s7 =	simm.s32 $0x0;
	s20 =	sshll.u32 s5, $0x1;
	s5 =	sadd.s32 s21, s3  }
0x9d: {  	[timem:s7], [sflag:s22] =	dma.local [hbm:s5], s20  }
0x9e: {  	_ =	swait.ge [sflag:s22], s20  }
0x9f: {  	s4 =	ssub.s32 $0x0, s20;
	[sflag:s22] =	ssyncset.done $0x0  }
0xa0: {  	[sflag:s22] =	ssyncadd.s32 s4;
	_ =	sdelay $0x1  }
0xa1: {  	s23 =	simm.s32 $0x1B8B  }
0xa2: {  	_ =	swait.ge [sflag:s23], $0x1  }
0xa3: {  	[sflag:s23] =	ssyncset.done $0x0  }
0xa4: {  	s25 =	simm.s32 $0x1B8E;
	s24 =	sld [smem:$0x3FFE];
	[sflag:s23] =	ssyncadd.s32 $0xFFFFFFFF  }
0xa5: {  	s26 =	simm.s32 $execute0_lowered;
	[smem:$0x3FD2] =	sst s25  }
0xa6: {  	s5 =	sshll.u32 s26, $0x1;
	_ =	strace $0x80000046;
	[dreg:$0x1] =	wrdreg $0xFFFFFFFF  }
0xa7: {  	s28 =	simm.s32 $_size_execute0_lowered;
	s3 =	sadd.s32 s3, s5;
	[dreg:$0x0] =	wrdreg $0x0  }
0xa8: {  	s5 =	sshll.u32 s28, $0x1;
	[dreg:$0x2] =	wrdreg s3  }
0xa9: {  	[dreg:$0x3] =	wrdreg s5  }
0xaa: {  	[dreg:$0x4] =	wrdreg $0xC0  }
0xab: {  	_ =	task [dreg:s7], $0x5FFFF  }
0xac: {  	[dreg:$0x1] =	wrdreg $0xFFFFFFFF  }
0xad: {  	[dreg:$0x0] =	wrdreg $0x60  }
0xae: {  	[dreg:$0x2] =	wrdreg s2  }
0xaf: {  	[dreg:$0x3] =	wrdreg s24  }
0xb0: {  	[dreg:$0x4] =	wrdreg $0x9  }
0xb1: {  	_ =	task.clear_ibuf [dreg:s7], $0x5FFFF;
	_ =	strace $0x90000046  }
0xb2: {  	s29 =	simm.s32 $0x9;
	_ =	strace $0x80000048  }
0xb3: {  	_ =	swait.ge [sflag:s29], $0x1  }
0xb4: {  	[sflag:s29] =	ssyncadd.s32 $0xFFFFFFFF  }
0xb5: {  	_ =	strace $0x90000048  }
0xb6: {  	_ =	sfence  }
0xb7: {  	s30 =	sld [smem:$0x0];
	_ =	sdelay $0x2  }
0xb8: {  	s31 =	sshll.u32 s1, $0xD;
	s1 =	sshrl.u32 s1, $0x2  }
0xb9: {  	s3 =	sand.u32 $0x4000, s31;
	s1 =	sadd.s32 s1, s30  }
0xba: {  	s0 =	sor.u32 s3, s0;
	s1 =	sshll.u32 s1, $0x11  }
0xbb: {  	s0 =	sor.u32 s1, s0  }
0xbc: {  	s0 =	sadd.s32 $0x8F2B, s0  }
0xbd: {  	[sflag:s0] =	ssyncadd.remote.s32 $0x1  }
0xbe: {  	_ =	sfence.sel $0xFFFF  }
0xbf: {  	[dreg:$0x0] =	wrdreg $0xFFFFFFFF;
	(pc) =	sbr.abs _section_cstart, $3  }
0xc0: {  	[dreg:$0x1] =	wrdreg $0xFFFFFFFF  }
0xc1: {  	_ =	task.clear_ibuf [dreg:s7], $0x2FFFF;
	_ =	strace $0x9FFFFFFF  }
0xc2: {  	(tm) =	ssettm $0x7FFFFFFF  }
0xc3: {  	_ =	shalt  }
tec
execute0_lowered:
.L_overlay_start_1:
0x0: {  	(tag) =	ssettag $0x1  }
0x1: {  	s1 =	rddreg [dreg:$0x0]  }
0x2: {  	s0 =	rddreg [dreg:$0x1]  }
0x3: {  	s2 =	srdreg.scid;
	s3 =	simm.s32 $0x0;
	s4 =	stileid.u32  }
0x4: {  	s18 =	simm.s32 $0x7;
	s20 =	simm.s32 $0x80;
	s21 =	simm.s32 $0x600  }
0x5: {  	s28 =	simm.s32 $0x200;
	s29 =	simm.s32 $0x4600;
	s31 =	simm.s32 $0x5600  }
0x6: {  	s17 =	simm.s32 $0x380;
	s19 =	simm.s32 $0x7600;
	s10 =	simm.s32 $0xC600  }
0x7: {  	s16 =	simm.s32 $0x2;
	s8 =	simm.s32 $0x5;
	s2 =	sand.u32 $0x1, s2  }
0x8: {  	[smem:$0x7FF] =	sst s3;
	s5 =	sshll.u32 s4, $0xA;
	s4 =	sadd.s32 $0xF42E00, s0  }
0x9: {  	s22 =	sadd.s32 $0xC00, s0;
	s7 =	sadd.s32 $0xA00, s0;
	s9 =	sadd.s32 $0xE00, s0  }
0xa: {  	s6 =	sshll.u32 s2, $0x9;
	_ =	strace $0x80000047;
	[dreg:$0x3] =	wrdreg s22  }
0xb: {  	s2 =	ssub.s32 $0x2, s2;
	[dreg:$0x4] =	wrdreg s7;
	s7 =	simm.s32 $0x4000  }
0xc: {  	s22 =	simm.s32 $0x10600;
	s5 =	sor.u32 s6, s5;
	s24 =	sshrl.u32 s2, $0x1  }
0xd: {  	s23 =	sshrl.u32 s5, $0x3;
	s25 =	ssub.s32 s2, s24;
	s11 =	sor.u32 $0x8000, s5  }
0xe: {  	s30 =	sor.u32 $0xC000, s5;
	s13 =	sor.u32 $0x80000, s5;
	s14 =	sor.u32 $0x10000, s5  }
.Ltmp0:
0xf: {  	s15 =	sor.u32 $0x100000, s5;
	s2 =	simm.s32 $0x6600;
	(pc) =	sbr.rel .LBB2_1-.Ltmp0, $4  }
0x10: {  	s24 =	simm.s32 $0x8600;
	s6 =	sadd.s32 s1, s23;
	[dreg:$0x7] =	wrdreg s30  }
0x11: {  	s0 =	smax.u32 s25, $0x1;
	s23 =	simm.s32 $0x3;
	[dreg:$0x5] =	wrdreg s6  }
0x12: {  	v0 =	vlaneseq.u32;
	s26 =	sadd.s32 $0x800, s6;
	[dreg:$0x8] =	wrdreg s0;
	s0 =	simm.s32 $0x300  }
0x13: {  	v0 =	vmul.u32 $0x20, v0;
	s6 =	simm.s32 $0x1;
	[dreg:$0x6] =	wrdreg s26;
	s26 =	simm.s32 $0x0  }
.LBB2_14:
0x14: {  	s12 =	simm.s32 $0x4  }
0x15: {  	_ =	swait.ge [sflag:s12], $0x4000  }
0x16: {  	[sflag:s12] =	ssyncset.done $0x0  }
0x17: {  	[sflag:s12] =	ssyncadd.s32 $0xFFFFC000  }
0x18: {  	_ =	swait.ge [sflag:s8], $0x4000  }
0x19: {  	[sflag:s8] =	ssyncset.done $0x0  }
0x1a: {  	s25 =	simm.s32 $0x6;
	[sflag:s8] =	ssyncadd.s32 $0xFFFFC000  }
0x1b: {  	_ =	swait.ge [sflag:s25], $0x4000  }
0x1c: {  	s26 =	rddreg [dreg:$0x9]  }
0x1d: {  	s30 =	rddreg [dreg:$0x8];
	s26 =	sadd.s32 $0x1, s26  }
0x1e: {  	p0 =	sne.s32 s26, s30  }
.Ltmp1:
0x1f: {  	_ = 	snop;
	(pc) =	sbr.rel @!p0 .LBB2_15-.Ltmp1, $3  }
0x20: {  	_ =	sdelay $0x1  }
0x21: {  	[sflag:s25] =	ssyncset.done $0x0  }
0x22: {  	[sflag:s25] =	ssyncadd.s32 $0xFFFFC000  }
.LBB2_1:
0x23: {  	[dreg:$0x9] =	wrdreg s26  }
0x24: {  	s12 =	rddreg [dreg:$0x3];
	s25 =	simm.s32 $0x18600  }
0x25: {  	[tilespmem:s25], [sflag:$0x7] =	stream.linear.gather [hbm4b:s12+s3], $0x200, $0x38;
	[tilespmem:$0x18A00] =	vst v63  }
0x26: {  	_ =	swait.ge [sflag:s18], $0x200  }
0x27: {  	[sflag:s18] =	ssyncset.done $0x0  }
0x28: {  	s26 =	simm.s32 $0x18800;
	s25 =	rddreg [dreg:$0x4];
	[sflag:s18] =	ssyncadd.s32 $0xFFFFFE00  }
0x29: {  	[tilespmem:s26], [sflag:$0x7] =	stream.linear.gather [hbm4b:s25+s3], $0x200, $0x38;
	[tilespmem:$0x18A00] =	vst v63  }
0x2a: {  	_ =	swait.ge [sflag:s18], $0x200  }
0x2b: {  	[sflag:s18] =	ssyncset.done $0x0  }
0x2c: {  	s30 =	rddreg [dreg:$0x5];
	[sflag:s18] =	ssyncadd.s32 $0xFFFFFE00  }
0x2d: {  	[tilespmem:s3], [sflag:$0x7] =	stream.linear.gather [hbm4b:s30+s3], $0x200, $0x38;
	[tilespmem:$0x18A00] =	vst v63  }
0x2e: {  	_ =	swait.ge [sflag:s18], $0x200  }
0x2f: {  	[sflag:s18] =	ssyncset.done $0x0  }
0x30: {  	[sflag:s18] =	ssyncadd.s32 $0xFFFFFE00  }
0x31: {  	[tilespmem:s21], [sflag:$0x1] =	stream.indirect.gather [hbm4b:s4+s20], $0x20, s3, s20, $0xb8;
	[tilespmem:$0x18A00] =	vst v63  }
0x32: {  	s25 =	simm.s32 $0x1600  }
0x33: {  	[tilespmem:s25], [sflag:$0x1] =	stream.indirect.gather [hbm4b:s4+s20], $0x20, s20, s20, $0xb8;
	[tilespmem:$0x18A00] =	vst v63  }
0x34: {  	s26 =	simm.s32 $0x100;
	s30 =	simm.s32 $0x2600  }
0x35: {  	[tilespmem:s30], [sflag:$0x1] =	stream.indirect.gather [hbm4b:s4+s20], $0x20, s26, s20, $0xb8;
	[tilespmem:$0x18A00] =	vst v63  }
0x36: {  	s26 =	simm.s32 $0x180;
	s30 =	simm.s32 $0x3600  }
0x37: {  	[tilespmem:s30], [sflag:$0x1] =	stream.indirect.gather [hbm4b:s4+s20], $0x20, s26, s20, $0xb8;
	[tilespmem:$0x18A00] =	vst v63  }
0x38: {  	s26 =	rddreg [dreg:$0x6]  }
0x39: {  	[tilespmem:s28], [sflag:$0x7] =	stream.linear.gather [hbm4b:s26+s3], $0x200, $0x38;
	[tilespmem:$0x18A00] =	vst v63  }
0x3a: {  	_ =	swait.ge [sflag:s18], $0x200  }
0x3b: {  	[sflag:s18] =	ssyncset.done $0x0  }
0x3c: {  	[sflag:s18] =	ssyncadd.s32 $0xFFFFFE00  }
0x3d: {  	[tilespmem:s29], [sflag:$0x2] =	stream.indirect.gather [hbm4b:s4+s20], $0x20, s28, s20, $0xb8;
	[tilespmem:$0x18A00] =	vst v63  }
0x3e: {  	s30 =	simm.s32 $0x280  }
0x3f: {  	[tilespmem:s31], [sflag:$0x2] =	stream.indirect.gather [hbm4b:s4+s20], $0x20, s30, s20, $0xb8;
	[tilespmem:$0x18A00] =	vst v63  }
0x40: {  	_ = 	snop  }
0x41: {  	[tilespmem:s2], [sflag:$0x2] =	stream.indirect.gather [hbm4b:s4+s20], $0x20, s0, s20, $0xb8;
	[tilespmem:$0x18A00] =	vst v63  }
0x42: {  	s26 =	simm.s32 $0x0  }
0x43: {  	[tilespmem:s19], [sflag:$0x2] =	stream.indirect.gather [hbm4b:s4+s20], $0x20, s17, s20, $0xb8;
	[tilespmem:$0x18A00] =	vst v63  }
.LBB2_2:
0x44: {  	p0 =	seq.s32 s26, $0x10  }
0x45: {  	s12 =	smul.u32 @!p0 $0xC000, s26;
	_ =	sdelay $0x1  }
0x46: {  	s12 =	sadd.s32 @!p0 s11, s12  }
0x47: {  	s12 =	sshrl.u32 @!p0 s12, $0x3  }
0x48: {  	s25 =	simm.s32 @!p0 $0x0;
	s30 =	simm.s32 @!p0 $0x400;
	s12 =	sadd.s32 @!p0 s1, s12  }
0x49: {  	[tilespmem:s30], [sflag:$0x7] =	stream.linear.gather @!p0 [hbm4b:s12+s25], $0x200, $0x38;
	[tilespmem:$0x18A00] =	vst v63  }
0x4a: {  	s12 =	simm.s32 @!p0 $0x7  }
0x4b: {  	_ =	swait.ge @!p0 [sflag:s12], $0x200  }
0x4c: {  	[sflag:s12] =	ssyncset.done @!p0 $0x0  }
0x4d: {  	s25 =	simm.s32 @!p0 $0x8600;
	[sflag:s12] =	ssyncadd.s32 @!p0 $0xFFFFFE00;
	s12 =	simm.s32 @!p0 $0x80  }
0x4e: {  	[tilespmem:s25], [sflag:$0x3] =	stream.indirect.gather @!p0 [hbm4b:s4+s12], $0x20, s30, s12, $0xb8;
	[tilespmem:$0x18A00] =	vst v63  }
0x4f: {  	s25 =	simm.s32 @!p0 $0x480;
	s30 =	simm.s32 @!p0 $0x9600  }
0x50: {  	[tilespmem:s30], [sflag:$0x3] =	stream.indirect.gather @!p0 [hbm4b:s4+s12], $0x20, s25, s12, $0xb8;
	[tilespmem:$0x18A00] =	vst v63  }
0x51: {  	s25 =	simm.s32 @!p0 $0x500;
	s30 =	simm.s32 @!p0 $0xA600  }
0x52: {  	[tilespmem:s30], [sflag:$0x3] =	stream.indirect.gather @!p0 [hbm4b:s4+s12], $0x20, s25, s12, $0xb8;
	[tilespmem:$0x18A00] =	vst v63  }
0x53: {  	s25 =	simm.s32 @!p0 $0x580;
	s30 =	simm.s32 @!p0 $0xB600  }
0x54: {  	[tilespmem:s30], [sflag:$0x3] =	stream.indirect.gather @!p0 [hbm4b:s4+s12], $0x20, s25, s12, $0xb8;
	[tilespmem:$0x18A00] =	vst v63  }
0x55: {  	_ =	swait.ge [sflag:s6], $0x4000  }
0x56: {  	p1 =	seq.s32 s26, $0x0;
	[sflag:s6] =	ssyncset.done $0x0  }
0x57: {  	s12 =	simm.s32 @!p1 $0x4;
	[sflag:s6] =	ssyncadd.s32 $0xFFFFC000  }
0x58: {  	_ =	swait.ge @!p1 [sflag:s12], $0x4000  }
0x59: {  	[sflag:s12] =	ssyncset.done @!p1 $0x0  }
0x5a: {  	s25 =	simm.s32 $0x0;
	[sflag:s12] =	ssyncadd.s32 @!p1 $0xFFFFC000;
	s12 =	simm.s32 $0xE600  }
.LBB2_3:
0x5b: {  	v1 =	vmov s25  }
0x5c: {  	v1 =	vshll.u32 v1, $0x5  }
0x5d: {  	v1 =	vor.u32 v0, v1  }
0x5e: {  	v2 =	vor.u32 $0x1, v1  }
0x5f: {  	v3 =	vor.u32 $0x2, v1  }
0x60: {  	v4 =	vor.u32 $0x3, v1  }
0x61: {  	v5 =	vor.u32 $0x4, v1  }
0x62: {  	v7 =	vor.u32 $0x5, v1;
	v6 =	vld.idx.msk [tilespmem:v1+s21+$0x0], $0xffff  }
0x63: {  	v8 =	vor.u32 $0x6, v1;
	v2 =	vld.idx.msk [tilespmem:v2+s21+$0x0], $0xffff  }
0x64: {  	v9 =	vor.u32 $0x7, v1;
	v3 =	vld.idx.msk [tilespmem:v3+s21+$0x0], $0xffff  }
0x65: {  	v10 =	vor.u32 $0x8, v1;
	v4 =	vld.idx.msk [tilespmem:v4+s21+$0x0], $0xffff  }
0x66: {  	v11 =	vor.u32 $0x9, v1;
	v5 =	vld.idx.msk [tilespmem:v5+s21+$0x0], $0xffff  }
0x67: {  	v12 =	vor.u32 $0xA, v1;
	v7 =	vld.idx.msk [tilespmem:v7+s21+$0x0], $0xffff  }
0x68: {  	v13 =	vor.u32 $0xB, v1;
	v8 =	vld.idx.msk [tilespmem:v8+s21+$0x0], $0xffff  }
0x69: {  	v14 =	vor.u32 $0xC, v1;
	v9 =	vld.idx.msk [tilespmem:v9+s21+$0x0], $0xffff  }
0x6a: {  	v15 =	vor.u32 $0xD, v1;
	v10 =	vld.idx.msk [tilespmem:v10+s21+$0x0], $0xffff  }
0x6b: {  	v16 =	vor.u32 $0xE, v1;
	v11 =	vld.idx.msk [tilespmem:v11+s21+$0x0], $0xffff  }
0x6c: {  	v17 =	vor.u32 $0xF, v1;
	v12 =	vld.idx.msk [tilespmem:v12+s21+$0x0], $0xffff  }
0x6d: {  	v18 =	vor.u32 $0x10, v1;
	v13 =	vld.idx.msk [tilespmem:v13+s21+$0x0], $0xffff  }
0x6e: {  	v19 =	vor.u32 $0x11, v1;
	v14 =	vld.idx.msk [tilespmem:v14+s21+$0x0], $0xffff  }
0x6f: {  	v20 =	vor.u32 $0x12, v1;
	v15 =	vld.idx.msk [tilespmem:v15+s21+$0x0], $0xffff  }
0x70: {  	v21 =	vor.u32 $0x13, v1;
	v16 =	vld.idx.msk [tilespmem:v16+s21+$0x0], $0xffff  }
0x71: {  	v22 =	vor.u32 $0x14, v1;
	v17 =	vld.idx.msk [tilespmem:v17+s21+$0x0], $0xffff  }
0x72: {  	v23 =	vor.u32 $0x15, v1;
	v18 =	vld.idx.msk [tilespmem:v18+s21+$0x0], $0xffff  }
0x73: {  	v49 =	vor.u32 $0x16, v1;
	v31 =	vld.idx.msk [tilespmem:v19+s21+$0x0], $0xffff  }
0x74: {  	v50 =	vor.u32 $0x17, v1;
	v32 =	vld.idx.msk [tilespmem:v20+s21+$0x0], $0xffff  }
0x75: {  	v51 =	vor.u32 $0x18, v1;
	v33 =	vld.idx.msk [tilespmem:v21+s21+$0x0], $0xffff  }
0x76: {  	v52 =	vor.u32 $0x19, v1;
	v34 =	vld.idx.msk [tilespmem:v22+s21+$0x0], $0xffff  }
0x77: {  	v53 =	vor.u32 $0x1A, v1;
	v35 =	vld.idx.msk [tilespmem:v23+s21+$0x0], $0xffff  }
0x78: {  	v54 =	vor.u32 $0x1B, v1;
	v36 =	vld.idx.msk [tilespmem:v49+s21+$0x0], $0xffff  }
0x79: {  	v55 =	vor.u32 $0x1C, v1;
	v37 =	vld.idx.msk [tilespmem:v50+s21+$0x0], $0xffff  }
0x7a: {  	v56 =	vor.u32 $0x1D, v1;
	v38 =	vld.idx.msk [tilespmem:v51+s21+$0x0], $0xffff  }
0x7b: {  	v57 =	vor.u32 $0x1E, v1;
	v39 =	vld.idx.msk [tilespmem:v52+s21+$0x0], $0xffff  }
0x7c: {  	v1 =	vor.u32 $0x1F, v1;
	v40 =	vld.idx.msk [tilespmem:v53+s21+$0x0], $0xffff  }
0x7d: {  	v41 =	vld.idx.msk [tilespmem:v54+s21+$0x0], $0xffff;
	v58 =	vadd.f32 v2, v6;
	v59 =	vadd.f32 v4, v3  }
0x7e: {  	v42 =	vld.idx.msk [tilespmem:v55+s21+$0x0], $0xffff;
	v60 =	vadd.f32 v7, v5;
	v61 =	vadd.f32 v9, v8  }
0x7f: {  	v43 =	vld.idx.msk [tilespmem:v56+s21+$0x0], $0xffff;
	v62 =	vadd.f32 v11, v10;
	v24 =	vadd.f32 v13, v12  }
0x80: {  	v44 =	vld.idx.msk [tilespmem:v57+s21+$0x0], $0xffff;
	v25 =	vadd.f32 v15, v14;
	v26 =	vadd.f32 v17, v16  }
0x81: {  	v1 =	vld.idx.msk [tilespmem:v1+s21+$0x0], $0xffff;
	v27 =	vadd.f32 v31, v18;
	v28 =	vadd.f32 v33, v32  }
0x82: {  	v29 =	vadd.f32 v35, v34;
	v30 =	vadd.f32 v37, v36  }
0x83: {  	v45 =	vadd.f32 v39, v38;
	v46 =	vadd.f32 v41, v40  }
0x84: {  	v47 =	vadd.f32 v43, v42;
	v19 =	vadd.f32 v59, v58  }
0x85: {  	v63 =	vadd.f32 v61, v60;
	v49 =	vadd.f32 v24, v62  }
0x86: {  	v50 =	vadd.f32 v26, v25;
	v48 =	vadd.f32 v1, v44  }
0x87: {  	v51 =	vadd.f32 v28, v27;
	v52 =	vadd.f32 v30, v29  }
0x88: {  	v53 =	vadd.f32 v46, v45;
	v54 =	vadd.f32 v48, v47  }
0x89: {  	v19 =	vadd.f32 v63, v19;
	v55 =	vadd.f32 v50, v49  }
0x8a: {  	v56 =	vadd.f32 v52, v51;
	v57 =	vadd.f32 v54, v53;
	_ =	sdelay $0x1  }
0x8b: {  	v19 =	vadd.f32 v55, v19;
	v58 =	vadd.f32 v57, v56;
	_ =	sdelay $0x1  }
0x8c: {  	v19 =	vadd.f32 v58, v19;
	_ =	sdelay $0x1  }
0x8d: {  	v59 =	vmul.f32 $3.125000000e-02, v19;
	_ =	sdelay $0x1  }
0x8e: {  	v46 =	vsub.f32 v6, v59  }
0x8f: {  	v47 =	vsub.f32 v2, v59;
	v48 =	vsub.f32 v3, v59  }
0x90: {  	v30 =	vsub.f32 v4, v59;
	v29 =	vsub.f32 v5, v59  }
0x91: {  	v28 =	vsub.f32 v7, v59;
	v27 =	vsub.f32 v8, v59  }
0x92: {  	v26 =	vsub.f32 v9, v59;
	v25 =	vsub.f32 v10, v59  }
0x93: {  	v24 =	vsub.f32 v11, v59;
	v23 =	vsub.f32 v12, v59  }
0x94: {  	v22 =	vsub.f32 v13, v59;
	v21 =	vsub.f32 v14, v59  }
0x95: {  	v20 =	vsub.f32 v15, v59;
	v19 =	vsub.f32 v16, v59  }
0x96: {  	v17 =	vsub.f32 v17, v59;
	v16 =	vsub.f32 v18, v59  }
0x97: {  	v15 =	vsub.f32 v31, v59;
	v14 =	vsub.f32 v32, v59  }
0x98: {  	v13 =	vsub.f32 v33, v59;
	v12 =	vsub.f32 v34, v59  }
0x99: {  	v11 =	vsub.f32 v35, v59;
	v10 =	vsub.f32 v36, v59  }
0x9a: {  	v9 =	vsub.f32 v37, v59;
	v18 =	vmul.f32 v46, v46;
	v31 =	vmul.f32 v47, v47  }
0x9b: {  	v8 =	vsub.f32 v38, v59;
	v32 =	vmul.f32 v48, v48;
	v60 =	vmul.f32 v30, v30  }
0x9c: {  	v7 =	vsub.f32 v39, v59;
	v34 =	vmul.f32 v29, v29;
	v35 =	vmul.f32 v28, v28  }
0x9d: {  	v6 =	vsub.f32 v40, v59;
	v36 =	vmul.f32 v27, v27;
	v61 =	vmul.f32 v26, v26  }
0x9e: {  	v5 =	vsub.f32 v41, v59;
	v38 =	vmul.f32 v25, v25;
	v62 =	vmul.f32 v24, v24  }
0x9f: {  	v4 =	vsub.f32 v42, v59;
	v40 =	vmul.f32 v23, v23;
	v63 =	vmul.f32 v22, v22  }
0xa0: {  	v3 =	vsub.f32 v43, v59;
	v56 =	vmul.f32 v21, v21;
	v49 =	vmul.f32 v20, v20  }
0xa1: {  	v2 =	vsub.f32 v44, v59;
	v57 =	vmul.f32 v19, v19;
	v50 =	vmul.f32 v17, v17  }
0xa2: {  	v1 =	vsub.f32 v1, v59;
	v58 =	vmul.f32 v16, v16;
	v51 =	vmul.f32 v15, v15  }
0xa3: {  	v59 =	vmul.f32 v14, v14;
	v52 =	vmul.f32 v13, v13;
	v18 =	vadd.f32 v31, v18  }
0xa4: {  	v31 =	vmul.f32 v12, v12;
	v32 =	vadd.f32 v60, v32;
	v60 =	vmul.f32 v11, v11  }
0xa5: {  	v34 =	vadd.f32 v35, v34;
	v35 =	vmul.f32 v10, v10;
	v36 =	vadd.f32 v61, v36  }
0xa6: {  	v61 =	vmul.f32 v9, v9;
	v38 =	vadd.f32 v62, v38;
	v62 =	vmul.f32 v8, v8  }
0xa7: {  	v40 =	vadd.f32 v63, v40;
	v63 =	vmul.f32 v7, v7;
	v42 =	vadd.f32 v49, v56  }
0xa8: {  	v56 =	vmul.f32 v6, v6;
	v43 =	vadd.f32 v50, v57;
	v57 =	vmul.f32 v5, v5  }
0xa9: {  	v44 =	vadd.f32 v51, v58;
	v58 =	vmul.f32 v4, v4;
	v45 =	vadd.f32 v52, v59  }
0xaa: {  	v59 =	vmul.f32 v3, v3;
	v31 =	vadd.f32 v60, v31;
	v35 =	vadd.f32 v61, v35  }
0xab: {  	v60 =	vmul.f32 v2, v2;
	v39 =	vadd.f32 v63, v62;
	v62 =	vadd.f32 v57, v56  }
0xac: {  	v61 =	vmul.f32 v1, v1;
	v63 =	vadd.f32 v59, v58;
	v18 =	vadd.f32 v32, v18  }
0xad: {  	v52 =	vadd.f32 v36, v34;
	v53 =	vadd.f32 v40, v38  }
0xae: {  	v54 =	vadd.f32 v43, v42;
	v33 =	vadd.f32 v61, v60  }
0xaf: {  	v55 =	vadd.f32 v45, v44;
	v31 =	vadd.f32 v35, v31  }
0xb0: {  	v56 =	vadd.f32 v62, v39;
	v33 =	vadd.f32 v33, v63  }
0xb1: {  	v18 =	vadd.f32 v52, v18;
	v57 =	vadd.f32 v54, v53  }
0xb2: {  	v31 =	vadd.f32 v31, v55;
	v33 =	vadd.f32 v33, v56;
	_ =	sdelay $0x1  }
0xb3: {  	v18 =	vadd.f32 v57, v18;
	v31 =	vadd.f32 v33, v31;
	_ =	sdelay $0x1  }
0xb4: {  	v18 =	vadd.f32 v31, v18;
	_ =	sdelay $0x1  }
0xb5: {  	v18 =	vmul.f32 $3.125000000e-02, v18;
	_ =	sdelay $0x1  }
0xb6: {  	v18 =	vadd.f32 $9.999999740e-06, v18;
	_ =	sdelay $0x1  }
0xb7: {  	v58 =	vshra.s32 v18, $0x1;
	v18 =	vmul.f32 $5.000000000e-01, v18  }
0xb8: {  	v31 =	vsub.s32 $0x5F3759DF, v58  }
0xb9: {  	v59 =	vmul.f32 v31, v18;
	_ =	sdelay $0x1  }
0xba: {  	v32 =	vmul.f32 v31, v59;
	_ =	sdelay $0x1  }
0xbb: {  	v32 =	vsub.f32 $1.500000000e+00, v32;
	_ =	sdelay $0x1  }
0xbc: {  	v31 =	vmul.f32 v31, v32;
	_ =	sdelay $0x1  }
0xbd: {  	v32 =	vmul.f32 v31, v18;
	_ =	sdelay $0x1  }
0xbe: {  	v32 =	vmul.f32 v32, v31;
	_ =	sdelay $0x1  }
0xbf: {  	v32 =	vsub.f32 $1.500000000e+00, v32;
	_ =	sdelay $0x1  }
0xc0: {  	v31 =	vmul.f32 v32, v31;
	_ =	sdelay $0x1  }
0xc1: {  	v18 =	vmul.f32 v31, v18;
	_ =	sdelay $0x1  }
0xc2: {  	v18 =	vmul.f32 v18, v31  }
0xc3: {  	v60 =	vld [tilespmem:$0x18600]  }
0xc4: {  	v18 =	vsub.f32 $1.500000000e+00, v18;
	_ =	sdelay $0x1  }
0xc5: {  	v18 =	vmul.f32 v18, v31  }
0xc6: {  	v61 =	vld [tilespmem:$0x18800]  }
0xc7: {  	v32 =	vmul.f32 v18, v60;
	_ =	sdelay $0x1  }
0xc8: {  	v32 =	vmul.f32 v32, v46;
	_ =	sdelay $0x1  }
0xc9: {  	v31 =	vadd.f32 v32, v61;
	_ =	sdelay $0x1  }
0xca: {  	[tilespmem:s12+$0xFFFFE000] =	vst v31  }
0xcb: {  	v31 =	vld [tilespmem:$0x18610];
	_ =	sdelay $0x3  }
0xcc: {  	v62 =	vld [tilespmem:$0x18810]  }
0xcd: {  	v31 =	vmul.f32 v18, v31;
	_ =	sdelay $0x1  }
0xce: {  	v31 =	vmul.f32 v31, v47;
	_ =	sdelay $0x1  }
0xcf: {  	v31 =	vadd.f32 v31, v62;
	_ =	sdelay $0x1  }
0xd0: {  	[tilespmem:s12+$0xFFFFE200] =	vst v31  }
0xd1: {  	v31 =	vld [tilespmem:$0x18620];
	_ =	sdelay $0x3  }
0xd2: {  	v63 =	vld [tilespmem:$0x18820]  }
0xd3: {  	v31 =	vmul.f32 v18, v31;
	_ =	sdelay $0x1  }
0xd4: {  	v31 =	vmul.f32 v31, v48;
	_ =	sdelay $0x1  }
0xd5: {  	v31 =	vadd.f32 v31, v63;
	_ =	sdelay $0x1  }
0xd6: {  	[tilespmem:s12+$0xFFFFE400] =	vst v31  }
0xd7: {  	v31 =	vld [tilespmem:$0x18630];
	_ =	sdelay $0x3  }
0xd8: {  	v36 =	vld [tilespmem:$0x18830]  }
0xd9: {  	v31 =	vmul.f32 v18, v31;
	_ =	sdelay $0x1  }
0xda: {  	v30 =	vmul.f32 v31, v30;
	_ =	sdelay $0x1  }
0xdb: {  	v30 =	vadd.f32 v30, v36;
	_ =	sdelay $0x1  }
0xdc: {  	[tilespmem:s12+$0xFFFFE600] =	vst v30  }
0xdd: {  	v30 =	vld [tilespmem:$0x18640];
	_ =	sdelay $0x3  }
0xde: {  	v37 =	vld [tilespmem:$0x18840]  }
0xdf: {  	v30 =	vmul.f32 v18, v30;
	_ =	sdelay $0x1  }
0xe0: {  	v29 =	vmul.f32 v30, v29;
	_ =	sdelay $0x1  }
0xe1: {  	v29 =	vadd.f32 v29, v37;
	_ =	sdelay $0x1  }
0xe2: {  	[tilespmem:s12+$0xFFFFE800] =	vst v29  }
0xe3: {  	v29 =	vld [tilespmem:$0x18650];
	_ =	sdelay $0x3  }
0xe4: {  	v38 =	vld [tilespmem:$0x18850]  }
0xe5: {  	v29 =	vmul.f32 v18, v29;
	_ =	sdelay $0x1  }
0xe6: {  	v28 =	vmul.f32 v29, v28;
	_ =	sdelay $0x1  }
0xe7: {  	v28 =	vadd.f32 v28, v38;
	_ =	sdelay $0x1  }
0xe8: {  	[tilespmem:s12+$0xFFFFEA00] =	vst v28  }
0xe9: {  	v28 =	vld [tilespmem:$0x18660];
	_ =	sdelay $0x3  }
0xea: {  	v39 =	vld [tilespmem:$0x18860]  }
0xeb: {  	v28 =	vmul.f32 v18, v28;
	_ =	sdelay $0x1  }
0xec: {  	v27 =	vmul.f32 v28, v27;
	_ =	sdelay $0x1  }
0xed: {  	v27 =	vadd.f32 v27, v39;
	_ =	sdelay $0x1  }
0xee: {  	[tilespmem:s12+$0xFFFFEC00] =	vst v27  }
0xef: {  	v27 =	vld [tilespmem:$0x18670];
	_ =	sdelay $0x3  }
0xf0: {  	v40 =	vld [tilespmem:$0x18870]  }
0xf1: {  	v27 =	vmul.f32 v18, v27;
	_ =	sdelay $0x1  }
0xf2: {  	v26 =	vmul.f32 v27, v26;
	_ =	sdelay $0x1  }
0xf3: {  	v26 =	vadd.f32 v26, v40;
	_ =	sdelay $0x1  }
0xf4: {  	[tilespmem:s12+$0xFFFFEE00] =	vst v26  }
0xf5: {  	v26 =	vld [tilespmem:$0x18680];
	_ =	sdelay $0x3  }
0xf6: {  	v41 =	vld [tilespmem:$0x18880]  }
0xf7: {  	v26 =	vmul.f32 v18, v26;
	_ =	sdelay $0x1  }
0xf8: {  	v25 =	vmul.f32 v26, v25;
	_ =	sdelay $0x1  }
0xf9: {  	v25 =	vadd.f32 v25, v41;
	_ =	sdelay $0x1  }
0xfa: {  	[tilespmem:s12+$0xFFFFF000] =	vst v25  }
0xfb: {  	v25 =	vld [tilespmem:$0x18690];
	_ =	sdelay $0x3  }
0xfc: {  	v42 =	vld [tilespmem:$0x18890]  }
0xfd: {  	v25 =	vmul.f32 v18, v25;
	_ =	sdelay $0x1  }
0xfe: {  	v24 =	vmul.f32 v25, v24;
	_ =	sdelay $0x1  }
0xff: {  	v24 =	vadd.f32 v24, v42;
	_ =	sdelay $0x1  }
0x100: {  	[tilespmem:s12+$0xFFFFF200] =	vst v24  }
0x101: {  	v24 =	vld [tilespmem:$0x186A0];
	_ =	sdelay $0x3  }
0x102: {  	v43 =	vld [tilespmem:$0x188A0]  }
0x103: {  	v24 =	vmul.f32 v24, v18;
	_ =	sdelay $0x1  }
0x104: {  	v23 =	vmul.f32 v24, v23;
	_ =	sdelay $0x1  }
0x105: {  	v23 =	vadd.f32 v23, v43;
	_ =	sdelay $0x1  }
0x106: {  	[tilespmem:s12+$0xFFFFF400] =	vst v23  }
0x107: {  	v23 =	vld [tilespmem:$0x186B0];
	_ =	sdelay $0x3  }
0x108: {  	v44 =	vld [tilespmem:$0x188B0]  }
0x109: {  	v23 =	vmul.f32 v23, v18;
	_ =	sdelay $0x1  }
0x10a: {  	v22 =	vmul.f32 v23, v22;
	_ =	sdelay $0x1  }
0x10b: {  	v22 =	vadd.f32 v22, v44;
	_ =	sdelay $0x1  }
0x10c: {  	[tilespmem:s12+$0xFFFFF600] =	vst v22  }
0x10d: {  	v22 =	vld [tilespmem:$0x186C0];
	_ =	sdelay $0x3  }
0x10e: {  	v45 =	vld [tilespmem:$0x188C0]  }
0x10f: {  	v22 =	vmul.f32 v22, v18;
	_ =	sdelay $0x1  }
0x110: {  	v21 =	vmul.f32 v22, v21;
	_ =	sdelay $0x1  }
0x111: {  	v21 =	vadd.f32 v21, v45;
	_ =	sdelay $0x1  }
0x112: {  	[tilespmem:s12+$0xFFFFF800] =	vst v21  }
0x113: {  	v21 =	vld [tilespmem:$0x186D0];
	_ =	sdelay $0x3  }
0x114: {  	v46 =	vld [tilespmem:$0x188D0]  }
0x115: {  	v21 =	vmul.f32 v21, v18;
	_ =	sdelay $0x1  }
0x116: {  	v20 =	vmul.f32 v21, v20;
	_ =	sdelay $0x1  }
0x117: {  	v20 =	vadd.f32 v20, v46;
	_ =	sdelay $0x1  }
0x118: {  	[tilespmem:s12+$0xFFFFFA00] =	vst v20  }
0x119: {  	v20 =	vld [tilespmem:$0x186E0];
	_ =	sdelay $0x3  }
0x11a: {  	v47 =	vld [tilespmem:$0x188E0]  }
0x11b: {  	v20 =	vmul.f32 v20, v18;
	_ =	sdelay $0x1  }
0x11c: {  	v19 =	vmul.f32 v20, v19;
	_ =	sdelay $0x1  }
0x11d: {  	v19 =	vadd.f32 v19, v47;
	_ =	sdelay $0x1  }
0x11e: {  	[tilespmem:s12+$0xFFFFFC00] =	vst v19  }
0x11f: {  	v19 =	vld [tilespmem:$0x186F0];
	_ =	sdelay $0x3  }
0x120: {  	v48 =	vld [tilespmem:$0x188F0]  }
0x121: {  	v19 =	vmul.f32 v19, v18;
	_ =	sdelay $0x1  }
0x122: {  	v17 =	vmul.f32 v19, v17;
	_ =	sdelay $0x1  }
0x123: {  	v17 =	vadd.f32 v17, v48;
	_ =	sdelay $0x1  }
0x124: {  	[tilespmem:s12+$0xFFFFFE00] =	vst v17  }
0x125: {  	v17 =	vld [tilespmem:$0x18700];
	_ =	sdelay $0x3  }
0x126: {  	v49 =	vld [tilespmem:$0x18900]  }
0x127: {  	v17 =	vmul.f32 v17, v18;
	_ =	sdelay $0x1  }
0x128: {  	v16 =	vmul.f32 v17, v16;
	_ =	sdelay $0x1  }
0x129: {  	v16 =	vadd.f32 v16, v49;
	_ =	sdelay $0x1  }
0x12a: {  	[tilespmem:s12+$0x0] =	vst v16  }
0x12b: {  	v16 =	vld [tilespmem:$0x18710];
	_ =	sdelay $0x3  }
0x12c: {  	v50 =	vld [tilespmem:$0x18910]  }
0x12d: {  	v16 =	vmul.f32 v16, v18;
	_ =	sdelay $0x1  }
0x12e: {  	v15 =	vmul.f32 v16, v15;
	_ =	sdelay $0x1  }
0x12f: {  	v15 =	vadd.f32 v15, v50;
	_ =	sdelay $0x1  }
0x130: {  	[tilespmem:s12+$0x200] =	vst v15  }
0x131: {  	v15 =	vld [tilespmem:$0x18720];
	_ =	sdelay $0x3  }
0x132: {  	v51 =	vld [tilespmem:$0x18920]  }
0x133: {  	v15 =	vmul.f32 v15, v18;
	_ =	sdelay $0x1  }
0x134: {  	v14 =	vmul.f32 v15, v14;
	_ =	sdelay $0x1  }
0x135: {  	v14 =	vadd.f32 v14, v51;
	_ =	sdelay $0x1  }
0x136: {  	[tilespmem:s12+$0x400] =	vst v14  }
0x137: {  	v14 =	vld [tilespmem:$0x18730];
	_ =	sdelay $0x3  }
0x138: {  	v52 =	vld [tilespmem:$0x18930]  }
0x139: {  	v14 =	vmul.f32 v14, v18;
	_ =	sdelay $0x1  }
0x13a: {  	v13 =	vmul.f32 v14, v13;
	_ =	sdelay $0x1  }
0x13b: {  	v13 =	vadd.f32 v13, v52;
	_ =	sdelay $0x1  }
0x13c: {  	[tilespmem:s12+$0x600] =	vst v13  }
0x13d: {  	v13 =	vld [tilespmem:$0x18740];
	_ =	sdelay $0x3  }
0x13e: {  	v53 =	vld [tilespmem:$0x18940]  }
0x13f: {  	v13 =	vmul.f32 v13, v18;
	_ =	sdelay $0x1  }
0x140: {  	v12 =	vmul.f32 v13, v12;
	_ =	sdelay $0x1  }
0x141: {  	v12 =	vadd.f32 v12, v53;
	_ =	sdelay $0x1  }
0x142: {  	[tilespmem:s12+$0x800] =	vst v12  }
0x143: {  	v12 =	vld [tilespmem:$0x18750];
	_ =	sdelay $0x3  }
0x144: {  	v54 =	vld [tilespmem:$0x18950]  }
0x145: {  	v12 =	vmul.f32 v12, v18;
	_ =	sdelay $0x1  }
0x146: {  	v11 =	vmul.f32 v12, v11;
	_ =	sdelay $0x1  }
0x147: {  	v11 =	vadd.f32 v11, v54;
	_ =	sdelay $0x1  }
0x148: {  	[tilespmem:s12+$0xA00] =	vst v11  }
0x149: {  	v11 =	vld [tilespmem:$0x18760];
	_ =	sdelay $0x3  }
0x14a: {  	v55 =	vld [tilespmem:$0x18960]  }
0x14b: {  	v11 =	vmul.f32 v11, v18;
	_ =	sdelay $0x1  }
0x14c: {  	v10 =	vmul.f32 v11, v10;
	_ =	sdelay $0x1  }
0x14d: {  	v10 =	vadd.f32 v10, v55;
	_ =	sdelay $0x1  }
0x14e: {  	[tilespmem:s12+$0xC00] =	vst v10  }
0x14f: {  	v10 =	vld [tilespmem:$0x18770];
	_ =	sdelay $0x3  }
0x150: {  	v56 =	vld [tilespmem:$0x18970]  }
0x151: {  	v10 =	vmul.f32 v10, v18;
	_ =	sdelay $0x1  }
0x152: {  	v9 =	vmul.f32 v10, v9;
	_ =	sdelay $0x1  }
0x153: {  	v9 =	vadd.f32 v9, v56;
	_ =	sdelay $0x1  }
0x154: {  	[tilespmem:s12+$0xE00] =	vst v9  }
0x155: {  	v9 =	vld [tilespmem:$0x18780];
	_ =	sdelay $0x3  }
0x156: {  	v57 =	vld [tilespmem:$0x18980]  }
0x157: {  	v9 =	vmul.f32 v9, v18;
	_ =	sdelay $0x1  }
0x158: {  	v8 =	vmul.f32 v9, v8;
	_ =	sdelay $0x1  }
0x159: {  	v8 =	vadd.f32 v8, v57;
	_ =	sdelay $0x1  }
0x15a: {  	[tilespmem:s12+$0x1000] =	vst v8  }
0x15b: {  	v8 =	vld [tilespmem:$0x18790];
	_ =	sdelay $0x3  }
0x15c: {  	v58 =	vld [tilespmem:$0x18990]  }
0x15d: {  	v8 =	vmul.f32 v8, v18;
	_ =	sdelay $0x1  }
0x15e: {  	v7 =	vmul.f32 v8, v7;
	_ =	sdelay $0x1  }
0x15f: {  	v7 =	vadd.f32 v7, v58;
	_ =	sdelay $0x1  }
0x160: {  	[tilespmem:s12+$0x1200] =	vst v7  }
0x161: {  	v7 =	vld [tilespmem:$0x187A0];
	_ =	sdelay $0x3  }
0x162: {  	v59 =	vld [tilespmem:$0x189A0]  }
0x163: {  	v7 =	vmul.f32 v7, v18;
	_ =	sdelay $0x1  }
0x164: {  	v6 =	vmul.f32 v7, v6;
	_ =	sdelay $0x1  }
0x165: {  	v6 =	vadd.f32 v6, v59;
	_ =	sdelay $0x1  }
0x166: {  	[tilespmem:s12+$0x1400] =	vst v6  }
0x167: {  	v6 =	vld [tilespmem:$0x187B0];
	_ =	sdelay $0x3  }
0x168: {  	v60 =	vld [tilespmem:$0x189B0]  }
0x169: {  	v6 =	vmul.f32 v6, v18;
	_ =	sdelay $0x1  }
0x16a: {  	v5 =	vmul.f32 v6, v5;
	_ =	sdelay $0x1  }
0x16b: {  	v5 =	vadd.f32 v5, v60;
	_ =	sdelay $0x1  }
0x16c: {  	[tilespmem:s12+$0x1600] =	vst v5  }
0x16d: {  	v5 =	vld [tilespmem:$0x187C0];
	_ =	sdelay $0x3  }
0x16e: {  	v61 =	vld [tilespmem:$0x189C0]  }
0x16f: {  	v5 =	vmul.f32 v5, v18;
	_ =	sdelay $0x1  }
0x170: {  	v4 =	vmul.f32 v5, v4;
	_ =	sdelay $0x1  }
0x171: {  	v4 =	vadd.f32 v4, v61;
	_ =	sdelay $0x1  }
0x172: {  	[tilespmem:s12+$0x1800] =	vst v4  }
0x173: {  	v4 =	vld [tilespmem:$0x187D0];
	_ =	sdelay $0x3  }
0x174: {  	v62 =	vld [tilespmem:$0x189D0]  }
0x175: {  	v4 =	vmul.f32 v4, v18;
	_ =	sdelay $0x1  }
0x176: {  	v3 =	vmul.f32 v4, v3;
	_ =	sdelay $0x1  }
0x177: {  	v3 =	vadd.f32 v3, v62;
	_ =	sdelay $0x1  }
0x178: {  	[tilespmem:s12+$0x1A00] =	vst v3  }
0x179: {  	v3 =	vld [tilespmem:$0x187E0];
	_ =	sdelay $0x3  }
0x17a: {  	v63 =	vld [tilespmem:$0x189E0]  }
0x17b: {  	v3 =	vmul.f32 v3, v18;
	_ =	sdelay $0x1  }
0x17c: {  	v2 =	vmul.f32 v3, v2;
	_ =	sdelay $0x1  }
0x17d: {  	v2 =	vadd.f32 v2, v63;
	_ =	sdelay $0x1  }
0x17e: {  	[tilespmem:s12+$0x1C00] =	vst v2  }
0x17f: {  	v2 =	vld [tilespmem:$0x187F0];
	_ =	sdelay $0x3  }
0x180: {  	v3 =	vld [tilespmem:$0x189F0]  }
0x181: {  	v2 =	vmul.f32 v2, v18  }
0x182: {  	p2 =	sne.s32 s25, $0x1F0  }
.Ltmp2:
0x183: {  	v1 =	vmul.f32 v2, v1;
	(pc) =	sbr.rel @p2 .LBB2_3-.Ltmp2, $3  }
0x184: {  	_ = 	snop  }
0x185: {  	v1 =	vadd.f32 v1, v3;
	_ =	sdelay $0x1  }
0x186: {  	s25 =	sadd.s32 $0x10, s25;
	[tilespmem:s12+$0x1E00] =	vst v1;
	s12 =	sadd.s32 $0x10, s12  }
0x187: {  	s25 =	smul.u32 $0x180000, s26;
	p2 =	sne.s32 s26, $0x10  }
.Ltmp3:
0x188: {  	_ = 	snop;
	(pc) =	sbr.rel @p2 .LBB2_6-.Ltmp3, $4  }
0x189: {  	s12 =	sor.u32 s5, s25  }
0x18a: {  	s12 =	sshrl.u32 s12, $0x3  }
0x18b: {  	s12 =	sadd.s32 s9, s12  }
0x18c: {  	[hbm4b:s12+s28] =	stream.strided.scatter [tilespmem:s10], [sflag:$0x4], $0x4000, s7, s28, $0x38;
	[tilespmem:$0x18A00] =	vst v63  }
.Ltmp4:
0x18d: {  	(pc) =	sbr.rel .LBB2_7-.Ltmp4, $4  }
0x18e: {  	_ = 	snop  }
0x18f: {  	_ =	swait.ge [sflag:s16], $0x4000  }
0x190: {  	[sflag:s16] =	ssyncset.done $0x0  }
0x191: {  	[sflag:s16] =	ssyncadd.s32 $0xFFFFC000  }
.LBB2_6:
0x192: {  	s12 =	smul.u32 $0xC000, s26  }
0x193: {  	s30 =	rddreg [dreg:$0x7]  }
0x194: {  	s12 =	sadd.s32 s30, s12  }
0x195: {  	s12 =	sshrl.u32 s12, $0x3  }
0x196: {  	s12 =	sadd.s32 s1, s12  }
0x197: {  	[tilespmem:s3], [sflag:$0x7] =	stream.linear.gather [hbm4b:s12+s3], $0x200, $0x38;
	[tilespmem:$0x18A00] =	vst v63  }
0x198: {  	_ =	swait.ge [sflag:s18], $0x200  }
0x199: {  	[sflag:s18] =	ssyncset.done $0x0  }
0x19a: {  	[sflag:s18] =	ssyncadd.s32 $0xFFFFFE00  }
0x19b: {  	[tilespmem:s21], [sflag:$0x1] =	stream.indirect.gather [hbm4b:s4+s20], $0x20, s3, s20, $0xb8;
	[tilespmem:$0x18A00] =	vst v63  }
0x19c: {  	s30 =	simm.s32 $0x1600  }
0x19d: {  	[tilespmem:s30], [sflag:$0x1] =	stream.indirect.gather [hbm4b:s4+s20], $0x20, s20, s20, $0xb8;
	[tilespmem:$0x18A00] =	vst v63  }
0x19e: {  	s12 =	simm.s32 $0x100;
	s30 =	simm.s32 $0x2600  }
0x19f: {  	[tilespmem:s30], [sflag:$0x1] =	stream.indirect.gather [hbm4b:s4+s20], $0x20, s12, s20, $0xb8;
	[tilespmem:$0x18A00] =	vst v63  }
.Ltmp5:
0x1a0: {  	s12 =	simm.s32 $0x180;
	s30 =	simm.s32 $0x3600;
	(pc) =	sbr.rel @p1 .LBB2_8-.Ltmp5, $4  }
0x1a1: {  	[tilespmem:s30], [sflag:$0x1] =	stream.indirect.gather [hbm4b:s4+s20], $0x20, s12, s20, $0xb8;
	[tilespmem:$0x18A00] =	vst v63  }
0x1a2: {  	_ =	swait.ge [sflag:s16], $0x4000  }
0x1a3: {  	[sflag:s16] =	ssyncset.done $0x0  }
0x1a4: {  	[sflag:s16] =	ssyncadd.s32 $0xFFFFC000  }
.LBB2_7:
0x1a5: {  	_ =	swait.ge [sflag:s8], $0x4000  }
0x1a6: {  	[sflag:s8] =	ssyncset.done $0x0  }
0x1a7: {  	[sflag:s8] =	ssyncadd.s32 $0xFFFFC000  }
.LBB2_8:
0x1a8: {  	s12 =	simm.s32 $0x0;
	s30 =	simm.s32 $0x12600  }
.LBB2_9:
0x1a9: {  	v1 =	vmov s12  }
0x1aa: {  	v1 =	vshll.u32 v1, $0x5  }
0x1ab: {  	v1 =	vor.u32 v0, v1  }
0x1ac: {  	v2 =	vor.u32 $0x1, v1  }
0x1ad: {  	v3 =	vor.u32 $0x2, v1  }
0x1ae: {  	v4 =	vor.u32 $0x3, v1  }
0x1af: {  	v5 =	vor.u32 $0x4, v1  }
0x1b0: {  	v7 =	vor.u32 $0x5, v1;
	v6 =	vld.idx.msk [tilespmem:v1+s29+$0x0], $0xffff  }
0x1b1: {  	v8 =	vor.u32 $0x6, v1;
	v2 =	vld.idx.msk [tilespmem:v2+s29+$0x0], $0xffff  }
0x1b2: {  	v9 =	vor.u32 $0x7, v1;
	v3 =	vld.idx.msk [tilespmem:v3+s29+$0x0], $0xffff  }
0x1b3: {  	v10 =	vor.u32 $0x8, v1;
	v4 =	vld.idx.msk [tilespmem:v4+s29+$0x0], $0xffff  }
0x1b4: {  	v11 =	vor.u32 $0x9, v1;
	v5 =	vld.idx.msk [tilespmem:v5+s29+$0x0], $0xffff  }
0x1b5: {  	v12 =	vor.u32 $0xA, v1;
	v7 =	vld.idx.msk [tilespmem:v7+s29+$0x0], $0xffff  }
0x1b6: {  	v13 =	vor.u32 $0xB, v1;
	v8 =	vld.idx.msk [tilespmem:v8+s29+$0x0], $0xffff  }
0x1b7: {  	v14 =	vor.u32 $0xC, v1;
	v9 =	vld.idx.msk [tilespmem:v9+s29+$0x0], $0xffff  }
0x1b8: {  	v15 =	vor.u32 $0xD, v1;
	v10 =	vld.idx.msk [tilespmem:v10+s29+$0x0], $0xffff  }
0x1b9: {  	v16 =	vor.u32 $0xE, v1;
	v11 =	vld.idx.msk [tilespmem:v11+s29+$0x0], $0xffff  }
0x1ba: {  	v17 =	vor.u32 $0xF, v1;
	v12 =	vld.idx.msk [tilespmem:v12+s29+$0x0], $0xffff  }
0x1bb: {  	v18 =	vor.u32 $0x10, v1;
	v13 =	vld.idx.msk [tilespmem:v13+s29+$0x0], $0xffff  }
0x1bc: {  	v19 =	vor.u32 $0x11, v1;
	v14 =	vld.idx.msk [tilespmem:v14+s29+$0x0], $0xffff  }
0x1bd: {  	v20 =	vor.u32 $0x12, v1;
	v15 =	vld.idx.msk [tilespmem:v15+s29+$0x0], $0xffff  }
0x1be: {  	v21 =	vor.u32 $0x13, v1;
	v16 =	vld.idx.msk [tilespmem:v16+s29+$0x0], $0xffff  }
0x1bf: {  	v22 =	vor.u32 $0x14, v1;
	v17 =	vld.idx.msk [tilespmem:v17+s29+$0x0], $0xffff  }
0x1c0: {  	v23 =	vor.u32 $0x15, v1;
	v18 =	vld.idx.msk [tilespmem:v18+s29+$0x0], $0xffff  }
0x1c1: {  	v49 =	vor.u32 $0x16, v1;
	v31 =	vld.idx.msk [tilespmem:v19+s29+$0x0], $0xffff  }
0x1c2: {  	v50 =	vor.u32 $0x17, v1;
	v32 =	vld.idx.msk [tilespmem:v20+s29+$0x0], $0xffff  }
0x1c3: {  	v51 =	vor.u32 $0x18, v1;
	v33 =	vld.idx.msk [tilespmem:v21+s29+$0x0], $0xffff  }
0x1c4: {  	v52 =	vor.u32 $0x19, v1;
	v34 =	vld.idx.msk [tilespmem:v22+s29+$0x0], $0xffff  }
0x1c5: {  	v53 =	vor.u32 $0x1A, v1;
	v35 =	vld.idx.msk [tilespmem:v23+s29+$0x0], $0xffff  }
0x1c6: {  	v54 =	vor.u32 $0x1B, v1;
	v36 =	vld.idx.msk [tilespmem:v49+s29+$0x0], $0xffff  }
0x1c7: {  	v55 =	vor.u32 $0x1C, v1;
	v37 =	vld.idx.msk [tilespmem:v50+s29+$0x0], $0xffff  }
0x1c8: {  	v56 =	vor.u32 $0x1D, v1;
	v38 =	vld.idx.msk [tilespmem:v51+s29+$0x0], $0xffff  }
0x1c9: {  	v57 =	vor.u32 $0x1E, v1;
	v39 =	vld.idx.msk [tilespmem:v52+s29+$0x0], $0xffff  }
0x1ca: {  	v1 =	vor.u32 $0x1F, v1;
	v40 =	vld.idx.msk [tilespmem:v53+s29+$0x0], $0xffff  }
0x1cb: {  	v41 =	vld.idx.msk [tilespmem:v54+s29+$0x0], $0xffff;
	v58 =	vadd.f32 v2, v6;
	v59 =	vadd.f32 v4, v3  }
0x1cc: {  	v42 =	vld.idx.msk [tilespmem:v55+s29+$0x0], $0xffff;
	v60 =	vadd.f32 v7, v5;
	v61 =	vadd.f32 v9, v8  }
0x1cd: {  	v43 =	vld.idx.msk [tilespmem:v56+s29+$0x0], $0xffff;
	v62 =	vadd.f32 v11, v10;
	v24 =	vadd.f32 v13, v12  }
0x1ce: {  	v44 =	vld.idx.msk [tilespmem:v57+s29+$0x0], $0xffff;
	v25 =	vadd.f32 v15, v14;
	v26 =	vadd.f32 v17, v16  }
0x1cf: {  	v1 =	vld.idx.msk [tilespmem:v1+s29+$0x0], $0xffff;
	v27 =	vadd.f32 v31, v18;
	v28 =	vadd.f32 v33, v32  }
0x1d0: {  	v29 =	vadd.f32 v35, v34;
	v30 =	vadd.f32 v37, v36  }
0x1d1: {  	v45 =	vadd.f32 v39, v38;
	v46 =	vadd.f32 v41, v40  }
0x1d2: {  	v47 =	vadd.f32 v43, v42;
	v19 =	vadd.f32 v59, v58  }
0x1d3: {  	v63 =	vadd.f32 v61, v60;
	v49 =	vadd.f32 v24, v62  }
0x1d4: {  	v50 =	vadd.f32 v26, v25;
	v48 =	vadd.f32 v1, v44  }
0x1d5: {  	v51 =	vadd.f32 v28, v27;
	v52 =	vadd.f32 v30, v29  }
0x1d6: {  	v53 =	vadd.f32 v46, v45;
	v54 =	vadd.f32 v48, v47  }
0x1d7: {  	v19 =	vadd.f32 v63, v19;
	v55 =	vadd.f32 v50, v49  }
0x1d8: {  	v56 =	vadd.f32 v52, v51;
	v57 =	vadd.f32 v54, v53;
	_ =	sdelay $0x1  }
0x1d9: {  	v19 =	vadd.f32 v55, v19;
	v58 =	vadd.f32 v57, v56;
	_ =	sdelay $0x1  }
0x1da: {  	v19 =	vadd.f32 v58, v19;
	_ =	sdelay $0x1  }
0x1db: {  	v59 =	vmul.f32 $3.125000000e-02, v19;
	_ =	sdelay $0x1  }
0x1dc: {  	v46 =	vsub.f32 v6, v59  }
0x1dd: {  	v47 =	vsub.f32 v2, v59;
	v48 =	vsub.f32 v3, v59  }
0x1de: {  	v30 =	vsub.f32 v4, v59;
	v29 =	vsub.f32 v5, v59  }
0x1df: {  	v28 =	vsub.f32 v7, v59;
	v27 =	vsub.f32 v8, v59  }
0x1e0: {  	v26 =	vsub.f32 v9, v59;
	v25 =	vsub.f32 v10, v59  }
0x1e1: {  	v24 =	vsub.f32 v11, v59;
	v23 =	vsub.f32 v12, v59  }
0x1e2: {  	v22 =	vsub.f32 v13, v59;
	v21 =	vsub.f32 v14, v59  }
0x1e3: {  	v20 =	vsub.f32 v15, v59;
	v19 =	vsub.f32 v16, v59  }
0x1e4: {  	v17 =	vsub.f32 v17, v59;
	v16 =	vsub.f32 v18, v59  }
0x1e5: {  	v15 =	vsub.f32 v31, v59;
	v14 =	vsub.f32 v32, v59  }
0x1e6: {  	v13 =	vsub.f32 v33, v59;
	v12 =	vsub.f32 v34, v59  }
0x1e7: {  	v11 =	vsub.f32 v35, v59;
	v10 =	vsub.f32 v36, v59  }
0x1e8: {  	v9 =	vsub.f32 v37, v59;
	v18 =	vmul.f32 v46, v46;
	v31 =	vmul.f32 v47, v47  }
0x1e9: {  	v8 =	vsub.f32 v38, v59;
	v32 =	vmul.f32 v48, v48;
	v60 =	vmul.f32 v30, v30  }
0x1ea: {  	v7 =	vsub.f32 v39, v59;
	v34 =	vmul.f32 v29, v29;
	v35 =	vmul.f32 v28, v28  }
0x1eb: {  	v6 =	vsub.f32 v40, v59;
	v36 =	vmul.f32 v27, v27;
	v61 =	vmul.f32 v26, v26  }
0x1ec: {  	v5 =	vsub.f32 v41, v59;
	v38 =	vmul.f32 v25, v25;
	v62 =	vmul.f32 v24, v24  }
0x1ed: {  	v4 =	vsub.f32 v42, v59;
	v40 =	vmul.f32 v23, v23;
	v63 =	vmul.f32 v22, v22  }
0x1ee: {  	v3 =	vsub.f32 v43, v59;
	v56 =	vmul.f32 v21, v21;
	v49 =	vmul.f32 v20, v20  }
0x1ef: {  	v2 =	vsub.f32 v44, v59;
	v57 =	vmul.f32 v19, v19;
	v50 =	vmul.f32 v17, v17  }
0x1f0: {  	v1 =	vsub.f32 v1, v59;
	v58 =	vmul.f32 v16, v16;
	v51 =	vmul.f32 v15, v15  }
0x1f1: {  	v59 =	vmul.f32 v14, v14;
	v52 =	vmul.f32 v13, v13;
	v18 =	vadd.f32 v31, v18  }
0x1f2: {  	v31 =	vmul.f32 v12, v12;
	v32 =	vadd.f32 v60, v32;
	v60 =	vmul.f32 v11, v11  }
0x1f3: {  	v34 =	vadd.f32 v35, v34;
	v35 =	vmul.f32 v10, v10;
	v36 =	vadd.f32 v61, v36  }
0x1f4: {  	v61 =	vmul.f32 v9, v9;
	v38 =	vadd.f32 v62, v38;
	v62 =	vmul.f32 v8, v8  }
0x1f5: {  	v40 =	vadd.f32 v63, v40;
	v63 =	vmul.f32 v7, v7;
	v42 =	vadd.f32 v49, v56  }
0x1f6: {  	v56 =	vmul.f32 v6, v6;
	v43 =	vadd.f32 v50, v57;
	v57 =	vmul.f32 v5, v5  }
0x1f7: {  	v44 =	vadd.f32 v51, v58;
	v58 =	vmul.f32 v4, v4;
	v45 =	vadd.f32 v52, v59  }
0x1f8: {  	v59 =	vmul.f32 v3, v3;
	v31 =	vadd.f32 v60, v31;
	v35 =	vadd.f32 v61, v35  }
0x1f9: {  	v60 =	vmul.f32 v2, v2;
	v39 =	vadd.f32 v63, v62;
	v62 =	vadd.f32 v57, v56  }
0x1fa: {  	v61 =	vmul.f32 v1, v1;
	v63 =	vadd.f32 v59, v58;
	v18 =	vadd.f32 v32, v18  }
0x1fb: {  	v52 =	vadd.f32 v36, v34;
	v53 =	vadd.f32 v40, v38  }
0x1fc: {  	v54 =	vadd.f32 v43, v42;
	v33 =	vadd.f32 v61, v60  }
0x1fd: {  	v55 =	vadd.f32 v45, v44;
	v31 =	vadd.f32 v35, v31  }
0x1fe: {  	v56 =	vadd.f32 v62, v39;
	v33 =	vadd.f32 v33, v63  }
0x1ff: {  	v18 =	vadd.f32 v52, v18;
	v57 =	vadd.f32 v54, v53  }
0x200: {  	v31 =	vadd.f32 v31, v55;
	v33 =	vadd.f32 v33, v56;
	_ =	sdelay $0x1  }
0x201: {  	v18 =	vadd.f32 v57, v18;
	v31 =	vadd.f32 v33, v31;
	_ =	sdelay $0x1  }
0x202: {  	v18 =	vadd.f32 v31, v18;
	_ =	sdelay $0x1  }
0x203: {  	v18 =	vmul.f32 $3.125000000e-02, v18;
	_ =	sdelay $0x1  }
0x204: {  	v18 =	vadd.f32 $9.999999740e-06, v18;
	_ =	sdelay $0x1  }
0x205: {  	v58 =	vshra.s32 v18, $0x1;
	v18 =	vmul.f32 $5.000000000e-01, v18  }
0x206: {  	v31 =	vsub.s32 $0x5F3759DF, v58  }
0x207: {  	v59 =	vmul.f32 v31, v18;
	_ =	sdelay $0x1  }
0x208: {  	v32 =	vmul.f32 v31, v59;
	_ =	sdelay $0x1  }
0x209: {  	v32 =	vsub.f32 $1.500000000e+00, v32;
	_ =	sdelay $0x1  }
0x20a: {  	v31 =	vmul.f32 v31, v32;
	_ =	sdelay $0x1  }
0x20b: {  	v32 =	vmul.f32 v31, v18;
	_ =	sdelay $0x1  }
0x20c: {  	v32 =	vmul.f32 v32, v31;
	_ =	sdelay $0x1  }
0x20d: {  	v32 =	vsub.f32 $1.500000000e+00, v32;
	_ =	sdelay $0x1  }
0x20e: {  	v31 =	vmul.f32 v32, v31;
	_ =	sdelay $0x1  }
0x20f: {  	v18 =	vmul.f32 v31, v18;
	_ =	sdelay $0x1  }
0x210: {  	v18 =	vmul.f32 v18, v31  }
0x211: {  	v60 =	vld [tilespmem:$0x18600]  }
0x212: {  	v18 =	vsub.f32 $1.500000000e+00, v18;
	_ =	sdelay $0x1  }
0x213: {  	v18 =	vmul.f32 v18, v31  }
0x214: {  	v61 =	vld [tilespmem:$0x18800]  }
0x215: {  	v32 =	vmul.f32 v18, v60;
	_ =	sdelay $0x1  }
0x216: {  	v32 =	vmul.f32 v32, v46;
	_ =	sdelay $0x1  }
0x217: {  	v31 =	vadd.f32 v32, v61;
	_ =	sdelay $0x1  }
0x218: {  	[tilespmem:s30+$0xFFFFE000] =	vst v31  }
0x219: {  	v31 =	vld [tilespmem:$0x18610];
	_ =	sdelay $0x3  }
0x21a: {  	v62 =	vld [tilespmem:$0x18810]  }
0x21b: {  	v31 =	vmul.f32 v18, v31;
	_ =	sdelay $0x1  }
0x21c: {  	v31 =	vmul.f32 v31, v47;
	_ =	sdelay $0x1  }
0x21d: {  	v31 =	vadd.f32 v31, v62;
	_ =	sdelay $0x1  }
0x21e: {  	[tilespmem:s30+$0xFFFFE200] =	vst v31  }
0x21f: {  	v31 =	vld [tilespmem:$0x18620];
	_ =	sdelay $0x3  }
0x220: {  	v63 =	vld [tilespmem:$0x18820]  }
0x221: {  	v31 =	vmul.f32 v18, v31;
	_ =	sdelay $0x1  }
0x222: {  	v31 =	vmul.f32 v31, v48;
	_ =	sdelay $0x1  }
0x223: {  	v31 =	vadd.f32 v31, v63;
	_ =	sdelay $0x1  }
0x224: {  	[tilespmem:s30+$0xFFFFE400] =	vst v31  }
0x225: {  	v31 =	vld [tilespmem:$0x18630];
	_ =	sdelay $0x3  }
0x226: {  	v36 =	vld [tilespmem:$0x18830]  }
0x227: {  	v31 =	vmul.f32 v18, v31;
	_ =	sdelay $0x1  }
0x228: {  	v30 =	vmul.f32 v31, v30;
	_ =	sdelay $0x1  }
0x229: {  	v30 =	vadd.f32 v30, v36;
	_ =	sdelay $0x1  }
0x22a: {  	[tilespmem:s30+$0xFFFFE600] =	vst v30  }
0x22b: {  	v30 =	vld [tilespmem:$0x18640];
	_ =	sdelay $0x3  }
0x22c: {  	v37 =	vld [tilespmem:$0x18840]  }
0x22d: {  	v30 =	vmul.f32 v18, v30;
	_ =	sdelay $0x1  }
0x22e: {  	v29 =	vmul.f32 v30, v29;
	_ =	sdelay $0x1  }
0x22f: {  	v29 =	vadd.f32 v29, v37;
	_ =	sdelay $0x1  }
0x230: {  	[tilespmem:s30+$0xFFFFE800] =	vst v29  }
0x231: {  	v29 =	vld [tilespmem:$0x18650];
	_ =	sdelay $0x3  }
0x232: {  	v38 =	vld [tilespmem:$0x18850]  }
0x233: {  	v29 =	vmul.f32 v18, v29;
	_ =	sdelay $0x1  }
0x234: {  	v28 =	vmul.f32 v29, v28;
	_ =	sdelay $0x1  }
0x235: {  	v28 =	vadd.f32 v28, v38;
	_ =	sdelay $0x1  }
0x236: {  	[tilespmem:s30+$0xFFFFEA00] =	vst v28  }
0x237: {  	v28 =	vld [tilespmem:$0x18660];
	_ =	sdelay $0x3  }
0x238: {  	v39 =	vld [tilespmem:$0x18860]  }
0x239: {  	v28 =	vmul.f32 v18, v28;
	_ =	sdelay $0x1  }
0x23a: {  	v27 =	vmul.f32 v28, v27;
	_ =	sdelay $0x1  }
0x23b: {  	v27 =	vadd.f32 v27, v39;
	_ =	sdelay $0x1  }
0x23c: {  	[tilespmem:s30+$0xFFFFEC00] =	vst v27  }
0x23d: {  	v27 =	vld [tilespmem:$0x18670];
	_ =	sdelay $0x3  }
0x23e: {  	v40 =	vld [tilespmem:$0x18870]  }
0x23f: {  	v27 =	vmul.f32 v18, v27;
	_ =	sdelay $0x1  }
0x240: {  	v26 =	vmul.f32 v27, v26;
	_ =	sdelay $0x1  }
0x241: {  	v26 =	vadd.f32 v26, v40;
	_ =	sdelay $0x1  }
0x242: {  	[tilespmem:s30+$0xFFFFEE00] =	vst v26  }
0x243: {  	v26 =	vld [tilespmem:$0x18680];
	_ =	sdelay $0x3  }
0x244: {  	v41 =	vld [tilespmem:$0x18880]  }
0x245: {  	v26 =	vmul.f32 v18, v26;
	_ =	sdelay $0x1  }
0x246: {  	v25 =	vmul.f32 v26, v25;
	_ =	sdelay $0x1  }
0x247: {  	v25 =	vadd.f32 v25, v41;
	_ =	sdelay $0x1  }
0x248: {  	[tilespmem:s30+$0xFFFFF000] =	vst v25  }
0x249: {  	v25 =	vld [tilespmem:$0x18690];
	_ =	sdelay $0x3  }
0x24a: {  	v42 =	vld [tilespmem:$0x18890]  }
0x24b: {  	v25 =	vmul.f32 v18, v25;
	_ =	sdelay $0x1  }
0x24c: {  	v24 =	vmul.f32 v25, v24;
	_ =	sdelay $0x1  }
0x24d: {  	v24 =	vadd.f32 v24, v42;
	_ =	sdelay $0x1  }
0x24e: {  	[tilespmem:s30+$0xFFFFF200] =	vst v24  }
0x24f: {  	v24 =	vld [tilespmem:$0x186A0];
	_ =	sdelay $0x3  }
0x250: {  	v43 =	vld [tilespmem:$0x188A0]  }
0x251: {  	v24 =	vmul.f32 v24, v18;
	_ =	sdelay $0x1  }
0x252: {  	v23 =	vmul.f32 v24, v23;
	_ =	sdelay $0x1  }
0x253: {  	v23 =	vadd.f32 v23, v43;
	_ =	sdelay $0x1  }
0x254: {  	[tilespmem:s30+$0xFFFFF400] =	vst v23  }
0x255: {  	v23 =	vld [tilespmem:$0x186B0];
	_ =	sdelay $0x3  }
0x256: {  	v44 =	vld [tilespmem:$0x188B0]  }
0x257: {  	v23 =	vmul.f32 v23, v18;
	_ =	sdelay $0x1  }
0x258: {  	v22 =	vmul.f32 v23, v22;
	_ =	sdelay $0x1  }
0x259: {  	v22 =	vadd.f32 v22, v44;
	_ =	sdelay $0x1  }
0x25a: {  	[tilespmem:s30+$0xFFFFF600] =	vst v22  }
0x25b: {  	v22 =	vld [tilespmem:$0x186C0];
	_ =	sdelay $0x3  }
0x25c: {  	v45 =	vld [tilespmem:$0x188C0]  }
0x25d: {  	v22 =	vmul.f32 v22, v18;
	_ =	sdelay $0x1  }
0x25e: {  	v21 =	vmul.f32 v22, v21;
	_ =	sdelay $0x1  }
0x25f: {  	v21 =	vadd.f32 v21, v45;
	_ =	sdelay $0x1  }
0x260: {  	[tilespmem:s30+$0xFFFFF800] =	vst v21  }
0x261: {  	v21 =	vld [tilespmem:$0x186D0];
	_ =	sdelay $0x3  }
0x262: {  	v46 =	vld [tilespmem:$0x188D0]  }
0x263: {  	v21 =	vmul.f32 v21, v18;
	_ =	sdelay $0x1  }
0x264: {  	v20 =	vmul.f32 v21, v20;
	_ =	sdelay $0x1  }
0x265: {  	v20 =	vadd.f32 v20, v46;
	_ =	sdelay $0x1  }
0x266: {  	[tilespmem:s30+$0xFFFFFA00] =	vst v20  }
0x267: {  	v20 =	vld [tilespmem:$0x186E0];
	_ =	sdelay $0x3  }
0x268: {  	v47 =	vld [tilespmem:$0x188E0]  }
0x269: {  	v20 =	vmul.f32 v20, v18;
	_ =	sdelay $0x1  }
0x26a: {  	v19 =	vmul.f32 v20, v19;
	_ =	sdelay $0x1  }
0x26b: {  	v19 =	vadd.f32 v19, v47;
	_ =	sdelay $0x1  }
0x26c: {  	[tilespmem:s30+$0xFFFFFC00] =	vst v19  }
0x26d: {  	v19 =	vld [tilespmem:$0x186F0];
	_ =	sdelay $0x3  }
0x26e: {  	v48 =	vld [tilespmem:$0x188F0]  }
0x26f: {  	v19 =	vmul.f32 v19, v18;
	_ =	sdelay $0x1  }
0x270: {  	v17 =	vmul.f32 v19, v17;
	_ =	sdelay $0x1  }
0x271: {  	v17 =	vadd.f32 v17, v48;
	_ =	sdelay $0x1  }
0x272: {  	[tilespmem:s30+$0xFFFFFE00] =	vst v17  }
0x273: {  	v17 =	vld [tilespmem:$0x18700];
	_ =	sdelay $0x3  }
0x274: {  	v49 =	vld [tilespmem:$0x18900]  }
0x275: {  	v17 =	vmul.f32 v17, v18;
	_ =	sdelay $0x1  }
0x276: {  	v16 =	vmul.f32 v17, v16;
	_ =	sdelay $0x1  }
0x277: {  	v16 =	vadd.f32 v16, v49;
	_ =	sdelay $0x1  }
0x278: {  	[tilespmem:s30+$0x0] =	vst v16  }
0x279: {  	v16 =	vld [tilespmem:$0x18710];
	_ =	sdelay $0x3  }
0x27a: {  	v50 =	vld [tilespmem:$0x18910]  }
0x27b: {  	v16 =	vmul.f32 v16, v18;
	_ =	sdelay $0x1  }
0x27c: {  	v15 =	vmul.f32 v16, v15;
	_ =	sdelay $0x1  }
0x27d: {  	v15 =	vadd.f32 v15, v50;
	_ =	sdelay $0x1  }
0x27e: {  	[tilespmem:s30+$0x200] =	vst v15  }
0x27f: {  	v15 =	vld [tilespmem:$0x18720];
	_ =	sdelay $0x3  }
0x280: {  	v51 =	vld [tilespmem:$0x18920]  }
0x281: {  	v15 =	vmul.f32 v15, v18;
	_ =	sdelay $0x1  }
0x282: {  	v14 =	vmul.f32 v15, v14;
	_ =	sdelay $0x1  }
0x283: {  	v14 =	vadd.f32 v14, v51;
	_ =	sdelay $0x1  }
0x284: {  	[tilespmem:s30+$0x400] =	vst v14  }
0x285: {  	v14 =	vld [tilespmem:$0x18730];
	_ =	sdelay $0x3  }
0x286: {  	v52 =	vld [tilespmem:$0x18930]  }
0x287: {  	v14 =	vmul.f32 v14, v18;
	_ =	sdelay $0x1  }
0x288: {  	v13 =	vmul.f32 v14, v13;
	_ =	sdelay $0x1  }
0x289: {  	v13 =	vadd.f32 v13, v52;
	_ =	sdelay $0x1  }
0x28a: {  	[tilespmem:s30+$0x600] =	vst v13  }
0x28b: {  	v13 =	vld [tilespmem:$0x18740];
	_ =	sdelay $0x3  }
0x28c: {  	v53 =	vld [tilespmem:$0x18940]  }
0x28d: {  	v13 =	vmul.f32 v13, v18;
	_ =	sdelay $0x1  }
0x28e: {  	v12 =	vmul.f32 v13, v12;
	_ =	sdelay $0x1  }
0x28f: {  	v12 =	vadd.f32 v12, v53;
	_ =	sdelay $0x1  }
0x290: {  	[tilespmem:s30+$0x800] =	vst v12  }
0x291: {  	v12 =	vld [tilespmem:$0x18750];
	_ =	sdelay $0x3  }
0x292: {  	v54 =	vld [tilespmem:$0x18950]  }
0x293: {  	v12 =	vmul.f32 v12, v18;
	_ =	sdelay $0x1  }
0x294: {  	v11 =	vmul.f32 v12, v11;
	_ =	sdelay $0x1  }
0x295: {  	v11 =	vadd.f32 v11, v54;
	_ =	sdelay $0x1  }
0x296: {  	[tilespmem:s30+$0xA00] =	vst v11  }
0x297: {  	v11 =	vld [tilespmem:$0x18760];
	_ =	sdelay $0x3  }
0x298: {  	v55 =	vld [tilespmem:$0x18960]  }
0x299: {  	v11 =	vmul.f32 v11, v18;
	_ =	sdelay $0x1  }
0x29a: {  	v10 =	vmul.f32 v11, v10;
	_ =	sdelay $0x1  }
0x29b: {  	v10 =	vadd.f32 v10, v55;
	_ =	sdelay $0x1  }
0x29c: {  	[tilespmem:s30+$0xC00] =	vst v10  }
0x29d: {  	v10 =	vld [tilespmem:$0x18770];
	_ =	sdelay $0x3  }
0x29e: {  	v56 =	vld [tilespmem:$0x18970]  }
0x29f: {  	v10 =	vmul.f32 v10, v18;
	_ =	sdelay $0x1  }
0x2a0: {  	v9 =	vmul.f32 v10, v9;
	_ =	sdelay $0x1  }
0x2a1: {  	v9 =	vadd.f32 v9, v56;
	_ =	sdelay $0x1  }
0x2a2: {  	[tilespmem:s30+$0xE00] =	vst v9  }
0x2a3: {  	v9 =	vld [tilespmem:$0x18780];
	_ =	sdelay $0x3  }
0x2a4: {  	v57 =	vld [tilespmem:$0x18980]  }
0x2a5: {  	v9 =	vmul.f32 v9, v18;
	_ =	sdelay $0x1  }
0x2a6: {  	v8 =	vmul.f32 v9, v8;
	_ =	sdelay $0x1  }
0x2a7: {  	v8 =	vadd.f32 v8, v57;
	_ =	sdelay $0x1  }
0x2a8: {  	[tilespmem:s30+$0x1000] =	vst v8  }
0x2a9: {  	v8 =	vld [tilespmem:$0x18790];
	_ =	sdelay $0x3  }
0x2aa: {  	v58 =	vld [tilespmem:$0x18990]  }
0x2ab: {  	v8 =	vmul.f32 v8, v18;
	_ =	sdelay $0x1  }
0x2ac: {  	v7 =	vmul.f32 v8, v7;
	_ =	sdelay $0x1  }
0x2ad: {  	v7 =	vadd.f32 v7, v58;
	_ =	sdelay $0x1  }
0x2ae: {  	[tilespmem:s30+$0x1200] =	vst v7  }
0x2af: {  	v7 =	vld [tilespmem:$0x187A0];
	_ =	sdelay $0x3  }
0x2b0: {  	v59 =	vld [tilespmem:$0x189A0]  }
0x2b1: {  	v7 =	vmul.f32 v7, v18;
	_ =	sdelay $0x1  }
0x2b2: {  	v6 =	vmul.f32 v7, v6;
	_ =	sdelay $0x1  }
0x2b3: {  	v6 =	vadd.f32 v6, v59;
	_ =	sdelay $0x1  }
0x2b4: {  	[tilespmem:s30+$0x1400] =	vst v6  }
0x2b5: {  	v6 =	vld [tilespmem:$0x187B0];
	_ =	sdelay $0x3  }
0x2b6: {  	v60 =	vld [tilespmem:$0x189B0]  }
0x2b7: {  	v6 =	vmul.f32 v6, v18;
	_ =	sdelay $0x1  }
0x2b8: {  	v5 =	vmul.f32 v6, v5;
	_ =	sdelay $0x1  }
0x2b9: {  	v5 =	vadd.f32 v5, v60;
	_ =	sdelay $0x1  }
0x2ba: {  	[tilespmem:s30+$0x1600] =	vst v5  }
0x2bb: {  	v5 =	vld [tilespmem:$0x187C0];
	_ =	sdelay $0x3  }
0x2bc: {  	v61 =	vld [tilespmem:$0x189C0]  }
0x2bd: {  	v5 =	vmul.f32 v5, v18;
	_ =	sdelay $0x1  }
0x2be: {  	v4 =	vmul.f32 v5, v4;
	_ =	sdelay $0x1  }
0x2bf: {  	v4 =	vadd.f32 v4, v61;
	_ =	sdelay $0x1  }
0x2c0: {  	[tilespmem:s30+$0x1800] =	vst v4  }
0x2c1: {  	v4 =	vld [tilespmem:$0x187D0];
	_ =	sdelay $0x3  }
0x2c2: {  	v62 =	vld [tilespmem:$0x189D0]  }
0x2c3: {  	v4 =	vmul.f32 v4, v18;
	_ =	sdelay $0x1  }
0x2c4: {  	v3 =	vmul.f32 v4, v3;
	_ =	sdelay $0x1  }
0x2c5: {  	v3 =	vadd.f32 v3, v62;
	_ =	sdelay $0x1  }
0x2c6: {  	[tilespmem:s30+$0x1A00] =	vst v3  }
0x2c7: {  	v3 =	vld [tilespmem:$0x187E0];
	_ =	sdelay $0x3  }
0x2c8: {  	v63 =	vld [tilespmem:$0x189E0]  }
0x2c9: {  	v3 =	vmul.f32 v3, v18;
	_ =	sdelay $0x1  }
0x2ca: {  	v2 =	vmul.f32 v3, v2;
	_ =	sdelay $0x1  }
0x2cb: {  	v2 =	vadd.f32 v2, v63;
	_ =	sdelay $0x1  }
0x2cc: {  	[tilespmem:s30+$0x1C00] =	vst v2  }
0x2cd: {  	v2 =	vld [tilespmem:$0x187F0];
	_ =	sdelay $0x3  }
0x2ce: {  	v3 =	vld [tilespmem:$0x189F0]  }
0x2cf: {  	v2 =	vmul.f32 v2, v18  }
0x2d0: {  	p2 =	sne.s32 s12, $0x1F0  }
.Ltmp6:
0x2d1: {  	v1 =	vmul.f32 v2, v1;
	(pc) =	sbr.rel @p2 .LBB2_9-.Ltmp6, $3  }
0x2d2: {  	_ = 	snop  }
0x2d3: {  	v1 =	vadd.f32 v1, v3;
	_ =	sdelay $0x1  }
0x2d4: {  	s12 =	sadd.s32 $0x10, s12;
	[tilespmem:s30+$0x1E00] =	vst v1;
	s30 =	sadd.s32 $0x10, s30  }
.Ltmp7:
0x2d5: {  	(pc) =	sbr.rel @p0 .LBB2_14-.Ltmp7, $4  }
0x2d6: {  	s12 =	sadd.s32 s13, s25  }
0x2d7: {  	s12 =	sshrl.u32 s12, $0x3  }
0x2d8: {  	s12 =	sadd.s32 s9, s12  }
0x2d9: {  	[hbm4b:s12+s28] =	stream.strided.scatter [tilespmem:s22], [sflag:$0x5], $0x4000, s7, s28, $0x38;
	[tilespmem:$0x18A00] =	vst v63  }
0x2da: {  	s12 =	smul.u32 $0xC000, s26;
	_ =	sdelay $0x1  }
0x2db: {  	s12 =	sadd.s32 s14, s12  }
0x2dc: {  	s12 =	sshrl.u32 s12, $0x3  }
0x2dd: {  	s12 =	sadd.s32 s1, s12  }
0x2de: {  	[tilespmem:s28], [sflag:$0x7] =	stream.linear.gather [hbm4b:s12+s3], $0x200, $0x38;
	[tilespmem:$0x18A00] =	vst v63  }
0x2df: {  	_ =	swait.ge [sflag:s18], $0x200  }
0x2e0: {  	[sflag:s18] =	ssyncset.done $0x0  }
0x2e1: {  	[sflag:s18] =	ssyncadd.s32 $0xFFFFFE00  }
0x2e2: {  	[tilespmem:s29], [sflag:$0x2] =	stream.indirect.gather [hbm4b:s4+s20], $0x20, s28, s20, $0xb8;
	[tilespmem:$0x18A00] =	vst v63  }
0x2e3: {  	s12 =	simm.s32 $0x280  }
0x2e4: {  	[tilespmem:s31], [sflag:$0x2] =	stream.indirect.gather [hbm4b:s4+s20], $0x20, s12, s20, $0xb8;
	[tilespmem:$0x18A00] =	vst v63  }
0x2e5: {  	_ = 	snop  }
0x2e6: {  	[tilespmem:s2], [sflag:$0x2] =	stream.indirect.gather [hbm4b:s4+s20], $0x20, s0, s20, $0xb8;
	[tilespmem:$0x18A00] =	vst v63  }
0x2e7: {  	_ = 	snop  }
0x2e8: {  	[tilespmem:s19], [sflag:$0x2] =	stream.indirect.gather [hbm4b:s4+s20], $0x20, s17, s20, $0xb8;
	[tilespmem:$0x18A00] =	vst v63  }
0x2e9: {  	_ =	swait.ge [sflag:s23], $0x4000  }
0x2ea: {  	[sflag:s23] =	ssyncset.done $0x0  }
0x2eb: {  	s12 =	simm.s32 @!p1 $0x6;
	[sflag:s23] =	ssyncadd.s32 $0xFFFFC000  }
0x2ec: {  	_ =	swait.ge @!p1 [sflag:s12], $0x4000  }
0x2ed: {  	[sflag:s12] =	ssyncset.done @!p1 $0x0  }
0x2ee: {  	s30 =	simm.s32 $0x16600;
	[sflag:s12] =	ssyncadd.s32 @!p1 $0xFFFFC000;
	s12 =	simm.s32 $0x0  }
.LBB2_12:
0x2ef: {  	v1 =	vmov s12  }
0x2f0: {  	v1 =	vshll.u32 v1, $0x5  }
0x2f1: {  	v1 =	vor.u32 v0, v1  }
0x2f2: {  	v2 =	vor.u32 $0x1, v1  }
0x2f3: {  	v3 =	vor.u32 $0x2, v1  }
0x2f4: {  	v4 =	vor.u32 $0x3, v1  }
0x2f5: {  	v5 =	vor.u32 $0x4, v1  }
0x2f6: {  	v7 =	vor.u32 $0x5, v1;
	v6 =	vld.idx.msk [tilespmem:v1+s24+$0x0], $0xffff  }
0x2f7: {  	v8 =	vor.u32 $0x6, v1;
	v2 =	vld.idx.msk [tilespmem:v2+s24+$0x0], $0xffff  }
0x2f8: {  	v9 =	vor.u32 $0x7, v1;
	v3 =	vld.idx.msk [tilespmem:v3+s24+$0x0], $0xffff  }
0x2f9: {  	v10 =	vor.u32 $0x8, v1;
	v4 =	vld.idx.msk [tilespmem:v4+s24+$0x0], $0xffff  }
0x2fa: {  	v11 =	vor.u32 $0x9, v1;
	v5 =	vld.idx.msk [tilespmem:v5+s24+$0x0], $0xffff  }
0x2fb: {  	v12 =	vor.u32 $0xA, v1;
	v7 =	vld.idx.msk [tilespmem:v7+s24+$0x0], $0xffff  }
0x2fc: {  	v13 =	vor.u32 $0xB, v1;
	v8 =	vld.idx.msk [tilespmem:v8+s24+$0x0], $0xffff  }
0x2fd: {  	v14 =	vor.u32 $0xC, v1;
	v9 =	vld.idx.msk [tilespmem:v9+s24+$0x0], $0xffff  }
0x2fe: {  	v15 =	vor.u32 $0xD, v1;
	v10 =	vld.idx.msk [tilespmem:v10+s24+$0x0], $0xffff  }
0x2ff: {  	v16 =	vor.u32 $0xE, v1;
	v11 =	vld.idx.msk [tilespmem:v11+s24+$0x0], $0xffff  }
0x300: {  	v17 =	vor.u32 $0xF, v1;
	v12 =	vld.idx.msk [tilespmem:v12+s24+$0x0], $0xffff  }
0x301: {  	v18 =	vor.u32 $0x10, v1;
	v13 =	vld.idx.msk [tilespmem:v13+s24+$0x0], $0xffff  }
0x302: {  	v19 =	vor.u32 $0x11, v1;
	v14 =	vld.idx.msk [tilespmem:v14+s24+$0x0], $0xffff  }
0x303: {  	v20 =	vor.u32 $0x12, v1;
	v15 =	vld.idx.msk [tilespmem:v15+s24+$0x0], $0xffff  }
0x304: {  	v21 =	vor.u32 $0x13, v1;
	v16 =	vld.idx.msk [tilespmem:v16+s24+$0x0], $0xffff  }
0x305: {  	v22 =	vor.u32 $0x14, v1;
	v17 =	vld.idx.msk [tilespmem:v17+s24+$0x0], $0xffff  }
0x306: {  	v23 =	vor.u32 $0x15, v1;
	v18 =	vld.idx.msk [tilespmem:v18+s24+$0x0], $0xffff  }
0x307: {  	v49 =	vor.u32 $0x16, v1;
	v31 =	vld.idx.msk [tilespmem:v19+s24+$0x0], $0xffff  }
0x308: {  	v50 =	vor.u32 $0x17, v1;
	v32 =	vld.idx.msk [tilespmem:v20+s24+$0x0], $0xffff  }
0x309: {  	v51 =	vor.u32 $0x18, v1;
	v33 =	vld.idx.msk [tilespmem:v21+s24+$0x0], $0xffff  }
0x30a: {  	v52 =	vor.u32 $0x19, v1;
	v34 =	vld.idx.msk [tilespmem:v22+s24+$0x0], $0xffff  }
0x30b: {  	v53 =	vor.u32 $0x1A, v1;
	v35 =	vld.idx.msk [tilespmem:v23+s24+$0x0], $0xffff  }
0x30c: {  	v54 =	vor.u32 $0x1B, v1;
	v36 =	vld.idx.msk [tilespmem:v49+s24+$0x0], $0xffff  }
0x30d: {  	v55 =	vor.u32 $0x1C, v1;
	v37 =	vld.idx.msk [tilespmem:v50+s24+$0x0], $0xffff  }
0x30e: {  	v56 =	vor.u32 $0x1D, v1;
	v38 =	vld.idx.msk [tilespmem:v51+s24+$0x0], $0xffff  }
0x30f: {  	v57 =	vor.u32 $0x1E, v1;
	v39 =	vld.idx.msk [tilespmem:v52+s24+$0x0], $0xffff  }
0x310: {  	v1 =	vor.u32 $0x1F, v1;
	v40 =	vld.idx.msk [tilespmem:v53+s24+$0x0], $0xffff  }
0x311: {  	v41 =	vld.idx.msk [tilespmem:v54+s24+$0x0], $0xffff;
	v58 =	vadd.f32 v2, v6;
	v59 =	vadd.f32 v4, v3  }
0x312: {  	v42 =	vld.idx.msk [tilespmem:v55+s24+$0x0], $0xffff;
	v60 =	vadd.f32 v7, v5;
	v61 =	vadd.f32 v9, v8  }
0x313: {  	v43 =	vld.idx.msk [tilespmem:v56+s24+$0x0], $0xffff;
	v62 =	vadd.f32 v11, v10;
	v24 =	vadd.f32 v13, v12  }
0x314: {  	v44 =	vld.idx.msk [tilespmem:v57+s24+$0x0], $0xffff;
	v25 =	vadd.f32 v15, v14;
	v26 =	vadd.f32 v17, v16  }
0x315: {  	v1 =	vld.idx.msk [tilespmem:v1+s24+$0x0], $0xffff;
	v27 =	vadd.f32 v31, v18;
	v28 =	vadd.f32 v33, v32  }
0x316: {  	v29 =	vadd.f32 v35, v34;
	v30 =	vadd.f32 v37, v36  }
0x317: {  	v45 =	vadd.f32 v39, v38;
	v46 =	vadd.f32 v41, v40  }
0x318: {  	v47 =	vadd.f32 v43, v42;
	v19 =	vadd.f32 v59, v58  }
0x319: {  	v63 =	vadd.f32 v61, v60;
	v49 =	vadd.f32 v24, v62  }
0x31a: {  	v50 =	vadd.f32 v26, v25;
	v48 =	vadd.f32 v1, v44  }
0x31b: {  	v51 =	vadd.f32 v28, v27;
	v52 =	vadd.f32 v30, v29  }
0x31c: {  	v53 =	vadd.f32 v46, v45;
	v54 =	vadd.f32 v48, v47  }
0x31d: {  	v19 =	vadd.f32 v63, v19;
	v55 =	vadd.f32 v50, v49  }
0x31e: {  	v56 =	vadd.f32 v52, v51;
	v57 =	vadd.f32 v54, v53;
	_ =	sdelay $0x1  }
0x31f: {  	v19 =	vadd.f32 v55, v19;
	v58 =	vadd.f32 v57, v56;
	_ =	sdelay $0x1  }
0x320: {  	v19 =	vadd.f32 v58, v19;
	_ =	sdelay $0x1  }
0x321: {  	v59 =	vmul.f32 $3.125000000e-02, v19;
	_ =	sdelay $0x1  }
0x322: {  	v46 =	vsub.f32 v6, v59  }
0x323: {  	v47 =	vsub.f32 v2, v59;
	v48 =	vsub.f32 v3, v59  }
0x324: {  	v30 =	vsub.f32 v4, v59;
	v29 =	vsub.f32 v5, v59  }
0x325: {  	v28 =	vsub.f32 v7, v59;
	v27 =	vsub.f32 v8, v59  }
0x326: {  	v26 =	vsub.f32 v9, v59;
	v25 =	vsub.f32 v10, v59  }
0x327: {  	v24 =	vsub.f32 v11, v59;
	v23 =	vsub.f32 v12, v59  }
0x328: {  	v22 =	vsub.f32 v13, v59;
	v21 =	vsub.f32 v14, v59  }
0x329: {  	v20 =	vsub.f32 v15, v59;
	v19 =	vsub.f32 v16, v59  }
0x32a: {  	v17 =	vsub.f32 v17, v59;
	v16 =	vsub.f32 v18, v59  }
0x32b: {  	v15 =	vsub.f32 v31, v59;
	v14 =	vsub.f32 v32, v59  }
0x32c: {  	v13 =	vsub.f32 v33, v59;
	v12 =	vsub.f32 v34, v59  }
0x32d: {  	v11 =	vsub.f32 v35, v59;
	v10 =	vsub.f32 v36, v59  }
0x32e: {  	v9 =	vsub.f32 v37, v59;
	v18 =	vmul.f32 v46, v46;
	v31 =	vmul.f32 v47, v47  }
0x32f: {  	v8 =	vsub.f32 v38, v59;
	v32 =	vmul.f32 v48, v48;
	v60 =	vmul.f32 v30, v30  }
0x330: {  	v7 =	vsub.f32 v39, v59;
	v34 =	vmul.f32 v29, v29;
	v35 =	vmul.f32 v28, v28  }
0x331: {  	v6 =	vsub.f32 v40, v59;
	v36 =	vmul.f32 v27, v27;
	v61 =	vmul.f32 v26, v26  }
0x332: {  	v5 =	vsub.f32 v41, v59;
	v38 =	vmul.f32 v25, v25;
	v62 =	vmul.f32 v24, v24  }
0x333: {  	v4 =	vsub.f32 v42, v59;
	v40 =	vmul.f32 v23, v23;
	v63 =	vmul.f32 v22, v22  }
0x334: {  	v3 =	vsub.f32 v43, v59;
	v56 =	vmul.f32 v21, v21;
	v49 =	vmul.f32 v20, v20  }
0x335: {  	v2 =	vsub.f32 v44, v59;
	v57 =	vmul.f32 v19, v19;
	v50 =	vmul.f32 v17, v17  }
0x336: {  	v1 =	vsub.f32 v1, v59;
	v58 =	vmul.f32 v16, v16;
	v51 =	vmul.f32 v15, v15  }
0x337: {  	v59 =	vmul.f32 v14, v14;
	v52 =	vmul.f32 v13, v13;
	v18 =	vadd.f32 v31, v18  }
0x338: {  	v31 =	vmul.f32 v12, v12;
	v32 =	vadd.f32 v60, v32;
	v60 =	vmul.f32 v11, v11  }
0x339: {  	v34 =	vadd.f32 v35, v34;
	v35 =	vmul.f32 v10, v10;
	v36 =	vadd.f32 v61, v36  }
0x33a: {  	v61 =	vmul.f32 v9, v9;
	v38 =	vadd.f32 v62, v38;
	v62 =	vmul.f32 v8, v8  }
0x33b: {  	v40 =	vadd.f32 v63, v40;
	v63 =	vmul.f32 v7, v7;
	v42 =	vadd.f32 v49, v56  }
0x33c: {  	v56 =	vmul.f32 v6, v6;
	v43 =	vadd.f32 v50, v57;
	v57 =	vmul.f32 v5, v5  }
0x33d: {  	v44 =	vadd.f32 v51, v58;
	v58 =	vmul.f32 v4, v4;
	v45 =	vadd.f32 v52, v59  }
0x33e: {  	v59 =	vmul.f32 v3, v3;
	v31 =	vadd.f32 v60, v31;
	v35 =	vadd.f32 v61, v35  }
0x33f: {  	v60 =	vmul.f32 v2, v2;
	v39 =	vadd.f32 v63, v62;
	v62 =	vadd.f32 v57, v56  }
0x340: {  	v61 =	vmul.f32 v1, v1;
	v63 =	vadd.f32 v59, v58;
	v18 =	vadd.f32 v32, v18  }
0x341: {  	v52 =	vadd.f32 v36, v34;
	v53 =	vadd.f32 v40, v38  }
0x342: {  	v54 =	vadd.f32 v43, v42;
	v33 =	vadd.f32 v61, v60  }
0x343: {  	v55 =	vadd.f32 v45, v44;
	v31 =	vadd.f32 v35, v31  }
0x344: {  	v56 =	vadd.f32 v62, v39;
	v33 =	vadd.f32 v33, v63  }
0x345: {  	v18 =	vadd.f32 v52, v18;
	v57 =	vadd.f32 v54, v53  }
0x346: {  	v31 =	vadd.f32 v31, v55;
	v33 =	vadd.f32 v33, v56;
	_ =	sdelay $0x1  }
0x347: {  	v18 =	vadd.f32 v57, v18;
	v31 =	vadd.f32 v33, v31;
	_ =	sdelay $0x1  }
0x348: {  	v18 =	vadd.f32 v31, v18;
	_ =	sdelay $0x1  }
0x349: {  	v18 =	vmul.f32 $3.125000000e-02, v18;
	_ =	sdelay $0x1  }
0x34a: {  	v18 =	vadd.f32 $9.999999740e-06, v18;
	_ =	sdelay $0x1  }
0x34b: {  	v58 =	vshra.s32 v18, $0x1;
	v18 =	vmul.f32 $5.000000000e-01, v18  }
0x34c: {  	v31 =	vsub.s32 $0x5F3759DF, v58  }
0x34d: {  	v59 =	vmul.f32 v31, v18;
	_ =	sdelay $0x1  }
0x34e: {  	v32 =	vmul.f32 v31, v59;
	_ =	sdelay $0x1  }
0x34f: {  	v32 =	vsub.f32 $1.500000000e+00, v32;
	_ =	sdelay $0x1  }
0x350: {  	v31 =	vmul.f32 v31, v32;
	_ =	sdelay $0x1  }
0x351: {  	v32 =	vmul.f32 v31, v18;
	_ =	sdelay $0x1  }
0x352: {  	v32 =	vmul.f32 v32, v31;
	_ =	sdelay $0x1  }
0x353: {  	v32 =	vsub.f32 $1.500000000e+00, v32;
	_ =	sdelay $0x1  }
0x354: {  	v31 =	vmul.f32 v32, v31;
	_ =	sdelay $0x1  }
0x355: {  	v18 =	vmul.f32 v31, v18;
	_ =	sdelay $0x1  }
0x356: {  	v18 =	vmul.f32 v18, v31  }
0x357: {  	v60 =	vld [tilespmem:$0x18600]  }
0x358: {  	v18 =	vsub.f32 $1.500000000e+00, v18;
	_ =	sdelay $0x1  }
0x359: {  	v18 =	vmul.f32 v18, v31  }
0x35a: {  	v61 =	vld [tilespmem:$0x18800]  }
0x35b: {  	v32 =	vmul.f32 v18, v60;
	_ =	sdelay $0x1  }
0x35c: {  	v32 =	vmul.f32 v32, v46;
	_ =	sdelay $0x1  }
0x35d: {  	v31 =	vadd.f32 v32, v61;
	_ =	sdelay $0x1  }
0x35e: {  	[tilespmem:s30+$0xFFFFE000] =	vst v31  }
0x35f: {  	v31 =	vld [tilespmem:$0x18610];
	_ =	sdelay $0x3  }
0x360: {  	v62 =	vld [tilespmem:$0x18810]  }
0x361: {  	v31 =	vmul.f32 v18, v31;
	_ =	sdelay $0x1  }
0x362: {  	v31 =	vmul.f32 v31, v47;
	_ =	sdelay $0x1  }
0x363: {  	v31 =	vadd.f32 v31, v62;
	_ =	sdelay $0x1  }
0x364: {  	[tilespmem:s30+$0xFFFFE200] =	vst v31  }
0x365: {  	v31 =	vld [tilespmem:$0x18620];
	_ =	sdelay $0x3  }
0x366: {  	v63 =	vld [tilespmem:$0x18820]  }
0x367: {  	v31 =	vmul.f32 v18, v31;
	_ =	sdelay $0x1  }
0x368: {  	v31 =	vmul.f32 v31, v48;
	_ =	sdelay $0x1  }
0x369: {  	v31 =	vadd.f32 v31, v63;
	_ =	sdelay $0x1  }
0x36a: {  	[tilespmem:s30+$0xFFFFE400] =	vst v31  }
0x36b: {  	v31 =	vld [tilespmem:$0x18630];
	_ =	sdelay $0x3  }
0x36c: {  	v36 =	vld [tilespmem:$0x18830]  }
0x36d: {  	v31 =	vmul.f32 v18, v31;
	_ =	sdelay $0x1  }
0x36e: {  	v30 =	vmul.f32 v31, v30;
	_ =	sdelay $0x1  }
0x36f: {  	v30 =	vadd.f32 v30, v36;
	_ =	sdelay $0x1  }
0x370: {  	[tilespmem:s30+$0xFFFFE600] =	vst v30  }
0x371: {  	v30 =	vld [tilespmem:$0x18640];
	_ =	sdelay $0x3  }
0x372: {  	v37 =	vld [tilespmem:$0x18840]  }
0x373: {  	v30 =	vmul.f32 v18, v30;
	_ =	sdelay $0x1  }
0x374: {  	v29 =	vmul.f32 v30, v29;
	_ =	sdelay $0x1  }
0x375: {  	v29 =	vadd.f32 v29, v37;
	_ =	sdelay $0x1  }
0x376: {  	[tilespmem:s30+$0xFFFFE800] =	vst v29  }
0x377: {  	v29 =	vld [tilespmem:$0x18650];
	_ =	sdelay $0x3  }
0x378: {  	v38 =	vld [tilespmem:$0x18850]  }
0x379: {  	v29 =	vmul.f32 v18, v29;
	_ =	sdelay $0x1  }
0x37a: {  	v28 =	vmul.f32 v29, v28;
	_ =	sdelay $0x1  }
0x37b: {  	v28 =	vadd.f32 v28, v38;
	_ =	sdelay $0x1  }
0x37c: {  	[tilespmem:s30+$0xFFFFEA00] =	vst v28  }
0x37d: {  	v28 =	vld [tilespmem:$0x18660];
	_ =	sdelay $0x3  }
0x37e: {  	v39 =	vld [tilespmem:$0x18860]  }
0x37f: {  	v28 =	vmul.f32 v18, v28;
	_ =	sdelay $0x1  }
0x380: {  	v27 =	vmul.f32 v28, v27;
	_ =	sdelay $0x1  }
0x381: {  	v27 =	vadd.f32 v27, v39;
	_ =	sdelay $0x1  }
0x382: {  	[tilespmem:s30+$0xFFFFEC00] =	vst v27  }
0x383: {  	v27 =	vld [tilespmem:$0x18670];
	_ =	sdelay $0x3  }
0x384: {  	v40 =	vld [tilespmem:$0x18870]  }
0x385: {  	v27 =	vmul.f32 v18, v27;
	_ =	sdelay $0x1  }
0x386: {  	v26 =	vmul.f32 v27, v26;
	_ =	sdelay $0x1  }
0x387: {  	v26 =	vadd.f32 v26, v40;
	_ =	sdelay $0x1  }
0x388: {  	[tilespmem:s30+$0xFFFFEE00] =	vst v26  }
0x389: {  	v26 =	vld [tilespmem:$0x18680];
	_ =	sdelay $0x3  }
0x38a: {  	v41 =	vld [tilespmem:$0x18880]  }
0x38b: {  	v26 =	vmul.f32 v18, v26;
	_ =	sdelay $0x1  }
0x38c: {  	v25 =	vmul.f32 v26, v25;
	_ =	sdelay $0x1  }
0x38d: {  	v25 =	vadd.f32 v25, v41;
	_ =	sdelay $0x1  }
0x38e: {  	[tilespmem:s30+$0xFFFFF000] =	vst v25  }
0x38f: {  	v25 =	vld [tilespmem:$0x18690];
	_ =	sdelay $0x3  }
0x390: {  	v42 =	vld [tilespmem:$0x18890]  }
0x391: {  	v25 =	vmul.f32 v18, v25;
	_ =	sdelay $0x1  }
0x392: {  	v24 =	vmul.f32 v25, v24;
	_ =	sdelay $0x1  }
0x393: {  	v24 =	vadd.f32 v24, v42;
	_ =	sdelay $0x1  }
0x394: {  	[tilespmem:s30+$0xFFFFF200] =	vst v24  }
0x395: {  	v24 =	vld [tilespmem:$0x186A0];
	_ =	sdelay $0x3  }
0x396: {  	v43 =	vld [tilespmem:$0x188A0]  }
0x397: {  	v24 =	vmul.f32 v24, v18;
	_ =	sdelay $0x1  }
0x398: {  	v23 =	vmul.f32 v24, v23;
	_ =	sdelay $0x1  }
0x399: {  	v23 =	vadd.f32 v23, v43;
	_ =	sdelay $0x1  }
0x39a: {  	[tilespmem:s30+$0xFFFFF400] =	vst v23  }
0x39b: {  	v23 =	vld [tilespmem:$0x186B0];
	_ =	sdelay $0x3  }
0x39c: {  	v44 =	vld [tilespmem:$0x188B0]  }
0x39d: {  	v23 =	vmul.f32 v23, v18;
	_ =	sdelay $0x1  }
0x39e: {  	v22 =	vmul.f32 v23, v22;
	_ =	sdelay $0x1  }
0x39f: {  	v22 =	vadd.f32 v22, v44;
	_ =	sdelay $0x1  }
0x3a0: {  	[tilespmem:s30+$0xFFFFF600] =	vst v22  }
0x3a1: {  	v22 =	vld [tilespmem:$0x186C0];
	_ =	sdelay $0x3  }
0x3a2: {  	v45 =	vld [tilespmem:$0x188C0]  }
0x3a3: {  	v22 =	vmul.f32 v22, v18;
	_ =	sdelay $0x1  }
0x3a4: {  	v21 =	vmul.f32 v22, v21;
	_ =	sdelay $0x1  }
0x3a5: {  	v21 =	vadd.f32 v21, v45;
	_ =	sdelay $0x1  }
0x3a6: {  	[tilespmem:s30+$0xFFFFF800] =	vst v21  }
0x3a7: {  	v21 =	vld [tilespmem:$0x186D0];
	_ =	sdelay $0x3  }
0x3a8: {  	v46 =	vld [tilespmem:$0x188D0]  }
0x3a9: {  	v21 =	vmul.f32 v21, v18;
	_ =	sdelay $0x1  }
0x3aa: {  	v20 =	vmul.f32 v21, v20;
	_ =	sdelay $0x1  }
0x3ab: {  	v20 =	vadd.f32 v20, v46;
	_ =	sdelay $0x1  }
0x3ac: {  	[tilespmem:s30+$0xFFFFFA00] =	vst v20  }
0x3ad: {  	v20 =	vld [tilespmem:$0x186E0];
	_ =	sdelay $0x3  }
0x3ae: {  	v47 =	vld [tilespmem:$0x188E0]  }
0x3af: {  	v20 =	vmul.f32 v20, v18;
	_ =	sdelay $0x1  }
0x3b0: {  	v19 =	vmul.f32 v20, v19;
	_ =	sdelay $0x1  }
0x3b1: {  	v19 =	vadd.f32 v19, v47;
	_ =	sdelay $0x1  }
0x3b2: {  	[tilespmem:s30+$0xFFFFFC00] =	vst v19  }
0x3b3: {  	v19 =	vld [tilespmem:$0x186F0];
	_ =	sdelay $0x3  }
0x3b4: {  	v48 =	vld [tilespmem:$0x188F0]  }
0x3b5: {  	v19 =	vmul.f32 v19, v18;
	_ =	sdelay $0x1  }
0x3b6: {  	v17 =	vmul.f32 v19, v17;
	_ =	sdelay $0x1  }
0x3b7: {  	v17 =	vadd.f32 v17, v48;
	_ =	sdelay $0x1  }
0x3b8: {  	[tilespmem:s30+$0xFFFFFE00] =	vst v17  }
0x3b9: {  	v17 =	vld [tilespmem:$0x18700];
	_ =	sdelay $0x3  }
0x3ba: {  	v49 =	vld [tilespmem:$0x18900]  }
0x3bb: {  	v17 =	vmul.f32 v17, v18;
	_ =	sdelay $0x1  }
0x3bc: {  	v16 =	vmul.f32 v17, v16;
	_ =	sdelay $0x1  }
0x3bd: {  	v16 =	vadd.f32 v16, v49;
	_ =	sdelay $0x1  }
0x3be: {  	[tilespmem:s30+$0x0] =	vst v16  }
0x3bf: {  	v16 =	vld [tilespmem:$0x18710];
	_ =	sdelay $0x3  }
0x3c0: {  	v50 =	vld [tilespmem:$0x18910]  }
0x3c1: {  	v16 =	vmul.f32 v16, v18;
	_ =	sdelay $0x1  }
0x3c2: {  	v15 =	vmul.f32 v16, v15;
	_ =	sdelay $0x1  }
0x3c3: {  	v15 =	vadd.f32 v15, v50;
	_ =	sdelay $0x1  }
0x3c4: {  	[tilespmem:s30+$0x200] =	vst v15  }
0x3c5: {  	v15 =	vld [tilespmem:$0x18720];
	_ =	sdelay $0x3  }
0x3c6: {  	v51 =	vld [tilespmem:$0x18920]  }
0x3c7: {  	v15 =	vmul.f32 v15, v18;
	_ =	sdelay $0x1  }
0x3c8: {  	v14 =	vmul.f32 v15, v14;
	_ =	sdelay $0x1  }
0x3c9: {  	v14 =	vadd.f32 v14, v51;
	_ =	sdelay $0x1  }
0x3ca: {  	[tilespmem:s30+$0x400] =	vst v14  }
0x3cb: {  	v14 =	vld [tilespmem:$0x18730];
	_ =	sdelay $0x3  }
0x3cc: {  	v52 =	vld [tilespmem:$0x18930]  }
0x3cd: {  	v14 =	vmul.f32 v14, v18;
	_ =	sdelay $0x1  }
0x3ce: {  	v13 =	vmul.f32 v14, v13;
	_ =	sdelay $0x1  }
0x3cf: {  	v13 =	vadd.f32 v13, v52;
	_ =	sdelay $0x1  }
0x3d0: {  	[tilespmem:s30+$0x600] =	vst v13  }
0x3d1: {  	v13 =	vld [tilespmem:$0x18740];
	_ =	sdelay $0x3  }
0x3d2: {  	v53 =	vld [tilespmem:$0x18940]  }
0x3d3: {  	v13 =	vmul.f32 v13, v18;
	_ =	sdelay $0x1  }
0x3d4: {  	v12 =	vmul.f32 v13, v12;
	_ =	sdelay $0x1  }
0x3d5: {  	v12 =	vadd.f32 v12, v53;
	_ =	sdelay $0x1  }
0x3d6: {  	[tilespmem:s30+$0x800] =	vst v12  }
0x3d7: {  	v12 =	vld [tilespmem:$0x18750];
	_ =	sdelay $0x3  }
0x3d8: {  	v54 =	vld [tilespmem:$0x18950]  }
0x3d9: {  	v12 =	vmul.f32 v12, v18;
	_ =	sdelay $0x1  }
0x3da: {  	v11 =	vmul.f32 v12, v11;
	_ =	sdelay $0x1  }
0x3db: {  	v11 =	vadd.f32 v11, v54;
	_ =	sdelay $0x1  }
0x3dc: {  	[tilespmem:s30+$0xA00] =	vst v11  }
0x3dd: {  	v11 =	vld [tilespmem:$0x18760];
	_ =	sdelay $0x3  }
0x3de: {  	v55 =	vld [tilespmem:$0x18960]  }
0x3df: {  	v11 =	vmul.f32 v11, v18;
	_ =	sdelay $0x1  }
0x3e0: {  	v10 =	vmul.f32 v11, v10;
	_ =	sdelay $0x1  }
0x3e1: {  	v10 =	vadd.f32 v10, v55;
	_ =	sdelay $0x1  }
0x3e2: {  	[tilespmem:s30+$0xC00] =	vst v10  }
0x3e3: {  	v10 =	vld [tilespmem:$0x18770];
	_ =	sdelay $0x3  }
0x3e4: {  	v56 =	vld [tilespmem:$0x18970]  }
0x3e5: {  	v10 =	vmul.f32 v10, v18;
	_ =	sdelay $0x1  }
0x3e6: {  	v9 =	vmul.f32 v10, v9;
	_ =	sdelay $0x1  }
0x3e7: {  	v9 =	vadd.f32 v9, v56;
	_ =	sdelay $0x1  }
0x3e8: {  	[tilespmem:s30+$0xE00] =	vst v9  }
0x3e9: {  	v9 =	vld [tilespmem:$0x18780];
	_ =	sdelay $0x3  }
0x3ea: {  	v57 =	vld [tilespmem:$0x18980]  }
0x3eb: {  	v9 =	vmul.f32 v9, v18;
	_ =	sdelay $0x1  }
0x3ec: {  	v8 =	vmul.f32 v9, v8;
	_ =	sdelay $0x1  }
0x3ed: {  	v8 =	vadd.f32 v8, v57;
	_ =	sdelay $0x1  }
0x3ee: {  	[tilespmem:s30+$0x1000] =	vst v8  }
0x3ef: {  	v8 =	vld [tilespmem:$0x18790];
	_ =	sdelay $0x3  }
0x3f0: {  	v58 =	vld [tilespmem:$0x18990]  }
0x3f1: {  	v8 =	vmul.f32 v8, v18;
	_ =	sdelay $0x1  }
0x3f2: {  	v7 =	vmul.f32 v8, v7;
	_ =	sdelay $0x1  }
0x3f3: {  	v7 =	vadd.f32 v7, v58;
	_ =	sdelay $0x1  }
0x3f4: {  	[tilespmem:s30+$0x1200] =	vst v7  }
0x3f5: {  	v7 =	vld [tilespmem:$0x187A0];
	_ =	sdelay $0x3  }
0x3f6: {  	v59 =	vld [tilespmem:$0x189A0]  }
0x3f7: {  	v7 =	vmul.f32 v7, v18;
	_ =	sdelay $0x1  }
0x3f8: {  	v6 =	vmul.f32 v7, v6;
	_ =	sdelay $0x1  }
0x3f9: {  	v6 =	vadd.f32 v6, v59;
	_ =	sdelay $0x1  }
0x3fa: {  	[tilespmem:s30+$0x1400] =	vst v6  }
0x3fb: {  	v6 =	vld [tilespmem:$0x187B0];
	_ =	sdelay $0x3  }
0x3fc: {  	v60 =	vld [tilespmem:$0x189B0]  }
0x3fd: {  	v6 =	vmul.f32 v6, v18;
	_ =	sdelay $0x1  }
0x3fe: {  	v5 =	vmul.f32 v6, v5;
	_ =	sdelay $0x1  }
0x3ff: {  	v5 =	vadd.f32 v5, v60;
	_ =	sdelay $0x1  }
0x400: {  	[tilespmem:s30+$0x1600] =	vst v5  }
0x401: {  	v5 =	vld [tilespmem:$0x187C0];
	_ =	sdelay $0x3  }
0x402: {  	v61 =	vld [tilespmem:$0x189C0]  }
0x403: {  	v5 =	vmul.f32 v5, v18;
	_ =	sdelay $0x1  }
0x404: {  	v4 =	vmul.f32 v5, v4;
	_ =	sdelay $0x1  }
0x405: {  	v4 =	vadd.f32 v4, v61;
	_ =	sdelay $0x1  }
0x406: {  	[tilespmem:s30+$0x1800] =	vst v4  }
0x407: {  	v4 =	vld [tilespmem:$0x187D0];
	_ =	sdelay $0x3  }
0x408: {  	v62 =	vld [tilespmem:$0x189D0]  }
0x409: {  	v4 =	vmul.f32 v4, v18;
	_ =	sdelay $0x1  }
0x40a: {  	v3 =	vmul.f32 v4, v3;
	_ =	sdelay $0x1  }
0x40b: {  	v3 =	vadd.f32 v3, v62;
	_ =	sdelay $0x1  }
0x40c: {  	[tilespmem:s30+$0x1A00] =	vst v3  }
0x40d: {  	v3 =	vld [tilespmem:$0x187E0];
	_ =	sdelay $0x3  }
0x40e: {  	v63 =	vld [tilespmem:$0x189E0]  }
0x40f: {  	v3 =	vmul.f32 v3, v18;
	_ =	sdelay $0x1  }
0x410: {  	v2 =	vmul.f32 v3, v2;
	_ =	sdelay $0x1  }
0x411: {  	v2 =	vadd.f32 v2, v63;
	_ =	sdelay $0x1  }
0x412: {  	[tilespmem:s30+$0x1C00] =	vst v2  }
0x413: {  	v2 =	vld [tilespmem:$0x187F0];
	_ =	sdelay $0x3  }
0x414: {  	v3 =	vld [tilespmem:$0x189F0]  }
0x415: {  	v2 =	vmul.f32 v2, v18  }
0x416: {  	p0 =	sne.s32 s12, $0x1F0  }
.Ltmp8:
0x417: {  	v1 =	vmul.f32 v2, v1;
	(pc) =	sbr.rel @p0 .LBB2_12-.Ltmp8, $3  }
0x418: {  	_ = 	snop  }
0x419: {  	v1 =	vadd.f32 v1, v3;
	_ =	sdelay $0x1  }
0x41a: {  	s12 =	sadd.s32 $0x10, s12;
	[tilespmem:s30+$0x1E00] =	vst v1;
	s30 =	sadd.s32 $0x10, s30  }
.Ltmp9:
0x41b: {  	(pc) =	sbr.rel .LBB2_2-.Ltmp9, $4  }
0x41c: {  	s12 =	sadd.s32 s15, s25  }
0x41d: {  	s12 =	sshrl.u32 s12, $0x3  }
0x41e: {  	s30 =	simm.s32 $0x14600;
	s26 =	sadd.s32 $0x1, s26;
	s12 =	sadd.s32 s9, s12  }
0x41f: {  	[hbm4b:s12+s28] =	stream.strided.scatter [tilespmem:s30], [sflag:$0x6], $0x4000, s7, s28, $0x38;
	[tilespmem:$0x18A00] =	vst v63  }
.LBB2_15:
0x420: {  	_ =	sfence.sel $0x180000  }
0x421: {  	[bflag:$0x0] =	sbarrier.arrive $0xFFFF  }
0x422: {  	_ =	strace $0x90000047  }
0x423: {  	s0 =	stileid.u32;
	[bflag:$0x2] =	sbarrier.arrive $0xFFFF  }
0x424: {  	p0 =	sne.s32 s0, $0x0;
	s0 =	rddreg [dreg:$0x2]  }
0x425: {  	s0 =	sadd.s32 @!p0 $0x100000, s0  }
0x426: {  	[sflag:s0] =	ssyncadd.tile.s32 @!p0 $0x1;
	_ =	shalt  }
.Lfunc_end2:
_tile_overlayer_lowered:
.L_overlay_start_2:
0x427: {  	(tag) =	ssettag $0x2  }
0x428: {  	s0 =	rddreg [dreg:$0x0];
	s2 =	stileid.u32  }
0x429: {  	s1 =	rddreg [dreg:$0x1];
	p0 =	sne.s32 s2, $0x0  }
0x42a: {  	s3 =	rddreg [dreg:$0x2];
	[bflag:$0x3] =	sbarrier.arrive $0xFFFF;
	s2 =	simm.s32 @!p0 $0x1C07  }
0x42b: {  	[timem:s3], [sflag:s2] =	dma.local @!p0 [hbm:s0], s1  }
0x42c: {  	s0 =	simm.s32 @!p0 $0x7  }
0x42d: {  	_ =	swait.ge @!p0 [sflag:s0], s1  }
0x42e: {  	s1 =	ssub.s32 @!p0 $0x0, s1;
	[sflag:s0] =	ssyncset.done @!p0 $0x0  }
0x42f: {  	[sflag:s0] =	ssyncadd.s32 @!p0 s1  }
0x430: {  	[bflag:$0x3] =	sbarrier.arrive $0xFFFF  }
0x431: {  	_ =	shalt  }

</sc_bundles>
